<compile_context>
chip_gen: v7x
topology: tpu7x:2x2x1
jax: 0.10.2.dev20260603
libtpu: 0.0.44.dev20260713+nightly
codegen_flags: <defaults>
</compile_context>

<pallas_src>
import functools

import jax
import jax.numpy as jnp
from jax import lax
from jax.experimental import pallas as pl
from jax.experimental.pallas import tpu as pltpu
from jax.experimental.pallas import tpu_sc as plsc

_NW = 32
_CHUNK = 128
_NBUF = 4


def _prep_body(cat_ref, Wvis_ref, Wself_ref, Wnbr_ref, bvis_ref, bconv_ref,
               AB_ref, bias_ref, TT_ref, emb, hid):
    Wsv = Wself_ref[emb:, :]
    Wnv = Wnbr_ref[emb:, :]
    Wvis = Wvis_ref[...]
    AB_ref[:, :hid] = jnp.dot(Wvis, Wsv, preferred_element_type=jnp.float32)
    AB_ref[:, hid:] = jnp.dot(Wvis, Wnv, preferred_element_type=jnp.float32)
    bias_ref[...] = (jnp.dot(bvis_ref[...], Wsv + Wnv,
                             preferred_element_type=jnp.float32)
                     + bconv_ref[...])
    cat = cat_ref[...]
    TTs = jnp.dot(cat, Wself_ref[:emb, :], preferred_element_type=jnp.float32)
    TTn = jnp.dot(cat, Wnbr_ref[:emb, :], preferred_element_type=jnp.float32)
    tsu = lax.bitcast_convert_type(
        TTs.astype(jnp.bfloat16).astype(jnp.float32), jnp.uint32) >> 16
    tnu = lax.bitcast_convert_type(
        TTn.astype(jnp.bfloat16).astype(jnp.float32),
        jnp.uint32) & jnp.uint32(0xFFFF0000)
    TT_ref[...] = lax.bitcast_convert_type(tsu | tnu, jnp.int32)


def _sc_gather_body(tbl_ref, idx1_ref, idx2_ref, e1_ref, e2_ref,
                    idxall_v, rows_v, g0, g1, g2, g3, t0, t1, t2, t3,
                    b_per_w):
    gsems = [g0, g1, g2, g3]
    ssems = [t0, t1, t2, t3]
    wid = lax.axis_index("s") * 2 + lax.axis_index("c")
    base = wid * b_per_w
    pltpu.sync_copy(idx1_ref.at[pl.ds(base, b_per_w)], idxall_v.at[0])
    pltpu.sync_copy(idx2_ref.at[pl.ds(base, b_per_w)], idxall_v.at[1])
    jobs = []
    for t in range(2):
        out_hbm = e1_ref if t == 0 else e2_ref
        for c in range(b_per_w // _CHUNK):
            jobs.append((t, out_hbm, c * _CHUNK))

    def fire(j, b):
        t, _, off = jobs[j]
        return pltpu.async_copy(
            tbl_ref.at[idxall_v.at[t, pl.ds(off, _CHUNK)]],
            rows_v.at[b], gsems[b])

    nj_total = len(jobs)
    gh = [None] * _NBUF
    sh = [None] * _NBUF
    for b in range(min(_NBUF, nj_total)):
        gh[b] = fire(b, b)
    for j in range(nj_total):
        b = j % _NBUF
        fj = j + _NBUF - 1
        if j >= 1 and fj < nj_total:
            fb = fj % _NBUF
            sh[fb].wait()
            gh[fb] = fire(fj, fb)
        gh[b].wait()
        _, out_hbm, off = jobs[j]
        sh[b] = pltpu.async_copy(rows_v.at[b],
                                 out_hbm.at[pl.ds(base + off, _CHUNK)],
                                 ssems[b])
    for j in range(max(0, nj_total - (_NBUF - 1)), nj_total):
        sh[j % _NBUF].wait()


def _unpack(g):
    a = lax.bitcast_convert_type(g << 16, jnp.float32)
    b = lax.bitcast_convert_type(g & jnp.int32(-65536), jnp.float32)
    return a, b


def _main_body(v1_ref, v2_ref, g1_ref, g2_ref, AB_ref,
               bias_ref, W1_ref, b1_ref, w2_ref, b2_ref, out_ref, hid):
    A1, B1 = _unpack(g1_ref[...])
    A2, B2 = _unpack(g2_ref[...])
    AB = AB_ref[...]
    P1 = jnp.dot(v1_ref[...], AB, preferred_element_type=jnp.float32)
    P2 = jnp.dot(v2_ref[...], AB, preferred_element_type=jnp.float32)
    b = bias_ref[...]
    u = A1 + B2 + P1[:, :hid] + P2[:, hid:] + b
    w = A2 + B1 + P2[:, :hid] + P1[:, hid:] + b
    pooled = (jnp.maximum(u, 0.0) + jnp.maximum(w, 0.0)) * 0.5
    hid_act = jnp.maximum(
        jnp.dot(pooled, W1_ref[...], preferred_element_type=jnp.float32)
        + b1_ref[...], 0.0)
    score = (jnp.dot(hid_act, w2_ref[...], preferred_element_type=jnp.float32)
             + b2_ref[...])
    out_ref[0] = score.T


def kernel(cat_id1, visual1, cat_id2, visual2, cat_table, W_vis, b_vis,
           W_self, W_nbr, b_conv, W1, b1, w2, b2):
    n, vis = visual1.shape
    ncat, emb = cat_table.shape
    hid = W1.shape[0]
    R = 1000
    nb = n // R

    n_pad = ((n + _NW * _CHUNK - 1) // (_NW * _CHUNK)) * (_NW * _CHUNK)
    b_per_w = n_pad // _NW

    c1 = jnp.pad(cat_id1.astype(jnp.int32), (0, n_pad - n))
    c2 = jnp.pad(cat_id2.astype(jnp.int32), (0, n_pad - n))

    AB, bias, TT = pl.pallas_call(
        lambda *refs: _prep_body(*refs, emb=emb, hid=hid),
        out_shape=[
            jax.ShapeDtypeStruct((vis, 2 * hid), jnp.float32),
            jax.ShapeDtypeStruct((1, hid), jnp.float32),
            jax.ShapeDtypeStruct((ncat, hid), jnp.int32),
        ],
    )(cat_table, W_vis, W_self, W_nbr,
      b_vis.reshape(1, emb), b_conv.reshape(1, hid))

    mesh = plsc.VectorSubcoreMesh(core_axis_name="c", subcore_axis_name="s")
    g1, g2 = pl.kernel(
        functools.partial(_sc_gather_body, b_per_w=b_per_w),
        mesh=mesh,
        out_type=[
            jax.ShapeDtypeStruct((n_pad, hid), jnp.int32),
            jax.ShapeDtypeStruct((n_pad, hid), jnp.int32),
        ],
        scratch_types=[
            pltpu.VMEM((2, b_per_w), jnp.int32),
            pltpu.VMEM((_NBUF, _CHUNK, hid), jnp.int32),
            pltpu.SemaphoreType.DMA,
            pltpu.SemaphoreType.DMA,
            pltpu.SemaphoreType.DMA,
            pltpu.SemaphoreType.DMA,
            pltpu.SemaphoreType.DMA,
            pltpu.SemaphoreType.DMA,
            pltpu.SemaphoreType.DMA,
            pltpu.SemaphoreType.DMA,
        ],
    )(TT, c1, c2)

    grid = (nb,)
    out = pl.pallas_call(
        lambda *refs: _main_body(*refs, hid=hid),
        grid=grid,
        in_specs=[
            pl.BlockSpec((R, vis), lambda i: (i, 0)),
            pl.BlockSpec((R, vis), lambda i: (i, 0)),
            pl.BlockSpec((R, hid), lambda i: (i, 0)),
            pl.BlockSpec((R, hid), lambda i: (i, 0)),
            pl.BlockSpec((vis, 2 * hid), lambda i: (0, 0)),
            pl.BlockSpec((1, hid), lambda i: (0, 0)),
            pl.BlockSpec((hid, hid), lambda i: (0, 0)),
            pl.BlockSpec((1, hid), lambda i: (0, 0)),
            pl.BlockSpec((hid, 1), lambda i: (0, 0)),
            pl.BlockSpec((1, 1), lambda i: (0, 0)),
        ],
        out_specs=pl.BlockSpec((1, 1, R), lambda i: (i, 0, 0)),
        out_shape=jax.ShapeDtypeStruct((nb, 1, R), jnp.float32),
    )(visual1, visual2, g1, g2, AB, bias, W1,
      b1.reshape(1, hid), w2.reshape(hid, 1), b2.reshape(1, 1))

    return out.reshape(n)

# --- scband reference (transcript-rebuilt; emitter-appended) ---
"""Pipeline reference for scband-compatibility-scorer-73392401154526 (READ-ONLY COPY).

The authoritative reference and input builder live on the scoring server;
editing this copy changes nothing except your own understanding.
"""

import jax, jax.numpy as jnp
import numpy as np

N = 100000
NUM_CAT = 1000
EMB = 64
VIS = 128
IN = 2 * EMB
HID = 128


def setup_inputs(seed: int = 0) -> dict:
    key = jax.random.key(seed)
    ks = jax.random.split(key, 12)
    return {
        "cat_id1": jax.random.randint(ks[0], (N,), 0, NUM_CAT, dtype=jnp.int64) if jax.config.jax_enable_x64 else jax.random.randint(ks[0], (N,), 0, NUM_CAT),
        "visual1": jax.random.normal(ks[1], (N, VIS), dtype=jnp.float32),
        "cat_id2": jax.random.randint(ks[2], (N,), 0, NUM_CAT),
        "visual2": jax.random.normal(ks[3], (N, VIS), dtype=jnp.float32),
        "cat_table": jax.random.normal(ks[4], (NUM_CAT, EMB), dtype=jnp.float32) * 0.02,
        "W_vis": jax.random.normal(ks[5], (VIS, EMB), dtype=jnp.float32) * 0.05,
        "b_vis": jnp.zeros((EMB,), dtype=jnp.float32),
        "W_self": jax.random.normal(ks[6], (IN, HID), dtype=jnp.float32) * 0.05,
        "W_nbr": jax.random.normal(ks[7], (IN, HID), dtype=jnp.float32) * 0.05,
        "b_conv": jnp.zeros((HID,), dtype=jnp.float32),
        "W1": jax.random.normal(ks[8], (HID, HID), dtype=jnp.float32) * 0.05,
        "b1": jnp.zeros((HID,), dtype=jnp.float32),
        "w2": jax.random.normal(ks[9], (HID,), dtype=jnp.float32) * 0.05,
        "b2": jnp.zeros((), dtype=jnp.float32),
    }


def reference(cat_id1, visual1, cat_id2, visual2, cat_table, W_vis, b_vis,
              W_self, W_nbr, b_conv, W1, b1, w2, b2):
    # Batched version of score_pair: each pair forms a 2-node graph with
    # bidirectional edges [[0,1],[1,0]], scored by the wrapped GNN.
    e1 = jnp.take(cat_table, cat_id1, axis=0)            # embedding gather
    e2 = jnp.take(cat_table, cat_id2, axis=0)
    v1 = visual1 @ W_vis + b_vis                          # visual_proj
    v2 = visual2 @ W_vis + b_vis
    x1 = jnp.concatenate([e1, v1], axis=-1)              # [N, IN]
    x2 = jnp.concatenate([e2, v2], axis=-1)              # [N, IN]
    n = x1.shape[0]
    # Interleave nodes: pair i -> nodes 2i, 2i+1
    x = jnp.stack([x1, x2], axis=1).reshape(2 * n, -1)   # [2N, IN]
    idx = jnp.arange(n)
    src = jnp.stack([2 * idx, 2 * idx + 1], axis=1).reshape(-1)
    dst = jnp.stack([2 * idx + 1, 2 * idx], axis=1).reshape(-1)
    # Message passing: gather src features, transform, scatter-add into dst
    msgs = jnp.take(x, src, axis=0) @ W_nbr              # [2N, HID]
    agg = jax.ops.segment_sum(msgs, dst, num_segments=2 * n)
    h = jax.nn.relu(x @ W_self + agg + b_conv)           # [2N, HID]
    # Global mean pool per pair-graph (batch vector = pair id)
    batch_ids = jnp.repeat(jnp.arange(n), 2)
    pooled = jax.ops.segment_sum(h, batch_ids, num_segments=n) / 2.0
    hid = jax.nn.relu(pooled @ W1 + b1)
    score = hid @ w2 + b2                                 # [N]
    return score

if __name__ == "__main__":
    import jax
    _d = setup_inputs()
    print(jax.jit(kernel)(*tuple(_d.values())))

</pallas_src>

<mosaic_0001>
#map = affine_map<(d0, d1) -> (0, 0)>
#map1 = affine_map<(d0, d1) -> (0)>
module attributes {stable_mosaic.version = 14 : i64} {
  func.func @_sc_gather_body(%arg0: i32, %arg1: i32, %arg2: memref<1000x128xi32, #tpu.memory_space<hbm>>, %arg3: memref<102400xi32, #tpu.memory_space<hbm>>, %arg4: memref<102400xi32, #tpu.memory_space<hbm>>, %arg5: memref<102400x128xi32, #tpu.memory_space<hbm>>, %arg6: memref<102400x128xi32, #tpu.memory_space<hbm>>, %arg7: memref<2x3200xi32, #tpu.memory_space<vmem>>, %arg8: memref<4x128x128xi32, #tpu.memory_space<vmem>>, %arg9: memref<!tpu.dma_semaphore, #tpu.memory_space<semaphore_mem>>, %arg10: memref<!tpu.dma_semaphore, #tpu.memory_space<semaphore_mem>>, %arg11: memref<!tpu.dma_semaphore, #tpu.memory_space<semaphore_mem>>, %arg12: memref<!tpu.dma_semaphore, #tpu.memory_space<semaphore_mem>>, %arg13: memref<!tpu.dma_semaphore, #tpu.memory_space<semaphore_mem>>, %arg14: memref<!tpu.dma_semaphore, #tpu.memory_space<semaphore_mem>>, %arg15: memref<!tpu.dma_semaphore, #tpu.memory_space<semaphore_mem>>, %arg16: memref<!tpu.dma_semaphore, #tpu.memory_space<semaphore_mem>>) attributes {dimension_semantics = [#tpu.dimension_semantics<core_parallel>, #tpu.dimension_semantics<subcore_parallel>], iteration_bounds = array<i64: 2, 16>, scalar_prefetch = 0 : i64, scratch_operands = 10 : i64, tpu.core_type = #tpu.core_type<sc_vector_subcore>, window_params = [{transform_indices = #map}, {transform_indices = #map1}, {transform_indices = #map1}, {transform_indices = #map}, {transform_indices = #map}]} {
    %mul3A = arith.constant 2 : i32
    %mul3A_0 = arith.muli %arg1, %mul3A : i32
    %add3A = arith.addi %mul3A_0, %arg0 : i32
    %mul3A_1 = arith.constant 3200 : i32
    %mul3A_2 = arith.muli %add3A, %mul3A_1 : i32
    %run_scoped3A = arith.constant 0 : i32
    "tpu.region"() ({
      %run_scoped3A_2589 = tpu.sem_alloc : memref<!tpu.dma_semaphore, #tpu.memory_space<semaphore_mem>>
      %dma_start3A_2590 = arith.constant 0 : i32
      %dma_start3A_2591 = tpu.memref_slice %arg7[%run_scoped3A, %dma_start3A_2590] : memref<2x3200xi32, #tpu.memory_space<vmem>> -> memref<1x3200xi32, #tpu.memory_space<vmem>>
      %dma_start3A_2592 = tpu.memref_squeeze %dma_start3A_2591 : memref<1x3200xi32, #tpu.memory_space<vmem>> -> memref<3200xi32, #tpu.memory_space<vmem>>
      %dma_start3A_2593 = tpu.memref_slice %arg3[%mul3A_2] : memref<102400xi32, #tpu.memory_space<hbm>> -> memref<3200xi32, #tpu.memory_space<hbm>>
      %dma_start3A_2594 = arith.constant 0 : i32
      %dma_start3A_2595 = tpu.memref_slice %arg7[%run_scoped3A, %dma_start3A_2594] : memref<2x3200xi32, #tpu.memory_space<vmem>> -> memref<1x3200xi32, #tpu.memory_space<vmem>>
      %dma_start3A_2596 = tpu.memref_squeeze %dma_start3A_2595 : memref<1x3200xi32, #tpu.memory_space<vmem>> -> memref<3200xi32, #tpu.memory_space<vmem>>
      %dma_start3A_2597 = tpu.memref_slice %arg3[%mul3A_2] : memref<102400xi32, #tpu.memory_space<hbm>> -> memref<3200xi32, #tpu.memory_space<hbm>>
      tpu.enqueue_dma source(%dma_start3A_2597 : memref<3200xi32, #tpu.memory_space<hbm>>) target(%dma_start3A_2596 : memref<3200xi32, #tpu.memory_space<vmem>>) target_semaphore(%run_scoped3A_2589 : memref<!tpu.dma_semaphore, #tpu.memory_space<semaphore_mem>>)
      %dma_wait3A_2598 = arith.constant 0 : i32
      %dma_wait3A_2599 = tpu.memref_slice %arg7[%run_scoped3A, %dma_wait3A_2598] : memref<2x3200xi32, #tpu.memory_space<vmem>> -> memref<1x3200xi32, #tpu.memory_space<vmem>>
      %dma_wait3A_2600 = tpu.memref_squeeze %dma_wait3A_2599 : memref<1x3200xi32, #tpu.memory_space<vmem>> -> memref<3200xi32, #tpu.memory_space<vmem>>
      %dma_wait3A_2601 = tpu.memref_slice %arg3[%mul3A_2] : memref<102400xi32, #tpu.memory_space<hbm>> -> memref<3200xi32, #tpu.memory_space<hbm>>
      %dma_wait3A_2602 = arith.constant 0 : i32
      %dma_wait3A_2603 = tpu.memref_slice %arg7[%run_scoped3A, %dma_wait3A_2602] : memref<2x3200xi32, #tpu.memory_space<vmem>> -> memref<1x3200xi32, #tpu.memory_space<vmem>>
      %dma_wait3A_2604 = tpu.memref_squeeze %dma_wait3A_2603 : memref<1x3200xi32, #tpu.memory_space<vmem>> -> memref<3200xi32, #tpu.memory_space<vmem>>
      %dma_wait3A_2605 = tpu.memref_slice %arg3[%mul3A_2] : memref<102400xi32, #tpu.memory_space<hbm>> -> memref<3200xi32, #tpu.memory_space<hbm>>
      tpu.wait_dma2 semaphore(%run_scoped3A_2589 : memref<!tpu.dma_semaphore, #tpu.memory_space<semaphore_mem>>) src(%dma_wait3A_2605 : memref<3200xi32, #tpu.memory_space<hbm>>) dst(%dma_wait3A_2604 : memref<3200xi32, #tpu.memory_space<vmem>>)
      tpu.yield
    }) : () -> ()
    %run_scoped3A_3 = arith.constant 1 : i32
    "tpu.region"() ({
      %run_scoped3A_2589 = tpu.sem_alloc : memref<!tpu.dma_semaphore, #tpu.memory_space<semaphore_mem>>
      %dma_start3A_2590 = arith.constant 0 : i32
      %dma_start3A_2591 = tpu.memref_slice %arg7[%run_scoped3A_3, %dma_start3A_2590] : memref<2x3200xi32, #tpu.memory_space<vmem>> -> memref<1x3200xi32, #tpu.memory_space<vmem>>
      %dma_start3A_2592 = tpu.memref_squeeze %dma_start3A_2591 : memref<1x3200xi32, #tpu.memory_space<vmem>> -> memref<3200xi32, #tpu.memory_space<vmem>>
      %dma_start3A_2593 = tpu.memref_slice %arg4[%mul3A_2] : memref<102400xi32, #tpu.memory_space<hbm>> -> memref<3200xi32, #tpu.memory_space<hbm>>
      %dma_start3A_2594 = arith.constant 0 : i32
      %dma_start3A_2595 = tpu.memref_slice %arg7[%run_scoped3A_3, %dma_start3A_2594] : memref<2x3200xi32, #tpu.memory_space<vmem>> -> memref<1x3200xi32, #tpu.memory_space<vmem>>
      %dma_start3A_2596 = tpu.memref_squeeze %dma_start3A_2595 : memref<1x3200xi32, #tpu.memory_space<vmem>> -> memref<3200xi32, #tpu.memory_space<vmem>>
      %dma_start3A_2597 = tpu.memref_slice %arg4[%mul3A_2] : memref<102400xi32, #tpu.memory_space<hbm>> -> memref<3200xi32, #tpu.memory_space<hbm>>
      tpu.enqueue_dma source(%dma_start3A_2597 : memref<3200xi32, #tpu.memory_space<hbm>>) target(%dma_start3A_2596 : memref<3200xi32, #tpu.memory_space<vmem>>) target_semaphore(%run_scoped3A_2589 : memref<!tpu.dma_semaphore, #tpu.memory_space<semaphore_mem>>)
      %dma_wait3A_2598 = arith.constant 0 : i32
      %dma_wait3A_2599 = tpu.memref_slice %arg7[%run_scoped3A_3, %dma_wait3A_2598] : memref<2x3200xi32, #tpu.memory_space<vmem>> -> memref<1x3200xi32, #tpu.memory_space<vmem>>
      %dma_wait3A_2600 = tpu.memref_squeeze %dma_wait3A_2599 : memref<1x3200xi32, #tpu.memory_space<vmem>> -> memref<3200xi32, #tpu.memory_space<vmem>>
      %dma_wait3A_2601 = tpu.memref_slice %arg4[%mul3A_2] : memref<102400xi32, #tpu.memory_space<hbm>> -> memref<3200xi32, #tpu.memory_space<hbm>>
      %dma_wait3A_2602 = arith.constant 0 : i32
      %dma_wait3A_2603 = tpu.memref_slice %arg7[%run_scoped3A_3, %dma_wait3A_2602] : memref<2x3200xi32, #tpu.memory_space<vmem>> -> memref<1x3200xi32, #tpu.memory_space<vmem>>
      %dma_wait3A_2604 = tpu.memref_squeeze %dma_wait3A_2603 : memref<1x3200xi32, #tpu.memory_space<vmem>> -> memref<3200xi32, #tpu.memory_space<vmem>>
      %dma_wait3A_2605 = tpu.memref_slice %arg4[%mul3A_2] : memref<102400xi32, #tpu.memory_space<hbm>> -> memref<3200xi32, #tpu.memory_space<hbm>>
      tpu.wait_dma2 semaphore(%run_scoped3A_2589 : memref<!tpu.dma_semaphore, #tpu.memory_space<semaphore_mem>>) src(%dma_wait3A_2605 : memref<3200xi32, #tpu.memory_space<hbm>>) dst(%dma_wait3A_2604 : memref<3200xi32, #tpu.memory_space<vmem>>)
      tpu.yield
    }) : () -> ()
    %dma_start3A = arith.constant 0 : i32
    %dma_start3A_4 = arith.constant 0 : i32
    %dma_start3A_5 = arith.constant 0 : i32
    %dma_start3A_6 = arith.constant 0 : i32
    %dma_start3A_7 = tpu.memref_slice %arg8[%dma_start3A_4, %dma_start3A_5, %dma_start3A_6] : memref<4x128x128xi32, #tpu.memory_space<vmem>> -> memref<1x128x128xi32, #tpu.memory_space<vmem>>
    %dma_start3A_8 = tpu.memref_squeeze %dma_start3A_7 : memref<1x128x128xi32, #tpu.memory_space<vmem>> -> memref<128x128xi32, #tpu.memory_space<vmem>>
    %dma_start3A_9 = arith.constant 0 : i32
    %dma_start3A_10 = tpu.memref_slice %arg7[%dma_start3A, %dma_start3A_9] : memref<2x3200xi32, #tpu.memory_space<vmem>> -> memref<1x128xi32, #tpu.memory_space<vmem>>
    %dma_start3A_11 = tpu.memref_squeeze %dma_start3A_10 : memref<1x128xi32, #tpu.memory_space<vmem>> -> memref<128xi32, #tpu.memory_space<vmem>>
    %dma_start3A_12 = arith.constant 0 : i32
    %dma_start3A_13 = arith.constant 0 : i32
    %dma_start3A_14 = tpu.memref_slice %arg2[%dma_start3A_12, %dma_start3A_13] : memref<1000x128xi32, #tpu.memory_space<hbm>> -> memref<1000x128xi32, #tpu.memory_space<hbm>>
    tpu.enqueue_indirect_dma source(%dma_start3A_14 : memref<1000x128xi32, #tpu.memory_space<hbm>>) target(%dma_start3A_8 : memref<128x128xi32, #tpu.memory_space<vmem>>) offsets(%dma_start3A_11 : memref<128xi32, #tpu.memory_space<vmem>>) semaphore(%arg9 : memref<!tpu.dma_semaphore, #tpu.memory_space<semaphore_mem>>)
    %dma_start3A_15 = arith.constant 0 : i32
    %dma_start3A_16 = arith.constant 1 : i32
    %dma_start3A_17 = arith.constant 0 : i32
    %dma_start3A_18 = arith.constant 0 : i32
    %dma_start3A_19 = tpu.memref_slice %arg8[%dma_start3A_16, %dma_start3A_17, %dma_start3A_18] : memref<4x128x128xi32, #tpu.memory_space<vmem>> -> memref<1x128x128xi32, #tpu.memory_space<vmem>>
    %dma_start3A_20 = tpu.memref_squeeze %dma_start3A_19 : memref<1x128x128xi32, #tpu.memory_space<vmem>> -> memref<128x128xi32, #tpu.memory_space<vmem>>
    %dma_start3A_21 = arith.constant 128 : i32
    %dma_start3A_22 = tpu.memref_slice %arg7[%dma_start3A_15, %dma_start3A_21] : memref<2x3200xi32, #tpu.memory_space<vmem>> -> memref<1x128xi32, #tpu.memory_space<vmem>>
    %dma_start3A_23 = tpu.memref_squeeze %dma_start3A_22 : memref<1x128xi32, #tpu.memory_space<vmem>> -> memref<128xi32, #tpu.memory_space<vmem>>
    %dma_start3A_24 = arith.constant 0 : i32
    %dma_start3A_25 = arith.constant 0 : i32
    %dma_start3A_26 = tpu.memref_slice %arg2[%dma_start3A_24, %dma_start3A_25] : memref<1000x128xi32, #tpu.memory_space<hbm>> -> memref<1000x128xi32, #tpu.memory_space<hbm>>
    tpu.enqueue_indirect_dma source(%dma_start3A_26 : memref<1000x128xi32, #tpu.memory_space<hbm>>) target(%dma_start3A_20 : memref<128x128xi32, #tpu.memory_space<vmem>>) offsets(%dma_start3A_23 : memref<128xi32, #tpu.memory_space<vmem>>) semaphore(%arg10 : memref<!tpu.dma_semaphore, #tpu.memory_space<semaphore_mem>>)
    %dma_start3A_27 = arith.constant 0 : i32
    %dma_start3A_28 = arith.constant 2 : i32
    %dma_start3A_29 = arith.constant 0 : i32
    %dma_start3A_30 = arith.constant 0 : i32
    %dma_start3A_31 = tpu.memref_slice %arg8[%dma_start3A_28, %dma_start3A_29, %dma_start3A_30] : memref<4x128x128xi32, #tpu.memory_space<vmem>> -> memref<1x128x128xi32, #tpu.memory_space<vmem>>
    %dma_start3A_32 = tpu.memref_squeeze %dma_start3A_31 : memref<1x128x128xi32, #tpu.memory_space<vmem>> -> memref<128x128xi32, #tpu.memory_space<vmem>>
    %dma_start3A_33 = arith.constant 256 : i32
    %dma_start3A_34 = tpu.memref_slice %arg7[%dma_start3A_27, %dma_start3A_33] : memref<2x3200xi32, #tpu.memory_space<vmem>> -> memref<1x128xi32, #tpu.memory_space<vmem>>
    %dma_start3A_35 = tpu.memref_squeeze %dma_start3A_34 : memref<1x128xi32, #tpu.memory_space<vmem>> -> memref<128xi32, #tpu.memory_space<vmem>>
    %dma_start3A_36 = arith.constant 0 : i32
    %dma_start3A_37 = arith.constant 0 : i32
    %dma_start3A_38 = tpu.memref_slice %arg2[%dma_start3A_36, %dma_start3A_37] : memref<1000x128xi32, #tpu.memory_space<hbm>> -> memref<1000x128xi32, #tpu.memory_space<hbm>>
    tpu.enqueue_indirect_dma source(%dma_start3A_38 : memref<1000x128xi32, #tpu.memory_space<hbm>>) target(%dma_start3A_32 : memref<128x128xi32, #tpu.memory_space<vmem>>) offsets(%dma_start3A_35 : memref<128xi32, #tpu.memory_space<vmem>>) semaphore(%arg11 : memref<!tpu.dma_semaphore, #tpu.memory_space<semaphore_mem>>)
    %dma_start3A_39 = arith.constant 0 : i32
    %dma_start3A_40 = arith.constant 3 : i32
    %dma_start3A_41 = arith.constant 0 : i32
    %dma_start3A_42 = arith.constant 0 : i32
    %dma_start3A_43 = tpu.memref_slice %arg8[%dma_start3A_40, %dma_start3A_41, %dma_start3A_42] : memref<4x128x128xi32, #tpu.memory_space<vmem>> -> memref<1x128x128xi32, #tpu.memory_space<vmem>>
    %dma_start3A_44 = tpu.memref_squeeze %dma_start3A_43 : memref<1x128x128xi32, #tpu.memory_space<vmem>> -> memref<128x128xi32, #tpu.memory_space<vmem>>
    %dma_start3A_45 = arith.constant 384 : i32
    %dma_start3A_46 = tpu.memref_slice %arg7[%dma_start3A_39, %dma_start3A_45] : memref<2x3200xi32, #tpu.memory_space<vmem>> -> memref<1x128xi32, #tpu.memory_space<vmem>>
    %dma_start3A_47 = tpu.memref_squeeze %dma_start3A_46 : memref<1x128xi32, #tpu.memory_space<vmem>> -> memref<128xi32, #tpu.memory_space<vmem>>
    %dma_start3A_48 = arith.constant 0 : i32
    %dma_start3A_49 = arith.constant 0 : i32
    %dma_start3A_50 = tpu.memref_slice %arg2[%dma_start3A_48, %dma_start3A_49] : memref<1000x128xi32, #tpu.memory_space<hbm>> -> memref<1000x128xi32, #tpu.memory_space<hbm>>
    tpu.enqueue_indirect_dma source(%dma_start3A_50 : memref<1000x128xi32, #tpu.memory_space<hbm>>) target(%dma_start3A_44 : memref<128x128xi32, #tpu.memory_space<vmem>>) offsets(%dma_start3A_47 : memref<128xi32, #tpu.memory_space<vmem>>) semaphore(%arg12 : memref<!tpu.dma_semaphore, #tpu.memory_space<semaphore_mem>>)
    %dma_wait3A = arith.constant 0 : i32
    %dma_wait3A_51 = arith.constant 0 : i32
    %dma_wait3A_52 = arith.constant 0 : i32
    %dma_wait3A_53 = arith.constant 0 : i32
    %dma_wait3A_54 = tpu.memref_slice %arg8[%dma_wait3A_51, %dma_wait3A_52, %dma_wait3A_53] : memref<4x128x128xi32, #tpu.memory_space<vmem>> -> memref<1x128x128xi32, #tpu.memory_space<vmem>>
    %dma_wait3A_55 = tpu.memref_squeeze %dma_wait3A_54 : memref<1x128x128xi32, #tpu.memory_space<vmem>> -> memref<128x128xi32, #tpu.memory_space<vmem>>
    %dma_wait3A_56 = arith.constant 0 : i32
    %dma_wait3A_57 = tpu.memref_slice %arg7[%dma_wait3A, %dma_wait3A_56] : memref<2x3200xi32, #tpu.memory_space<vmem>> -> memref<1x128xi32, #tpu.memory_space<vmem>>
    %dma_wait3A_58 = tpu.memref_squeeze %dma_wait3A_57 : memref<1x128xi32, #tpu.memory_space<vmem>> -> memref<128xi32, #tpu.memory_space<vmem>>
    %dma_wait3A_59 = arith.constant 0 : i32
    %dma_wait3A_60 = arith.constant 0 : i32
    %dma_wait3A_61 = tpu.memref_slice %arg2[%dma_wait3A_59, %dma_wait3A_60] : memref<1000x128xi32, #tpu.memory_space<hbm>> -> memref<1000x128xi32, #tpu.memory_space<hbm>>
    tpu.wait_indirect_dma semaphore(%arg9 : memref<!tpu.dma_semaphore, #tpu.memory_space<semaphore_mem>>) src(%dma_wait3A_61 : memref<1000x128xi32, #tpu.memory_space<hbm>>) dst(%dma_wait3A_55 : memref<128x128xi32, #tpu.memory_space<vmem>>)
    %add3A_62 = arith.constant 0 : i32
    %add3A_63 = arith.addi %mul3A_2, %add3A_62 : i32
    %dma_start3A_64 = arith.constant 0 : i32
    %dma_start3A_65 = arith.constant 0 : i32
    %dma_start3A_66 = arith.constant 0 : i32
    %dma_start3A_67 = tpu.memref_slice %arg8[%dma_start3A_64, %dma_start3A_65, %dma_start3A_66] : memref<4x128x128xi32, #tpu.memory_space<vmem>> -> memref<1x128x128xi32, #tpu.memory_space<vmem>>
    %dma_start3A_68 = tpu.memref_squeeze %dma_start3A_67 : memref<1x128x128xi32, #tpu.memory_space<vmem>> -> memref<128x128xi32, #tpu.memory_space<vmem>>
    %dma_start3A_69 = arith.constant 0 : i32
    %dma_start3A_70 = tpu.memref_slice %arg5[%add3A_63, %dma_start3A_69] : memref<102400x128xi32, #tpu.memory_space<hbm>> -> memref<128x128xi32, #tpu.memory_space<hbm>>
    %dma_start3A_71 = arith.constant 0 : i32
    %dma_start3A_72 = tpu.memref_slice %arg5[%add3A_63, %dma_start3A_71] : memref<102400x128xi32, #tpu.memory_space<hbm>> -> memref<128x128xi32, #tpu.memory_space<hbm>>
    %dma_start3A_73 = arith.constant 0 : i32
    %dma_start3A_74 = arith.constant 0 : i32
    %dma_start3A_75 = tpu.memref_slice %arg8[%dma_start3A_64, %dma_start3A_73, %dma_start3A_74] : memref<4x128x128xi32, #tpu.memory_space<vmem>> -> memref<1x128x128xi32, #tpu.memory_space<vmem>>
    %dma_start3A_76 = tpu.memref_squeeze %dma_start3A_75 : memref<1x128x128xi32, #tpu.memory_space<vmem>> -> memref<128x128xi32, #tpu.memory_space<vmem>>
    tpu.enqueue_dma source(%dma_start3A_76 : memref<128x128xi32, #tpu.memory_space<vmem>>) target(%dma_start3A_72 : memref<128x128xi32, #tpu.memory_space<hbm>>) target_semaphore(%arg13 : memref<!tpu.dma_semaphore, #tpu.memory_space<semaphore_mem>>)
    %dma_wait3A_77 = arith.constant 0 : i32
    %dma_wait3A_78 = arith.constant 0 : i32
    %dma_wait3A_79 = arith.constant 0 : i32
    %dma_wait3A_80 = tpu.memref_slice %arg8[%dma_wait3A_77, %dma_wait3A_78, %dma_wait3A_79] : memref<4x128x128xi32, #tpu.memory_space<vmem>> -> memref<1x128x128xi32, #tpu.memory_space<vmem>>
    %dma_wait3A_81 = tpu.memref_squeeze %dma_wait3A_80 : memref<1x128x128xi32, #tpu.memory_space<vmem>> -> memref<128x128xi32, #tpu.memory_space<vmem>>
    %dma_wait3A_82 = arith.constant 0 : i32
    %dma_wait3A_83 = tpu.memref_slice %arg5[%add3A_63, %dma_wait3A_82] : memref<102400x128xi32, #tpu.memory_space<hbm>> -> memref<128x128xi32, #tpu.memory_space<hbm>>
    %dma_wait3A_84 = arith.constant 0 : i32
    %dma_wait3A_85 = tpu.memref_slice %arg5[%add3A_63, %dma_wait3A_84] : memref<102400x128xi32, #tpu.memory_space<hbm>> -> memref<128x128xi32, #tpu.memory_space<hbm>>
    %dma_wait3A_86 = arith.constant 0 : i32
    %dma_wait3A_87 = arith.constant 0 : i32
    %dma_wait3A_88 = tpu.memref_slice %arg8[%dma_wait3A_77, %dma_wait3A_86, %dma_wait3A_87] : memref<4x128x128xi32, #tpu.memory_space<vmem>> -> memref<1x128x128xi32, #tpu.memory_space<vmem>>
    %dma_wait3A_89 = tpu.memref_squeeze %dma_wait3A_88 : memref<1x128x128xi32, #tpu.memory_space<vmem>> -> memref<128x128xi32, #tpu.memory_space<vmem>>
    tpu.wait_dma2 semaphore(%arg13 : memref<!tpu.dma_semaphore, #tpu.memory_space<semaphore_mem>>) src(%dma_wait3A_89 : memref<128x128xi32, #tpu.memory_space<vmem>>) dst(%dma_wait3A_85 : memref<128x128xi32, #tpu.memory_space<hbm>>)
    %dma_start3A_90 = arith.constant 0 : i32
    %dma_start3A_91 = arith.constant 0 : i32
    %dma_start3A_92 = arith.constant 0 : i32
    %dma_start3A_93 = arith.constant 0 : i32
    %dma_start3A_94 = tpu.memref_slice %arg8[%dma_start3A_91, %dma_start3A_92, %dma_start3A_93] : memref<4x128x128xi32, #tpu.memory_space<vmem>> -> memref<1x128x128xi32, #tpu.memory_space<vmem>>
    %dma_start3A_95 = tpu.memref_squeeze %dma_start3A_94 : memref<1x128x128xi32, #tpu.memory_space<vmem>> -> memref<128x128xi32, #tpu.memory_space<vmem>>
    %dma_start3A_96 = arith.constant 512 : i32
    %dma_start3A_97 = tpu.memref_slice %arg7[%dma_start3A_90, %dma_start3A_96] : memref<2x3200xi32, #tpu.memory_space<vmem>> -> memref<1x128xi32, #tpu.memory_space<vmem>>
    %dma_start3A_98 = tpu.memref_squeeze %dma_start3A_97 : memref<1x128xi32, #tpu.memory_space<vmem>> -> memref<128xi32, #tpu.memory_space<vmem>>
    %dma_start3A_99 = arith.constant 0 : i32
    %dma_start3A_100 = arith.constant 0 : i32
    %dma_start3A_101 = tpu.memref_slice %arg2[%dma_start3A_99, %dma_start3A_100] : memref<1000x128xi32, #tpu.memory_space<hbm>> -> memref<1000x128xi32, #tpu.memory_space<hbm>>
    tpu.enqueue_indirect_dma source(%dma_start3A_101 : memref<1000x128xi32, #tpu.memory_space<hbm>>) target(%dma_start3A_95 : memref<128x128xi32, #tpu.memory_space<vmem>>) offsets(%dma_start3A_98 : memref<128xi32, #tpu.memory_space<vmem>>) semaphore(%arg9 : memref<!tpu.dma_semaphore, #tpu.memory_space<semaphore_mem>>)
    %dma_wait3A_102 = arith.constant 0 : i32
    %dma_wait3A_103 = arith.constant 1 : i32
    %dma_wait3A_104 = arith.constant 0 : i32
    %dma_wait3A_105 = arith.constant 0 : i32
    %dma_wait3A_106 = tpu.memref_slice %arg8[%dma_wait3A_103, %dma_wait3A_104, %dma_wait3A_105] : memref<4x128x128xi32, #tpu.memory_space<vmem>> -> memref<1x128x128xi32, #tpu.memory_space<vmem>>
    %dma_wait3A_107 = tpu.memref_squeeze %dma_wait3A_106 : memref<1x128x128xi32, #tpu.memory_space<vmem>> -> memref<128x128xi32, #tpu.memory_space<vmem>>
    %dma_wait3A_108 = arith.constant 128 : i32
    %dma_wait3A_109 = tpu.memref_slice %arg7[%dma_wait3A_102, %dma_wait3A_108] : memref<2x3200xi32, #tpu.memory_space<vmem>> -> memref<1x128xi32, #tpu.memory_space<vmem>>
    %dma_wait3A_110 = tpu.memref_squeeze %dma_wait3A_109 : memref<1x128xi32, #tpu.memory_space<vmem>> -> memref<128xi32, #tpu.memory_space<vmem>>
    %dma_wait3A_111 = arith.constant 0 : i32
    %dma_wait3A_112 = arith.constant 0 : i32
    %dma_wait3A_113 = tpu.memref_slice %arg2[%dma_wait3A_111, %dma_wait3A_112] : memref<1000x128xi32, #tpu.memory_space<hbm>> -> memref<1000x128xi32, #tpu.memory_space<hbm>>
    tpu.wait_indirect_dma semaphore(%arg10 : memref<!tpu.dma_semaphore, #tpu.memory_space<semaphore_mem>>) src(%dma_wait3A_113 : memref<1000x128xi32, #tpu.memory_space<hbm>>) dst(%dma_wait3A_107 : memref<128x128xi32, #tpu.memory_space<vmem>>)
    %add3A_114 = arith.constant 128 : i32
    %add3A_115 = arith.addi %mul3A_2, %add3A_114 : i32
    %dma_start3A_116 = arith.constant 1 : i32
    %dma_start3A_117 = arith.constant 0 : i32
    %dma_start3A_118 = arith.constant 0 : i32
    %dma_start3A_119 = tpu.memref_slice %arg8[%dma_start3A_116, %dma_start3A_117, %dma_start3A_118] : memref<4x128x128xi32, #tpu.memory_space<vmem>> -> memref<1x128x128xi32, #tpu.memory_space<vmem>>
    %dma_start3A_120 = tpu.memref_squeeze %dma_start3A_119 : memref<1x128x128xi32, #tpu.memory_space<vmem>> -> memref<128x128xi32, #tpu.memory_space<vmem>>
    %dma_start3A_121 = arith.constant 0 : i32
    %dma_start3A_122 = tpu.memref_slice %arg5[%add3A_115, %dma_start3A_121] : memref<102400x128xi32, #tpu.memory_space<hbm>> -> memref<128x128xi32, #tpu.memory_space<hbm>>
    %dma_start3A_123 = arith.constant 0 : i32
    %dma_start3A_124 = tpu.memref_slice %arg5[%add3A_115, %dma_start3A_123] : memref<102400x128xi32, #tpu.memory_space<hbm>> -> memref<128x128xi32, #tpu.memory_space<hbm>>
    %dma_start3A_125 = arith.constant 0 : i32
    %dma_start3A_126 = arith.constant 0 : i32
    %dma_start3A_127 = tpu.memref_slice %arg8[%dma_start3A_116, %dma_start3A_125, %dma_start3A_126] : memref<4x128x128xi32, #tpu.memory_space<vmem>> -> memref<1x128x128xi32, #tpu.memory_space<vmem>>
    %dma_start3A_128 = tpu.memref_squeeze %dma_start3A_127 : memref<1x128x128xi32, #tpu.memory_space<vmem>> -> memref<128x128xi32, #tpu.memory_space<vmem>>
    tpu.enqueue_dma source(%dma_start3A_128 : memref<128x128xi32, #tpu.memory_space<vmem>>) target(%dma_start3A_124 : memref<128x128xi32, #tpu.memory_space<hbm>>) target_semaphore(%arg14 : memref<!tpu.dma_semaphore, #tpu.memory_space<semaphore_mem>>)
    %dma_wait3A_129 = arith.constant 1 : i32
    %dma_wait3A_130 = arith.constant 0 : i32
    %dma_wait3A_131 = arith.constant 0 : i32
    %dma_wait3A_132 = tpu.memref_slice %arg8[%dma_wait3A_129, %dma_wait3A_130, %dma_wait3A_131] : memref<4x128x128xi32, #tpu.memory_space<vmem>> -> memref<1x128x128xi32, #tpu.memory_space<vmem>>
    %dma_wait3A_133 = tpu.memref_squeeze %dma_wait3A_132 : memref<1x128x128xi32, #tpu.memory_space<vmem>> -> memref<128x128xi32, #tpu.memory_space<vmem>>
    %dma_wait3A_134 = arith.constant 0 : i32
    %dma_wait3A_135 = tpu.memref_slice %arg5[%add3A_115, %dma_wait3A_134] : memref<102400x128xi32, #tpu.memory_space<hbm>> -> memref<128x128xi32, #tpu.memory_space<hbm>>
    %dma_wait3A_136 = arith.constant 0 : i32
    %dma_wait3A_137 = tpu.memref_slice %arg5[%add3A_115, %dma_wait3A_136] : memref<102400x128xi32, #tpu.memory_space<hbm>> -> memref<128x128xi32, #tpu.memory_space<hbm>>
    %dma_wait3A_138 = arith.constant 0 : i32
    %dma_wait3A_139 = arith.constant 0 : i32
    %dma_wait3A_140 = tpu.memref_slice %arg8[%dma_wait3A_129, %dma_wait3A_138, %dma_wait3A_139] : memref<4x128x128xi32, #tpu.memory_space<vmem>> -> memref<1x128x128xi32, #tpu.memory_space<vmem>>
    %dma_wait3A_141 = tpu.memref_squeeze %dma_wait3A_140 : memref<1x128x128xi32, #tpu.memory_space<vmem>> -> memref<128x128xi32, #tpu.memory_space<vmem>>
    tpu.wait_dma2 semaphore(%arg14 : memref<!tpu.dma_semaphore, #tpu.memory_space<semaphore_mem>>) src(%dma_wait3A_141 : memref<128x128xi32, #tpu.memory_space<vmem>>) dst(%dma_wait3A_137 : memref<128x128xi32, #tpu.memory_space<hbm>>)
    %dma_start3A_142 = arith.constant 0 : i32
    %dma_start3A_143 = arith.constant 1 : i32
    %dma_start3A_144 = arith.constant 0 : i32
    %dma_start3A_145 = arith.constant 0 : i32
    %dma_start3A_146 = tpu.memref_slice %arg8[%dma_start3A_143, %dma_start3A_144, %dma_start3A_145] : memref<4x128x128xi32, #tpu.memory_space<vmem>> -> memref<1x128x128xi32, #tpu.memory_space<vmem>>
    %dma_start3A_147 = tpu.memref_squeeze %dma_start3A_146 : memref<1x128x128xi32, #tpu.memory_space<vmem>> -> memref<128x128xi32, #tpu.memory_space<vmem>>
    %dma_start3A_148 = arith.constant 640 : i32
    %dma_start3A_149 = tpu.memref_slice %arg7[%dma_start3A_142, %dma_start3A_148] : memref<2x3200xi32, #tpu.memory_space<vmem>> -> memref<1x128xi32, #tpu.memory_space<vmem>>
    %dma_start3A_150 = tpu.memref_squeeze %dma_start3A_149 : memref<1x128xi32, #tpu.memory_space<vmem>> -> memref<128xi32, #tpu.memory_space<vmem>>
    %dma_start3A_151 = arith.constant 0 : i32
    %dma_start3A_152 = arith.constant 0 : i32
    %dma_start3A_153 = tpu.memref_slice %arg2[%dma_start3A_151, %dma_start3A_152] : memref<1000x128xi32, #tpu.memory_space<hbm>> -> memref<1000x128xi32, #tpu.memory_space<hbm>>
    tpu.enqueue_indirect_dma source(%dma_start3A_153 : memref<1000x128xi32, #tpu.memory_space<hbm>>) target(%dma_start3A_147 : memref<128x128xi32, #tpu.memory_space<vmem>>) offsets(%dma_start3A_150 : memref<128xi32, #tpu.memory_space<vmem>>) semaphore(%arg10 : memref<!tpu.dma_semaphore, #tpu.memory_space<semaphore_mem>>)
    %dma_wait3A_154 = arith.constant 0 : i32
    %dma_wait3A_155 = arith.constant 2 : i32
    %dma_wait3A_156 = arith.constant 0 : i32
    %dma_wait3A_157 = arith.constant 0 : i32
    %dma_wait3A_158 = tpu.memref_slice %arg8[%dma_wait3A_155, %dma_wait3A_156, %dma_wait3A_157] : memref<4x128x128xi32, #tpu.memory_space<vmem>> -> memref<1x128x128xi32, #tpu.memory_space<vmem>>
    %dma_wait3A_159 = tpu.memref_squeeze %dma_wait3A_158 : memref<1x128x128xi32, #tpu.memory_space<vmem>> -> memref<128x128xi32, #tpu.memory_space<vmem>>
    %dma_wait3A_160 = arith.constant 256 : i32
    %dma_wait3A_161 = tpu.memref_slice %arg7[%dma_wait3A_154, %dma_wait3A_160] : memref<2x3200xi32, #tpu.memory_space<vmem>> -> memref<1x128xi32, #tpu.memory_space<vmem>>
    %dma_wait3A_162 = tpu.memref_squeeze %dma_wait3A_161 : memref<1x128xi32, #tpu.memory_space<vmem>> -> memref<128xi32, #tpu.memory_space<vmem>>
    %dma_wait3A_163 = arith.constant 0 : i32
    %dma_wait3A_164 = arith.constant 0 : i32
    %dma_wait3A_165 = tpu.memref_slice %arg2[%dma_wait3A_163, %dma_wait3A_164] : memref<1000x128xi32, #tpu.memory_space<hbm>> -> memref<1000x128xi32, #tpu.memory_space<hbm>>
    tpu.wait_indirect_dma semaphore(%arg11 : memref<!tpu.dma_semaphore, #tpu.memory_space<semaphore_mem>>) src(%dma_wait3A_165 : memref<1000x128xi32, #tpu.memory_space<hbm>>) dst(%dma_wait3A_159 : memref<128x128xi32, #tpu.memory_space<vmem>>)
    %add3A_166 = arith.constant 256 : i32
    %add3A_167 = arith.addi %mul3A_2, %add3A_166 : i32
    %dma_start3A_168 = arith.constant 2 : i32
    %dma_start3A_169 = arith.constant 0 : i32
    %dma_start3A_170 = arith.constant 0 : i32
    %dma_start3A_171 = tpu.memref_slice %arg8[%dma_start3A_168, %dma_start3A_169, %dma_start3A_170] : memref<4x128x128xi32, #tpu.memory_space<vmem>> -> memref<1x128x128xi32, #tpu.memory_space<vmem>>
    %dma_start3A_172 = tpu.memref_squeeze %dma_start3A_171 : memref<1x128x128xi32, #tpu.memory_space<vmem>> -> memref<128x128xi32, #tpu.memory_space<vmem>>
    %dma_start3A_173 = arith.constant 0 : i32
    %dma_start3A_174 = tpu.memref_slice %arg5[%add3A_167, %dma_start3A_173] : memref<102400x128xi32, #tpu.memory_space<hbm>> -> memref<128x128xi32, #tpu.memory_space<hbm>>
    %dma_start3A_175 = arith.constant 0 : i32
    %dma_start3A_176 = tpu.memref_slice %arg5[%add3A_167, %dma_start3A_175] : memref<102400x128xi32, #tpu.memory_space<hbm>> -> memref<128x128xi32, #tpu.memory_space<hbm>>
    %dma_start3A_177 = arith.constant 0 : i32
    %dma_start3A_178 = arith.constant 0 : i32
    %dma_start3A_179 = tpu.memref_slice %arg8[%dma_start3A_168, %dma_start3A_177, %dma_start3A_178] : memref<4x128x128xi32, #tpu.memory_space<vmem>> -> memref<1x128x128xi32, #tpu.memory_space<vmem>>
    %dma_start3A_180 = tpu.memref_squeeze %dma_start3A_179 : memref<1x128x128xi32, #tpu.memory_space<vmem>> -> memref<128x128xi32, #tpu.memory_space<vmem>>
    tpu.enqueue_dma source(%dma_start3A_180 : memref<128x128xi32, #tpu.memory_space<vmem>>) target(%dma_start3A_176 : memref<128x128xi32, #tpu.memory_space<hbm>>) target_semaphore(%arg15 : memref<!tpu.dma_semaphore, #tpu.memory_space<semaphore_mem>>)
    %dma_wait3A_181 = arith.constant 2 : i32
    %dma_wait3A_182 = arith.constant 0 : i32
    %dma_wait3A_183 = arith.constant 0 : i32
    %dma_wait3A_184 = tpu.memref_slice %arg8[%dma_wait3A_181, %dma_wait3A_182, %dma_wait3A_183] : memref<4x128x128xi32, #tpu.memory_space<vmem>> -> memref<1x128x128xi32, #tpu.memory_space<vmem>>
    %dma_wait3A_185 = tpu.memref_squeeze %dma_wait3A_184 : memref<1x128x128xi32, #tpu.memory_space<vmem>> -> memref<128x128xi32, #tpu.memory_space<vmem>>
    %dma_wait3A_186 = arith.constant 0 : i32
    %dma_wait3A_187 = tpu.memref_slice %arg5[%add3A_167, %dma_wait3A_186] : memref<102400x128xi32, #tpu.memory_space<hbm>> -> memref<128x128xi32, #tpu.memory_space<hbm>>
    %dma_wait3A_188 = arith.constant 0 : i32
    %dma_wait3A_189 = tpu.memref_slice %arg5[%add3A_167, %dma_wait3A_188] : memref<102400x128xi32, #tpu.memory_space<hbm>> -> memref<128x128xi32, #tpu.memory_space<hbm>>
    %dma_wait3A_190 = arith.constant 0 : i32
    %dma_wait3A_191 = arith.constant 0 : i32
    %dma_wait3A_192 = tpu.memref_slice %arg8[%dma_wait3A_181, %dma_wait3A_190, %dma_wait3A_191] : memref<4x128x128xi32, #tpu.memory_space<vmem>> -> memref<1x128x128xi32, #tpu.memory_space<vmem>>
    %dma_wait3A_193 = tpu.memref_squeeze %dma_wait3A_192 : memref<1x128x128xi32, #tpu.memory_space<vmem>> -> memref<128x128xi32, #tpu.memory_space<vmem>>
    tpu.wait_dma2 semaphore(%arg15 : memref<!tpu.dma_semaphore, #tpu.memory_space<semaphore_mem>>) src(%dma_wait3A_193 : memref<128x128xi32, #tpu.memory_space<vmem>>) dst(%dma_wait3A_189 : memref<128x128xi32, #tpu.memory_space<hbm>>)
    %dma_start3A_194 = arith.constant 0 : i32
    %dma_start3A_195 = arith.constant 2 : i32
    %dma_start3A_196 = arith.constant 0 : i32
    %dma_start3A_197 = arith.constant 0 : i32
    %dma_start3A_198 = tpu.memref_slice %arg8[%dma_start3A_195, %dma_start3A_196, %dma_start3A_197] : memref<4x128x128xi32, #tpu.memory_space<vmem>> -> memref<1x128x128xi32, #tpu.memory_space<vmem>>
    %dma_start3A_199 = tpu.memref_squeeze %dma_start3A_198 : memref<1x128x128xi32, #tpu.memory_space<vmem>> -> memref<128x128xi32, #tpu.memory_space<vmem>>
    %dma_start3A_200 = arith.constant 768 : i32
    %dma_start3A_201 = tpu.memref_slice %arg7[%dma_start3A_194, %dma_start3A_200] : memref<2x3200xi32, #tpu.memory_space<vmem>> -> memref<1x128xi32, #tpu.memory_space<vmem>>
    %dma_start3A_202 = tpu.memref_squeeze %dma_start3A_201 : memref<1x128xi32, #tpu.memory_space<vmem>> -> memref<128xi32, #tpu.memory_space<vmem>>
    %dma_start3A_203 = arith.constant 0 : i32
    %dma_start3A_204 = arith.constant 0 : i32
    %dma_start3A_205 = tpu.memref_slice %arg2[%dma_start3A_203, %dma_start3A_204] : memref<1000x128xi32, #tpu.memory_space<hbm>> -> memref<1000x128xi32, #tpu.memory_space<hbm>>
    tpu.enqueue_indirect_dma source(%dma_start3A_205 : memref<1000x128xi32, #tpu.memory_space<hbm>>) target(%dma_start3A_199 : memref<128x128xi32, #tpu.memory_space<vmem>>) offsets(%dma_start3A_202 : memref<128xi32, #tpu.memory_space<vmem>>) semaphore(%arg11 : memref<!tpu.dma_semaphore, #tpu.memory_space<semaphore_mem>>)
    %dma_wait3A_206 = arith.constant 0 : i32
    %dma_wait3A_207 = arith.constant 3 : i32
    %dma_wait3A_208 = arith.constant 0 : i32
    %dma_wait3A_209 = arith.constant 0 : i32
    %dma_wait3A_210 = tpu.memref_slice %arg8[%dma_wait3A_207, %dma_wait3A_208, %dma_wait3A_209] : memref<4x128x128xi32, #tpu.memory_space<vmem>> -> memref<1x128x128xi32, #tpu.memory_space<vmem>>
    %dma_wait3A_211 = tpu.memref_squeeze %dma_wait3A_210 : memref<1x128x128xi32, #tpu.memory_space<vmem>> -> memref<128x128xi32, #tpu.memory_space<vmem>>
    %dma_wait3A_212 = arith.constant 384 : i32
    %dma_wait3A_213 = tpu.memref_slice %arg7[%dma_wait3A_206, %dma_wait3A_212] : memref<2x3200xi32, #tpu.memory_space<vmem>> -> memref<1x128xi32, #tpu.memory_space<vmem>>
    %dma_wait3A_214 = tpu.memref_squeeze %dma_wait3A_213 : memref<1x128xi32, #tpu.memory_space<vmem>> -> memref<128xi32, #tpu.memory_space<vmem>>
    %dma_wait3A_215 = arith.constant 0 : i32
    %dma_wait3A_216 = arith.constant 0 : i32
    %dma_wait3A_217 = tpu.memref_slice %arg2[%dma_wait3A_215, %dma_wait3A_216] : memref<1000x128xi32, #tpu.memory_space<hbm>> -> memref<1000x128xi32, #tpu.memory_space<hbm>>
    tpu.wait_indirect_dma semaphore(%arg12 : memref<!tpu.dma_semaphore, #tpu.memory_space<semaphore_mem>>) src(%dma_wait3A_217 : memref<1000x128xi32, #tpu.memory_space<hbm>>) dst(%dma_wait3A_211 : memref<128x128xi32, #tpu.memory_space<vmem>>)
    %add3A_218 = arith.constant 384 : i32
    %add3A_219 = arith.addi %mul3A_2, %add3A_218 : i32
    %dma_start3A_220 = arith.constant 3 : i32
    %dma_start3A_221 = arith.constant 0 : i32
    %dma_start3A_222 = arith.constant 0 : i32
    %dma_start3A_223 = tpu.memref_slice %arg8[%dma_start3A_220, %dma_start3A_221, %dma_start3A_222] : memref<4x128x128xi32, #tpu.memory_space<vmem>> -> memref<1x128x128xi32, #tpu.memory_space<vmem>>
    %dma_start3A_224 = tpu.memref_squeeze %dma_start3A_223 : memref<1x128x128xi32, #tpu.memory_space<vmem>> -> memref<128x128xi32, #tpu.memory_space<vmem>>
    %dma_start3A_225 = arith.constant 0 : i32
    %dma_start3A_226 = tpu.memref_slice %arg5[%add3A_219, %dma_start3A_225] : memref<102400x128xi32, #tpu.memory_space<hbm>> -> memref<128x128xi32, #tpu.memory_space<hbm>>
    %dma_start3A_227 = arith.constant 0 : i32
    %dma_start3A_228 = tpu.memref_slice %arg5[%add3A_219, %dma_start3A_227] : memref<102400x128xi32, #tpu.memory_space<hbm>> -> memref<128x128xi32, #tpu.memory_space<hbm>>
    %dma_start3A_229 = arith.constant 0 : i32
    %dma_start3A_230 = arith.constant 0 : i32
    %dma_start3A_231 = tpu.memref_slice %arg8[%dma_start3A_220, %dma_start3A_229, %dma_start3A_230] : memref<4x128x128xi32, #tpu.memory_space<vmem>> -> memref<1x128x128xi32, #tpu.memory_space<vmem>>
    %dma_start3A_232 = tpu.memref_squeeze %dma_start3A_231 : memref<1x128x128xi32, #tpu.memory_space<vmem>> -> memref<128x128xi32, #tpu.memory_space<vmem>>
    tpu.enqueue_dma source(%dma_start3A_232 : memref<128x128xi32, #tpu.memory_space<vmem>>) target(%dma_start3A_228 : memref<128x128xi32, #tpu.memory_space<hbm>>) target_semaphore(%arg16 : memref<!tpu.dma_semaphore, #tpu.memory_space<semaphore_mem>>)
    %dma_wait3A_233 = arith.constant 3 : i32
    %dma_wait3A_234 = arith.constant 0 : i32
    %dma_wait3A_235 = arith.constant 0 : i32
    %dma_wait3A_236 = tpu.memref_slice %arg8[%dma_wait3A_233, %dma_wait3A_234, %dma_wait3A_235] : memref<4x128x128xi32, #tpu.memory_space<vmem>> -> memref<1x128x128xi32, #tpu.memory_space<vmem>>
    %dma_wait3A_237 = tpu.memref_squeeze %dma_wait3A_236 : memref<1x128x128xi32, #tpu.memory_space<vmem>> -> memref<128x128xi32, #tpu.memory_space<vmem>>
    %dma_wait3A_238 = arith.constant 0 : i32
    %dma_wait3A_239 = tpu.memref_slice %arg5[%add3A_219, %dma_wait3A_238] : memref<102400x128xi32, #tpu.memory_space<hbm>> -> memref<128x128xi32, #tpu.memory_space<hbm>>
    %dma_wait3A_240 = arith.constant 0 : i32
    %dma_wait3A_241 = tpu.memref_slice %arg5[%add3A_219, %dma_wait3A_240] : memref<102400x128xi32, #tpu.memory_space<hbm>> -> memref<128x128xi32, #tpu.memory_space<hbm>>
    %dma_wait3A_242 = arith.constant 0 : i32
    %dma_wait3A_243 = arith.constant 0 : i32
    %dma_wait3A_244 = tpu.memref_slice %arg8[%dma_wait3A_233, %dma_wait3A_242, %dma_wait3A_243] : memref<4x128x128xi32, #tpu.memory_space<vmem>> -> memref<1x128x128xi32, #tpu.memory_space<vmem>>
    %dma_wait3A_245 = tpu.memref_squeeze %dma_wait3A_244 : memref<1x128x128xi32, #tpu.memory_space<vmem>> -> memref<128x128xi32, #tpu.memory_space<vmem>>
    tpu.wait_dma2 semaphore(%arg16 : memref<!tpu.dma_semaphore, #tpu.memory_space<semaphore_mem>>) src(%dma_wait3A_245 : memref<128x128xi32, #tpu.memory_space<vmem>>) dst(%dma_wait3A_241 : memref<128x128xi32, #tpu.memory_space<hbm>>)
    %dma_start3A_246 = arith.constant 0 : i32
    %dma_start3A_247 = arith.constant 3 : i32
    %dma_start3A_248 = arith.constant 0 : i32
    %dma_start3A_249 = arith.constant 0 : i32
    %dma_start3A_250 = tpu.memref_slice %arg8[%dma_start3A_247, %dma_start3A_248, %dma_start3A_249] : memref<4x128x128xi32, #tpu.memory_space<vmem>> -> memref<1x128x128xi32, #tpu.memory_space<vmem>>
    %dma_start3A_251 = tpu.memref_squeeze %dma_start3A_250 : memref<1x128x128xi32, #tpu.memory_space<vmem>> -> memref<128x128xi32, #tpu.memory_space<vmem>>
    %dma_start3A_252 = arith.constant 896 : i32
    %dma_start3A_253 = tpu.memref_slice %arg7[%dma_start3A_246, %dma_start3A_252] : memref<2x3200xi32, #tpu.memory_space<vmem>> -> memref<1x128xi32, #tpu.memory_space<vmem>>
    %dma_start3A_254 = tpu.memref_squeeze %dma_start3A_253 : memref<1x128xi32, #tpu.memory_space<vmem>> -> memref<128xi32, #tpu.memory_space<vmem>>
    %dma_start3A_255 = arith.constant 0 : i32
    %dma_start3A_256 = arith.constant 0 : i32
    %dma_start3A_257 = tpu.memref_slice %arg2[%dma_start3A_255, %dma_start3A_256] : memref<1000x128xi32, #tpu.memory_space<hbm>> -> memref<1000x128xi32, #tpu.memory_space<hbm>>
    tpu.enqueue_indirect_dma source(%dma_start3A_257 : memref<1000x128xi32, #tpu.memory_space<hbm>>) target(%dma_start3A_251 : memref<128x128xi32, #tpu.memory_space<vmem>>) offsets(%dma_start3A_254 : memref<128xi32, #tpu.memory_space<vmem>>) semaphore(%arg12 : memref<!tpu.dma_semaphore, #tpu.memory_space<semaphore_mem>>)
    %dma_wait3A_258 = arith.constant 0 : i32
    %dma_wait3A_259 = arith.constant 0 : i32
    %dma_wait3A_260 = arith.constant 0 : i32
    %dma_wait3A_261 = arith.constant 0 : i32
    %dma_wait3A_262 = tpu.memref_slice %arg8[%dma_wait3A_259, %dma_wait3A_260, %dma_wait3A_261] : memref<4x128x128xi32, #tpu.memory_space<vmem>> -> memref<1x128x128xi32, #tpu.memory_space<vmem>>
    %dma_wait3A_263 = tpu.memref_squeeze %dma_wait3A_262 : memref<1x128x128xi32, #tpu.memory_space<vmem>> -> memref<128x128xi32, #tpu.memory_space<vmem>>
    %dma_wait3A_264 = arith.constant 512 : i32
    %dma_wait3A_265 = tpu.memref_slice %arg7[%dma_wait3A_258, %dma_wait3A_264] : memref<2x3200xi32, #tpu.memory_space<vmem>> -> memref<1x128xi32, #tpu.memory_space<vmem>>
    %dma_wait3A_266 = tpu.memref_squeeze %dma_wait3A_265 : memref<1x128xi32, #tpu.memory_space<vmem>> -> memref<128xi32, #tpu.memory_space<vmem>>
    %dma_wait3A_267 = arith.constant 0 : i32
    %dma_wait3A_268 = arith.constant 0 : i32
    %dma_wait3A_269 = tpu.memref_slice %arg2[%dma_wait3A_267, %dma_wait3A_268] : memref<1000x128xi32, #tpu.memory_space<hbm>> -> memref<1000x128xi32, #tpu.memory_space<hbm>>
    tpu.wait_indirect_dma semaphore(%arg9 : memref<!tpu.dma_semaphore, #tpu.memory_space<semaphore_mem>>) src(%dma_wait3A_269 : memref<1000x128xi32, #tpu.memory_space<hbm>>) dst(%dma_wait3A_263 : memref<128x128xi32, #tpu.memory_space<vmem>>)
    %add3A_270 = arith.constant 512 : i32
    %add3A_271 = arith.addi %mul3A_2, %add3A_270 : i32
    %dma_start3A_272 = arith.constant 0 : i32
    %dma_start3A_273 = arith.constant 0 : i32
    %dma_start3A_274 = arith.constant 0 : i32
    %dma_start3A_275 = tpu.memref_slice %arg8[%dma_start3A_272, %dma_start3A_273, %dma_start3A_274] : memref<4x128x128xi32, #tpu.memory_space<vmem>> -> memref<1x128x128xi32, #tpu.memory_space<vmem>>
    %dma_start3A_276 = tpu.memref_squeeze %dma_start3A_275 : memref<1x128x128xi32, #tpu.memory_space<vmem>> -> memref<128x128xi32, #tpu.memory_space<vmem>>
    %dma_start3A_277 = arith.constant 0 : i32
    %dma_start3A_278 = tpu.memref_slice %arg5[%add3A_271, %dma_start3A_277] : memref<102400x128xi32, #tpu.memory_space<hbm>> -> memref<128x128xi32, #tpu.memory_space<hbm>>
    %dma_start3A_279 = arith.constant 0 : i32
    %dma_start3A_280 = tpu.memref_slice %arg5[%add3A_271, %dma_start3A_279] : memref<102400x128xi32, #tpu.memory_space<hbm>> -> memref<128x128xi32, #tpu.memory_space<hbm>>
    %dma_start3A_281 = arith.constant 0 : i32
    %dma_start3A_282 = arith.constant 0 : i32
    %dma_start3A_283 = tpu.memref_slice %arg8[%dma_start3A_272, %dma_start3A_281, %dma_start3A_282] : memref<4x128x128xi32, #tpu.memory_space<vmem>> -> memref<1x128x128xi32, #tpu.memory_space<vmem>>
    %dma_start3A_284 = tpu.memref_squeeze %dma_start3A_283 : memref<1x128x128xi32, #tpu.memory_space<vmem>> -> memref<128x128xi32, #tpu.memory_space<vmem>>
    tpu.enqueue_dma source(%dma_start3A_284 : memref<128x128xi32, #tpu.memory_space<vmem>>) target(%dma_start3A_280 : memref<128x128xi32, #tpu.memory_space<hbm>>) target_semaphore(%arg13 : memref<!tpu.dma_semaphore, #tpu.memory_space<semaphore_mem>>)
    %dma_wait3A_285 = arith.constant 0 : i32
    %dma_wait3A_286 = arith.constant 0 : i32
    %dma_wait3A_287 = arith.constant 0 : i32
    %dma_wait3A_288 = tpu.memref_slice %arg8[%dma_wait3A_285, %dma_wait3A_286, %dma_wait3A_287] : memref<4x128x128xi32, #tpu.memory_space<vmem>> -> memref<1x128x128xi32, #tpu.memory_space<vmem>>
    %dma_wait3A_289 = tpu.memref_squeeze %dma_wait3A_288 : memref<1x128x128xi32, #tpu.memory_space<vmem>> -> memref<128x128xi32, #tpu.memory_space<vmem>>
    %dma_wait3A_290 = arith.constant 0 : i32
    %dma_wait3A_291 = tpu.memref_slice %arg5[%add3A_271, %dma_wait3A_290] : memref<102400x128xi32, #tpu.memory_space<hbm>> -> memref<128x128xi32, #tpu.memory_space<hbm>>
    %dma_wait3A_292 = arith.constant 0 : i32
    %dma_wait3A_293 = tpu.memref_slice %arg5[%add3A_271, %dma_wait3A_292] : memref<102400x128xi32, #tpu.memory_space<hbm>> -> memref<128x128xi32, #tpu.memory_space<hbm>>
    %dma_wait3A_294 = arith.constant 0 : i32
    %dma_wait3A_295 = arith.constant 0 : i32
    %dma_wait3A_296 = tpu.memref_slice %arg8[%dma_wait3A_285, %dma_wait3A_294, %dma_wait3A_295] : memref<4x128x128xi32, #tpu.memory_space<vmem>> -> memref<1x128x128xi32, #tpu.memory_space<vmem>>
    %dma_wait3A_297 = tpu.memref_squeeze %dma_wait3A_296 : memref<1x128x128xi32, #tpu.memory_space<vmem>> -> memref<128x128xi32, #tpu.memory_space<vmem>>
    tpu.wait_dma2 semaphore(%arg13 : memref<!tpu.dma_semaphore, #tpu.memory_space<semaphore_mem>>) src(%dma_wait3A_297 : memref<128x128xi32, #tpu.memory_space<vmem>>) dst(%dma_wait3A_293 : memref<128x128xi32, #tpu.memory_space<hbm>>)
    %dma_start3A_298 = arith.constant 0 : i32
    %dma_start3A_299 = arith.constant 0 : i32
    %dma_start3A_300 = arith.constant 0 : i32
    %dma_start3A_301 = arith.constant 0 : i32
    %dma_start3A_302 = tpu.memref_slice %arg8[%dma_start3A_299, %dma_start3A_300, %dma_start3A_301] : memref<4x128x128xi32, #tpu.memory_space<vmem>> -> memref<1x128x128xi32, #tpu.memory_space<vmem>>
    %dma_start3A_303 = tpu.memref_squeeze %dma_start3A_302 : memref<1x128x128xi32, #tpu.memory_space<vmem>> -> memref<128x128xi32, #tpu.memory_space<vmem>>
    %dma_start3A_304 = arith.constant 1024 : i32
    %dma_start3A_305 = tpu.memref_slice %arg7[%dma_start3A_298, %dma_start3A_304] : memref<2x3200xi32, #tpu.memory_space<vmem>> -> memref<1x128xi32, #tpu.memory_space<vmem>>
    %dma_start3A_306 = tpu.memref_squeeze %dma_start3A_305 : memref<1x128xi32, #tpu.memory_space<vmem>> -> memref<128xi32, #tpu.memory_space<vmem>>
    %dma_start3A_307 = arith.constant 0 : i32
    %dma_start3A_308 = arith.constant 0 : i32
    %dma_start3A_309 = tpu.memref_slice %arg2[%dma_start3A_307, %dma_start3A_308] : memref<1000x128xi32, #tpu.memory_space<hbm>> -> memref<1000x128xi32, #tpu.memory_space<hbm>>
    tpu.enqueue_indirect_dma source(%dma_start3A_309 : memref<1000x128xi32, #tpu.memory_space<hbm>>) target(%dma_start3A_303 : memref<128x128xi32, #tpu.memory_space<vmem>>) offsets(%dma_start3A_306 : memref<128xi32, #tpu.memory_space<vmem>>) semaphore(%arg9 : memref<!tpu.dma_semaphore, #tpu.memory_space<semaphore_mem>>)
    %dma_wait3A_310 = arith.constant 0 : i32
    %dma_wait3A_311 = arith.constant 1 : i32
    %dma_wait3A_312 = arith.constant 0 : i32
    %dma_wait3A_313 = arith.constant 0 : i32
    %dma_wait3A_314 = tpu.memref_slice %arg8[%dma_wait3A_311, %dma_wait3A_312, %dma_wait3A_313] : memref<4x128x128xi32, #tpu.memory_space<vmem>> -> memref<1x128x128xi32, #tpu.memory_space<vmem>>
    %dma_wait3A_315 = tpu.memref_squeeze %dma_wait3A_314 : memref<1x128x128xi32, #tpu.memory_space<vmem>> -> memref<128x128xi32, #tpu.memory_space<vmem>>
    %dma_wait3A_316 = arith.constant 640 : i32
    %dma_wait3A_317 = tpu.memref_slice %arg7[%dma_wait3A_310, %dma_wait3A_316] : memref<2x3200xi32, #tpu.memory_space<vmem>> -> memref<1x128xi32, #tpu.memory_space<vmem>>
    %dma_wait3A_318 = tpu.memref_squeeze %dma_wait3A_317 : memref<1x128xi32, #tpu.memory_space<vmem>> -> memref<128xi32, #tpu.memory_space<vmem>>
    %dma_wait3A_319 = arith.constant 0 : i32
    %dma_wait3A_320 = arith.constant 0 : i32
    %dma_wait3A_321 = tpu.memref_slice %arg2[%dma_wait3A_319, %dma_wait3A_320] : memref<1000x128xi32, #tpu.memory_space<hbm>> -> memref<1000x128xi32, #tpu.memory_space<hbm>>
    tpu.wait_indirect_dma semaphore(%arg10 : memref<!tpu.dma_semaphore, #tpu.memory_space<semaphore_mem>>) src(%dma_wait3A_321 : memref<1000x128xi32, #tpu.memory_space<hbm>>) dst(%dma_wait3A_315 : memref<128x128xi32, #tpu.memory_space<vmem>>)
    %add3A_322 = arith.constant 640 : i32
    %add3A_323 = arith.addi %mul3A_2, %add3A_322 : i32
    %dma_start3A_324 = arith.constant 1 : i32
    %dma_start3A_325 = arith.constant 0 : i32
    %dma_start3A_326 = arith.constant 0 : i32
    %dma_start3A_327 = tpu.memref_slice %arg8[%dma_start3A_324, %dma_start3A_325, %dma_start3A_326] : memref<4x128x128xi32, #tpu.memory_space<vmem>> -> memref<1x128x128xi32, #tpu.memory_space<vmem>>
    %dma_start3A_328 = tpu.memref_squeeze %dma_start3A_327 : memref<1x128x128xi32, #tpu.memory_space<vmem>> -> memref<128x128xi32, #tpu.memory_space<vmem>>
    %dma_start3A_329 = arith.constant 0 : i32
    %dma_start3A_330 = tpu.memref_slice %arg5[%add3A_323, %dma_start3A_329] : memref<102400x128xi32, #tpu.memory_space<hbm>> -> memref<128x128xi32, #tpu.memory_space<hbm>>
    %dma_start3A_331 = arith.constant 0 : i32
    %dma_start3A_332 = tpu.memref_slice %arg5[%add3A_323, %dma_start3A_331] : memref<102400x128xi32, #tpu.memory_space<hbm>> -> memref<128x128xi32, #tpu.memory_space<hbm>>
    %dma_start3A_333 = arith.constant 0 : i32
    %dma_start3A_334 = arith.constant 0 : i32
    %dma_start3A_335 = tpu.memref_slice %arg8[%dma_start3A_324, %dma_start3A_333, %dma_start3A_334] : memref<4x128x128xi32, #tpu.memory_space<vmem>> -> memref<1x128x128xi32, #tpu.memory_space<vmem>>
    %dma_start3A_336 = tpu.memref_squeeze %dma_start3A_335 : memref<1x128x128xi32, #tpu.memory_space<vmem>> -> memref<128x128xi32, #tpu.memory_space<vmem>>
    tpu.enqueue_dma source(%dma_start3A_336 : memref<128x128xi32, #tpu.memory_space<vmem>>) target(%dma_start3A_332 : memref<128x128xi32, #tpu.memory_space<hbm>>) target_semaphore(%arg14 : memref<!tpu.dma_semaphore, #tpu.memory_space<semaphore_mem>>)
    %dma_wait3A_337 = arith.constant 1 : i32
    %dma_wait3A_338 = arith.constant 0 : i32
    %dma_wait3A_339 = arith.constant 0 : i32
    %dma_wait3A_340 = tpu.memref_slice %arg8[%dma_wait3A_337, %dma_wait3A_338, %dma_wait3A_339] : memref<4x128x128xi32, #tpu.memory_space<vmem>> -> memref<1x128x128xi32, #tpu.memory_space<vmem>>
    %dma_wait3A_341 = tpu.memref_squeeze %dma_wait3A_340 : memref<1x128x128xi32, #tpu.memory_space<vmem>> -> memref<128x128xi32, #tpu.memory_space<vmem>>
    %dma_wait3A_342 = arith.constant 0 : i32
    %dma_wait3A_343 = tpu.memref_slice %arg5[%add3A_323, %dma_wait3A_342] : memref<102400x128xi32, #tpu.memory_space<hbm>> -> memref<128x128xi32, #tpu.memory_space<hbm>>
    %dma_wait3A_344 = arith.constant 0 : i32
    %dma_wait3A_345 = tpu.memref_slice %arg5[%add3A_323, %dma_wait3A_344] : memref<102400x128xi32, #tpu.memory_space<hbm>> -> memref<128x128xi32, #tpu.memory_space<hbm>>
    %dma_wait3A_346 = arith.constant 0 : i32
    %dma_wait3A_347 = arith.constant 0 : i32
    %dma_wait3A_348 = tpu.memref_slice %arg8[%dma_wait3A_337, %dma_wait3A_346, %dma_wait3A_347] : memref<4x128x128xi32, #tpu.memory_space<vmem>> -> memref<1x128x128xi32, #tpu.memory_space<vmem>>
    %dma_wait3A_349 = tpu.memref_squeeze %dma_wait3A_348 : memref<1x128x128xi32, #tpu.memory_space<vmem>> -> memref<128x128xi32, #tpu.memory_space<vmem>>
    tpu.wait_dma2 semaphore(%arg14 : memref<!tpu.dma_semaphore, #tpu.memory_space<semaphore_mem>>) src(%dma_wait3A_349 : memref<128x128xi32, #tpu.memory_space<vmem>>) dst(%dma_wait3A_345 : memref<128x128xi32, #tpu.memory_space<hbm>>)
    %dma_start3A_350 = arith.constant 0 : i32
    %dma_start3A_351 = arith.constant 1 : i32
    %dma_start3A_352 = arith.constant 0 : i32
    %dma_start3A_353 = arith.constant 0 : i32
    %dma_start3A_354 = tpu.memref_slice %arg8[%dma_start3A_351, %dma_start3A_352, %dma_start3A_353] : memref<4x128x128xi32, #tpu.memory_space<vmem>> -> memref<1x128x128xi32, #tpu.memory_space<vmem>>
    %dma_start3A_355 = tpu.memref_squeeze %dma_start3A_354 : memref<1x128x128xi32, #tpu.memory_space<vmem>> -> memref<128x128xi32, #tpu.memory_space<vmem>>
    %dma_start3A_356 = arith.constant 1152 : i32
    %dma_start3A_357 = tpu.memref_slice %arg7[%dma_start3A_350, %dma_start3A_356] : memref<2x3200xi32, #tpu.memory_space<vmem>> -> memref<1x128xi32, #tpu.memory_space<vmem>>
    %dma_start3A_358 = tpu.memref_squeeze %dma_start3A_357 : memref<1x128xi32, #tpu.memory_space<vmem>> -> memref<128xi32, #tpu.memory_space<vmem>>
    %dma_start3A_359 = arith.constant 0 : i32
    %dma_start3A_360 = arith.constant 0 : i32
    %dma_start3A_361 = tpu.memref_slice %arg2[%dma_start3A_359, %dma_start3A_360] : memref<1000x128xi32, #tpu.memory_space<hbm>> -> memref<1000x128xi32, #tpu.memory_space<hbm>>
    tpu.enqueue_indirect_dma source(%dma_start3A_361 : memref<1000x128xi32, #tpu.memory_space<hbm>>) target(%dma_start3A_355 : memref<128x128xi32, #tpu.memory_space<vmem>>) offsets(%dma_start3A_358 : memref<128xi32, #tpu.memory_space<vmem>>) semaphore(%arg10 : memref<!tpu.dma_semaphore, #tpu.memory_space<semaphore_mem>>)
    %dma_wait3A_362 = arith.constant 0 : i32
    %dma_wait3A_363 = arith.constant 2 : i32
    %dma_wait3A_364 = arith.constant 0 : i32
    %dma_wait3A_365 = arith.constant 0 : i32
    %dma_wait3A_366 = tpu.memref_slice %arg8[%dma_wait3A_363, %dma_wait3A_364, %dma_wait3A_365] : memref<4x128x128xi32, #tpu.memory_space<vmem>> -> memref<1x128x128xi32, #tpu.memory_space<vmem>>
    %dma_wait3A_367 = tpu.memref_squeeze %dma_wait3A_366 : memref<1x128x128xi32, #tpu.memory_space<vmem>> -> memref<128x128xi32, #tpu.memory_space<vmem>>
    %dma_wait3A_368 = arith.constant 768 : i32
    %dma_wait3A_369 = tpu.memref_slice %arg7[%dma_wait3A_362, %dma_wait3A_368] : memref<2x3200xi32, #tpu.memory_space<vmem>> -> memref<1x128xi32, #tpu.memory_space<vmem>>
    %dma_wait3A_370 = tpu.memref_squeeze %dma_wait3A_369 : memref<1x128xi32, #tpu.memory_space<vmem>> -> memref<128xi32, #tpu.memory_space<vmem>>
    %dma_wait3A_371 = arith.constant 0 : i32
    %dma_wait3A_372 = arith.constant 0 : i32
    %dma_wait3A_373 = tpu.memref_slice %arg2[%dma_wait3A_371, %dma_wait3A_372] : memref<1000x128xi32, #tpu.memory_space<hbm>> -> memref<1000x128xi32, #tpu.memory_space<hbm>>
    tpu.wait_indirect_dma semaphore(%arg11 : memref<!tpu.dma_semaphore, #tpu.memory_space<semaphore_mem>>) src(%dma_wait3A_373 : memref<1000x128xi32, #tpu.memory_space<hbm>>) dst(%dma_wait3A_367 : memref<128x128xi32, #tpu.memory_space<vmem>>)
    %add3A_374 = arith.constant 768 : i32
    %add3A_375 = arith.addi %mul3A_2, %add3A_374 : i32
    %dma_start3A_376 = arith.constant 2 : i32
    %dma_start3A_377 = arith.constant 0 : i32
    %dma_start3A_378 = arith.constant 0 : i32
    %dma_start3A_379 = tpu.memref_slice %arg8[%dma_start3A_376, %dma_start3A_377, %dma_start3A_378] : memref<4x128x128xi32, #tpu.memory_space<vmem>> -> memref<1x128x128xi32, #tpu.memory_space<vmem>>
    %dma_start3A_380 = tpu.memref_squeeze %dma_start3A_379 : memref<1x128x128xi32, #tpu.memory_space<vmem>> -> memref<128x128xi32, #tpu.memory_space<vmem>>
    %dma_start3A_381 = arith.constant 0 : i32
    %dma_start3A_382 = tpu.memref_slice %arg5[%add3A_375, %dma_start3A_381] : memref<102400x128xi32, #tpu.memory_space<hbm>> -> memref<128x128xi32, #tpu.memory_space<hbm>>
    %dma_start3A_383 = arith.constant 0 : i32
    %dma_start3A_384 = tpu.memref_slice %arg5[%add3A_375, %dma_start3A_383] : memref<102400x128xi32, #tpu.memory_space<hbm>> -> memref<128x128xi32, #tpu.memory_space<hbm>>
    %dma_start3A_385 = arith.constant 0 : i32
    %dma_start3A_386 = arith.constant 0 : i32
    %dma_start3A_387 = tpu.memref_slice %arg8[%dma_start3A_376, %dma_start3A_385, %dma_start3A_386] : memref<4x128x128xi32, #tpu.memory_space<vmem>> -> memref<1x128x128xi32, #tpu.memory_space<vmem>>
    %dma_start3A_388 = tpu.memref_squeeze %dma_start3A_387 : memref<1x128x128xi32, #tpu.memory_space<vmem>> -> memref<128x128xi32, #tpu.memory_space<vmem>>
    tpu.enqueue_dma source(%dma_start3A_388 : memref<128x128xi32, #tpu.memory_space<vmem>>) target(%dma_start3A_384 : memref<128x128xi32, #tpu.memory_space<hbm>>) target_semaphore(%arg15 : memref<!tpu.dma_semaphore, #tpu.memory_space<semaphore_mem>>)
    %dma_wait3A_389 = arith.constant 2 : i32
    %dma_wait3A_390 = arith.constant 0 : i32
    %dma_wait3A_391 = arith.constant 0 : i32
    %dma_wait3A_392 = tpu.memref_slice %arg8[%dma_wait3A_389, %dma_wait3A_390, %dma_wait3A_391] : memref<4x128x128xi32, #tpu.memory_space<vmem>> -> memref<1x128x128xi32, #tpu.memory_space<vmem>>
    %dma_wait3A_393 = tpu.memref_squeeze %dma_wait3A_392 : memref<1x128x128xi32, #tpu.memory_space<vmem>> -> memref<128x128xi32, #tpu.memory_space<vmem>>
    %dma_wait3A_394 = arith.constant 0 : i32
    %dma_wait3A_395 = tpu.memref_slice %arg5[%add3A_375, %dma_wait3A_394] : memref<102400x128xi32, #tpu.memory_space<hbm>> -> memref<128x128xi32, #tpu.memory_space<hbm>>
    %dma_wait3A_396 = arith.constant 0 : i32
    %dma_wait3A_397 = tpu.memref_slice %arg5[%add3A_375, %dma_wait3A_396] : memref<102400x128xi32, #tpu.memory_space<hbm>> -> memref<128x128xi32, #tpu.memory_space<hbm>>
    %dma_wait3A_398 = arith.constant 0 : i32
    %dma_wait3A_399 = arith.constant 0 : i32
    %dma_wait3A_400 = tpu.memref_slice %arg8[%dma_wait3A_389, %dma_wait3A_398, %dma_wait3A_399] : memref<4x128x128xi32, #tpu.memory_space<vmem>> -> memref<1x128x128xi32, #tpu.memory_space<vmem>>
    %dma_wait3A_401 = tpu.memref_squeeze %dma_wait3A_400 : memref<1x128x128xi32, #tpu.memory_space<vmem>> -> memref<128x128xi32, #tpu.memory_space<vmem>>
    tpu.wait_dma2 semaphore(%arg15 : memref<!tpu.dma_semaphore, #tpu.memory_space<semaphore_mem>>) src(%dma_wait3A_401 : memref<128x128xi32, #tpu.memory_space<vmem>>) dst(%dma_wait3A_397 : memref<128x128xi32, #tpu.memory_space<hbm>>)
    %dma_start3A_402 = arith.constant 0 : i32
    %dma_start3A_403 = arith.constant 2 : i32
    %dma_start3A_404 = arith.constant 0 : i32
    %dma_start3A_405 = arith.constant 0 : i32
    %dma_start3A_406 = tpu.memref_slice %arg8[%dma_start3A_403, %dma_start3A_404, %dma_start3A_405] : memref<4x128x128xi32, #tpu.memory_space<vmem>> -> memref<1x128x128xi32, #tpu.memory_space<vmem>>
    %dma_start3A_407 = tpu.memref_squeeze %dma_start3A_406 : memref<1x128x128xi32, #tpu.memory_space<vmem>> -> memref<128x128xi32, #tpu.memory_space<vmem>>
    %dma_start3A_408 = arith.constant 1280 : i32
    %dma_start3A_409 = tpu.memref_slice %arg7[%dma_start3A_402, %dma_start3A_408] : memref<2x3200xi32, #tpu.memory_space<vmem>> -> memref<1x128xi32, #tpu.memory_space<vmem>>
    %dma_start3A_410 = tpu.memref_squeeze %dma_start3A_409 : memref<1x128xi32, #tpu.memory_space<vmem>> -> memref<128xi32, #tpu.memory_space<vmem>>
    %dma_start3A_411 = arith.constant 0 : i32
    %dma_start3A_412 = arith.constant 0 : i32
    %dma_start3A_413 = tpu.memref_slice %arg2[%dma_start3A_411, %dma_start3A_412] : memref<1000x128xi32, #tpu.memory_space<hbm>> -> memref<1000x128xi32, #tpu.memory_space<hbm>>
    tpu.enqueue_indirect_dma source(%dma_start3A_413 : memref<1000x128xi32, #tpu.memory_space<hbm>>) target(%dma_start3A_407 : memref<128x128xi32, #tpu.memory_space<vmem>>) offsets(%dma_start3A_410 : memref<128xi32, #tpu.memory_space<vmem>>) semaphore(%arg11 : memref<!tpu.dma_semaphore, #tpu.memory_space<semaphore_mem>>)
    %dma_wait3A_414 = arith.constant 0 : i32
    %dma_wait3A_415 = arith.constant 3 : i32
    %dma_wait3A_416 = arith.constant 0 : i32
    %dma_wait3A_417 = arith.constant 0 : i32
    %dma_wait3A_418 = tpu.memref_slice %arg8[%dma_wait3A_415, %dma_wait3A_416, %dma_wait3A_417] : memref<4x128x128xi32, #tpu.memory_space<vmem>> -> memref<1x128x128xi32, #tpu.memory_space<vmem>>
    %dma_wait3A_419 = tpu.memref_squeeze %dma_wait3A_418 : memref<1x128x128xi32, #tpu.memory_space<vmem>> -> memref<128x128xi32, #tpu.memory_space<vmem>>
    %dma_wait3A_420 = arith.constant 896 : i32
    %dma_wait3A_421 = tpu.memref_slice %arg7[%dma_wait3A_414, %dma_wait3A_420] : memref<2x3200xi32, #tpu.memory_space<vmem>> -> memref<1x128xi32, #tpu.memory_space<vmem>>
    %dma_wait3A_422 = tpu.memref_squeeze %dma_wait3A_421 : memref<1x128xi32, #tpu.memory_space<vmem>> -> memref<128xi32, #tpu.memory_space<vmem>>
    %dma_wait3A_423 = arith.constant 0 : i32
    %dma_wait3A_424 = arith.constant 0 : i32
    %dma_wait3A_425 = tpu.memref_slice %arg2[%dma_wait3A_423, %dma_wait3A_424] : memref<1000x128xi32, #tpu.memory_space<hbm>> -> memref<1000x128xi32, #tpu.memory_space<hbm>>
    tpu.wait_indirect_dma semaphore(%arg12 : memref<!tpu.dma_semaphore, #tpu.memory_space<semaphore_mem>>) src(%dma_wait3A_425 : memref<1000x128xi32, #tpu.memory_space<hbm>>) dst(%dma_wait3A_419 : memref<128x128xi32, #tpu.memory_space<vmem>>)
    %add3A_426 = arith.constant 896 : i32
    %add3A_427 = arith.addi %mul3A_2, %add3A_426 : i32
    %dma_start3A_428 = arith.constant 3 : i32
    %dma_start3A_429 = arith.constant 0 : i32
    %dma_start3A_430 = arith.constant 0 : i32
    %dma_start3A_431 = tpu.memref_slice %arg8[%dma_start3A_428, %dma_start3A_429, %dma_start3A_430] : memref<4x128x128xi32, #tpu.memory_space<vmem>> -> memref<1x128x128xi32, #tpu.memory_space<vmem>>
    %dma_start3A_432 = tpu.memref_squeeze %dma_start3A_431 : memref<1x128x128xi32, #tpu.memory_space<vmem>> -> memref<128x128xi32, #tpu.memory_space<vmem>>
    %dma_start3A_433 = arith.constant 0 : i32
    %dma_start3A_434 = tpu.memref_slice %arg5[%add3A_427, %dma_start3A_433] : memref<102400x128xi32, #tpu.memory_space<hbm>> -> memref<128x128xi32, #tpu.memory_space<hbm>>
    %dma_start3A_435 = arith.constant 0 : i32
    %dma_start3A_436 = tpu.memref_slice %arg5[%add3A_427, %dma_start3A_435] : memref<102400x128xi32, #tpu.memory_space<hbm>> -> memref<128x128xi32, #tpu.memory_space<hbm>>
    %dma_start3A_437 = arith.constant 0 : i32
    %dma_start3A_438 = arith.constant 0 : i32
    %dma_start3A_439 = tpu.memref_slice %arg8[%dma_start3A_428, %dma_start3A_437, %dma_start3A_438] : memref<4x128x128xi32, #tpu.memory_space<vmem>> -> memref<1x128x128xi32, #tpu.memory_space<vmem>>
    %dma_start3A_440 = tpu.memref_squeeze %dma_start3A_439 : memref<1x128x128xi32, #tpu.memory_space<vmem>> -> memref<128x128xi32, #tpu.memory_space<vmem>>
    tpu.enqueue_dma source(%dma_start3A_440 : memref<128x128xi32, #tpu.memory_space<vmem>>) target(%dma_start3A_436 : memref<128x128xi32, #tpu.memory_space<hbm>>) target_semaphore(%arg16 : memref<!tpu.dma_semaphore, #tpu.memory_space<semaphore_mem>>)
    %dma_wait3A_441 = arith.constant 3 : i32
    %dma_wait3A_442 = arith.constant 0 : i32
    %dma_wait3A_443 = arith.constant 0 : i32
    %dma_wait3A_444 = tpu.memref_slice %arg8[%dma_wait3A_441, %dma_wait3A_442, %dma_wait3A_443] : memref<4x128x128xi32, #tpu.memory_space<vmem>> -> memref<1x128x128xi32, #tpu.memory_space<vmem>>
    %dma_wait3A_445 = tpu.memref_squeeze %dma_wait3A_444 : memref<1x128x128xi32, #tpu.memory_space<vmem>> -> memref<128x128xi32, #tpu.memory_space<vmem>>
    %dma_wait3A_446 = arith.constant 0 : i32
    %dma_wait3A_447 = tpu.memref_slice %arg5[%add3A_427, %dma_wait3A_446] : memref<102400x128xi32, #tpu.memory_space<hbm>> -> memref<128x128xi32, #tpu.memory_space<hbm>>
    %dma_wait3A_448 = arith.constant 0 : i32
    %dma_wait3A_449 = tpu.memref_slice %arg5[%add3A_427, %dma_wait3A_448] : memref<102400x128xi32, #tpu.memory_space<hbm>> -> memref<128x128xi32, #tpu.memory_space<hbm>>
    %dma_wait3A_450 = arith.constant 0 : i32
    %dma_wait3A_451 = arith.constant 0 : i32
    %dma_wait3A_452 = tpu.memref_slice %arg8[%dma_wait3A_441, %dma_wait3A_450, %dma_wait3A_451] : memref<4x128x128xi32, #tpu.memory_space<vmem>> -> memref<1x128x128xi32, #tpu.memory_space<vmem>>
    %dma_wait3A_453 = tpu.memref_squeeze %dma_wait3A_452 : memref<1x128x128xi32, #tpu.memory_space<vmem>> -> memref<128x128xi32, #tpu.memory_space<vmem>>
    tpu.wait_dma2 semaphore(%arg16 : memref<!tpu.dma_semaphore, #tpu.memory_space<semaphore_mem>>) src(%dma_wait3A_453 : memref<128x128xi32, #tpu.memory_space<vmem>>) dst(%dma_wait3A_449 : memref<128x128xi32, #tpu.memory_space<hbm>>)
    %dma_start3A_454 = arith.constant 0 : i32
    %dma_start3A_455 = arith.constant 3 : i32
    %dma_start3A_456 = arith.constant 0 : i32
    %dma_start3A_457 = arith.constant 0 : i32
    %dma_start3A_458 = tpu.memref_slice %arg8[%dma_start3A_455, %dma_start3A_456, %dma_start3A_457] : memref<4x128x128xi32, #tpu.memory_space<vmem>> -> memref<1x128x128xi32, #tpu.memory_space<vmem>>
    %dma_start3A_459 = tpu.memref_squeeze %dma_start3A_458 : memref<1x128x128xi32, #tpu.memory_space<vmem>> -> memref<128x128xi32, #tpu.memory_space<vmem>>
    %dma_start3A_460 = arith.constant 1408 : i32
    %dma_start3A_461 = tpu.memref_slice %arg7[%dma_start3A_454, %dma_start3A_460] : memref<2x3200xi32, #tpu.memory_space<vmem>> -> memref<1x128xi32, #tpu.memory_space<vmem>>
    %dma_start3A_462 = tpu.memref_squeeze %dma_start3A_461 : memref<1x128xi32, #tpu.memory_space<vmem>> -> memref<128xi32, #tpu.memory_space<vmem>>
    %dma_start3A_463 = arith.constant 0 : i32
    %dma_start3A_464 = arith.constant 0 : i32
    %dma_start3A_465 = tpu.memref_slice %arg2[%dma_start3A_463, %dma_start3A_464] : memref<1000x128xi32, #tpu.memory_space<hbm>> -> memref<1000x128xi32, #tpu.memory_space<hbm>>
    tpu.enqueue_indirect_dma source(%dma_start3A_465 : memref<1000x128xi32, #tpu.memory_space<hbm>>) target(%dma_start3A_459 : memref<128x128xi32, #tpu.memory_space<vmem>>) offsets(%dma_start3A_462 : memref<128xi32, #tpu.memory_space<vmem>>) semaphore(%arg12 : memref<!tpu.dma_semaphore, #tpu.memory_space<semaphore_mem>>)
    %dma_wait3A_466 = arith.constant 0 : i32
    %dma_wait3A_467 = arith.constant 0 : i32
    %dma_wait3A_468 = arith.constant 0 : i32
    %dma_wait3A_469 = arith.constant 0 : i32
    %dma_wait3A_470 = tpu.memref_slice %arg8[%dma_wait3A_467, %dma_wait3A_468, %dma_wait3A_469] : memref<4x128x128xi32, #tpu.memory_space<vmem>> -> memref<1x128x128xi32, #tpu.memory_space<vmem>>
    %dma_wait3A_471 = tpu.memref_squeeze %dma_wait3A_470 : memref<1x128x128xi32, #tpu.memory_space<vmem>> -> memref<128x128xi32, #tpu.memory_space<vmem>>
    %dma_wait3A_472 = arith.constant 1024 : i32
    %dma_wait3A_473 = tpu.memref_slice %arg7[%dma_wait3A_466, %dma_wait3A_472] : memref<2x3200xi32, #tpu.memory_space<vmem>> -> memref<1x128xi32, #tpu.memory_space<vmem>>
    %dma_wait3A_474 = tpu.memref_squeeze %dma_wait3A_473 : memref<1x128xi32, #tpu.memory_space<vmem>> -> memref<128xi32, #tpu.memory_space<vmem>>
    %dma_wait3A_475 = arith.constant 0 : i32
    %dma_wait3A_476 = arith.constant 0 : i32
    %dma_wait3A_477 = tpu.memref_slice %arg2[%dma_wait3A_475, %dma_wait3A_476] : memref<1000x128xi32, #tpu.memory_space<hbm>> -> memref<1000x128xi32, #tpu.memory_space<hbm>>
    tpu.wait_indirect_dma semaphore(%arg9 : memref<!tpu.dma_semaphore, #tpu.memory_space<semaphore_mem>>) src(%dma_wait3A_477 : memref<1000x128xi32, #tpu.memory_space<hbm>>) dst(%dma_wait3A_471 : memref<128x128xi32, #tpu.memory_space<vmem>>)
    %add3A_478 = arith.constant 1024 : i32
    %add3A_479 = arith.addi %mul3A_2, %add3A_478 : i32
    %dma_start3A_480 = arith.constant 0 : i32
    %dma_start3A_481 = arith.constant 0 : i32
    %dma_start3A_482 = arith.constant 0 : i32
    %dma_start3A_483 = tpu.memref_slice %arg8[%dma_start3A_480, %dma_start3A_481, %dma_start3A_482] : memref<4x128x128xi32, #tpu.memory_space<vmem>> -> memref<1x128x128xi32, #tpu.memory_space<vmem>>
    %dma_start3A_484 = tpu.memref_squeeze %dma_start3A_483 : memref<1x128x128xi32, #tpu.memory_space<vmem>> -> memref<128x128xi32, #tpu.memory_space<vmem>>
    %dma_start3A_485 = arith.constant 0 : i32
    %dma_start3A_486 = tpu.memref_slice %arg5[%add3A_479, %dma_start3A_485] : memref<102400x128xi32, #tpu.memory_space<hbm>> -> memref<128x128xi32, #tpu.memory_space<hbm>>
    %dma_start3A_487 = arith.constant 0 : i32
    %dma_start3A_488 = tpu.memref_slice %arg5[%add3A_479, %dma_start3A_487] : memref<102400x128xi32, #tpu.memory_space<hbm>> -> memref<128x128xi32, #tpu.memory_space<hbm>>
    %dma_start3A_489 = arith.constant 0 : i32
    %dma_start3A_490 = arith.constant 0 : i32
    %dma_start3A_491 = tpu.memref_slice %arg8[%dma_start3A_480, %dma_start3A_489, %dma_start3A_490] : memref<4x128x128xi32, #tpu.memory_space<vmem>> -> memref<1x128x128xi32, #tpu.memory_space<vmem>>
    %dma_start3A_492 = tpu.memref_squeeze %dma_start3A_491 : memref<1x128x128xi32, #tpu.memory_space<vmem>> -> memref<128x128xi32, #tpu.memory_space<vmem>>
    tpu.enqueue_dma source(%dma_start3A_492 : memref<128x128xi32, #tpu.memory_space<vmem>>) target(%dma_start3A_488 : memref<128x128xi32, #tpu.memory_space<hbm>>) target_semaphore(%arg13 : memref<!tpu.dma_semaphore, #tpu.memory_space<semaphore_mem>>)
    %dma_wait3A_493 = arith.constant 0 : i32
    %dma_wait3A_494 = arith.constant 0 : i32
    %dma_wait3A_495 = arith.constant 0 : i32
    %dma_wait3A_496 = tpu.memref_slice %arg8[%dma_wait3A_493, %dma_wait3A_494, %dma_wait3A_495] : memref<4x128x128xi32, #tpu.memory_space<vmem>> -> memref<1x128x128xi32, #tpu.memory_space<vmem>>
    %dma_wait3A_497 = tpu.memref_squeeze %dma_wait3A_496 : memref<1x128x128xi32, #tpu.memory_space<vmem>> -> memref<128x128xi32, #tpu.memory_space<vmem>>
    %dma_wait3A_498 = arith.constant 0 : i32
    %dma_wait3A_499 = tpu.memref_slice %arg5[%add3A_479, %dma_wait3A_498] : memref<102400x128xi32, #tpu.memory_space<hbm>> -> memref<128x128xi32, #tpu.memory_space<hbm>>
    %dma_wait3A_500 = arith.constant 0 : i32
    %dma_wait3A_501 = tpu.memref_slice %arg5[%add3A_479, %dma_wait3A_500] : memref<102400x128xi32, #tpu.memory_space<hbm>> -> memref<128x128xi32, #tpu.memory_space<hbm>>
    %dma_wait3A_502 = arith.constant 0 : i32
    %dma_wait3A_503 = arith.constant 0 : i32
    %dma_wait3A_504 = tpu.memref_slice %arg8[%dma_wait3A_493, %dma_wait3A_502, %dma_wait3A_503] : memref<4x128x128xi32, #tpu.memory_space<vmem>> -> memref<1x128x128xi32, #tpu.memory_space<vmem>>
    %dma_wait3A_505 = tpu.memref_squeeze %dma_wait3A_504 : memref<1x128x128xi32, #tpu.memory_space<vmem>> -> memref<128x128xi32, #tpu.memory_space<vmem>>
    tpu.wait_dma2 semaphore(%arg13 : memref<!tpu.dma_semaphore, #tpu.memory_space<semaphore_mem>>) src(%dma_wait3A_505 : memref<128x128xi32, #tpu.memory_space<vmem>>) dst(%dma_wait3A_501 : memref<128x128xi32, #tpu.memory_space<hbm>>)
    %dma_start3A_506 = arith.constant 0 : i32
    %dma_start3A_507 = arith.constant 0 : i32
    %dma_start3A_508 = arith.constant 0 : i32
    %dma_start3A_509 = arith.constant 0 : i32
    %dma_start3A_510 = tpu.memref_slice %arg8[%dma_start3A_507, %dma_start3A_508, %dma_start3A_509] : memref<4x128x128xi32, #tpu.memory_space<vmem>> -> memref<1x128x128xi32, #tpu.memory_space<vmem>>
    %dma_start3A_511 = tpu.memref_squeeze %dma_start3A_510 : memref<1x128x128xi32, #tpu.memory_space<vmem>> -> memref<128x128xi32, #tpu.memory_space<vmem>>
    %dma_start3A_512 = arith.constant 1536 : i32
    %dma_start3A_513 = tpu.memref_slice %arg7[%dma_start3A_506, %dma_start3A_512] : memref<2x3200xi32, #tpu.memory_space<vmem>> -> memref<1x128xi32, #tpu.memory_space<vmem>>
    %dma_start3A_514 = tpu.memref_squeeze %dma_start3A_513 : memref<1x128xi32, #tpu.memory_space<vmem>> -> memref<128xi32, #tpu.memory_space<vmem>>
    %dma_start3A_515 = arith.constant 0 : i32
    %dma_start3A_516 = arith.constant 0 : i32
    %dma_start3A_517 = tpu.memref_slice %arg2[%dma_start3A_515, %dma_start3A_516] : memref<1000x128xi32, #tpu.memory_space<hbm>> -> memref<1000x128xi32, #tpu.memory_space<hbm>>
    tpu.enqueue_indirect_dma source(%dma_start3A_517 : memref<1000x128xi32, #tpu.memory_space<hbm>>) target(%dma_start3A_511 : memref<128x128xi32, #tpu.memory_space<vmem>>) offsets(%dma_start3A_514 : memref<128xi32, #tpu.memory_space<vmem>>) semaphore(%arg9 : memref<!tpu.dma_semaphore, #tpu.memory_space<semaphore_mem>>)
    %dma_wait3A_518 = arith.constant 0 : i32
    %dma_wait3A_519 = arith.constant 1 : i32
    %dma_wait3A_520 = arith.constant 0 : i32
    %dma_wait3A_521 = arith.constant 0 : i32
    %dma_wait3A_522 = tpu.memref_slice %arg8[%dma_wait3A_519, %dma_wait3A_520, %dma_wait3A_521] : memref<4x128x128xi32, #tpu.memory_space<vmem>> -> memref<1x128x128xi32, #tpu.memory_space<vmem>>
    %dma_wait3A_523 = tpu.memref_squeeze %dma_wait3A_522 : memref<1x128x128xi32, #tpu.memory_space<vmem>> -> memref<128x128xi32, #tpu.memory_space<vmem>>
    %dma_wait3A_524 = arith.constant 1152 : i32
    %dma_wait3A_525 = tpu.memref_slice %arg7[%dma_wait3A_518, %dma_wait3A_524] : memref<2x3200xi32, #tpu.memory_space<vmem>> -> memref<1x128xi32, #tpu.memory_space<vmem>>
    %dma_wait3A_526 = tpu.memref_squeeze %dma_wait3A_525 : memref<1x128xi32, #tpu.memory_space<vmem>> -> memref<128xi32, #tpu.memory_space<vmem>>
    %dma_wait3A_527 = arith.constant 0 : i32
    %dma_wait3A_528 = arith.constant 0 : i32
    %dma_wait3A_529 = tpu.memref_slice %arg2[%dma_wait3A_527, %dma_wait3A_528] : memref<1000x128xi32, #tpu.memory_space<hbm>> -> memref<1000x128xi32, #tpu.memory_space<hbm>>
    tpu.wait_indirect_dma semaphore(%arg10 : memref<!tpu.dma_semaphore, #tpu.memory_space<semaphore_mem>>) src(%dma_wait3A_529 : memref<1000x128xi32, #tpu.memory_space<hbm>>) dst(%dma_wait3A_523 : memref<128x128xi32, #tpu.memory_space<vmem>>)
    %add3A_530 = arith.constant 1152 : i32
    %add3A_531 = arith.addi %mul3A_2, %add3A_530 : i32
    %dma_start3A_532 = arith.constant 1 : i32
    %dma_start3A_533 = arith.constant 0 : i32
    %dma_start3A_534 = arith.constant 0 : i32
    %dma_start3A_535 = tpu.memref_slice %arg8[%dma_start3A_532, %dma_start3A_533, %dma_start3A_534] : memref<4x128x128xi32, #tpu.memory_space<vmem>> -> memref<1x128x128xi32, #tpu.memory_space<vmem>>
    %dma_start3A_536 = tpu.memref_squeeze %dma_start3A_535 : memref<1x128x128xi32, #tpu.memory_space<vmem>> -> memref<128x128xi32, #tpu.memory_space<vmem>>
    %dma_start3A_537 = arith.constant 0 : i32
    %dma_start3A_538 = tpu.memref_slice %arg5[%add3A_531, %dma_start3A_537] : memref<102400x128xi32, #tpu.memory_space<hbm>> -> memref<128x128xi32, #tpu.memory_space<hbm>>
    %dma_start3A_539 = arith.constant 0 : i32
    %dma_start3A_540 = tpu.memref_slice %arg5[%add3A_531, %dma_start3A_539] : memref<102400x128xi32, #tpu.memory_space<hbm>> -> memref<128x128xi32, #tpu.memory_space<hbm>>
    %dma_start3A_541 = arith.constant 0 : i32
    %dma_start3A_542 = arith.constant 0 : i32
    %dma_start3A_543 = tpu.memref_slice %arg8[%dma_start3A_532, %dma_start3A_541, %dma_start3A_542] : memref<4x128x128xi32, #tpu.memory_space<vmem>> -> memref<1x128x128xi32, #tpu.memory_space<vmem>>
    %dma_start3A_544 = tpu.memref_squeeze %dma_start3A_543 : memref<1x128x128xi32, #tpu.memory_space<vmem>> -> memref<128x128xi32, #tpu.memory_space<vmem>>
    tpu.enqueue_dma source(%dma_start3A_544 : memref<128x128xi32, #tpu.memory_space<vmem>>) target(%dma_start3A_540 : memref<128x128xi32, #tpu.memory_space<hbm>>) target_semaphore(%arg14 : memref<!tpu.dma_semaphore, #tpu.memory_space<semaphore_mem>>)
    %dma_wait3A_545 = arith.constant 1 : i32
    %dma_wait3A_546 = arith.constant 0 : i32
    %dma_wait3A_547 = arith.constant 0 : i32
    %dma_wait3A_548 = tpu.memref_slice %arg8[%dma_wait3A_545, %dma_wait3A_546, %dma_wait3A_547] : memref<4x128x128xi32, #tpu.memory_space<vmem>> -> memref<1x128x128xi32, #tpu.memory_space<vmem>>
    %dma_wait3A_549 = tpu.memref_squeeze %dma_wait3A_548 : memref<1x128x128xi32, #tpu.memory_space<vmem>> -> memref<128x128xi32, #tpu.memory_space<vmem>>
    %dma_wait3A_550 = arith.constant 0 : i32
    %dma_wait3A_551 = tpu.memref_slice %arg5[%add3A_531, %dma_wait3A_550] : memref<102400x128xi32, #tpu.memory_space<hbm>> -> memref<128x128xi32, #tpu.memory_space<hbm>>
    %dma_wait3A_552 = arith.constant 0 : i32
    %dma_wait3A_553 = tpu.memref_slice %arg5[%add3A_531, %dma_wait3A_552] : memref<102400x128xi32, #tpu.memory_space<hbm>> -> memref<128x128xi32, #tpu.memory_space<hbm>>
    %dma_wait3A_554 = arith.constant 0 : i32
    %dma_wait3A_555 = arith.constant 0 : i32
    %dma_wait3A_556 = tpu.memref_slice %arg8[%dma_wait3A_545, %dma_wait3A_554, %dma_wait3A_555] : memref<4x128x128xi32, #tpu.memory_space<vmem>> -> memref<1x128x128xi32, #tpu.memory_space<vmem>>
    %dma_wait3A_557 = tpu.memref_squeeze %dma_wait3A_556 : memref<1x128x128xi32, #tpu.memory_space<vmem>> -> memref<128x128xi32, #tpu.memory_space<vmem>>
    tpu.wait_dma2 semaphore(%arg14 : memref<!tpu.dma_semaphore, #tpu.memory_space<semaphore_mem>>) src(%dma_wait3A_557 : memref<128x128xi32, #tpu.memory_space<vmem>>) dst(%dma_wait3A_553 : memref<128x128xi32, #tpu.memory_space<hbm>>)
    %dma_start3A_558 = arith.constant 0 : i32
    %dma_start3A_559 = arith.constant 1 : i32
    %dma_start3A_560 = arith.constant 0 : i32
    %dma_start3A_561 = arith.constant 0 : i32
    %dma_start3A_562 = tpu.memref_slice %arg8[%dma_start3A_559, %dma_start3A_560, %dma_start3A_561] : memref<4x128x128xi32, #tpu.memory_space<vmem>> -> memref<1x128x128xi32, #tpu.memory_space<vmem>>
    %dma_start3A_563 = tpu.memref_squeeze %dma_start3A_562 : memref<1x128x128xi32, #tpu.memory_space<vmem>> -> memref<128x128xi32, #tpu.memory_space<vmem>>
    %dma_start3A_564 = arith.constant 1664 : i32
    %dma_start3A_565 = tpu.memref_slice %arg7[%dma_start3A_558, %dma_start3A_564] : memref<2x3200xi32, #tpu.memory_space<vmem>> -> memref<1x128xi32, #tpu.memory_space<vmem>>
    %dma_start3A_566 = tpu.memref_squeeze %dma_start3A_565 : memref<1x128xi32, #tpu.memory_space<vmem>> -> memref<128xi32, #tpu.memory_space<vmem>>
    %dma_start3A_567 = arith.constant 0 : i32
    %dma_start3A_568 = arith.constant 0 : i32
    %dma_start3A_569 = tpu.memref_slice %arg2[%dma_start3A_567, %dma_start3A_568] : memref<1000x128xi32, #tpu.memory_space<hbm>> -> memref<1000x128xi32, #tpu.memory_space<hbm>>
    tpu.enqueue_indirect_dma source(%dma_start3A_569 : memref<1000x128xi32, #tpu.memory_space<hbm>>) target(%dma_start3A_563 : memref<128x128xi32, #tpu.memory_space<vmem>>) offsets(%dma_start3A_566 : memref<128xi32, #tpu.memory_space<vmem>>) semaphore(%arg10 : memref<!tpu.dma_semaphore, #tpu.memory_space<semaphore_mem>>)
    %dma_wait3A_570 = arith.constant 0 : i32
    %dma_wait3A_571 = arith.constant 2 : i32
    %dma_wait3A_572 = arith.constant 0 : i32
    %dma_wait3A_573 = arith.constant 0 : i32
    %dma_wait3A_574 = tpu.memref_slice %arg8[%dma_wait3A_571, %dma_wait3A_572, %dma_wait3A_573] : memref<4x128x128xi32, #tpu.memory_space<vmem>> -> memref<1x128x128xi32, #tpu.memory_space<vmem>>
    %dma_wait3A_575 = tpu.memref_squeeze %dma_wait3A_574 : memref<1x128x128xi32, #tpu.memory_space<vmem>> -> memref<128x128xi32, #tpu.memory_space<vmem>>
    %dma_wait3A_576 = arith.constant 1280 : i32
    %dma_wait3A_577 = tpu.memref_slice %arg7[%dma_wait3A_570, %dma_wait3A_576] : memref<2x3200xi32, #tpu.memory_space<vmem>> -> memref<1x128xi32, #tpu.memory_space<vmem>>
    %dma_wait3A_578 = tpu.memref_squeeze %dma_wait3A_577 : memref<1x128xi32, #tpu.memory_space<vmem>> -> memref<128xi32, #tpu.memory_space<vmem>>
    %dma_wait3A_579 = arith.constant 0 : i32
    %dma_wait3A_580 = arith.constant 0 : i32
    %dma_wait3A_581 = tpu.memref_slice %arg2[%dma_wait3A_579, %dma_wait3A_580] : memref<1000x128xi32, #tpu.memory_space<hbm>> -> memref<1000x128xi32, #tpu.memory_space<hbm>>
    tpu.wait_indirect_dma semaphore(%arg11 : memref<!tpu.dma_semaphore, #tpu.memory_space<semaphore_mem>>) src(%dma_wait3A_581 : memref<1000x128xi32, #tpu.memory_space<hbm>>) dst(%dma_wait3A_575 : memref<128x128xi32, #tpu.memory_space<vmem>>)
    %add3A_582 = arith.constant 1280 : i32
    %add3A_583 = arith.addi %mul3A_2, %add3A_582 : i32
    %dma_start3A_584 = arith.constant 2 : i32
    %dma_start3A_585 = arith.constant 0 : i32
    %dma_start3A_586 = arith.constant 0 : i32
    %dma_start3A_587 = tpu.memref_slice %arg8[%dma_start3A_584, %dma_start3A_585, %dma_start3A_586] : memref<4x128x128xi32, #tpu.memory_space<vmem>> -> memref<1x128x128xi32, #tpu.memory_space<vmem>>
    %dma_start3A_588 = tpu.memref_squeeze %dma_start3A_587 : memref<1x128x128xi32, #tpu.memory_space<vmem>> -> memref<128x128xi32, #tpu.memory_space<vmem>>
    %dma_start3A_589 = arith.constant 0 : i32
    %dma_start3A_590 = tpu.memref_slice %arg5[%add3A_583, %dma_start3A_589] : memref<102400x128xi32, #tpu.memory_space<hbm>> -> memref<128x128xi32, #tpu.memory_space<hbm>>
    %dma_start3A_591 = arith.constant 0 : i32
    %dma_start3A_592 = tpu.memref_slice %arg5[%add3A_583, %dma_start3A_591] : memref<102400x128xi32, #tpu.memory_space<hbm>> -> memref<128x128xi32, #tpu.memory_space<hbm>>
    %dma_start3A_593 = arith.constant 0 : i32
    %dma_start3A_594 = arith.constant 0 : i32
    %dma_start3A_595 = tpu.memref_slice %arg8[%dma_start3A_584, %dma_start3A_593, %dma_start3A_594] : memref<4x128x128xi32, #tpu.memory_space<vmem>> -> memref<1x128x128xi32, #tpu.memory_space<vmem>>
    %dma_start3A_596 = tpu.memref_squeeze %dma_start3A_595 : memref<1x128x128xi32, #tpu.memory_space<vmem>> -> memref<128x128xi32, #tpu.memory_space<vmem>>
    tpu.enqueue_dma source(%dma_start3A_596 : memref<128x128xi32, #tpu.memory_space<vmem>>) target(%dma_start3A_592 : memref<128x128xi32, #tpu.memory_space<hbm>>) target_semaphore(%arg15 : memref<!tpu.dma_semaphore, #tpu.memory_space<semaphore_mem>>)
    %dma_wait3A_597 = arith.constant 2 : i32
    %dma_wait3A_598 = arith.constant 0 : i32
    %dma_wait3A_599 = arith.constant 0 : i32
    %dma_wait3A_600 = tpu.memref_slice %arg8[%dma_wait3A_597, %dma_wait3A_598, %dma_wait3A_599] : memref<4x128x128xi32, #tpu.memory_space<vmem>> -> memref<1x128x128xi32, #tpu.memory_space<vmem>>
    %dma_wait3A_601 = tpu.memref_squeeze %dma_wait3A_600 : memref<1x128x128xi32, #tpu.memory_space<vmem>> -> memref<128x128xi32, #tpu.memory_space<vmem>>
    %dma_wait3A_602 = arith.constant 0 : i32
    %dma_wait3A_603 = tpu.memref_slice %arg5[%add3A_583, %dma_wait3A_602] : memref<102400x128xi32, #tpu.memory_space<hbm>> -> memref<128x128xi32, #tpu.memory_space<hbm>>
    %dma_wait3A_604 = arith.constant 0 : i32
    %dma_wait3A_605 = tpu.memref_slice %arg5[%add3A_583, %dma_wait3A_604] : memref<102400x128xi32, #tpu.memory_space<hbm>> -> memref<128x128xi32, #tpu.memory_space<hbm>>
    %dma_wait3A_606 = arith.constant 0 : i32
    %dma_wait3A_607 = arith.constant 0 : i32
    %dma_wait3A_608 = tpu.memref_slice %arg8[%dma_wait3A_597, %dma_wait3A_606, %dma_wait3A_607] : memref<4x128x128xi32, #tpu.memory_space<vmem>> -> memref<1x128x128xi32, #tpu.memory_space<vmem>>
    %dma_wait3A_609 = tpu.memref_squeeze %dma_wait3A_608 : memref<1x128x128xi32, #tpu.memory_space<vmem>> -> memref<128x128xi32, #tpu.memory_space<vmem>>
    tpu.wait_dma2 semaphore(%arg15 : memref<!tpu.dma_semaphore, #tpu.memory_space<semaphore_mem>>) src(%dma_wait3A_609 : memref<128x128xi32, #tpu.memory_space<vmem>>) dst(%dma_wait3A_605 : memref<128x128xi32, #tpu.memory_space<hbm>>)
    %dma_start3A_610 = arith.constant 0 : i32
    %dma_start3A_611 = arith.constant 2 : i32
    %dma_start3A_612 = arith.constant 0 : i32
    %dma_start3A_613 = arith.constant 0 : i32
    %dma_start3A_614 = tpu.memref_slice %arg8[%dma_start3A_611, %dma_start3A_612, %dma_start3A_613] : memref<4x128x128xi32, #tpu.memory_space<vmem>> -> memref<1x128x128xi32, #tpu.memory_space<vmem>>
    %dma_start3A_615 = tpu.memref_squeeze %dma_start3A_614 : memref<1x128x128xi32, #tpu.memory_space<vmem>> -> memref<128x128xi32, #tpu.memory_space<vmem>>
    %dma_start3A_616 = arith.constant 1792 : i32
    %dma_start3A_617 = tpu.memref_slice %arg7[%dma_start3A_610, %dma_start3A_616] : memref<2x3200xi32, #tpu.memory_space<vmem>> -> memref<1x128xi32, #tpu.memory_space<vmem>>
    %dma_start3A_618 = tpu.memref_squeeze %dma_start3A_617 : memref<1x128xi32, #tpu.memory_space<vmem>> -> memref<128xi32, #tpu.memory_space<vmem>>
    %dma_start3A_619 = arith.constant 0 : i32
    %dma_start3A_620 = arith.constant 0 : i32
    %dma_start3A_621 = tpu.memref_slice %arg2[%dma_start3A_619, %dma_start3A_620] : memref<1000x128xi32, #tpu.memory_space<hbm>> -> memref<1000x128xi32, #tpu.memory_space<hbm>>
    tpu.enqueue_indirect_dma source(%dma_start3A_621 : memref<1000x128xi32, #tpu.memory_space<hbm>>) target(%dma_start3A_615 : memref<128x128xi32, #tpu.memory_space<vmem>>) offsets(%dma_start3A_618 : memref<128xi32, #tpu.memory_space<vmem>>) semaphore(%arg11 : memref<!tpu.dma_semaphore, #tpu.memory_space<semaphore_mem>>)
    %dma_wait3A_622 = arith.constant 0 : i32
    %dma_wait3A_623 = arith.constant 3 : i32
    %dma_wait3A_624 = arith.constant 0 : i32
    %dma_wait3A_625 = arith.constant 0 : i32
    %dma_wait3A_626 = tpu.memref_slice %arg8[%dma_wait3A_623, %dma_wait3A_624, %dma_wait3A_625] : memref<4x128x128xi32, #tpu.memory_space<vmem>> -> memref<1x128x128xi32, #tpu.memory_space<vmem>>
    %dma_wait3A_627 = tpu.memref_squeeze %dma_wait3A_626 : memref<1x128x128xi32, #tpu.memory_space<vmem>> -> memref<128x128xi32, #tpu.memory_space<vmem>>
    %dma_wait3A_628 = arith.constant 1408 : i32
    %dma_wait3A_629 = tpu.memref_slice %arg7[%dma_wait3A_622, %dma_wait3A_628] : memref<2x3200xi32, #tpu.memory_space<vmem>> -> memref<1x128xi32, #tpu.memory_space<vmem>>
    %dma_wait3A_630 = tpu.memref_squeeze %dma_wait3A_629 : memref<1x128xi32, #tpu.memory_space<vmem>> -> memref<128xi32, #tpu.memory_space<vmem>>
    %dma_wait3A_631 = arith.constant 0 : i32
    %dma_wait3A_632 = arith.constant 0 : i32
    %dma_wait3A_633 = tpu.memref_slice %arg2[%dma_wait3A_631, %dma_wait3A_632] : memref<1000x128xi32, #tpu.memory_space<hbm>> -> memref<1000x128xi32, #tpu.memory_space<hbm>>
    tpu.wait_indirect_dma semaphore(%arg12 : memref<!tpu.dma_semaphore, #tpu.memory_space<semaphore_mem>>) src(%dma_wait3A_633 : memref<1000x128xi32, #tpu.memory_space<hbm>>) dst(%dma_wait3A_627 : memref<128x128xi32, #tpu.memory_space<vmem>>)
    %add3A_634 = arith.constant 1408 : i32
    %add3A_635 = arith.addi %mul3A_2, %add3A_634 : i32
    %dma_start3A_636 = arith.constant 3 : i32
    %dma_start3A_637 = arith.constant 0 : i32
    %dma_start3A_638 = arith.constant 0 : i32
    %dma_start3A_639 = tpu.memref_slice %arg8[%dma_start3A_636, %dma_start3A_637, %dma_start3A_638] : memref<4x128x128xi32, #tpu.memory_space<vmem>> -> memref<1x128x128xi32, #tpu.memory_space<vmem>>
    %dma_start3A_640 = tpu.memref_squeeze %dma_start3A_639 : memref<1x128x128xi32, #tpu.memory_space<vmem>> -> memref<128x128xi32, #tpu.memory_space<vmem>>
    %dma_start3A_641 = arith.constant 0 : i32
    %dma_start3A_642 = tpu.memref_slice %arg5[%add3A_635, %dma_start3A_641] : memref<102400x128xi32, #tpu.memory_space<hbm>> -> memref<128x128xi32, #tpu.memory_space<hbm>>
    %dma_start3A_643 = arith.constant 0 : i32
    %dma_start3A_644 = tpu.memref_slice %arg5[%add3A_635, %dma_start3A_643] : memref<102400x128xi32, #tpu.memory_space<hbm>> -> memref<128x128xi32, #tpu.memory_space<hbm>>
    %dma_start3A_645 = arith.constant 0 : i32
    %dma_start3A_646 = arith.constant 0 : i32
    %dma_start3A_647 = tpu.memref_slice %arg8[%dma_start3A_636, %dma_start3A_645, %dma_start3A_646] : memref<4x128x128xi32, #tpu.memory_space<vmem>> -> memref<1x128x128xi32, #tpu.memory_space<vmem>>
    %dma_start3A_648 = tpu.memref_squeeze %dma_start3A_647 : memref<1x128x128xi32, #tpu.memory_space<vmem>> -> memref<128x128xi32, #tpu.memory_space<vmem>>
    tpu.enqueue_dma source(%dma_start3A_648 : memref<128x128xi32, #tpu.memory_space<vmem>>) target(%dma_start3A_644 : memref<128x128xi32, #tpu.memory_space<hbm>>) target_semaphore(%arg16 : memref<!tpu.dma_semaphore, #tpu.memory_space<semaphore_mem>>)
    %dma_wait3A_649 = arith.constant 3 : i32
    %dma_wait3A_650 = arith.constant 0 : i32
    %dma_wait3A_651 = arith.constant 0 : i32
    %dma_wait3A_652 = tpu.memref_slice %arg8[%dma_wait3A_649, %dma_wait3A_650, %dma_wait3A_651] : memref<4x128x128xi32, #tpu.memory_space<vmem>> -> memref<1x128x128xi32, #tpu.memory_space<vmem>>
    %dma_wait3A_653 = tpu.memref_squeeze %dma_wait3A_652 : memref<1x128x128xi32, #tpu.memory_space<vmem>> -> memref<128x128xi32, #tpu.memory_space<vmem>>
    %dma_wait3A_654 = arith.constant 0 : i32
    %dma_wait3A_655 = tpu.memref_slice %arg5[%add3A_635, %dma_wait3A_654] : memref<102400x128xi32, #tpu.memory_space<hbm>> -> memref<128x128xi32, #tpu.memory_space<hbm>>
    %dma_wait3A_656 = arith.constant 0 : i32
    %dma_wait3A_657 = tpu.memref_slice %arg5[%add3A_635, %dma_wait3A_656] : memref<102400x128xi32, #tpu.memory_space<hbm>> -> memref<128x128xi32, #tpu.memory_space<hbm>>
    %dma_wait3A_658 = arith.constant 0 : i32
    %dma_wait3A_659 = arith.constant 0 : i32
    %dma_wait3A_660 = tpu.memref_slice %arg8[%dma_wait3A_649, %dma_wait3A_658, %dma_wait3A_659] : memref<4x128x128xi32, #tpu.memory_space<vmem>> -> memref<1x128x128xi32, #tpu.memory_space<vmem>>
    %dma_wait3A_661 = tpu.memref_squeeze %dma_wait3A_660 : memref<1x128x128xi32, #tpu.memory_space<vmem>> -> memref<128x128xi32, #tpu.memory_space<vmem>>
    tpu.wait_dma2 semaphore(%arg16 : memref<!tpu.dma_semaphore, #tpu.memory_space<semaphore_mem>>) src(%dma_wait3A_661 : memref<128x128xi32, #tpu.memory_space<vmem>>) dst(%dma_wait3A_657 : memref<128x128xi32, #tpu.memory_space<hbm>>)
    %dma_start3A_662 = arith.constant 0 : i32
    %dma_start3A_663 = arith.constant 3 : i32
    %dma_start3A_664 = arith.constant 0 : i32
    %dma_start3A_665 = arith.constant 0 : i32
    %dma_start3A_666 = tpu.memref_slice %arg8[%dma_start3A_663, %dma_start3A_664, %dma_start3A_665] : memref<4x128x128xi32, #tpu.memory_space<vmem>> -> memref<1x128x128xi32, #tpu.memory_space<vmem>>
    %dma_start3A_667 = tpu.memref_squeeze %dma_start3A_666 : memref<1x128x128xi32, #tpu.memory_space<vmem>> -> memref<128x128xi32, #tpu.memory_space<vmem>>
    %dma_start3A_668 = arith.constant 1920 : i32
    %dma_start3A_669 = tpu.memref_slice %arg7[%dma_start3A_662, %dma_start3A_668] : memref<2x3200xi32, #tpu.memory_space<vmem>> -> memref<1x128xi32, #tpu.memory_space<vmem>>
    %dma_start3A_670 = tpu.memref_squeeze %dma_start3A_669 : memref<1x128xi32, #tpu.memory_space<vmem>> -> memref<128xi32, #tpu.memory_space<vmem>>
    %dma_start3A_671 = arith.constant 0 : i32
    %dma_start3A_672 = arith.constant 0 : i32
    %dma_start3A_673 = tpu.memref_slice %arg2[%dma_start3A_671, %dma_start3A_672] : memref<1000x128xi32, #tpu.memory_space<hbm>> -> memref<1000x128xi32, #tpu.memory_space<hbm>>
    tpu.enqueue_indirect_dma source(%dma_start3A_673 : memref<1000x128xi32, #tpu.memory_space<hbm>>) target(%dma_start3A_667 : memref<128x128xi32, #tpu.memory_space<vmem>>) offsets(%dma_start3A_670 : memref<128xi32, #tpu.memory_space<vmem>>) semaphore(%arg12 : memref<!tpu.dma_semaphore, #tpu.memory_space<semaphore_mem>>)
    %dma_wait3A_674 = arith.constant 0 : i32
    %dma_wait3A_675 = arith.constant 0 : i32
    %dma_wait3A_676 = arith.constant 0 : i32
    %dma_wait3A_677 = arith.constant 0 : i32
    %dma_wait3A_678 = tpu.memref_slice %arg8[%dma_wait3A_675, %dma_wait3A_676, %dma_wait3A_677] : memref<4x128x128xi32, #tpu.memory_space<vmem>> -> memref<1x128x128xi32, #tpu.memory_space<vmem>>
    %dma_wait3A_679 = tpu.memref_squeeze %dma_wait3A_678 : memref<1x128x128xi32, #tpu.memory_space<vmem>> -> memref<128x128xi32, #tpu.memory_space<vmem>>
    %dma_wait3A_680 = arith.constant 1536 : i32
    %dma_wait3A_681 = tpu.memref_slice %arg7[%dma_wait3A_674, %dma_wait3A_680] : memref<2x3200xi32, #tpu.memory_space<vmem>> -> memref<1x128xi32, #tpu.memory_space<vmem>>
    %dma_wait3A_682 = tpu.memref_squeeze %dma_wait3A_681 : memref<1x128xi32, #tpu.memory_space<vmem>> -> memref<128xi32, #tpu.memory_space<vmem>>
    %dma_wait3A_683 = arith.constant 0 : i32
    %dma_wait3A_684 = arith.constant 0 : i32
    %dma_wait3A_685 = tpu.memref_slice %arg2[%dma_wait3A_683, %dma_wait3A_684] : memref<1000x128xi32, #tpu.memory_space<hbm>> -> memref<1000x128xi32, #tpu.memory_space<hbm>>
    tpu.wait_indirect_dma semaphore(%arg9 : memref<!tpu.dma_semaphore, #tpu.memory_space<semaphore_mem>>) src(%dma_wait3A_685 : memref<1000x128xi32, #tpu.memory_space<hbm>>) dst(%dma_wait3A_679 : memref<128x128xi32, #tpu.memory_space<vmem>>)
    %add3A_686 = arith.constant 1536 : i32
    %add3A_687 = arith.addi %mul3A_2, %add3A_686 : i32
    %dma_start3A_688 = arith.constant 0 : i32
    %dma_start3A_689 = arith.constant 0 : i32
    %dma_start3A_690 = arith.constant 0 : i32
    %dma_start3A_691 = tpu.memref_slice %arg8[%dma_start3A_688, %dma_start3A_689, %dma_start3A_690] : memref<4x128x128xi32, #tpu.memory_space<vmem>> -> memref<1x128x128xi32, #tpu.memory_space<vmem>>
    %dma_start3A_692 = tpu.memref_squeeze %dma_start3A_691 : memref<1x128x128xi32, #tpu.memory_space<vmem>> -> memref<128x128xi32, #tpu.memory_space<vmem>>
    %dma_start3A_693 = arith.constant 0 : i32
    %dma_start3A_694 = tpu.memref_slice %arg5[%add3A_687, %dma_start3A_693] : memref<102400x128xi32, #tpu.memory_space<hbm>> -> memref<128x128xi32, #tpu.memory_space<hbm>>
    %dma_start3A_695 = arith.constant 0 : i32
    %dma_start3A_696 = tpu.memref_slice %arg5[%add3A_687, %dma_start3A_695] : memref<102400x128xi32, #tpu.memory_space<hbm>> -> memref<128x128xi32, #tpu.memory_space<hbm>>
    %dma_start3A_697 = arith.constant 0 : i32
    %dma_start3A_698 = arith.constant 0 : i32
    %dma_start3A_699 = tpu.memref_slice %arg8[%dma_start3A_688, %dma_start3A_697, %dma_start3A_698] : memref<4x128x128xi32, #tpu.memory_space<vmem>> -> memref<1x128x128xi32, #tpu.memory_space<vmem>>
    %dma_start3A_700 = tpu.memref_squeeze %dma_start3A_699 : memref<1x128x128xi32, #tpu.memory_space<vmem>> -> memref<128x128xi32, #tpu.memory_space<vmem>>
    tpu.enqueue_dma source(%dma_start3A_700 : memref<128x128xi32, #tpu.memory_space<vmem>>) target(%dma_start3A_696 : memref<128x128xi32, #tpu.memory_space<hbm>>) target_semaphore(%arg13 : memref<!tpu.dma_semaphore, #tpu.memory_space<semaphore_mem>>)
    %dma_wait3A_701 = arith.constant 0 : i32
    %dma_wait3A_702 = arith.constant 0 : i32
    %dma_wait3A_703 = arith.constant 0 : i32
    %dma_wait3A_704 = tpu.memref_slice %arg8[%dma_wait3A_701, %dma_wait3A_702, %dma_wait3A_703] : memref<4x128x128xi32, #tpu.memory_space<vmem>> -> memref<1x128x128xi32, #tpu.memory_space<vmem>>
    %dma_wait3A_705 = tpu.memref_squeeze %dma_wait3A_704 : memref<1x128x128xi32, #tpu.memory_space<vmem>> -> memref<128x128xi32, #tpu.memory_space<vmem>>
    %dma_wait3A_706 = arith.constant 0 : i32
    %dma_wait3A_707 = tpu.memref_slice %arg5[%add3A_687, %dma_wait3A_706] : memref<102400x128xi32, #tpu.memory_space<hbm>> -> memref<128x128xi32, #tpu.memory_space<hbm>>
    %dma_wait3A_708 = arith.constant 0 : i32
    %dma_wait3A_709 = tpu.memref_slice %arg5[%add3A_687, %dma_wait3A_708] : memref<102400x128xi32, #tpu.memory_space<hbm>> -> memref<128x128xi32, #tpu.memory_space<hbm>>
    %dma_wait3A_710 = arith.constant 0 : i32
    %dma_wait3A_711 = arith.constant 0 : i32
    %dma_wait3A_712 = tpu.memref_slice %arg8[%dma_wait3A_701, %dma_wait3A_710, %dma_wait3A_711] : memref<4x128x128xi32, #tpu.memory_space<vmem>> -> memref<1x128x128xi32, #tpu.memory_space<vmem>>
    %dma_wait3A_713 = tpu.memref_squeeze %dma_wait3A_712 : memref<1x128x128xi32, #tpu.memory_space<vmem>> -> memref<128x128xi32, #tpu.memory_space<vmem>>
    tpu.wait_dma2 semaphore(%arg13 : memref<!tpu.dma_semaphore, #tpu.memory_space<semaphore_mem>>) src(%dma_wait3A_713 : memref<128x128xi32, #tpu.memory_space<vmem>>) dst(%dma_wait3A_709 : memref<128x128xi32, #tpu.memory_space<hbm>>)
    %dma_start3A_714 = arith.constant 0 : i32
    %dma_start3A_715 = arith.constant 0 : i32
    %dma_start3A_716 = arith.constant 0 : i32
    %dma_start3A_717 = arith.constant 0 : i32
    %dma_start3A_718 = tpu.memref_slice %arg8[%dma_start3A_715, %dma_start3A_716, %dma_start3A_717] : memref<4x128x128xi32, #tpu.memory_space<vmem>> -> memref<1x128x128xi32, #tpu.memory_space<vmem>>
    %dma_start3A_719 = tpu.memref_squeeze %dma_start3A_718 : memref<1x128x128xi32, #tpu.memory_space<vmem>> -> memref<128x128xi32, #tpu.memory_space<vmem>>
    %dma_start3A_720 = arith.constant 2048 : i32
    %dma_start3A_721 = tpu.memref_slice %arg7[%dma_start3A_714, %dma_start3A_720] : memref<2x3200xi32, #tpu.memory_space<vmem>> -> memref<1x128xi32, #tpu.memory_space<vmem>>
    %dma_start3A_722 = tpu.memref_squeeze %dma_start3A_721 : memref<1x128xi32, #tpu.memory_space<vmem>> -> memref<128xi32, #tpu.memory_space<vmem>>
    %dma_start3A_723 = arith.constant 0 : i32
    %dma_start3A_724 = arith.constant 0 : i32
    %dma_start3A_725 = tpu.memref_slice %arg2[%dma_start3A_723, %dma_start3A_724] : memref<1000x128xi32, #tpu.memory_space<hbm>> -> memref<1000x128xi32, #tpu.memory_space<hbm>>
    tpu.enqueue_indirect_dma source(%dma_start3A_725 : memref<1000x128xi32, #tpu.memory_space<hbm>>) target(%dma_start3A_719 : memref<128x128xi32, #tpu.memory_space<vmem>>) offsets(%dma_start3A_722 : memref<128xi32, #tpu.memory_space<vmem>>) semaphore(%arg9 : memref<!tpu.dma_semaphore, #tpu.memory_space<semaphore_mem>>)
    %dma_wait3A_726 = arith.constant 0 : i32
    %dma_wait3A_727 = arith.constant 1 : i32
    %dma_wait3A_728 = arith.constant 0 : i32
    %dma_wait3A_729 = arith.constant 0 : i32
    %dma_wait3A_730 = tpu.memref_slice %arg8[%dma_wait3A_727, %dma_wait3A_728, %dma_wait3A_729] : memref<4x128x128xi32, #tpu.memory_space<vmem>> -> memref<1x128x128xi32, #tpu.memory_space<vmem>>
    %dma_wait3A_731 = tpu.memref_squeeze %dma_wait3A_730 : memref<1x128x128xi32, #tpu.memory_space<vmem>> -> memref<128x128xi32, #tpu.memory_space<vmem>>
    %dma_wait3A_732 = arith.constant 1664 : i32
    %dma_wait3A_733 = tpu.memref_slice %arg7[%dma_wait3A_726, %dma_wait3A_732] : memref<2x3200xi32, #tpu.memory_space<vmem>> -> memref<1x128xi32, #tpu.memory_space<vmem>>
    %dma_wait3A_734 = tpu.memref_squeeze %dma_wait3A_733 : memref<1x128xi32, #tpu.memory_space<vmem>> -> memref<128xi32, #tpu.memory_space<vmem>>
    %dma_wait3A_735 = arith.constant 0 : i32
    %dma_wait3A_736 = arith.constant 0 : i32
    %dma_wait3A_737 = tpu.memref_slice %arg2[%dma_wait3A_735, %dma_wait3A_736] : memref<1000x128xi32, #tpu.memory_space<hbm>> -> memref<1000x128xi32, #tpu.memory_space<hbm>>
    tpu.wait_indirect_dma semaphore(%arg10 : memref<!tpu.dma_semaphore, #tpu.memory_space<semaphore_mem>>) src(%dma_wait3A_737 : memref<1000x128xi32, #tpu.memory_space<hbm>>) dst(%dma_wait3A_731 : memref<128x128xi32, #tpu.memory_space<vmem>>)
    %add3A_738 = arith.constant 1664 : i32
    %add3A_739 = arith.addi %mul3A_2, %add3A_738 : i32
    %dma_start3A_740 = arith.constant 1 : i32
    %dma_start3A_741 = arith.constant 0 : i32
    %dma_start3A_742 = arith.constant 0 : i32
    %dma_start3A_743 = tpu.memref_slice %arg8[%dma_start3A_740, %dma_start3A_741, %dma_start3A_742] : memref<4x128x128xi32, #tpu.memory_space<vmem>> -> memref<1x128x128xi32, #tpu.memory_space<vmem>>
    %dma_start3A_744 = tpu.memref_squeeze %dma_start3A_743 : memref<1x128x128xi32, #tpu.memory_space<vmem>> -> memref<128x128xi32, #tpu.memory_space<vmem>>
    %dma_start3A_745 = arith.constant 0 : i32
    %dma_start3A_746 = tpu.memref_slice %arg5[%add3A_739, %dma_start3A_745] : memref<102400x128xi32, #tpu.memory_space<hbm>> -> memref<128x128xi32, #tpu.memory_space<hbm>>
    %dma_start3A_747 = arith.constant 0 : i32
    %dma_start3A_748 = tpu.memref_slice %arg5[%add3A_739, %dma_start3A_747] : memref<102400x128xi32, #tpu.memory_space<hbm>> -> memref<128x128xi32, #tpu.memory_space<hbm>>
    %dma_start3A_749 = arith.constant 0 : i32
    %dma_start3A_750 = arith.constant 0 : i32
    %dma_start3A_751 = tpu.memref_slice %arg8[%dma_start3A_740, %dma_start3A_749, %dma_start3A_750] : memref<4x128x128xi32, #tpu.memory_space<vmem>> -> memref<1x128x128xi32, #tpu.memory_space<vmem>>
    %dma_start3A_752 = tpu.memref_squeeze %dma_start3A_751 : memref<1x128x128xi32, #tpu.memory_space<vmem>> -> memref<128x128xi32, #tpu.memory_space<vmem>>
    tpu.enqueue_dma source(%dma_start3A_752 : memref<128x128xi32, #tpu.memory_space<vmem>>) target(%dma_start3A_748 : memref<128x128xi32, #tpu.memory_space<hbm>>) target_semaphore(%arg14 : memref<!tpu.dma_semaphore, #tpu.memory_space<semaphore_mem>>)
    %dma_wait3A_753 = arith.constant 1 : i32
    %dma_wait3A_754 = arith.constant 0 : i32
    %dma_wait3A_755 = arith.constant 0 : i32
    %dma_wait3A_756 = tpu.memref_slice %arg8[%dma_wait3A_753, %dma_wait3A_754, %dma_wait3A_755] : memref<4x128x128xi32, #tpu.memory_space<vmem>> -> memref<1x128x128xi32, #tpu.memory_space<vmem>>
    %dma_wait3A_757 = tpu.memref_squeeze %dma_wait3A_756 : memref<1x128x128xi32, #tpu.memory_space<vmem>> -> memref<128x128xi32, #tpu.memory_space<vmem>>
    %dma_wait3A_758 = arith.constant 0 : i32
    %dma_wait3A_759 = tpu.memref_slice %arg5[%add3A_739, %dma_wait3A_758] : memref<102400x128xi32, #tpu.memory_space<hbm>> -> memref<128x128xi32, #tpu.memory_space<hbm>>
    %dma_wait3A_760 = arith.constant 0 : i32
    %dma_wait3A_761 = tpu.memref_slice %arg5[%add3A_739, %dma_wait3A_760] : memref<102400x128xi32, #tpu.memory_space<hbm>> -> memref<128x128xi32, #tpu.memory_space<hbm>>
    %dma_wait3A_762 = arith.constant 0 : i32
    %dma_wait3A_763 = arith.constant 0 : i32
    %dma_wait3A_764 = tpu.memref_slice %arg8[%dma_wait3A_753, %dma_wait3A_762, %dma_wait3A_763] : memref<4x128x128xi32, #tpu.memory_space<vmem>> -> memref<1x128x128xi32, #tpu.memory_space<vmem>>
    %dma_wait3A_765 = tpu.memref_squeeze %dma_wait3A_764 : memref<1x128x128xi32, #tpu.memory_space<vmem>> -> memref<128x128xi32, #tpu.memory_space<vmem>>
    tpu.wait_dma2 semaphore(%arg14 : memref<!tpu.dma_semaphore, #tpu.memory_space<semaphore_mem>>) src(%dma_wait3A_765 : memref<128x128xi32, #tpu.memory_space<vmem>>) dst(%dma_wait3A_761 : memref<128x128xi32, #tpu.memory_space<hbm>>)
    %dma_start3A_766 = arith.constant 0 : i32
    %dma_start3A_767 = arith.constant 1 : i32
    %dma_start3A_768 = arith.constant 0 : i32
    %dma_start3A_769 = arith.constant 0 : i32
    %dma_start3A_770 = tpu.memref_slice %arg8[%dma_start3A_767, %dma_start3A_768, %dma_start3A_769] : memref<4x128x128xi32, #tpu.memory_space<vmem>> -> memref<1x128x128xi32, #tpu.memory_space<vmem>>
    %dma_start3A_771 = tpu.memref_squeeze %dma_start3A_770 : memref<1x128x128xi32, #tpu.memory_space<vmem>> -> memref<128x128xi32, #tpu.memory_space<vmem>>
    %dma_start3A_772 = arith.constant 2176 : i32
    %dma_start3A_773 = tpu.memref_slice %arg7[%dma_start3A_766, %dma_start3A_772] : memref<2x3200xi32, #tpu.memory_space<vmem>> -> memref<1x128xi32, #tpu.memory_space<vmem>>
    %dma_start3A_774 = tpu.memref_squeeze %dma_start3A_773 : memref<1x128xi32, #tpu.memory_space<vmem>> -> memref<128xi32, #tpu.memory_space<vmem>>
    %dma_start3A_775 = arith.constant 0 : i32
    %dma_start3A_776 = arith.constant 0 : i32
    %dma_start3A_777 = tpu.memref_slice %arg2[%dma_start3A_775, %dma_start3A_776] : memref<1000x128xi32, #tpu.memory_space<hbm>> -> memref<1000x128xi32, #tpu.memory_space<hbm>>
    tpu.enqueue_indirect_dma source(%dma_start3A_777 : memref<1000x128xi32, #tpu.memory_space<hbm>>) target(%dma_start3A_771 : memref<128x128xi32, #tpu.memory_space<vmem>>) offsets(%dma_start3A_774 : memref<128xi32, #tpu.memory_space<vmem>>) semaphore(%arg10 : memref<!tpu.dma_semaphore, #tpu.memory_space<semaphore_mem>>)
    %dma_wait3A_778 = arith.constant 0 : i32
    %dma_wait3A_779 = arith.constant 2 : i32
    %dma_wait3A_780 = arith.constant 0 : i32
    %dma_wait3A_781 = arith.constant 0 : i32
    %dma_wait3A_782 = tpu.memref_slice %arg8[%dma_wait3A_779, %dma_wait3A_780, %dma_wait3A_781] : memref<4x128x128xi32, #tpu.memory_space<vmem>> -> memref<1x128x128xi32, #tpu.memory_space<vmem>>
    %dma_wait3A_783 = tpu.memref_squeeze %dma_wait3A_782 : memref<1x128x128xi32, #tpu.memory_space<vmem>> -> memref<128x128xi32, #tpu.memory_space<vmem>>
    %dma_wait3A_784 = arith.constant 1792 : i32
    %dma_wait3A_785 = tpu.memref_slice %arg7[%dma_wait3A_778, %dma_wait3A_784] : memref<2x3200xi32, #tpu.memory_space<vmem>> -> memref<1x128xi32, #tpu.memory_space<vmem>>
    %dma_wait3A_786 = tpu.memref_squeeze %dma_wait3A_785 : memref<1x128xi32, #tpu.memory_space<vmem>> -> memref<128xi32, #tpu.memory_space<vmem>>
    %dma_wait3A_787 = arith.constant 0 : i32
    %dma_wait3A_788 = arith.constant 0 : i32
    %dma_wait3A_789 = tpu.memref_slice %arg2[%dma_wait3A_787, %dma_wait3A_788] : memref<1000x128xi32, #tpu.memory_space<hbm>> -> memref<1000x128xi32, #tpu.memory_space<hbm>>
    tpu.wait_indirect_dma semaphore(%arg11 : memref<!tpu.dma_semaphore, #tpu.memory_space<semaphore_mem>>) src(%dma_wait3A_789 : memref<1000x128xi32, #tpu.memory_space<hbm>>) dst(%dma_wait3A_783 : memref<128x128xi32, #tpu.memory_space<vmem>>)
    %add3A_790 = arith.constant 1792 : i32
    %add3A_791 = arith.addi %mul3A_2, %add3A_790 : i32
    %dma_start3A_792 = arith.constant 2 : i32
    %dma_start3A_793 = arith.constant 0 : i32
    %dma_start3A_794 = arith.constant 0 : i32
    %dma_start3A_795 = tpu.memref_slice %arg8[%dma_start3A_792, %dma_start3A_793, %dma_start3A_794] : memref<4x128x128xi32, #tpu.memory_space<vmem>> -> memref<1x128x128xi32, #tpu.memory_space<vmem>>
    %dma_start3A_796 = tpu.memref_squeeze %dma_start3A_795 : memref<1x128x128xi32, #tpu.memory_space<vmem>> -> memref<128x128xi32, #tpu.memory_space<vmem>>
    %dma_start3A_797 = arith.constant 0 : i32
    %dma_start3A_798 = tpu.memref_slice %arg5[%add3A_791, %dma_start3A_797] : memref<102400x128xi32, #tpu.memory_space<hbm>> -> memref<128x128xi32, #tpu.memory_space<hbm>>
    %dma_start3A_799 = arith.constant 0 : i32
    %dma_start3A_800 = tpu.memref_slice %arg5[%add3A_791, %dma_start3A_799] : memref<102400x128xi32, #tpu.memory_space<hbm>> -> memref<128x128xi32, #tpu.memory_space<hbm>>
    %dma_start3A_801 = arith.constant 0 : i32
    %dma_start3A_802 = arith.constant 0 : i32
    %dma_start3A_803 = tpu.memref_slice %arg8[%dma_start3A_792, %dma_start3A_801, %dma_start3A_802] : memref<4x128x128xi32, #tpu.memory_space<vmem>> -> memref<1x128x128xi32, #tpu.memory_space<vmem>>
    %dma_start3A_804 = tpu.memref_squeeze %dma_start3A_803 : memref<1x128x128xi32, #tpu.memory_space<vmem>> -> memref<128x128xi32, #tpu.memory_space<vmem>>
    tpu.enqueue_dma source(%dma_start3A_804 : memref<128x128xi32, #tpu.memory_space<vmem>>) target(%dma_start3A_800 : memref<128x128xi32, #tpu.memory_space<hbm>>) target_semaphore(%arg15 : memref<!tpu.dma_semaphore, #tpu.memory_space<semaphore_mem>>)
    %dma_wait3A_805 = arith.constant 2 : i32
    %dma_wait3A_806 = arith.constant 0 : i32
    %dma_wait3A_807 = arith.constant 0 : i32
    %dma_wait3A_808 = tpu.memref_slice %arg8[%dma_wait3A_805, %dma_wait3A_806, %dma_wait3A_807] : memref<4x128x128xi32, #tpu.memory_space<vmem>> -> memref<1x128x128xi32, #tpu.memory_space<vmem>>
    %dma_wait3A_809 = tpu.memref_squeeze %dma_wait3A_808 : memref<1x128x128xi32, #tpu.memory_space<vmem>> -> memref<128x128xi32, #tpu.memory_space<vmem>>
    %dma_wait3A_810 = arith.constant 0 : i32
    %dma_wait3A_811 = tpu.memref_slice %arg5[%add3A_791, %dma_wait3A_810] : memref<102400x128xi32, #tpu.memory_space<hbm>> -> memref<128x128xi32, #tpu.memory_space<hbm>>
    %dma_wait3A_812 = arith.constant 0 : i32
    %dma_wait3A_813 = tpu.memref_slice %arg5[%add3A_791, %dma_wait3A_812] : memref<102400x128xi32, #tpu.memory_space<hbm>> -> memref<128x128xi32, #tpu.memory_space<hbm>>
    %dma_wait3A_814 = arith.constant 0 : i32
    %dma_wait3A_815 = arith.constant 0 : i32
    %dma_wait3A_816 = tpu.memref_slice %arg8[%dma_wait3A_805, %dma_wait3A_814, %dma_wait3A_815] : memref<4x128x128xi32, #tpu.memory_space<vmem>> -> memref<1x128x128xi32, #tpu.memory_space<vmem>>
    %dma_wait3A_817 = tpu.memref_squeeze %dma_wait3A_816 : memref<1x128x128xi32, #tpu.memory_space<vmem>> -> memref<128x128xi32, #tpu.memory_space<vmem>>
    tpu.wait_dma2 semaphore(%arg15 : memref<!tpu.dma_semaphore, #tpu.memory_space<semaphore_mem>>) src(%dma_wait3A_817 : memref<128x128xi32, #tpu.memory_space<vmem>>) dst(%dma_wait3A_813 : memref<128x128xi32, #tpu.memory_space<hbm>>)
    %dma_start3A_818 = arith.constant 0 : i32
    %dma_start3A_819 = arith.constant 2 : i32
    %dma_start3A_820 = arith.constant 0 : i32
    %dma_start3A_821 = arith.constant 0 : i32
    %dma_start3A_822 = tpu.memref_slice %arg8[%dma_start3A_819, %dma_start3A_820, %dma_start3A_821] : memref<4x128x128xi32, #tpu.memory_space<vmem>> -> memref<1x128x128xi32, #tpu.memory_space<vmem>>
    %dma_start3A_823 = tpu.memref_squeeze %dma_start3A_822 : memref<1x128x128xi32, #tpu.memory_space<vmem>> -> memref<128x128xi32, #tpu.memory_space<vmem>>
    %dma_start3A_824 = arith.constant 2304 : i32
    %dma_start3A_825 = tpu.memref_slice %arg7[%dma_start3A_818, %dma_start3A_824] : memref<2x3200xi32, #tpu.memory_space<vmem>> -> memref<1x128xi32, #tpu.memory_space<vmem>>
    %dma_start3A_826 = tpu.memref_squeeze %dma_start3A_825 : memref<1x128xi32, #tpu.memory_space<vmem>> -> memref<128xi32, #tpu.memory_space<vmem>>
    %dma_start3A_827 = arith.constant 0 : i32
    %dma_start3A_828 = arith.constant 0 : i32
    %dma_start3A_829 = tpu.memref_slice %arg2[%dma_start3A_827, %dma_start3A_828] : memref<1000x128xi32, #tpu.memory_space<hbm>> -> memref<1000x128xi32, #tpu.memory_space<hbm>>
    tpu.enqueue_indirect_dma source(%dma_start3A_829 : memref<1000x128xi32, #tpu.memory_space<hbm>>) target(%dma_start3A_823 : memref<128x128xi32, #tpu.memory_space<vmem>>) offsets(%dma_start3A_826 : memref<128xi32, #tpu.memory_space<vmem>>) semaphore(%arg11 : memref<!tpu.dma_semaphore, #tpu.memory_space<semaphore_mem>>)
    %dma_wait3A_830 = arith.constant 0 : i32
    %dma_wait3A_831 = arith.constant 3 : i32
    %dma_wait3A_832 = arith.constant 0 : i32
    %dma_wait3A_833 = arith.constant 0 : i32
    %dma_wait3A_834 = tpu.memref_slice %arg8[%dma_wait3A_831, %dma_wait3A_832, %dma_wait3A_833] : memref<4x128x128xi32, #tpu.memory_space<vmem>> -> memref<1x128x128xi32, #tpu.memory_space<vmem>>
    %dma_wait3A_835 = tpu.memref_squeeze %dma_wait3A_834 : memref<1x128x128xi32, #tpu.memory_space<vmem>> -> memref<128x128xi32, #tpu.memory_space<vmem>>
    %dma_wait3A_836 = arith.constant 1920 : i32
    %dma_wait3A_837 = tpu.memref_slice %arg7[%dma_wait3A_830, %dma_wait3A_836] : memref<2x3200xi32, #tpu.memory_space<vmem>> -> memref<1x128xi32, #tpu.memory_space<vmem>>
    %dma_wait3A_838 = tpu.memref_squeeze %dma_wait3A_837 : memref<1x128xi32, #tpu.memory_space<vmem>> -> memref<128xi32, #tpu.memory_space<vmem>>
    %dma_wait3A_839 = arith.constant 0 : i32
    %dma_wait3A_840 = arith.constant 0 : i32
    %dma_wait3A_841 = tpu.memref_slice %arg2[%dma_wait3A_839, %dma_wait3A_840] : memref<1000x128xi32, #tpu.memory_space<hbm>> -> memref<1000x128xi32, #tpu.memory_space<hbm>>
    tpu.wait_indirect_dma semaphore(%arg12 : memref<!tpu.dma_semaphore, #tpu.memory_space<semaphore_mem>>) src(%dma_wait3A_841 : memref<1000x128xi32, #tpu.memory_space<hbm>>) dst(%dma_wait3A_835 : memref<128x128xi32, #tpu.memory_space<vmem>>)
    %add3A_842 = arith.constant 1920 : i32
    %add3A_843 = arith.addi %mul3A_2, %add3A_842 : i32
    %dma_start3A_844 = arith.constant 3 : i32
    %dma_start3A_845 = arith.constant 0 : i32
    %dma_start3A_846 = arith.constant 0 : i32
    %dma_start3A_847 = tpu.memref_slice %arg8[%dma_start3A_844, %dma_start3A_845, %dma_start3A_846] : memref<4x128x128xi32, #tpu.memory_space<vmem>> -> memref<1x128x128xi32, #tpu.memory_space<vmem>>
    %dma_start3A_848 = tpu.memref_squeeze %dma_start3A_847 : memref<1x128x128xi32, #tpu.memory_space<vmem>> -> memref<128x128xi32, #tpu.memory_space<vmem>>
    %dma_start3A_849 = arith.constant 0 : i32
    %dma_start3A_850 = tpu.memref_slice %arg5[%add3A_843, %dma_start3A_849] : memref<102400x128xi32, #tpu.memory_space<hbm>> -> memref<128x128xi32, #tpu.memory_space<hbm>>
    %dma_start3A_851 = arith.constant 0 : i32
    %dma_start3A_852 = tpu.memref_slice %arg5[%add3A_843, %dma_start3A_851] : memref<102400x128xi32, #tpu.memory_space<hbm>> -> memref<128x128xi32, #tpu.memory_space<hbm>>
    %dma_start3A_853 = arith.constant 0 : i32
    %dma_start3A_854 = arith.constant 0 : i32
    %dma_start3A_855 = tpu.memref_slice %arg8[%dma_start3A_844, %dma_start3A_853, %dma_start3A_854] : memref<4x128x128xi32, #tpu.memory_space<vmem>> -> memref<1x128x128xi32, #tpu.memory_space<vmem>>
    %dma_start3A_856 = tpu.memref_squeeze %dma_start3A_855 : memref<1x128x128xi32, #tpu.memory_space<vmem>> -> memref<128x128xi32, #tpu.memory_space<vmem>>
    tpu.enqueue_dma source(%dma_start3A_856 : memref<128x128xi32, #tpu.memory_space<vmem>>) target(%dma_start3A_852 : memref<128x128xi32, #tpu.memory_space<hbm>>) target_semaphore(%arg16 : memref<!tpu.dma_semaphore, #tpu.memory_space<semaphore_mem>>)
    %dma_wait3A_857 = arith.constant 3 : i32
    %dma_wait3A_858 = arith.constant 0 : i32
    %dma_wait3A_859 = arith.constant 0 : i32
    %dma_wait3A_860 = tpu.memref_slice %arg8[%dma_wait3A_857, %dma_wait3A_858, %dma_wait3A_859] : memref<4x128x128xi32, #tpu.memory_space<vmem>> -> memref<1x128x128xi32, #tpu.memory_space<vmem>>
    %dma_wait3A_861 = tpu.memref_squeeze %dma_wait3A_860 : memref<1x128x128xi32, #tpu.memory_space<vmem>> -> memref<128x128xi32, #tpu.memory_space<vmem>>
    %dma_wait3A_862 = arith.constant 0 : i32
    %dma_wait3A_863 = tpu.memref_slice %arg5[%add3A_843, %dma_wait3A_862] : memref<102400x128xi32, #tpu.memory_space<hbm>> -> memref<128x128xi32, #tpu.memory_space<hbm>>
    %dma_wait3A_864 = arith.constant 0 : i32
    %dma_wait3A_865 = tpu.memref_slice %arg5[%add3A_843, %dma_wait3A_864] : memref<102400x128xi32, #tpu.memory_space<hbm>> -> memref<128x128xi32, #tpu.memory_space<hbm>>
    %dma_wait3A_866 = arith.constant 0 : i32
    %dma_wait3A_867 = arith.constant 0 : i32
    %dma_wait3A_868 = tpu.memref_slice %arg8[%dma_wait3A_857, %dma_wait3A_866, %dma_wait3A_867] : memref<4x128x128xi32, #tpu.memory_space<vmem>> -> memref<1x128x128xi32, #tpu.memory_space<vmem>>
    %dma_wait3A_869 = tpu.memref_squeeze %dma_wait3A_868 : memref<1x128x128xi32, #tpu.memory_space<vmem>> -> memref<128x128xi32, #tpu.memory_space<vmem>>
    tpu.wait_dma2 semaphore(%arg16 : memref<!tpu.dma_semaphore, #tpu.memory_space<semaphore_mem>>) src(%dma_wait3A_869 : memref<128x128xi32, #tpu.memory_space<vmem>>) dst(%dma_wait3A_865 : memref<128x128xi32, #tpu.memory_space<hbm>>)
    %dma_start3A_870 = arith.constant 0 : i32
    %dma_start3A_871 = arith.constant 3 : i32
    %dma_start3A_872 = arith.constant 0 : i32
    %dma_start3A_873 = arith.constant 0 : i32
    %dma_start3A_874 = tpu.memref_slice %arg8[%dma_start3A_871, %dma_start3A_872, %dma_start3A_873] : memref<4x128x128xi32, #tpu.memory_space<vmem>> -> memref<1x128x128xi32, #tpu.memory_space<vmem>>
    %dma_start3A_875 = tpu.memref_squeeze %dma_start3A_874 : memref<1x128x128xi32, #tpu.memory_space<vmem>> -> memref<128x128xi32, #tpu.memory_space<vmem>>
    %dma_start3A_876 = arith.constant 2432 : i32
    %dma_start3A_877 = tpu.memref_slice %arg7[%dma_start3A_870, %dma_start3A_876] : memref<2x3200xi32, #tpu.memory_space<vmem>> -> memref<1x128xi32, #tpu.memory_space<vmem>>
    %dma_start3A_878 = tpu.memref_squeeze %dma_start3A_877 : memref<1x128xi32, #tpu.memory_space<vmem>> -> memref<128xi32, #tpu.memory_space<vmem>>
    %dma_start3A_879 = arith.constant 0 : i32
    %dma_start3A_880 = arith.constant 0 : i32
    %dma_start3A_881 = tpu.memref_slice %arg2[%dma_start3A_879, %dma_start3A_880] : memref<1000x128xi32, #tpu.memory_space<hbm>> -> memref<1000x128xi32, #tpu.memory_space<hbm>>
    tpu.enqueue_indirect_dma source(%dma_start3A_881 : memref<1000x128xi32, #tpu.memory_space<hbm>>) target(%dma_start3A_875 : memref<128x128xi32, #tpu.memory_space<vmem>>) offsets(%dma_start3A_878 : memref<128xi32, #tpu.memory_space<vmem>>) semaphore(%arg12 : memref<!tpu.dma_semaphore, #tpu.memory_space<semaphore_mem>>)
    %dma_wait3A_882 = arith.constant 0 : i32
    %dma_wait3A_883 = arith.constant 0 : i32
    %dma_wait3A_884 = arith.constant 0 : i32
    %dma_wait3A_885 = arith.constant 0 : i32
    %dma_wait3A_886 = tpu.memref_slice %arg8[%dma_wait3A_883, %dma_wait3A_884, %dma_wait3A_885] : memref<4x128x128xi32, #tpu.memory_space<vmem>> -> memref<1x128x128xi32, #tpu.memory_space<vmem>>
    %dma_wait3A_887 = tpu.memref_squeeze %dma_wait3A_886 : memref<1x128x128xi32, #tpu.memory_space<vmem>> -> memref<128x128xi32, #tpu.memory_space<vmem>>
    %dma_wait3A_888 = arith.constant 2048 : i32
    %dma_wait3A_889 = tpu.memref_slice %arg7[%dma_wait3A_882, %dma_wait3A_888] : memref<2x3200xi32, #tpu.memory_space<vmem>> -> memref<1x128xi32, #tpu.memory_space<vmem>>
    %dma_wait3A_890 = tpu.memref_squeeze %dma_wait3A_889 : memref<1x128xi32, #tpu.memory_space<vmem>> -> memref<128xi32, #tpu.memory_space<vmem>>
    %dma_wait3A_891 = arith.constant 0 : i32
    %dma_wait3A_892 = arith.constant 0 : i32
    %dma_wait3A_893 = tpu.memref_slice %arg2[%dma_wait3A_891, %dma_wait3A_892] : memref<1000x128xi32, #tpu.memory_space<hbm>> -> memref<1000x128xi32, #tpu.memory_space<hbm>>
    tpu.wait_indirect_dma semaphore(%arg9 : memref<!tpu.dma_semaphore, #tpu.memory_space<semaphore_mem>>) src(%dma_wait3A_893 : memref<1000x128xi32, #tpu.memory_space<hbm>>) dst(%dma_wait3A_887 : memref<128x128xi32, #tpu.memory_space<vmem>>)
    %add3A_894 = arith.constant 2048 : i32
    %add3A_895 = arith.addi %mul3A_2, %add3A_894 : i32
    %dma_start3A_896 = arith.constant 0 : i32
    %dma_start3A_897 = arith.constant 0 : i32
    %dma_start3A_898 = arith.constant 0 : i32
    %dma_start3A_899 = tpu.memref_slice %arg8[%dma_start3A_896, %dma_start3A_897, %dma_start3A_898] : memref<4x128x128xi32, #tpu.memory_space<vmem>> -> memref<1x128x128xi32, #tpu.memory_space<vmem>>
    %dma_start3A_900 = tpu.memref_squeeze %dma_start3A_899 : memref<1x128x128xi32, #tpu.memory_space<vmem>> -> memref<128x128xi32, #tpu.memory_space<vmem>>
    %dma_start3A_901 = arith.constant 0 : i32
    %dma_start3A_902 = tpu.memref_slice %arg5[%add3A_895, %dma_start3A_901] : memref<102400x128xi32, #tpu.memory_space<hbm>> -> memref<128x128xi32, #tpu.memory_space<hbm>>
    %dma_start3A_903 = arith.constant 0 : i32
    %dma_start3A_904 = tpu.memref_slice %arg5[%add3A_895, %dma_start3A_903] : memref<102400x128xi32, #tpu.memory_space<hbm>> -> memref<128x128xi32, #tpu.memory_space<hbm>>
    %dma_start3A_905 = arith.constant 0 : i32
    %dma_start3A_906 = arith.constant 0 : i32
    %dma_start3A_907 = tpu.memref_slice %arg8[%dma_start3A_896, %dma_start3A_905, %dma_start3A_906] : memref<4x128x128xi32, #tpu.memory_space<vmem>> -> memref<1x128x128xi32, #tpu.memory_space<vmem>>
    %dma_start3A_908 = tpu.memref_squeeze %dma_start3A_907 : memref<1x128x128xi32, #tpu.memory_space<vmem>> -> memref<128x128xi32, #tpu.memory_space<vmem>>
    tpu.enqueue_dma source(%dma_start3A_908 : memref<128x128xi32, #tpu.memory_space<vmem>>) target(%dma_start3A_904 : memref<128x128xi32, #tpu.memory_space<hbm>>) target_semaphore(%arg13 : memref<!tpu.dma_semaphore, #tpu.memory_space<semaphore_mem>>)
    %dma_wait3A_909 = arith.constant 0 : i32
    %dma_wait3A_910 = arith.constant 0 : i32
    %dma_wait3A_911 = arith.constant 0 : i32
    %dma_wait3A_912 = tpu.memref_slice %arg8[%dma_wait3A_909, %dma_wait3A_910, %dma_wait3A_911] : memref<4x128x128xi32, #tpu.memory_space<vmem>> -> memref<1x128x128xi32, #tpu.memory_space<vmem>>
    %dma_wait3A_913 = tpu.memref_squeeze %dma_wait3A_912 : memref<1x128x128xi32, #tpu.memory_space<vmem>> -> memref<128x128xi32, #tpu.memory_space<vmem>>
    %dma_wait3A_914 = arith.constant 0 : i32
    %dma_wait3A_915 = tpu.memref_slice %arg5[%add3A_895, %dma_wait3A_914] : memref<102400x128xi32, #tpu.memory_space<hbm>> -> memref<128x128xi32, #tpu.memory_space<hbm>>
    %dma_wait3A_916 = arith.constant 0 : i32
    %dma_wait3A_917 = tpu.memref_slice %arg5[%add3A_895, %dma_wait3A_916] : memref<102400x128xi32, #tpu.memory_space<hbm>> -> memref<128x128xi32, #tpu.memory_space<hbm>>
    %dma_wait3A_918 = arith.constant 0 : i32
    %dma_wait3A_919 = arith.constant 0 : i32
    %dma_wait3A_920 = tpu.memref_slice %arg8[%dma_wait3A_909, %dma_wait3A_918, %dma_wait3A_919] : memref<4x128x128xi32, #tpu.memory_space<vmem>> -> memref<1x128x128xi32, #tpu.memory_space<vmem>>
    %dma_wait3A_921 = tpu.memref_squeeze %dma_wait3A_920 : memref<1x128x128xi32, #tpu.memory_space<vmem>> -> memref<128x128xi32, #tpu.memory_space<vmem>>
    tpu.wait_dma2 semaphore(%arg13 : memref<!tpu.dma_semaphore, #tpu.memory_space<semaphore_mem>>) src(%dma_wait3A_921 : memref<128x128xi32, #tpu.memory_space<vmem>>) dst(%dma_wait3A_917 : memref<128x128xi32, #tpu.memory_space<hbm>>)
    %dma_start3A_922 = arith.constant 0 : i32
    %dma_start3A_923 = arith.constant 0 : i32
    %dma_start3A_924 = arith.constant 0 : i32
    %dma_start3A_925 = arith.constant 0 : i32
    %dma_start3A_926 = tpu.memref_slice %arg8[%dma_start3A_923, %dma_start3A_924, %dma_start3A_925] : memref<4x128x128xi32, #tpu.memory_space<vmem>> -> memref<1x128x128xi32, #tpu.memory_space<vmem>>
    %dma_start3A_927 = tpu.memref_squeeze %dma_start3A_926 : memref<1x128x128xi32, #tpu.memory_space<vmem>> -> memref<128x128xi32, #tpu.memory_space<vmem>>
    %dma_start3A_928 = arith.constant 2560 : i32
    %dma_start3A_929 = tpu.memref_slice %arg7[%dma_start3A_922, %dma_start3A_928] : memref<2x3200xi32, #tpu.memory_space<vmem>> -> memref<1x128xi32, #tpu.memory_space<vmem>>
    %dma_start3A_930 = tpu.memref_squeeze %dma_start3A_929 : memref<1x128xi32, #tpu.memory_space<vmem>> -> memref<128xi32, #tpu.memory_space<vmem>>
    %dma_start3A_931 = arith.constant 0 : i32
    %dma_start3A_932 = arith.constant 0 : i32
    %dma_start3A_933 = tpu.memref_slice %arg2[%dma_start3A_931, %dma_start3A_932] : memref<1000x128xi32, #tpu.memory_space<hbm>> -> memref<1000x128xi32, #tpu.memory_space<hbm>>
    tpu.enqueue_indirect_dma source(%dma_start3A_933 : memref<1000x128xi32, #tpu.memory_space<hbm>>) target(%dma_start3A_927 : memref<128x128xi32, #tpu.memory_space<vmem>>) offsets(%dma_start3A_930 : memref<128xi32, #tpu.memory_space<vmem>>) semaphore(%arg9 : memref<!tpu.dma_semaphore, #tpu.memory_space<semaphore_mem>>)
    %dma_wait3A_934 = arith.constant 0 : i32
    %dma_wait3A_935 = arith.constant 1 : i32
    %dma_wait3A_936 = arith.constant 0 : i32
    %dma_wait3A_937 = arith.constant 0 : i32
    %dma_wait3A_938 = tpu.memref_slice %arg8[%dma_wait3A_935, %dma_wait3A_936, %dma_wait3A_937] : memref<4x128x128xi32, #tpu.memory_space<vmem>> -> memref<1x128x128xi32, #tpu.memory_space<vmem>>
    %dma_wait3A_939 = tpu.memref_squeeze %dma_wait3A_938 : memref<1x128x128xi32, #tpu.memory_space<vmem>> -> memref<128x128xi32, #tpu.memory_space<vmem>>
    %dma_wait3A_940 = arith.constant 2176 : i32
    %dma_wait3A_941 = tpu.memref_slice %arg7[%dma_wait3A_934, %dma_wait3A_940] : memref<2x3200xi32, #tpu.memory_space<vmem>> -> memref<1x128xi32, #tpu.memory_space<vmem>>
    %dma_wait3A_942 = tpu.memref_squeeze %dma_wait3A_941 : memref<1x128xi32, #tpu.memory_space<vmem>> -> memref<128xi32, #tpu.memory_space<vmem>>
    %dma_wait3A_943 = arith.constant 0 : i32
    %dma_wait3A_944 = arith.constant 0 : i32
    %dma_wait3A_945 = tpu.memref_slice %arg2[%dma_wait3A_943, %dma_wait3A_944] : memref<1000x128xi32, #tpu.memory_space<hbm>> -> memref<1000x128xi32, #tpu.memory_space<hbm>>
    tpu.wait_indirect_dma semaphore(%arg10 : memref<!tpu.dma_semaphore, #tpu.memory_space<semaphore_mem>>) src(%dma_wait3A_945 : memref<1000x128xi32, #tpu.memory_space<hbm>>) dst(%dma_wait3A_939 : memref<128x128xi32, #tpu.memory_space<vmem>>)
    %add3A_946 = arith.constant 2176 : i32
    %add3A_947 = arith.addi %mul3A_2, %add3A_946 : i32
    %dma_start3A_948 = arith.constant 1 : i32
    %dma_start3A_949 = arith.constant 0 : i32
    %dma_start3A_950 = arith.constant 0 : i32
    %dma_start3A_951 = tpu.memref_slice %arg8[%dma_start3A_948, %dma_start3A_949, %dma_start3A_950] : memref<4x128x128xi32, #tpu.memory_space<vmem>> -> memref<1x128x128xi32, #tpu.memory_space<vmem>>
    %dma_start3A_952 = tpu.memref_squeeze %dma_start3A_951 : memref<1x128x128xi32, #tpu.memory_space<vmem>> -> memref<128x128xi32, #tpu.memory_space<vmem>>
    %dma_start3A_953 = arith.constant 0 : i32
    %dma_start3A_954 = tpu.memref_slice %arg5[%add3A_947, %dma_start3A_953] : memref<102400x128xi32, #tpu.memory_space<hbm>> -> memref<128x128xi32, #tpu.memory_space<hbm>>
    %dma_start3A_955 = arith.constant 0 : i32
    %dma_start3A_956 = tpu.memref_slice %arg5[%add3A_947, %dma_start3A_955] : memref<102400x128xi32, #tpu.memory_space<hbm>> -> memref<128x128xi32, #tpu.memory_space<hbm>>
    %dma_start3A_957 = arith.constant 0 : i32
    %dma_start3A_958 = arith.constant 0 : i32
    %dma_start3A_959 = tpu.memref_slice %arg8[%dma_start3A_948, %dma_start3A_957, %dma_start3A_958] : memref<4x128x128xi32, #tpu.memory_space<vmem>> -> memref<1x128x128xi32, #tpu.memory_space<vmem>>
    %dma_start3A_960 = tpu.memref_squeeze %dma_start3A_959 : memref<1x128x128xi32, #tpu.memory_space<vmem>> -> memref<128x128xi32, #tpu.memory_space<vmem>>
    tpu.enqueue_dma source(%dma_start3A_960 : memref<128x128xi32, #tpu.memory_space<vmem>>) target(%dma_start3A_956 : memref<128x128xi32, #tpu.memory_space<hbm>>) target_semaphore(%arg14 : memref<!tpu.dma_semaphore, #tpu.memory_space<semaphore_mem>>)
    %dma_wait3A_961 = arith.constant 1 : i32
    %dma_wait3A_962 = arith.constant 0 : i32
    %dma_wait3A_963 = arith.constant 0 : i32
    %dma_wait3A_964 = tpu.memref_slice %arg8[%dma_wait3A_961, %dma_wait3A_962, %dma_wait3A_963] : memref<4x128x128xi32, #tpu.memory_space<vmem>> -> memref<1x128x128xi32, #tpu.memory_space<vmem>>
    %dma_wait3A_965 = tpu.memref_squeeze %dma_wait3A_964 : memref<1x128x128xi32, #tpu.memory_space<vmem>> -> memref<128x128xi32, #tpu.memory_space<vmem>>
    %dma_wait3A_966 = arith.constant 0 : i32
    %dma_wait3A_967 = tpu.memref_slice %arg5[%add3A_947, %dma_wait3A_966] : memref<102400x128xi32, #tpu.memory_space<hbm>> -> memref<128x128xi32, #tpu.memory_space<hbm>>
    %dma_wait3A_968 = arith.constant 0 : i32
    %dma_wait3A_969 = tpu.memref_slice %arg5[%add3A_947, %dma_wait3A_968] : memref<102400x128xi32, #tpu.memory_space<hbm>> -> memref<128x128xi32, #tpu.memory_space<hbm>>
    %dma_wait3A_970 = arith.constant 0 : i32
    %dma_wait3A_971 = arith.constant 0 : i32
    %dma_wait3A_972 = tpu.memref_slice %arg8[%dma_wait3A_961, %dma_wait3A_970, %dma_wait3A_971] : memref<4x128x128xi32, #tpu.memory_space<vmem>> -> memref<1x128x128xi32, #tpu.memory_space<vmem>>
    %dma_wait3A_973 = tpu.memref_squeeze %dma_wait3A_972 : memref<1x128x128xi32, #tpu.memory_space<vmem>> -> memref<128x128xi32, #tpu.memory_space<vmem>>
    tpu.wait_dma2 semaphore(%arg14 : memref<!tpu.dma_semaphore, #tpu.memory_space<semaphore_mem>>) src(%dma_wait3A_973 : memref<128x128xi32, #tpu.memory_space<vmem>>) dst(%dma_wait3A_969 : memref<128x128xi32, #tpu.memory_space<hbm>>)
    %dma_start3A_974 = arith.constant 0 : i32
    %dma_start3A_975 = arith.constant 1 : i32
    %dma_start3A_976 = arith.constant 0 : i32
    %dma_start3A_977 = arith.constant 0 : i32
    %dma_start3A_978 = tpu.memref_slice %arg8[%dma_start3A_975, %dma_start3A_976, %dma_start3A_977] : memref<4x128x128xi32, #tpu.memory_space<vmem>> -> memref<1x128x128xi32, #tpu.memory_space<vmem>>
    %dma_start3A_979 = tpu.memref_squeeze %dma_start3A_978 : memref<1x128x128xi32, #tpu.memory_space<vmem>> -> memref<128x128xi32, #tpu.memory_space<vmem>>
    %dma_start3A_980 = arith.constant 2688 : i32
    %dma_start3A_981 = tpu.memref_slice %arg7[%dma_start3A_974, %dma_start3A_980] : memref<2x3200xi32, #tpu.memory_space<vmem>> -> memref<1x128xi32, #tpu.memory_space<vmem>>
    %dma_start3A_982 = tpu.memref_squeeze %dma_start3A_981 : memref<1x128xi32, #tpu.memory_space<vmem>> -> memref<128xi32, #tpu.memory_space<vmem>>
    %dma_start3A_983 = arith.constant 0 : i32
    %dma_start3A_984 = arith.constant 0 : i32
    %dma_start3A_985 = tpu.memref_slice %arg2[%dma_start3A_983, %dma_start3A_984] : memref<1000x128xi32, #tpu.memory_space<hbm>> -> memref<1000x128xi32, #tpu.memory_space<hbm>>
    tpu.enqueue_indirect_dma source(%dma_start3A_985 : memref<1000x128xi32, #tpu.memory_space<hbm>>) target(%dma_start3A_979 : memref<128x128xi32, #tpu.memory_space<vmem>>) offsets(%dma_start3A_982 : memref<128xi32, #tpu.memory_space<vmem>>) semaphore(%arg10 : memref<!tpu.dma_semaphore, #tpu.memory_space<semaphore_mem>>)
    %dma_wait3A_986 = arith.constant 0 : i32
    %dma_wait3A_987 = arith.constant 2 : i32
    %dma_wait3A_988 = arith.constant 0 : i32
    %dma_wait3A_989 = arith.constant 0 : i32
    %dma_wait3A_990 = tpu.memref_slice %arg8[%dma_wait3A_987, %dma_wait3A_988, %dma_wait3A_989] : memref<4x128x128xi32, #tpu.memory_space<vmem>> -> memref<1x128x128xi32, #tpu.memory_space<vmem>>
    %dma_wait3A_991 = tpu.memref_squeeze %dma_wait3A_990 : memref<1x128x128xi32, #tpu.memory_space<vmem>> -> memref<128x128xi32, #tpu.memory_space<vmem>>
    %dma_wait3A_992 = arith.constant 2304 : i32
    %dma_wait3A_993 = tpu.memref_slice %arg7[%dma_wait3A_986, %dma_wait3A_992] : memref<2x3200xi32, #tpu.memory_space<vmem>> -> memref<1x128xi32, #tpu.memory_space<vmem>>
    %dma_wait3A_994 = tpu.memref_squeeze %dma_wait3A_993 : memref<1x128xi32, #tpu.memory_space<vmem>> -> memref<128xi32, #tpu.memory_space<vmem>>
    %dma_wait3A_995 = arith.constant 0 : i32
    %dma_wait3A_996 = arith.constant 0 : i32
    %dma_wait3A_997 = tpu.memref_slice %arg2[%dma_wait3A_995, %dma_wait3A_996] : memref<1000x128xi32, #tpu.memory_space<hbm>> -> memref<1000x128xi32, #tpu.memory_space<hbm>>
    tpu.wait_indirect_dma semaphore(%arg11 : memref<!tpu.dma_semaphore, #tpu.memory_space<semaphore_mem>>) src(%dma_wait3A_997 : memref<1000x128xi32, #tpu.memory_space<hbm>>) dst(%dma_wait3A_991 : memref<128x128xi32, #tpu.memory_space<vmem>>)
    %add3A_998 = arith.constant 2304 : i32
    %add3A_999 = arith.addi %mul3A_2, %add3A_998 : i32
    %dma_start3A_1000 = arith.constant 2 : i32
    %dma_start3A_1001 = arith.constant 0 : i32
    %dma_start3A_1002 = arith.constant 0 : i32
    %dma_start3A_1003 = tpu.memref_slice %arg8[%dma_start3A_1000, %dma_start3A_1001, %dma_start3A_1002] : memref<4x128x128xi32, #tpu.memory_space<vmem>> -> memref<1x128x128xi32, #tpu.memory_space<vmem>>
    %dma_start3A_1004 = tpu.memref_squeeze %dma_start3A_1003 : memref<1x128x128xi32, #tpu.memory_space<vmem>> -> memref<128x128xi32, #tpu.memory_space<vmem>>
    %dma_start3A_1005 = arith.constant 0 : i32
    %dma_start3A_1006 = tpu.memref_slice %arg5[%add3A_999, %dma_start3A_1005] : memref<102400x128xi32, #tpu.memory_space<hbm>> -> memref<128x128xi32, #tpu.memory_space<hbm>>
    %dma_start3A_1007 = arith.constant 0 : i32
    %dma_start3A_1008 = tpu.memref_slice %arg5[%add3A_999, %dma_start3A_1007] : memref<102400x128xi32, #tpu.memory_space<hbm>> -> memref<128x128xi32, #tpu.memory_space<hbm>>
    %dma_start3A_1009 = arith.constant 0 : i32
    %dma_start3A_1010 = arith.constant 0 : i32
    %dma_start3A_1011 = tpu.memref_slice %arg8[%dma_start3A_1000, %dma_start3A_1009, %dma_start3A_1010] : memref<4x128x128xi32, #tpu.memory_space<vmem>> -> memref<1x128x128xi32, #tpu.memory_space<vmem>>
    %dma_start3A_1012 = tpu.memref_squeeze %dma_start3A_1011 : memref<1x128x128xi32, #tpu.memory_space<vmem>> -> memref<128x128xi32, #tpu.memory_space<vmem>>
    tpu.enqueue_dma source(%dma_start3A_1012 : memref<128x128xi32, #tpu.memory_space<vmem>>) target(%dma_start3A_1008 : memref<128x128xi32, #tpu.memory_space<hbm>>) target_semaphore(%arg15 : memref<!tpu.dma_semaphore, #tpu.memory_space<semaphore_mem>>)
    %dma_wait3A_1013 = arith.constant 2 : i32
    %dma_wait3A_1014 = arith.constant 0 : i32
    %dma_wait3A_1015 = arith.constant 0 : i32
    %dma_wait3A_1016 = tpu.memref_slice %arg8[%dma_wait3A_1013, %dma_wait3A_1014, %dma_wait3A_1015] : memref<4x128x128xi32, #tpu.memory_space<vmem>> -> memref<1x128x128xi32, #tpu.memory_space<vmem>>
    %dma_wait3A_1017 = tpu.memref_squeeze %dma_wait3A_1016 : memref<1x128x128xi32, #tpu.memory_space<vmem>> -> memref<128x128xi32, #tpu.memory_space<vmem>>
    %dma_wait3A_1018 = arith.constant 0 : i32
    %dma_wait3A_1019 = tpu.memref_slice %arg5[%add3A_999, %dma_wait3A_1018] : memref<102400x128xi32, #tpu.memory_space<hbm>> -> memref<128x128xi32, #tpu.memory_space<hbm>>
    %dma_wait3A_1020 = arith.constant 0 : i32
    %dma_wait3A_1021 = tpu.memref_slice %arg5[%add3A_999, %dma_wait3A_1020] : memref<102400x128xi32, #tpu.memory_space<hbm>> -> memref<128x128xi32, #tpu.memory_space<hbm>>
    %dma_wait3A_1022 = arith.constant 0 : i32
    %dma_wait3A_1023 = arith.constant 0 : i32
    %dma_wait3A_1024 = tpu.memref_slice %arg8[%dma_wait3A_1013, %dma_wait3A_1022, %dma_wait3A_1023] : memref<4x128x128xi32, #tpu.memory_space<vmem>> -> memref<1x128x128xi32, #tpu.memory_space<vmem>>
    %dma_wait3A_1025 = tpu.memref_squeeze %dma_wait3A_1024 : memref<1x128x128xi32, #tpu.memory_space<vmem>> -> memref<128x128xi32, #tpu.memory_space<vmem>>
    tpu.wait_dma2 semaphore(%arg15 : memref<!tpu.dma_semaphore, #tpu.memory_space<semaphore_mem>>) src(%dma_wait3A_1025 : memref<128x128xi32, #tpu.memory_space<vmem>>) dst(%dma_wait3A_1021 : memref<128x128xi32, #tpu.memory_space<hbm>>)
    %dma_start3A_1026 = arith.constant 0 : i32
    %dma_start3A_1027 = arith.constant 2 : i32
    %dma_start3A_1028 = arith.constant 0 : i32
    %dma_start3A_1029 = arith.constant 0 : i32
    %dma_start3A_1030 = tpu.memref_slice %arg8[%dma_start3A_1027, %dma_start3A_1028, %dma_start3A_1029] : memref<4x128x128xi32, #tpu.memory_space<vmem>> -> memref<1x128x128xi32, #tpu.memory_space<vmem>>
    %dma_start3A_1031 = tpu.memref_squeeze %dma_start3A_1030 : memref<1x128x128xi32, #tpu.memory_space<vmem>> -> memref<128x128xi32, #tpu.memory_space<vmem>>
    %dma_start3A_1032 = arith.constant 2816 : i32
    %dma_start3A_1033 = tpu.memref_slice %arg7[%dma_start3A_1026, %dma_start3A_1032] : memref<2x3200xi32, #tpu.memory_space<vmem>> -> memref<1x128xi32, #tpu.memory_space<vmem>>
    %dma_start3A_1034 = tpu.memref_squeeze %dma_start3A_1033 : memref<1x128xi32, #tpu.memory_space<vmem>> -> memref<128xi32, #tpu.memory_space<vmem>>
    %dma_start3A_1035 = arith.constant 0 : i32
    %dma_start3A_1036 = arith.constant 0 : i32
    %dma_start3A_1037 = tpu.memref_slice %arg2[%dma_start3A_1035, %dma_start3A_1036] : memref<1000x128xi32, #tpu.memory_space<hbm>> -> memref<1000x128xi32, #tpu.memory_space<hbm>>
    tpu.enqueue_indirect_dma source(%dma_start3A_1037 : memref<1000x128xi32, #tpu.memory_space<hbm>>) target(%dma_start3A_1031 : memref<128x128xi32, #tpu.memory_space<vmem>>) offsets(%dma_start3A_1034 : memref<128xi32, #tpu.memory_space<vmem>>) semaphore(%arg11 : memref<!tpu.dma_semaphore, #tpu.memory_space<semaphore_mem>>)
    %dma_wait3A_1038 = arith.constant 0 : i32
    %dma_wait3A_1039 = arith.constant 3 : i32
    %dma_wait3A_1040 = arith.constant 0 : i32
    %dma_wait3A_1041 = arith.constant 0 : i32
    %dma_wait3A_1042 = tpu.memref_slice %arg8[%dma_wait3A_1039, %dma_wait3A_1040, %dma_wait3A_1041] : memref<4x128x128xi32, #tpu.memory_space<vmem>> -> memref<1x128x128xi32, #tpu.memory_space<vmem>>
    %dma_wait3A_1043 = tpu.memref_squeeze %dma_wait3A_1042 : memref<1x128x128xi32, #tpu.memory_space<vmem>> -> memref<128x128xi32, #tpu.memory_space<vmem>>
    %dma_wait3A_1044 = arith.constant 2432 : i32
    %dma_wait3A_1045 = tpu.memref_slice %arg7[%dma_wait3A_1038, %dma_wait3A_1044] : memref<2x3200xi32, #tpu.memory_space<vmem>> -> memref<1x128xi32, #tpu.memory_space<vmem>>
    %dma_wait3A_1046 = tpu.memref_squeeze %dma_wait3A_1045 : memref<1x128xi32, #tpu.memory_space<vmem>> -> memref<128xi32, #tpu.memory_space<vmem>>
    %dma_wait3A_1047 = arith.constant 0 : i32
    %dma_wait3A_1048 = arith.constant 0 : i32
    %dma_wait3A_1049 = tpu.memref_slice %arg2[%dma_wait3A_1047, %dma_wait3A_1048] : memref<1000x128xi32, #tpu.memory_space<hbm>> -> memref<1000x128xi32, #tpu.memory_space<hbm>>
    tpu.wait_indirect_dma semaphore(%arg12 : memref<!tpu.dma_semaphore, #tpu.memory_space<semaphore_mem>>) src(%dma_wait3A_1049 : memref<1000x128xi32, #tpu.memory_space<hbm>>) dst(%dma_wait3A_1043 : memref<128x128xi32, #tpu.memory_space<vmem>>)
    %add3A_1050 = arith.constant 2432 : i32
    %add3A_1051 = arith.addi %mul3A_2, %add3A_1050 : i32
    %dma_start3A_1052 = arith.constant 3 : i32
    %dma_start3A_1053 = arith.constant 0 : i32
    %dma_start3A_1054 = arith.constant 0 : i32
    %dma_start3A_1055 = tpu.memref_slice %arg8[%dma_start3A_1052, %dma_start3A_1053, %dma_start3A_1054] : memref<4x128x128xi32, #tpu.memory_space<vmem>> -> memref<1x128x128xi32, #tpu.memory_space<vmem>>
    %dma_start3A_1056 = tpu.memref_squeeze %dma_start3A_1055 : memref<1x128x128xi32, #tpu.memory_space<vmem>> -> memref<128x128xi32, #tpu.memory_space<vmem>>
    %dma_start3A_1057 = arith.constant 0 : i32
    %dma_start3A_1058 = tpu.memref_slice %arg5[%add3A_1051, %dma_start3A_1057] : memref<102400x128xi32, #tpu.memory_space<hbm>> -> memref<128x128xi32, #tpu.memory_space<hbm>>
    %dma_start3A_1059 = arith.constant 0 : i32
    %dma_start3A_1060 = tpu.memref_slice %arg5[%add3A_1051, %dma_start3A_1059] : memref<102400x128xi32, #tpu.memory_space<hbm>> -> memref<128x128xi32, #tpu.memory_space<hbm>>
    %dma_start3A_1061 = arith.constant 0 : i32
    %dma_start3A_1062 = arith.constant 0 : i32
    %dma_start3A_1063 = tpu.memref_slice %arg8[%dma_start3A_1052, %dma_start3A_1061, %dma_start3A_1062] : memref<4x128x128xi32, #tpu.memory_space<vmem>> -> memref<1x128x128xi32, #tpu.memory_space<vmem>>
    %dma_start3A_1064 = tpu.memref_squeeze %dma_start3A_1063 : memref<1x128x128xi32, #tpu.memory_space<vmem>> -> memref<128x128xi32, #tpu.memory_space<vmem>>
    tpu.enqueue_dma source(%dma_start3A_1064 : memref<128x128xi32, #tpu.memory_space<vmem>>) target(%dma_start3A_1060 : memref<128x128xi32, #tpu.memory_space<hbm>>) target_semaphore(%arg16 : memref<!tpu.dma_semaphore, #tpu.memory_space<semaphore_mem>>)
    %dma_wait3A_1065 = arith.constant 3 : i32
    %dma_wait3A_1066 = arith.constant 0 : i32
    %dma_wait3A_1067 = arith.constant 0 : i32
    %dma_wait3A_1068 = tpu.memref_slice %arg8[%dma_wait3A_1065, %dma_wait3A_1066, %dma_wait3A_1067] : memref<4x128x128xi32, #tpu.memory_space<vmem>> -> memref<1x128x128xi32, #tpu.memory_space<vmem>>
    %dma_wait3A_1069 = tpu.memref_squeeze %dma_wait3A_1068 : memref<1x128x128xi32, #tpu.memory_space<vmem>> -> memref<128x128xi32, #tpu.memory_space<vmem>>
    %dma_wait3A_1070 = arith.constant 0 : i32
    %dma_wait3A_1071 = tpu.memref_slice %arg5[%add3A_1051, %dma_wait3A_1070] : memref<102400x128xi32, #tpu.memory_space<hbm>> -> memref<128x128xi32, #tpu.memory_space<hbm>>
    %dma_wait3A_1072 = arith.constant 0 : i32
    %dma_wait3A_1073 = tpu.memref_slice %arg5[%add3A_1051, %dma_wait3A_1072] : memref<102400x128xi32, #tpu.memory_space<hbm>> -> memref<128x128xi32, #tpu.memory_space<hbm>>
    %dma_wait3A_1074 = arith.constant 0 : i32
    %dma_wait3A_1075 = arith.constant 0 : i32
    %dma_wait3A_1076 = tpu.memref_slice %arg8[%dma_wait3A_1065, %dma_wait3A_1074, %dma_wait3A_1075] : memref<4x128x128xi32, #tpu.memory_space<vmem>> -> memref<1x128x128xi32, #tpu.memory_space<vmem>>
    %dma_wait3A_1077 = tpu.memref_squeeze %dma_wait3A_1076 : memref<1x128x128xi32, #tpu.memory_space<vmem>> -> memref<128x128xi32, #tpu.memory_space<vmem>>
    tpu.wait_dma2 semaphore(%arg16 : memref<!tpu.dma_semaphore, #tpu.memory_space<semaphore_mem>>) src(%dma_wait3A_1077 : memref<128x128xi32, #tpu.memory_space<vmem>>) dst(%dma_wait3A_1073 : memref<128x128xi32, #tpu.memory_space<hbm>>)
    %dma_start3A_1078 = arith.constant 0 : i32
    %dma_start3A_1079 = arith.constant 3 : i32
    %dma_start3A_1080 = arith.constant 0 : i32
    %dma_start3A_1081 = arith.constant 0 : i32
    %dma_start3A_1082 = tpu.memref_slice %arg8[%dma_start3A_1079, %dma_start3A_1080, %dma_start3A_1081] : memref<4x128x128xi32, #tpu.memory_space<vmem>> -> memref<1x128x128xi32, #tpu.memory_space<vmem>>
    %dma_start3A_1083 = tpu.memref_squeeze %dma_start3A_1082 : memref<1x128x128xi32, #tpu.memory_space<vmem>> -> memref<128x128xi32, #tpu.memory_space<vmem>>
    %dma_start3A_1084 = arith.constant 2944 : i32
    %dma_start3A_1085 = tpu.memref_slice %arg7[%dma_start3A_1078, %dma_start3A_1084] : memref<2x3200xi32, #tpu.memory_space<vmem>> -> memref<1x128xi32, #tpu.memory_space<vmem>>
    %dma_start3A_1086 = tpu.memref_squeeze %dma_start3A_1085 : memref<1x128xi32, #tpu.memory_space<vmem>> -> memref<128xi32, #tpu.memory_space<vmem>>
    %dma_start3A_1087 = arith.constant 0 : i32
    %dma_start3A_1088 = arith.constant 0 : i32
    %dma_start3A_1089 = tpu.memref_slice %arg2[%dma_start3A_1087, %dma_start3A_1088] : memref<1000x128xi32, #tpu.memory_space<hbm>> -> memref<1000x128xi32, #tpu.memory_space<hbm>>
    tpu.enqueue_indirect_dma source(%dma_start3A_1089 : memref<1000x128xi32, #tpu.memory_space<hbm>>) target(%dma_start3A_1083 : memref<128x128xi32, #tpu.memory_space<vmem>>) offsets(%dma_start3A_1086 : memref<128xi32, #tpu.memory_space<vmem>>) semaphore(%arg12 : memref<!tpu.dma_semaphore, #tpu.memory_space<semaphore_mem>>)
    %dma_wait3A_1090 = arith.constant 0 : i32
    %dma_wait3A_1091 = arith.constant 0 : i32
    %dma_wait3A_1092 = arith.constant 0 : i32
    %dma_wait3A_1093 = arith.constant 0 : i32
    %dma_wait3A_1094 = tpu.memref_slice %arg8[%dma_wait3A_1091, %dma_wait3A_1092, %dma_wait3A_1093] : memref<4x128x128xi32, #tpu.memory_space<vmem>> -> memref<1x128x128xi32, #tpu.memory_space<vmem>>
    %dma_wait3A_1095 = tpu.memref_squeeze %dma_wait3A_1094 : memref<1x128x128xi32, #tpu.memory_space<vmem>> -> memref<128x128xi32, #tpu.memory_space<vmem>>
    %dma_wait3A_1096 = arith.constant 2560 : i32
    %dma_wait3A_1097 = tpu.memref_slice %arg7[%dma_wait3A_1090, %dma_wait3A_1096] : memref<2x3200xi32, #tpu.memory_space<vmem>> -> memref<1x128xi32, #tpu.memory_space<vmem>>
    %dma_wait3A_1098 = tpu.memref_squeeze %dma_wait3A_1097 : memref<1x128xi32, #tpu.memory_space<vmem>> -> memref<128xi32, #tpu.memory_space<vmem>>
    %dma_wait3A_1099 = arith.constant 0 : i32
    %dma_wait3A_1100 = arith.constant 0 : i32
    %dma_wait3A_1101 = tpu.memref_slice %arg2[%dma_wait3A_1099, %dma_wait3A_1100] : memref<1000x128xi32, #tpu.memory_space<hbm>> -> memref<1000x128xi32, #tpu.memory_space<hbm>>
    tpu.wait_indirect_dma semaphore(%arg9 : memref<!tpu.dma_semaphore, #tpu.memory_space<semaphore_mem>>) src(%dma_wait3A_1101 : memref<1000x128xi32, #tpu.memory_space<hbm>>) dst(%dma_wait3A_1095 : memref<128x128xi32, #tpu.memory_space<vmem>>)
    %add3A_1102 = arith.constant 2560 : i32
    %add3A_1103 = arith.addi %mul3A_2, %add3A_1102 : i32
    %dma_start3A_1104 = arith.constant 0 : i32
    %dma_start3A_1105 = arith.constant 0 : i32
    %dma_start3A_1106 = arith.constant 0 : i32
    %dma_start3A_1107 = tpu.memref_slice %arg8[%dma_start3A_1104, %dma_start3A_1105, %dma_start3A_1106] : memref<4x128x128xi32, #tpu.memory_space<vmem>> -> memref<1x128x128xi32, #tpu.memory_space<vmem>>
    %dma_start3A_1108 = tpu.memref_squeeze %dma_start3A_1107 : memref<1x128x128xi32, #tpu.memory_space<vmem>> -> memref<128x128xi32, #tpu.memory_space<vmem>>
    %dma_start3A_1109 = arith.constant 0 : i32
    %dma_start3A_1110 = tpu.memref_slice %arg5[%add3A_1103, %dma_start3A_1109] : memref<102400x128xi32, #tpu.memory_space<hbm>> -> memref<128x128xi32, #tpu.memory_space<hbm>>
    %dma_start3A_1111 = arith.constant 0 : i32
    %dma_start3A_1112 = tpu.memref_slice %arg5[%add3A_1103, %dma_start3A_1111] : memref<102400x128xi32, #tpu.memory_space<hbm>> -> memref<128x128xi32, #tpu.memory_space<hbm>>
    %dma_start3A_1113 = arith.constant 0 : i32
    %dma_start3A_1114 = arith.constant 0 : i32
    %dma_start3A_1115 = tpu.memref_slice %arg8[%dma_start3A_1104, %dma_start3A_1113, %dma_start3A_1114] : memref<4x128x128xi32, #tpu.memory_space<vmem>> -> memref<1x128x128xi32, #tpu.memory_space<vmem>>
    %dma_start3A_1116 = tpu.memref_squeeze %dma_start3A_1115 : memref<1x128x128xi32, #tpu.memory_space<vmem>> -> memref<128x128xi32, #tpu.memory_space<vmem>>
    tpu.enqueue_dma source(%dma_start3A_1116 : memref<128x128xi32, #tpu.memory_space<vmem>>) target(%dma_start3A_1112 : memref<128x128xi32, #tpu.memory_space<hbm>>) target_semaphore(%arg13 : memref<!tpu.dma_semaphore, #tpu.memory_space<semaphore_mem>>)
    %dma_wait3A_1117 = arith.constant 0 : i32
    %dma_wait3A_1118 = arith.constant 0 : i32
    %dma_wait3A_1119 = arith.constant 0 : i32
    %dma_wait3A_1120 = tpu.memref_slice %arg8[%dma_wait3A_1117, %dma_wait3A_1118, %dma_wait3A_1119] : memref<4x128x128xi32, #tpu.memory_space<vmem>> -> memref<1x128x128xi32, #tpu.memory_space<vmem>>
    %dma_wait3A_1121 = tpu.memref_squeeze %dma_wait3A_1120 : memref<1x128x128xi32, #tpu.memory_space<vmem>> -> memref<128x128xi32, #tpu.memory_space<vmem>>
    %dma_wait3A_1122 = arith.constant 0 : i32
    %dma_wait3A_1123 = tpu.memref_slice %arg5[%add3A_1103, %dma_wait3A_1122] : memref<102400x128xi32, #tpu.memory_space<hbm>> -> memref<128x128xi32, #tpu.memory_space<hbm>>
    %dma_wait3A_1124 = arith.constant 0 : i32
    %dma_wait3A_1125 = tpu.memref_slice %arg5[%add3A_1103, %dma_wait3A_1124] : memref<102400x128xi32, #tpu.memory_space<hbm>> -> memref<128x128xi32, #tpu.memory_space<hbm>>
    %dma_wait3A_1126 = arith.constant 0 : i32
    %dma_wait3A_1127 = arith.constant 0 : i32
    %dma_wait3A_1128 = tpu.memref_slice %arg8[%dma_wait3A_1117, %dma_wait3A_1126, %dma_wait3A_1127] : memref<4x128x128xi32, #tpu.memory_space<vmem>> -> memref<1x128x128xi32, #tpu.memory_space<vmem>>
    %dma_wait3A_1129 = tpu.memref_squeeze %dma_wait3A_1128 : memref<1x128x128xi32, #tpu.memory_space<vmem>> -> memref<128x128xi32, #tpu.memory_space<vmem>>
    tpu.wait_dma2 semaphore(%arg13 : memref<!tpu.dma_semaphore, #tpu.memory_space<semaphore_mem>>) src(%dma_wait3A_1129 : memref<128x128xi32, #tpu.memory_space<vmem>>) dst(%dma_wait3A_1125 : memref<128x128xi32, #tpu.memory_space<hbm>>)
    %dma_start3A_1130 = arith.constant 0 : i32
    %dma_start3A_1131 = arith.constant 0 : i32
    %dma_start3A_1132 = arith.constant 0 : i32
    %dma_start3A_1133 = arith.constant 0 : i32
    %dma_start3A_1134 = tpu.memref_slice %arg8[%dma_start3A_1131, %dma_start3A_1132, %dma_start3A_1133] : memref<4x128x128xi32, #tpu.memory_space<vmem>> -> memref<1x128x128xi32, #tpu.memory_space<vmem>>
    %dma_start3A_1135 = tpu.memref_squeeze %dma_start3A_1134 : memref<1x128x128xi32, #tpu.memory_space<vmem>> -> memref<128x128xi32, #tpu.memory_space<vmem>>
    %dma_start3A_1136 = arith.constant 3072 : i32
    %dma_start3A_1137 = tpu.memref_slice %arg7[%dma_start3A_1130, %dma_start3A_1136] : memref<2x3200xi32, #tpu.memory_space<vmem>> -> memref<1x128xi32, #tpu.memory_space<vmem>>
    %dma_start3A_1138 = tpu.memref_squeeze %dma_start3A_1137 : memref<1x128xi32, #tpu.memory_space<vmem>> -> memref<128xi32, #tpu.memory_space<vmem>>
    %dma_start3A_1139 = arith.constant 0 : i32
    %dma_start3A_1140 = arith.constant 0 : i32
    %dma_start3A_1141 = tpu.memref_slice %arg2[%dma_start3A_1139, %dma_start3A_1140] : memref<1000x128xi32, #tpu.memory_space<hbm>> -> memref<1000x128xi32, #tpu.memory_space<hbm>>
    tpu.enqueue_indirect_dma source(%dma_start3A_1141 : memref<1000x128xi32, #tpu.memory_space<hbm>>) target(%dma_start3A_1135 : memref<128x128xi32, #tpu.memory_space<vmem>>) offsets(%dma_start3A_1138 : memref<128xi32, #tpu.memory_space<vmem>>) semaphore(%arg9 : memref<!tpu.dma_semaphore, #tpu.memory_space<semaphore_mem>>)
    %dma_wait3A_1142 = arith.constant 0 : i32
    %dma_wait3A_1143 = arith.constant 1 : i32
    %dma_wait3A_1144 = arith.constant 0 : i32
    %dma_wait3A_1145 = arith.constant 0 : i32
    %dma_wait3A_1146 = tpu.memref_slice %arg8[%dma_wait3A_1143, %dma_wait3A_1144, %dma_wait3A_1145] : memref<4x128x128xi32, #tpu.memory_space<vmem>> -> memref<1x128x128xi32, #tpu.memory_space<vmem>>
    %dma_wait3A_1147 = tpu.memref_squeeze %dma_wait3A_1146 : memref<1x128x128xi32, #tpu.memory_space<vmem>> -> memref<128x128xi32, #tpu.memory_space<vmem>>
    %dma_wait3A_1148 = arith.constant 2688 : i32
    %dma_wait3A_1149 = tpu.memref_slice %arg7[%dma_wait3A_1142, %dma_wait3A_1148] : memref<2x3200xi32, #tpu.memory_space<vmem>> -> memref<1x128xi32, #tpu.memory_space<vmem>>
    %dma_wait3A_1150 = tpu.memref_squeeze %dma_wait3A_1149 : memref<1x128xi32, #tpu.memory_space<vmem>> -> memref<128xi32, #tpu.memory_space<vmem>>
    %dma_wait3A_1151 = arith.constant 0 : i32
    %dma_wait3A_1152 = arith.constant 0 : i32
    %dma_wait3A_1153 = tpu.memref_slice %arg2[%dma_wait3A_1151, %dma_wait3A_1152] : memref<1000x128xi32, #tpu.memory_space<hbm>> -> memref<1000x128xi32, #tpu.memory_space<hbm>>
    tpu.wait_indirect_dma semaphore(%arg10 : memref<!tpu.dma_semaphore, #tpu.memory_space<semaphore_mem>>) src(%dma_wait3A_1153 : memref<1000x128xi32, #tpu.memory_space<hbm>>) dst(%dma_wait3A_1147 : memref<128x128xi32, #tpu.memory_space<vmem>>)
    %add3A_1154 = arith.constant 2688 : i32
    %add3A_1155 = arith.addi %mul3A_2, %add3A_1154 : i32
    %dma_start3A_1156 = arith.constant 1 : i32
    %dma_start3A_1157 = arith.constant 0 : i32
    %dma_start3A_1158 = arith.constant 0 : i32
    %dma_start3A_1159 = tpu.memref_slice %arg8[%dma_start3A_1156, %dma_start3A_1157, %dma_start3A_1158] : memref<4x128x128xi32, #tpu.memory_space<vmem>> -> memref<1x128x128xi32, #tpu.memory_space<vmem>>
    %dma_start3A_1160 = tpu.memref_squeeze %dma_start3A_1159 : memref<1x128x128xi32, #tpu.memory_space<vmem>> -> memref<128x128xi32, #tpu.memory_space<vmem>>
    %dma_start3A_1161 = arith.constant 0 : i32
    %dma_start3A_1162 = tpu.memref_slice %arg5[%add3A_1155, %dma_start3A_1161] : memref<102400x128xi32, #tpu.memory_space<hbm>> -> memref<128x128xi32, #tpu.memory_space<hbm>>
    %dma_start3A_1163 = arith.constant 0 : i32
    %dma_start3A_1164 = tpu.memref_slice %arg5[%add3A_1155, %dma_start3A_1163] : memref<102400x128xi32, #tpu.memory_space<hbm>> -> memref<128x128xi32, #tpu.memory_space<hbm>>
    %dma_start3A_1165 = arith.constant 0 : i32
    %dma_start3A_1166 = arith.constant 0 : i32
    %dma_start3A_1167 = tpu.memref_slice %arg8[%dma_start3A_1156, %dma_start3A_1165, %dma_start3A_1166] : memref<4x128x128xi32, #tpu.memory_space<vmem>> -> memref<1x128x128xi32, #tpu.memory_space<vmem>>
    %dma_start3A_1168 = tpu.memref_squeeze %dma_start3A_1167 : memref<1x128x128xi32, #tpu.memory_space<vmem>> -> memref<128x128xi32, #tpu.memory_space<vmem>>
    tpu.enqueue_dma source(%dma_start3A_1168 : memref<128x128xi32, #tpu.memory_space<vmem>>) target(%dma_start3A_1164 : memref<128x128xi32, #tpu.memory_space<hbm>>) target_semaphore(%arg14 : memref<!tpu.dma_semaphore, #tpu.memory_space<semaphore_mem>>)
    %dma_wait3A_1169 = arith.constant 1 : i32
    %dma_wait3A_1170 = arith.constant 0 : i32
    %dma_wait3A_1171 = arith.constant 0 : i32
    %dma_wait3A_1172 = tpu.memref_slice %arg8[%dma_wait3A_1169, %dma_wait3A_1170, %dma_wait3A_1171] : memref<4x128x128xi32, #tpu.memory_space<vmem>> -> memref<1x128x128xi32, #tpu.memory_space<vmem>>
    %dma_wait3A_1173 = tpu.memref_squeeze %dma_wait3A_1172 : memref<1x128x128xi32, #tpu.memory_space<vmem>> -> memref<128x128xi32, #tpu.memory_space<vmem>>
    %dma_wait3A_1174 = arith.constant 0 : i32
    %dma_wait3A_1175 = tpu.memref_slice %arg5[%add3A_1155, %dma_wait3A_1174] : memref<102400x128xi32, #tpu.memory_space<hbm>> -> memref<128x128xi32, #tpu.memory_space<hbm>>
    %dma_wait3A_1176 = arith.constant 0 : i32
    %dma_wait3A_1177 = tpu.memref_slice %arg5[%add3A_1155, %dma_wait3A_1176] : memref<102400x128xi32, #tpu.memory_space<hbm>> -> memref<128x128xi32, #tpu.memory_space<hbm>>
    %dma_wait3A_1178 = arith.constant 0 : i32
    %dma_wait3A_1179 = arith.constant 0 : i32
    %dma_wait3A_1180 = tpu.memref_slice %arg8[%dma_wait3A_1169, %dma_wait3A_1178, %dma_wait3A_1179] : memref<4x128x128xi32, #tpu.memory_space<vmem>> -> memref<1x128x128xi32, #tpu.memory_space<vmem>>
    %dma_wait3A_1181 = tpu.memref_squeeze %dma_wait3A_1180 : memref<1x128x128xi32, #tpu.memory_space<vmem>> -> memref<128x128xi32, #tpu.memory_space<vmem>>
    tpu.wait_dma2 semaphore(%arg14 : memref<!tpu.dma_semaphore, #tpu.memory_space<semaphore_mem>>) src(%dma_wait3A_1181 : memref<128x128xi32, #tpu.memory_space<vmem>>) dst(%dma_wait3A_1177 : memref<128x128xi32, #tpu.memory_space<hbm>>)
    %dma_start3A_1182 = arith.constant 1 : i32
    %dma_start3A_1183 = arith.constant 1 : i32
    %dma_start3A_1184 = arith.constant 0 : i32
    %dma_start3A_1185 = arith.constant 0 : i32
    %dma_start3A_1186 = tpu.memref_slice %arg8[%dma_start3A_1183, %dma_start3A_1184, %dma_start3A_1185] : memref<4x128x128xi32, #tpu.memory_space<vmem>> -> memref<1x128x128xi32, #tpu.memory_space<vmem>>
    %dma_start3A_1187 = tpu.memref_squeeze %dma_start3A_1186 : memref<1x128x128xi32, #tpu.memory_space<vmem>> -> memref<128x128xi32, #tpu.memory_space<vmem>>
    %dma_start3A_1188 = arith.constant 0 : i32
    %dma_start3A_1189 = tpu.memref_slice %arg7[%dma_start3A_1182, %dma_start3A_1188] : memref<2x3200xi32, #tpu.memory_space<vmem>> -> memref<1x128xi32, #tpu.memory_space<vmem>>
    %dma_start3A_1190 = tpu.memref_squeeze %dma_start3A_1189 : memref<1x128xi32, #tpu.memory_space<vmem>> -> memref<128xi32, #tpu.memory_space<vmem>>
    %dma_start3A_1191 = arith.constant 0 : i32
    %dma_start3A_1192 = arith.constant 0 : i32
    %dma_start3A_1193 = tpu.memref_slice %arg2[%dma_start3A_1191, %dma_start3A_1192] : memref<1000x128xi32, #tpu.memory_space<hbm>> -> memref<1000x128xi32, #tpu.memory_space<hbm>>
    tpu.enqueue_indirect_dma source(%dma_start3A_1193 : memref<1000x128xi32, #tpu.memory_space<hbm>>) target(%dma_start3A_1187 : memref<128x128xi32, #tpu.memory_space<vmem>>) offsets(%dma_start3A_1190 : memref<128xi32, #tpu.memory_space<vmem>>) semaphore(%arg10 : memref<!tpu.dma_semaphore, #tpu.memory_space<semaphore_mem>>)
    %dma_wait3A_1194 = arith.constant 0 : i32
    %dma_wait3A_1195 = arith.constant 2 : i32
    %dma_wait3A_1196 = arith.constant 0 : i32
    %dma_wait3A_1197 = arith.constant 0 : i32
    %dma_wait3A_1198 = tpu.memref_slice %arg8[%dma_wait3A_1195, %dma_wait3A_1196, %dma_wait3A_1197] : memref<4x128x128xi32, #tpu.memory_space<vmem>> -> memref<1x128x128xi32, #tpu.memory_space<vmem>>
    %dma_wait3A_1199 = tpu.memref_squeeze %dma_wait3A_1198 : memref<1x128x128xi32, #tpu.memory_space<vmem>> -> memref<128x128xi32, #tpu.memory_space<vmem>>
    %dma_wait3A_1200 = arith.constant 2816 : i32
    %dma_wait3A_1201 = tpu.memref_slice %arg7[%dma_wait3A_1194, %dma_wait3A_1200] : memref<2x3200xi32, #tpu.memory_space<vmem>> -> memref<1x128xi32, #tpu.memory_space<vmem>>
    %dma_wait3A_1202 = tpu.memref_squeeze %dma_wait3A_1201 : memref<1x128xi32, #tpu.memory_space<vmem>> -> memref<128xi32, #tpu.memory_space<vmem>>
    %dma_wait3A_1203 = arith.constant 0 : i32
    %dma_wait3A_1204 = arith.constant 0 : i32
    %dma_wait3A_1205 = tpu.memref_slice %arg2[%dma_wait3A_1203, %dma_wait3A_1204] : memref<1000x128xi32, #tpu.memory_space<hbm>> -> memref<1000x128xi32, #tpu.memory_space<hbm>>
    tpu.wait_indirect_dma semaphore(%arg11 : memref<!tpu.dma_semaphore, #tpu.memory_space<semaphore_mem>>) src(%dma_wait3A_1205 : memref<1000x128xi32, #tpu.memory_space<hbm>>) dst(%dma_wait3A_1199 : memref<128x128xi32, #tpu.memory_space<vmem>>)
    %add3A_1206 = arith.constant 2816 : i32
    %add3A_1207 = arith.addi %mul3A_2, %add3A_1206 : i32
    %dma_start3A_1208 = arith.constant 2 : i32
    %dma_start3A_1209 = arith.constant 0 : i32
    %dma_start3A_1210 = arith.constant 0 : i32
    %dma_start3A_1211 = tpu.memref_slice %arg8[%dma_start3A_1208, %dma_start3A_1209, %dma_start3A_1210] : memref<4x128x128xi32, #tpu.memory_space<vmem>> -> memref<1x128x128xi32, #tpu.memory_space<vmem>>
    %dma_start3A_1212 = tpu.memref_squeeze %dma_start3A_1211 : memref<1x128x128xi32, #tpu.memory_space<vmem>> -> memref<128x128xi32, #tpu.memory_space<vmem>>
    %dma_start3A_1213 = arith.constant 0 : i32
    %dma_start3A_1214 = tpu.memref_slice %arg5[%add3A_1207, %dma_start3A_1213] : memref<102400x128xi32, #tpu.memory_space<hbm>> -> memref<128x128xi32, #tpu.memory_space<hbm>>
    %dma_start3A_1215 = arith.constant 0 : i32
    %dma_start3A_1216 = tpu.memref_slice %arg5[%add3A_1207, %dma_start3A_1215] : memref<102400x128xi32, #tpu.memory_space<hbm>> -> memref<128x128xi32, #tpu.memory_space<hbm>>
    %dma_start3A_1217 = arith.constant 0 : i32
    %dma_start3A_1218 = arith.constant 0 : i32
    %dma_start3A_1219 = tpu.memref_slice %arg8[%dma_start3A_1208, %dma_start3A_1217, %dma_start3A_1218] : memref<4x128x128xi32, #tpu.memory_space<vmem>> -> memref<1x128x128xi32, #tpu.memory_space<vmem>>
    %dma_start3A_1220 = tpu.memref_squeeze %dma_start3A_1219 : memref<1x128x128xi32, #tpu.memory_space<vmem>> -> memref<128x128xi32, #tpu.memory_space<vmem>>
    tpu.enqueue_dma source(%dma_start3A_1220 : memref<128x128xi32, #tpu.memory_space<vmem>>) target(%dma_start3A_1216 : memref<128x128xi32, #tpu.memory_space<hbm>>) target_semaphore(%arg15 : memref<!tpu.dma_semaphore, #tpu.memory_space<semaphore_mem>>)
    %dma_wait3A_1221 = arith.constant 2 : i32
    %dma_wait3A_1222 = arith.constant 0 : i32
    %dma_wait3A_1223 = arith.constant 0 : i32
    %dma_wait3A_1224 = tpu.memref_slice %arg8[%dma_wait3A_1221, %dma_wait3A_1222, %dma_wait3A_1223] : memref<4x128x128xi32, #tpu.memory_space<vmem>> -> memref<1x128x128xi32, #tpu.memory_space<vmem>>
    %dma_wait3A_1225 = tpu.memref_squeeze %dma_wait3A_1224 : memref<1x128x128xi32, #tpu.memory_space<vmem>> -> memref<128x128xi32, #tpu.memory_space<vmem>>
    %dma_wait3A_1226 = arith.constant 0 : i32
    %dma_wait3A_1227 = tpu.memref_slice %arg5[%add3A_1207, %dma_wait3A_1226] : memref<102400x128xi32, #tpu.memory_space<hbm>> -> memref<128x128xi32, #tpu.memory_space<hbm>>
    %dma_wait3A_1228 = arith.constant 0 : i32
    %dma_wait3A_1229 = tpu.memref_slice %arg5[%add3A_1207, %dma_wait3A_1228] : memref<102400x128xi32, #tpu.memory_space<hbm>> -> memref<128x128xi32, #tpu.memory_space<hbm>>
    %dma_wait3A_1230 = arith.constant 0 : i32
    %dma_wait3A_1231 = arith.constant 0 : i32
    %dma_wait3A_1232 = tpu.memref_slice %arg8[%dma_wait3A_1221, %dma_wait3A_1230, %dma_wait3A_1231] : memref<4x128x128xi32, #tpu.memory_space<vmem>> -> memref<1x128x128xi32, #tpu.memory_space<vmem>>
    %dma_wait3A_1233 = tpu.memref_squeeze %dma_wait3A_1232 : memref<1x128x128xi32, #tpu.memory_space<vmem>> -> memref<128x128xi32, #tpu.memory_space<vmem>>
    tpu.wait_dma2 semaphore(%arg15 : memref<!tpu.dma_semaphore, #tpu.memory_space<semaphore_mem>>) src(%dma_wait3A_1233 : memref<128x128xi32, #tpu.memory_space<vmem>>) dst(%dma_wait3A_1229 : memref<128x128xi32, #tpu.memory_space<hbm>>)
    %dma_start3A_1234 = arith.constant 1 : i32
    %dma_start3A_1235 = arith.constant 2 : i32
    %dma_start3A_1236 = arith.constant 0 : i32
    %dma_start3A_1237 = arith.constant 0 : i32
    %dma_start3A_1238 = tpu.memref_slice %arg8[%dma_start3A_1235, %dma_start3A_1236, %dma_start3A_1237] : memref<4x128x128xi32, #tpu.memory_space<vmem>> -> memref<1x128x128xi32, #tpu.memory_space<vmem>>
    %dma_start3A_1239 = tpu.memref_squeeze %dma_start3A_1238 : memref<1x128x128xi32, #tpu.memory_space<vmem>> -> memref<128x128xi32, #tpu.memory_space<vmem>>
    %dma_start3A_1240 = arith.constant 128 : i32
    %dma_start3A_1241 = tpu.memref_slice %arg7[%dma_start3A_1234, %dma_start3A_1240] : memref<2x3200xi32, #tpu.memory_space<vmem>> -> memref<1x128xi32, #tpu.memory_space<vmem>>
    %dma_start3A_1242 = tpu.memref_squeeze %dma_start3A_1241 : memref<1x128xi32, #tpu.memory_space<vmem>> -> memref<128xi32, #tpu.memory_space<vmem>>
    %dma_start3A_1243 = arith.constant 0 : i32
    %dma_start3A_1244 = arith.constant 0 : i32
    %dma_start3A_1245 = tpu.memref_slice %arg2[%dma_start3A_1243, %dma_start3A_1244] : memref<1000x128xi32, #tpu.memory_space<hbm>> -> memref<1000x128xi32, #tpu.memory_space<hbm>>
    tpu.enqueue_indirect_dma source(%dma_start3A_1245 : memref<1000x128xi32, #tpu.memory_space<hbm>>) target(%dma_start3A_1239 : memref<128x128xi32, #tpu.memory_space<vmem>>) offsets(%dma_start3A_1242 : memref<128xi32, #tpu.memory_space<vmem>>) semaphore(%arg11 : memref<!tpu.dma_semaphore, #tpu.memory_space<semaphore_mem>>)
    %dma_wait3A_1246 = arith.constant 0 : i32
    %dma_wait3A_1247 = arith.constant 3 : i32
    %dma_wait3A_1248 = arith.constant 0 : i32
    %dma_wait3A_1249 = arith.constant 0 : i32
    %dma_wait3A_1250 = tpu.memref_slice %arg8[%dma_wait3A_1247, %dma_wait3A_1248, %dma_wait3A_1249] : memref<4x128x128xi32, #tpu.memory_space<vmem>> -> memref<1x128x128xi32, #tpu.memory_space<vmem>>
    %dma_wait3A_1251 = tpu.memref_squeeze %dma_wait3A_1250 : memref<1x128x128xi32, #tpu.memory_space<vmem>> -> memref<128x128xi32, #tpu.memory_space<vmem>>
    %dma_wait3A_1252 = arith.constant 2944 : i32
    %dma_wait3A_1253 = tpu.memref_slice %arg7[%dma_wait3A_1246, %dma_wait3A_1252] : memref<2x3200xi32, #tpu.memory_space<vmem>> -> memref<1x128xi32, #tpu.memory_space<vmem>>
    %dma_wait3A_1254 = tpu.memref_squeeze %dma_wait3A_1253 : memref<1x128xi32, #tpu.memory_space<vmem>> -> memref<128xi32, #tpu.memory_space<vmem>>
    %dma_wait3A_1255 = arith.constant 0 : i32
    %dma_wait3A_1256 = arith.constant 0 : i32
    %dma_wait3A_1257 = tpu.memref_slice %arg2[%dma_wait3A_1255, %dma_wait3A_1256] : memref<1000x128xi32, #tpu.memory_space<hbm>> -> memref<1000x128xi32, #tpu.memory_space<hbm>>
    tpu.wait_indirect_dma semaphore(%arg12 : memref<!tpu.dma_semaphore, #tpu.memory_space<semaphore_mem>>) src(%dma_wait3A_1257 : memref<1000x128xi32, #tpu.memory_space<hbm>>) dst(%dma_wait3A_1251 : memref<128x128xi32, #tpu.memory_space<vmem>>)
    %add3A_1258 = arith.constant 2944 : i32
    %add3A_1259 = arith.addi %mul3A_2, %add3A_1258 : i32
    %dma_start3A_1260 = arith.constant 3 : i32
    %dma_start3A_1261 = arith.constant 0 : i32
    %dma_start3A_1262 = arith.constant 0 : i32
    %dma_start3A_1263 = tpu.memref_slice %arg8[%dma_start3A_1260, %dma_start3A_1261, %dma_start3A_1262] : memref<4x128x128xi32, #tpu.memory_space<vmem>> -> memref<1x128x128xi32, #tpu.memory_space<vmem>>
    %dma_start3A_1264 = tpu.memref_squeeze %dma_start3A_1263 : memref<1x128x128xi32, #tpu.memory_space<vmem>> -> memref<128x128xi32, #tpu.memory_space<vmem>>
    %dma_start3A_1265 = arith.constant 0 : i32
    %dma_start3A_1266 = tpu.memref_slice %arg5[%add3A_1259, %dma_start3A_1265] : memref<102400x128xi32, #tpu.memory_space<hbm>> -> memref<128x128xi32, #tpu.memory_space<hbm>>
    %dma_start3A_1267 = arith.constant 0 : i32
    %dma_start3A_1268 = tpu.memref_slice %arg5[%add3A_1259, %dma_start3A_1267] : memref<102400x128xi32, #tpu.memory_space<hbm>> -> memref<128x128xi32, #tpu.memory_space<hbm>>
    %dma_start3A_1269 = arith.constant 0 : i32
    %dma_start3A_1270 = arith.constant 0 : i32
    %dma_start3A_1271 = tpu.memref_slice %arg8[%dma_start3A_1260, %dma_start3A_1269, %dma_start3A_1270] : memref<4x128x128xi32, #tpu.memory_space<vmem>> -> memref<1x128x128xi32, #tpu.memory_space<vmem>>
    %dma_start3A_1272 = tpu.memref_squeeze %dma_start3A_1271 : memref<1x128x128xi32, #tpu.memory_space<vmem>> -> memref<128x128xi32, #tpu.memory_space<vmem>>
    tpu.enqueue_dma source(%dma_start3A_1272 : memref<128x128xi32, #tpu.memory_space<vmem>>) target(%dma_start3A_1268 : memref<128x128xi32, #tpu.memory_space<hbm>>) target_semaphore(%arg16 : memref<!tpu.dma_semaphore, #tpu.memory_space<semaphore_mem>>)
    %dma_wait3A_1273 = arith.constant 3 : i32
    %dma_wait3A_1274 = arith.constant 0 : i32
    %dma_wait3A_1275 = arith.constant 0 : i32
    %dma_wait3A_1276 = tpu.memref_slice %arg8[%dma_wait3A_1273, %dma_wait3A_1274, %dma_wait3A_1275] : memref<4x128x128xi32, #tpu.memory_space<vmem>> -> memref<1x128x128xi32, #tpu.memory_space<vmem>>
    %dma_wait3A_1277 = tpu.memref_squeeze %dma_wait3A_1276 : memref<1x128x128xi32, #tpu.memory_space<vmem>> -> memref<128x128xi32, #tpu.memory_space<vmem>>
    %dma_wait3A_1278 = arith.constant 0 : i32
    %dma_wait3A_1279 = tpu.memref_slice %arg5[%add3A_1259, %dma_wait3A_1278] : memref<102400x128xi32, #tpu.memory_space<hbm>> -> memref<128x128xi32, #tpu.memory_space<hbm>>
    %dma_wait3A_1280 = arith.constant 0 : i32
    %dma_wait3A_1281 = tpu.memref_slice %arg5[%add3A_1259, %dma_wait3A_1280] : memref<102400x128xi32, #tpu.memory_space<hbm>> -> memref<128x128xi32, #tpu.memory_space<hbm>>
    %dma_wait3A_1282 = arith.constant 0 : i32
    %dma_wait3A_1283 = arith.constant 0 : i32
    %dma_wait3A_1284 = tpu.memref_slice %arg8[%dma_wait3A_1273, %dma_wait3A_1282, %dma_wait3A_1283] : memref<4x128x128xi32, #tpu.memory_space<vmem>> -> memref<1x128x128xi32, #tpu.memory_space<vmem>>
    %dma_wait3A_1285 = tpu.memref_squeeze %dma_wait3A_1284 : memref<1x128x128xi32, #tpu.memory_space<vmem>> -> memref<128x128xi32, #tpu.memory_space<vmem>>
    tpu.wait_dma2 semaphore(%arg16 : memref<!tpu.dma_semaphore, #tpu.memory_space<semaphore_mem>>) src(%dma_wait3A_1285 : memref<128x128xi32, #tpu.memory_space<vmem>>) dst(%dma_wait3A_1281 : memref<128x128xi32, #tpu.memory_space<hbm>>)
    %dma_start3A_1286 = arith.constant 1 : i32
    %dma_start3A_1287 = arith.constant 3 : i32
    %dma_start3A_1288 = arith.constant 0 : i32
    %dma_start3A_1289 = arith.constant 0 : i32
    %dma_start3A_1290 = tpu.memref_slice %arg8[%dma_start3A_1287, %dma_start3A_1288, %dma_start3A_1289] : memref<4x128x128xi32, #tpu.memory_space<vmem>> -> memref<1x128x128xi32, #tpu.memory_space<vmem>>
    %dma_start3A_1291 = tpu.memref_squeeze %dma_start3A_1290 : memref<1x128x128xi32, #tpu.memory_space<vmem>> -> memref<128x128xi32, #tpu.memory_space<vmem>>
    %dma_start3A_1292 = arith.constant 256 : i32
    %dma_start3A_1293 = tpu.memref_slice %arg7[%dma_start3A_1286, %dma_start3A_1292] : memref<2x3200xi32, #tpu.memory_space<vmem>> -> memref<1x128xi32, #tpu.memory_space<vmem>>
    %dma_start3A_1294 = tpu.memref_squeeze %dma_start3A_1293 : memref<1x128xi32, #tpu.memory_space<vmem>> -> memref<128xi32, #tpu.memory_space<vmem>>
    %dma_start3A_1295 = arith.constant 0 : i32
    %dma_start3A_1296 = arith.constant 0 : i32
    %dma_start3A_1297 = tpu.memref_slice %arg2[%dma_start3A_1295, %dma_start3A_1296] : memref<1000x128xi32, #tpu.memory_space<hbm>> -> memref<1000x128xi32, #tpu.memory_space<hbm>>
    tpu.enqueue_indirect_dma source(%dma_start3A_1297 : memref<1000x128xi32, #tpu.memory_space<hbm>>) target(%dma_start3A_1291 : memref<128x128xi32, #tpu.memory_space<vmem>>) offsets(%dma_start3A_1294 : memref<128xi32, #tpu.memory_space<vmem>>) semaphore(%arg12 : memref<!tpu.dma_semaphore, #tpu.memory_space<semaphore_mem>>)
    %dma_wait3A_1298 = arith.constant 0 : i32
    %dma_wait3A_1299 = arith.constant 0 : i32
    %dma_wait3A_1300 = arith.constant 0 : i32
    %dma_wait3A_1301 = arith.constant 0 : i32
    %dma_wait3A_1302 = tpu.memref_slice %arg8[%dma_wait3A_1299, %dma_wait3A_1300, %dma_wait3A_1301] : memref<4x128x128xi32, #tpu.memory_space<vmem>> -> memref<1x128x128xi32, #tpu.memory_space<vmem>>
    %dma_wait3A_1303 = tpu.memref_squeeze %dma_wait3A_1302 : memref<1x128x128xi32, #tpu.memory_space<vmem>> -> memref<128x128xi32, #tpu.memory_space<vmem>>
    %dma_wait3A_1304 = arith.constant 3072 : i32
    %dma_wait3A_1305 = tpu.memref_slice %arg7[%dma_wait3A_1298, %dma_wait3A_1304] : memref<2x3200xi32, #tpu.memory_space<vmem>> -> memref<1x128xi32, #tpu.memory_space<vmem>>
    %dma_wait3A_1306 = tpu.memref_squeeze %dma_wait3A_1305 : memref<1x128xi32, #tpu.memory_space<vmem>> -> memref<128xi32, #tpu.memory_space<vmem>>
    %dma_wait3A_1307 = arith.constant 0 : i32
    %dma_wait3A_1308 = arith.constant 0 : i32
    %dma_wait3A_1309 = tpu.memref_slice %arg2[%dma_wait3A_1307, %dma_wait3A_1308] : memref<1000x128xi32, #tpu.memory_space<hbm>> -> memref<1000x128xi32, #tpu.memory_space<hbm>>
    tpu.wait_indirect_dma semaphore(%arg9 : memref<!tpu.dma_semaphore, #tpu.memory_space<semaphore_mem>>) src(%dma_wait3A_1309 : memref<1000x128xi32, #tpu.memory_space<hbm>>) dst(%dma_wait3A_1303 : memref<128x128xi32, #tpu.memory_space<vmem>>)
    %add3A_1310 = arith.constant 3072 : i32
    %add3A_1311 = arith.addi %mul3A_2, %add3A_1310 : i32
    %dma_start3A_1312 = arith.constant 0 : i32
    %dma_start3A_1313 = arith.constant 0 : i32
    %dma_start3A_1314 = arith.constant 0 : i32
    %dma_start3A_1315 = tpu.memref_slice %arg8[%dma_start3A_1312, %dma_start3A_1313, %dma_start3A_1314] : memref<4x128x128xi32, #tpu.memory_space<vmem>> -> memref<1x128x128xi32, #tpu.memory_space<vmem>>
    %dma_start3A_1316 = tpu.memref_squeeze %dma_start3A_1315 : memref<1x128x128xi32, #tpu.memory_space<vmem>> -> memref<128x128xi32, #tpu.memory_space<vmem>>
    %dma_start3A_1317 = arith.constant 0 : i32
    %dma_start3A_1318 = tpu.memref_slice %arg5[%add3A_1311, %dma_start3A_1317] : memref<102400x128xi32, #tpu.memory_space<hbm>> -> memref<128x128xi32, #tpu.memory_space<hbm>>
    %dma_start3A_1319 = arith.constant 0 : i32
    %dma_start3A_1320 = tpu.memref_slice %arg5[%add3A_1311, %dma_start3A_1319] : memref<102400x128xi32, #tpu.memory_space<hbm>> -> memref<128x128xi32, #tpu.memory_space<hbm>>
    %dma_start3A_1321 = arith.constant 0 : i32
    %dma_start3A_1322 = arith.constant 0 : i32
    %dma_start3A_1323 = tpu.memref_slice %arg8[%dma_start3A_1312, %dma_start3A_1321, %dma_start3A_1322] : memref<4x128x128xi32, #tpu.memory_space<vmem>> -> memref<1x128x128xi32, #tpu.memory_space<vmem>>
    %dma_start3A_1324 = tpu.memref_squeeze %dma_start3A_1323 : memref<1x128x128xi32, #tpu.memory_space<vmem>> -> memref<128x128xi32, #tpu.memory_space<vmem>>
    tpu.enqueue_dma source(%dma_start3A_1324 : memref<128x128xi32, #tpu.memory_space<vmem>>) target(%dma_start3A_1320 : memref<128x128xi32, #tpu.memory_space<hbm>>) target_semaphore(%arg13 : memref<!tpu.dma_semaphore, #tpu.memory_space<semaphore_mem>>)
    %dma_wait3A_1325 = arith.constant 0 : i32
    %dma_wait3A_1326 = arith.constant 0 : i32
    %dma_wait3A_1327 = arith.constant 0 : i32
    %dma_wait3A_1328 = tpu.memref_slice %arg8[%dma_wait3A_1325, %dma_wait3A_1326, %dma_wait3A_1327] : memref<4x128x128xi32, #tpu.memory_space<vmem>> -> memref<1x128x128xi32, #tpu.memory_space<vmem>>
    %dma_wait3A_1329 = tpu.memref_squeeze %dma_wait3A_1328 : memref<1x128x128xi32, #tpu.memory_space<vmem>> -> memref<128x128xi32, #tpu.memory_space<vmem>>
    %dma_wait3A_1330 = arith.constant 0 : i32
    %dma_wait3A_1331 = tpu.memref_slice %arg5[%add3A_1311, %dma_wait3A_1330] : memref<102400x128xi32, #tpu.memory_space<hbm>> -> memref<128x128xi32, #tpu.memory_space<hbm>>
    %dma_wait3A_1332 = arith.constant 0 : i32
    %dma_wait3A_1333 = tpu.memref_slice %arg5[%add3A_1311, %dma_wait3A_1332] : memref<102400x128xi32, #tpu.memory_space<hbm>> -> memref<128x128xi32, #tpu.memory_space<hbm>>
    %dma_wait3A_1334 = arith.constant 0 : i32
    %dma_wait3A_1335 = arith.constant 0 : i32
    %dma_wait3A_1336 = tpu.memref_slice %arg8[%dma_wait3A_1325, %dma_wait3A_1334, %dma_wait3A_1335] : memref<4x128x128xi32, #tpu.memory_space<vmem>> -> memref<1x128x128xi32, #tpu.memory_space<vmem>>
    %dma_wait3A_1337 = tpu.memref_squeeze %dma_wait3A_1336 : memref<1x128x128xi32, #tpu.memory_space<vmem>> -> memref<128x128xi32, #tpu.memory_space<vmem>>
    tpu.wait_dma2 semaphore(%arg13 : memref<!tpu.dma_semaphore, #tpu.memory_space<semaphore_mem>>) src(%dma_wait3A_1337 : memref<128x128xi32, #tpu.memory_space<vmem>>) dst(%dma_wait3A_1333 : memref<128x128xi32, #tpu.memory_space<hbm>>)
    %dma_start3A_1338 = arith.constant 1 : i32
    %dma_start3A_1339 = arith.constant 0 : i32
    %dma_start3A_1340 = arith.constant 0 : i32
    %dma_start3A_1341 = arith.constant 0 : i32
    %dma_start3A_1342 = tpu.memref_slice %arg8[%dma_start3A_1339, %dma_start3A_1340, %dma_start3A_1341] : memref<4x128x128xi32, #tpu.memory_space<vmem>> -> memref<1x128x128xi32, #tpu.memory_space<vmem>>
    %dma_start3A_1343 = tpu.memref_squeeze %dma_start3A_1342 : memref<1x128x128xi32, #tpu.memory_space<vmem>> -> memref<128x128xi32, #tpu.memory_space<vmem>>
    %dma_start3A_1344 = arith.constant 384 : i32
    %dma_start3A_1345 = tpu.memref_slice %arg7[%dma_start3A_1338, %dma_start3A_1344] : memref<2x3200xi32, #tpu.memory_space<vmem>> -> memref<1x128xi32, #tpu.memory_space<vmem>>
    %dma_start3A_1346 = tpu.memref_squeeze %dma_start3A_1345 : memref<1x128xi32, #tpu.memory_space<vmem>> -> memref<128xi32, #tpu.memory_space<vmem>>
    %dma_start3A_1347 = arith.constant 0 : i32
    %dma_start3A_1348 = arith.constant 0 : i32
    %dma_start3A_1349 = tpu.memref_slice %arg2[%dma_start3A_1347, %dma_start3A_1348] : memref<1000x128xi32, #tpu.memory_space<hbm>> -> memref<1000x128xi32, #tpu.memory_space<hbm>>
    tpu.enqueue_indirect_dma source(%dma_start3A_1349 : memref<1000x128xi32, #tpu.memory_space<hbm>>) target(%dma_start3A_1343 : memref<128x128xi32, #tpu.memory_space<vmem>>) offsets(%dma_start3A_1346 : memref<128xi32, #tpu.memory_space<vmem>>) semaphore(%arg9 : memref<!tpu.dma_semaphore, #tpu.memory_space<semaphore_mem>>)
    %dma_wait3A_1350 = arith.constant 1 : i32
    %dma_wait3A_1351 = arith.constant 1 : i32
    %dma_wait3A_1352 = arith.constant 0 : i32
    %dma_wait3A_1353 = arith.constant 0 : i32
    %dma_wait3A_1354 = tpu.memref_slice %arg8[%dma_wait3A_1351, %dma_wait3A_1352, %dma_wait3A_1353] : memref<4x128x128xi32, #tpu.memory_space<vmem>> -> memref<1x128x128xi32, #tpu.memory_space<vmem>>
    %dma_wait3A_1355 = tpu.memref_squeeze %dma_wait3A_1354 : memref<1x128x128xi32, #tpu.memory_space<vmem>> -> memref<128x128xi32, #tpu.memory_space<vmem>>
    %dma_wait3A_1356 = arith.constant 0 : i32
    %dma_wait3A_1357 = tpu.memref_slice %arg7[%dma_wait3A_1350, %dma_wait3A_1356] : memref<2x3200xi32, #tpu.memory_space<vmem>> -> memref<1x128xi32, #tpu.memory_space<vmem>>
    %dma_wait3A_1358 = tpu.memref_squeeze %dma_wait3A_1357 : memref<1x128xi32, #tpu.memory_space<vmem>> -> memref<128xi32, #tpu.memory_space<vmem>>
    %dma_wait3A_1359 = arith.constant 0 : i32
    %dma_wait3A_1360 = arith.constant 0 : i32
    %dma_wait3A_1361 = tpu.memref_slice %arg2[%dma_wait3A_1359, %dma_wait3A_1360] : memref<1000x128xi32, #tpu.memory_space<hbm>> -> memref<1000x128xi32, #tpu.memory_space<hbm>>
    tpu.wait_indirect_dma semaphore(%arg10 : memref<!tpu.dma_semaphore, #tpu.memory_space<semaphore_mem>>) src(%dma_wait3A_1361 : memref<1000x128xi32, #tpu.memory_space<hbm>>) dst(%dma_wait3A_1355 : memref<128x128xi32, #tpu.memory_space<vmem>>)
    %add3A_1362 = arith.constant 0 : i32
    %add3A_1363 = arith.addi %mul3A_2, %add3A_1362 : i32
    %dma_start3A_1364 = arith.constant 1 : i32
    %dma_start3A_1365 = arith.constant 0 : i32
    %dma_start3A_1366 = arith.constant 0 : i32
    %dma_start3A_1367 = tpu.memref_slice %arg8[%dma_start3A_1364, %dma_start3A_1365, %dma_start3A_1366] : memref<4x128x128xi32, #tpu.memory_space<vmem>> -> memref<1x128x128xi32, #tpu.memory_space<vmem>>
    %dma_start3A_1368 = tpu.memref_squeeze %dma_start3A_1367 : memref<1x128x128xi32, #tpu.memory_space<vmem>> -> memref<128x128xi32, #tpu.memory_space<vmem>>
    %dma_start3A_1369 = arith.constant 0 : i32
    %dma_start3A_1370 = tpu.memref_slice %arg6[%add3A_1363, %dma_start3A_1369] : memref<102400x128xi32, #tpu.memory_space<hbm>> -> memref<128x128xi32, #tpu.memory_space<hbm>>
    %dma_start3A_1371 = arith.constant 0 : i32
    %dma_start3A_1372 = tpu.memref_slice %arg6[%add3A_1363, %dma_start3A_1371] : memref<102400x128xi32, #tpu.memory_space<hbm>> -> memref<128x128xi32, #tpu.memory_space<hbm>>
    %dma_start3A_1373 = arith.constant 0 : i32
    %dma_start3A_1374 = arith.constant 0 : i32
    %dma_start3A_1375 = tpu.memref_slice %arg8[%dma_start3A_1364, %dma_start3A_1373, %dma_start3A_1374] : memref<4x128x128xi32, #tpu.memory_space<vmem>> -> memref<1x128x128xi32, #tpu.memory_space<vmem>>
    %dma_start3A_1376 = tpu.memref_squeeze %dma_start3A_1375 : memref<1x128x128xi32, #tpu.memory_space<vmem>> -> memref<128x128xi32, #tpu.memory_space<vmem>>
    tpu.enqueue_dma source(%dma_start3A_1376 : memref<128x128xi32, #tpu.memory_space<vmem>>) target(%dma_start3A_1372 : memref<128x128xi32, #tpu.memory_space<hbm>>) target_semaphore(%arg14 : memref<!tpu.dma_semaphore, #tpu.memory_space<semaphore_mem>>)
    %dma_wait3A_1377 = arith.constant 1 : i32
    %dma_wait3A_1378 = arith.constant 0 : i32
    %dma_wait3A_1379 = arith.constant 0 : i32
    %dma_wait3A_1380 = tpu.memref_slice %arg8[%dma_wait3A_1377, %dma_wait3A_1378, %dma_wait3A_1379] : memref<4x128x128xi32, #tpu.memory_space<vmem>> -> memref<1x128x128xi32, #tpu.memory_space<vmem>>
    %dma_wait3A_1381 = tpu.memref_squeeze %dma_wait3A_1380 : memref<1x128x128xi32, #tpu.memory_space<vmem>> -> memref<128x128xi32, #tpu.memory_space<vmem>>
    %dma_wait3A_1382 = arith.constant 0 : i32
    %dma_wait3A_1383 = tpu.memref_slice %arg6[%add3A_1363, %dma_wait3A_1382] : memref<102400x128xi32, #tpu.memory_space<hbm>> -> memref<128x128xi32, #tpu.memory_space<hbm>>
    %dma_wait3A_1384 = arith.constant 0 : i32
    %dma_wait3A_1385 = tpu.memref_slice %arg6[%add3A_1363, %dma_wait3A_1384] : memref<102400x128xi32, #tpu.memory_space<hbm>> -> memref<128x128xi32, #tpu.memory_space<hbm>>
    %dma_wait3A_1386 = arith.constant 0 : i32
    %dma_wait3A_1387 = arith.constant 0 : i32
    %dma_wait3A_1388 = tpu.memref_slice %arg8[%dma_wait3A_1377, %dma_wait3A_1386, %dma_wait3A_1387] : memref<4x128x128xi32, #tpu.memory_space<vmem>> -> memref<1x128x128xi32, #tpu.memory_space<vmem>>
    %dma_wait3A_1389 = tpu.memref_squeeze %dma_wait3A_1388 : memref<1x128x128xi32, #tpu.memory_space<vmem>> -> memref<128x128xi32, #tpu.memory_space<vmem>>
    tpu.wait_dma2 semaphore(%arg14 : memref<!tpu.dma_semaphore, #tpu.memory_space<semaphore_mem>>) src(%dma_wait3A_1389 : memref<128x128xi32, #tpu.memory_space<vmem>>) dst(%dma_wait3A_1385 : memref<128x128xi32, #tpu.memory_space<hbm>>)
    %dma_start3A_1390 = arith.constant 1 : i32
    %dma_start3A_1391 = arith.constant 1 : i32
    %dma_start3A_1392 = arith.constant 0 : i32
    %dma_start3A_1393 = arith.constant 0 : i32
    %dma_start3A_1394 = tpu.memref_slice %arg8[%dma_start3A_1391, %dma_start3A_1392, %dma_start3A_1393] : memref<4x128x128xi32, #tpu.memory_space<vmem>> -> memref<1x128x128xi32, #tpu.memory_space<vmem>>
    %dma_start3A_1395 = tpu.memref_squeeze %dma_start3A_1394 : memref<1x128x128xi32, #tpu.memory_space<vmem>> -> memref<128x128xi32, #tpu.memory_space<vmem>>
    %dma_start3A_1396 = arith.constant 512 : i32
    %dma_start3A_1397 = tpu.memref_slice %arg7[%dma_start3A_1390, %dma_start3A_1396] : memref<2x3200xi32, #tpu.memory_space<vmem>> -> memref<1x128xi32, #tpu.memory_space<vmem>>
    %dma_start3A_1398 = tpu.memref_squeeze %dma_start3A_1397 : memref<1x128xi32, #tpu.memory_space<vmem>> -> memref<128xi32, #tpu.memory_space<vmem>>
    %dma_start3A_1399 = arith.constant 0 : i32
    %dma_start3A_1400 = arith.constant 0 : i32
    %dma_start3A_1401 = tpu.memref_slice %arg2[%dma_start3A_1399, %dma_start3A_1400] : memref<1000x128xi32, #tpu.memory_space<hbm>> -> memref<1000x128xi32, #tpu.memory_space<hbm>>
    tpu.enqueue_indirect_dma source(%dma_start3A_1401 : memref<1000x128xi32, #tpu.memory_space<hbm>>) target(%dma_start3A_1395 : memref<128x128xi32, #tpu.memory_space<vmem>>) offsets(%dma_start3A_1398 : memref<128xi32, #tpu.memory_space<vmem>>) semaphore(%arg10 : memref<!tpu.dma_semaphore, #tpu.memory_space<semaphore_mem>>)
    %dma_wait3A_1402 = arith.constant 1 : i32
    %dma_wait3A_1403 = arith.constant 2 : i32
    %dma_wait3A_1404 = arith.constant 0 : i32
    %dma_wait3A_1405 = arith.constant 0 : i32
    %dma_wait3A_1406 = tpu.memref_slice %arg8[%dma_wait3A_1403, %dma_wait3A_1404, %dma_wait3A_1405] : memref<4x128x128xi32, #tpu.memory_space<vmem>> -> memref<1x128x128xi32, #tpu.memory_space<vmem>>
    %dma_wait3A_1407 = tpu.memref_squeeze %dma_wait3A_1406 : memref<1x128x128xi32, #tpu.memory_space<vmem>> -> memref<128x128xi32, #tpu.memory_space<vmem>>
    %dma_wait3A_1408 = arith.constant 128 : i32
    %dma_wait3A_1409 = tpu.memref_slice %arg7[%dma_wait3A_1402, %dma_wait3A_1408] : memref<2x3200xi32, #tpu.memory_space<vmem>> -> memref<1x128xi32, #tpu.memory_space<vmem>>
    %dma_wait3A_1410 = tpu.memref_squeeze %dma_wait3A_1409 : memref<1x128xi32, #tpu.memory_space<vmem>> -> memref<128xi32, #tpu.memory_space<vmem>>
    %dma_wait3A_1411 = arith.constant 0 : i32
    %dma_wait3A_1412 = arith.constant 0 : i32
    %dma_wait3A_1413 = tpu.memref_slice %arg2[%dma_wait3A_1411, %dma_wait3A_1412] : memref<1000x128xi32, #tpu.memory_space<hbm>> -> memref<1000x128xi32, #tpu.memory_space<hbm>>
    tpu.wait_indirect_dma semaphore(%arg11 : memref<!tpu.dma_semaphore, #tpu.memory_space<semaphore_mem>>) src(%dma_wait3A_1413 : memref<1000x128xi32, #tpu.memory_space<hbm>>) dst(%dma_wait3A_1407 : memref<128x128xi32, #tpu.memory_space<vmem>>)
    %add3A_1414 = arith.constant 128 : i32
    %add3A_1415 = arith.addi %mul3A_2, %add3A_1414 : i32
    %dma_start3A_1416 = arith.constant 2 : i32
    %dma_start3A_1417 = arith.constant 0 : i32
    %dma_start3A_1418 = arith.constant 0 : i32
    %dma_start3A_1419 = tpu.memref_slice %arg8[%dma_start3A_1416, %dma_start3A_1417, %dma_start3A_1418] : memref<4x128x128xi32, #tpu.memory_space<vmem>> -> memref<1x128x128xi32, #tpu.memory_space<vmem>>
    %dma_start3A_1420 = tpu.memref_squeeze %dma_start3A_1419 : memref<1x128x128xi32, #tpu.memory_space<vmem>> -> memref<128x128xi32, #tpu.memory_space<vmem>>
    %dma_start3A_1421 = arith.constant 0 : i32
    %dma_start3A_1422 = tpu.memref_slice %arg6[%add3A_1415, %dma_start3A_1421] : memref<102400x128xi32, #tpu.memory_space<hbm>> -> memref<128x128xi32, #tpu.memory_space<hbm>>
    %dma_start3A_1423 = arith.constant 0 : i32
    %dma_start3A_1424 = tpu.memref_slice %arg6[%add3A_1415, %dma_start3A_1423] : memref<102400x128xi32, #tpu.memory_space<hbm>> -> memref<128x128xi32, #tpu.memory_space<hbm>>
    %dma_start3A_1425 = arith.constant 0 : i32
    %dma_start3A_1426 = arith.constant 0 : i32
    %dma_start3A_1427 = tpu.memref_slice %arg8[%dma_start3A_1416, %dma_start3A_1425, %dma_start3A_1426] : memref<4x128x128xi32, #tpu.memory_space<vmem>> -> memref<1x128x128xi32, #tpu.memory_space<vmem>>
    %dma_start3A_1428 = tpu.memref_squeeze %dma_start3A_1427 : memref<1x128x128xi32, #tpu.memory_space<vmem>> -> memref<128x128xi32, #tpu.memory_space<vmem>>
    tpu.enqueue_dma source(%dma_start3A_1428 : memref<128x128xi32, #tpu.memory_space<vmem>>) target(%dma_start3A_1424 : memref<128x128xi32, #tpu.memory_space<hbm>>) target_semaphore(%arg15 : memref<!tpu.dma_semaphore, #tpu.memory_space<semaphore_mem>>)
    %dma_wait3A_1429 = arith.constant 2 : i32
    %dma_wait3A_1430 = arith.constant 0 : i32
    %dma_wait3A_1431 = arith.constant 0 : i32
    %dma_wait3A_1432 = tpu.memref_slice %arg8[%dma_wait3A_1429, %dma_wait3A_1430, %dma_wait3A_1431] : memref<4x128x128xi32, #tpu.memory_space<vmem>> -> memref<1x128x128xi32, #tpu.memory_space<vmem>>
    %dma_wait3A_1433 = tpu.memref_squeeze %dma_wait3A_1432 : memref<1x128x128xi32, #tpu.memory_space<vmem>> -> memref<128x128xi32, #tpu.memory_space<vmem>>
    %dma_wait3A_1434 = arith.constant 0 : i32
    %dma_wait3A_1435 = tpu.memref_slice %arg6[%add3A_1415, %dma_wait3A_1434] : memref<102400x128xi32, #tpu.memory_space<hbm>> -> memref<128x128xi32, #tpu.memory_space<hbm>>
    %dma_wait3A_1436 = arith.constant 0 : i32
    %dma_wait3A_1437 = tpu.memref_slice %arg6[%add3A_1415, %dma_wait3A_1436] : memref<102400x128xi32, #tpu.memory_space<hbm>> -> memref<128x128xi32, #tpu.memory_space<hbm>>
    %dma_wait3A_1438 = arith.constant 0 : i32
    %dma_wait3A_1439 = arith.constant 0 : i32
    %dma_wait3A_1440 = tpu.memref_slice %arg8[%dma_wait3A_1429, %dma_wait3A_1438, %dma_wait3A_1439] : memref<4x128x128xi32, #tpu.memory_space<vmem>> -> memref<1x128x128xi32, #tpu.memory_space<vmem>>
    %dma_wait3A_1441 = tpu.memref_squeeze %dma_wait3A_1440 : memref<1x128x128xi32, #tpu.memory_space<vmem>> -> memref<128x128xi32, #tpu.memory_space<vmem>>
    tpu.wait_dma2 semaphore(%arg15 : memref<!tpu.dma_semaphore, #tpu.memory_space<semaphore_mem>>) src(%dma_wait3A_1441 : memref<128x128xi32, #tpu.memory_space<vmem>>) dst(%dma_wait3A_1437 : memref<128x128xi32, #tpu.memory_space<hbm>>)
    %dma_start3A_1442 = arith.constant 1 : i32
    %dma_start3A_1443 = arith.constant 2 : i32
    %dma_start3A_1444 = arith.constant 0 : i32
    %dma_start3A_1445 = arith.constant 0 : i32
    %dma_start3A_1446 = tpu.memref_slice %arg8[%dma_start3A_1443, %dma_start3A_1444, %dma_start3A_1445] : memref<4x128x128xi32, #tpu.memory_space<vmem>> -> memref<1x128x128xi32, #tpu.memory_space<vmem>>
    %dma_start3A_1447 = tpu.memref_squeeze %dma_start3A_1446 : memref<1x128x128xi32, #tpu.memory_space<vmem>> -> memref<128x128xi32, #tpu.memory_space<vmem>>
    %dma_start3A_1448 = arith.constant 640 : i32
    %dma_start3A_1449 = tpu.memref_slice %arg7[%dma_start3A_1442, %dma_start3A_1448] : memref<2x3200xi32, #tpu.memory_space<vmem>> -> memref<1x128xi32, #tpu.memory_space<vmem>>
    %dma_start3A_1450 = tpu.memref_squeeze %dma_start3A_1449 : memref<1x128xi32, #tpu.memory_space<vmem>> -> memref<128xi32, #tpu.memory_space<vmem>>
    %dma_start3A_1451 = arith.constant 0 : i32
    %dma_start3A_1452 = arith.constant 0 : i32
    %dma_start3A_1453 = tpu.memref_slice %arg2[%dma_start3A_1451, %dma_start3A_1452] : memref<1000x128xi32, #tpu.memory_space<hbm>> -> memref<1000x128xi32, #tpu.memory_space<hbm>>
    tpu.enqueue_indirect_dma source(%dma_start3A_1453 : memref<1000x128xi32, #tpu.memory_space<hbm>>) target(%dma_start3A_1447 : memref<128x128xi32, #tpu.memory_space<vmem>>) offsets(%dma_start3A_1450 : memref<128xi32, #tpu.memory_space<vmem>>) semaphore(%arg11 : memref<!tpu.dma_semaphore, #tpu.memory_space<semaphore_mem>>)
    %dma_wait3A_1454 = arith.constant 1 : i32
    %dma_wait3A_1455 = arith.constant 3 : i32
    %dma_wait3A_1456 = arith.constant 0 : i32
    %dma_wait3A_1457 = arith.constant 0 : i32
    %dma_wait3A_1458 = tpu.memref_slice %arg8[%dma_wait3A_1455, %dma_wait3A_1456, %dma_wait3A_1457] : memref<4x128x128xi32, #tpu.memory_space<vmem>> -> memref<1x128x128xi32, #tpu.memory_space<vmem>>
    %dma_wait3A_1459 = tpu.memref_squeeze %dma_wait3A_1458 : memref<1x128x128xi32, #tpu.memory_space<vmem>> -> memref<128x128xi32, #tpu.memory_space<vmem>>
    %dma_wait3A_1460 = arith.constant 256 : i32
    %dma_wait3A_1461 = tpu.memref_slice %arg7[%dma_wait3A_1454, %dma_wait3A_1460] : memref<2x3200xi32, #tpu.memory_space<vmem>> -> memref<1x128xi32, #tpu.memory_space<vmem>>
    %dma_wait3A_1462 = tpu.memref_squeeze %dma_wait3A_1461 : memref<1x128xi32, #tpu.memory_space<vmem>> -> memref<128xi32, #tpu.memory_space<vmem>>
    %dma_wait3A_1463 = arith.constant 0 : i32
    %dma_wait3A_1464 = arith.constant 0 : i32
    %dma_wait3A_1465 = tpu.memref_slice %arg2[%dma_wait3A_1463, %dma_wait3A_1464] : memref<1000x128xi32, #tpu.memory_space<hbm>> -> memref<1000x128xi32, #tpu.memory_space<hbm>>
    tpu.wait_indirect_dma semaphore(%arg12 : memref<!tpu.dma_semaphore, #tpu.memory_space<semaphore_mem>>) src(%dma_wait3A_1465 : memref<1000x128xi32, #tpu.memory_space<hbm>>) dst(%dma_wait3A_1459 : memref<128x128xi32, #tpu.memory_space<vmem>>)
    %add3A_1466 = arith.constant 256 : i32
    %add3A_1467 = arith.addi %mul3A_2, %add3A_1466 : i32
    %dma_start3A_1468 = arith.constant 3 : i32
    %dma_start3A_1469 = arith.constant 0 : i32
    %dma_start3A_1470 = arith.constant 0 : i32
    %dma_start3A_1471 = tpu.memref_slice %arg8[%dma_start3A_1468, %dma_start3A_1469, %dma_start3A_1470] : memref<4x128x128xi32, #tpu.memory_space<vmem>> -> memref<1x128x128xi32, #tpu.memory_space<vmem>>
    %dma_start3A_1472 = tpu.memref_squeeze %dma_start3A_1471 : memref<1x128x128xi32, #tpu.memory_space<vmem>> -> memref<128x128xi32, #tpu.memory_space<vmem>>
    %dma_start3A_1473 = arith.constant 0 : i32
    %dma_start3A_1474 = tpu.memref_slice %arg6[%add3A_1467, %dma_start3A_1473] : memref<102400x128xi32, #tpu.memory_space<hbm>> -> memref<128x128xi32, #tpu.memory_space<hbm>>
    %dma_start3A_1475 = arith.constant 0 : i32
    %dma_start3A_1476 = tpu.memref_slice %arg6[%add3A_1467, %dma_start3A_1475] : memref<102400x128xi32, #tpu.memory_space<hbm>> -> memref<128x128xi32, #tpu.memory_space<hbm>>
    %dma_start3A_1477 = arith.constant 0 : i32
    %dma_start3A_1478 = arith.constant 0 : i32
    %dma_start3A_1479 = tpu.memref_slice %arg8[%dma_start3A_1468, %dma_start3A_1477, %dma_start3A_1478] : memref<4x128x128xi32, #tpu.memory_space<vmem>> -> memref<1x128x128xi32, #tpu.memory_space<vmem>>
    %dma_start3A_1480 = tpu.memref_squeeze %dma_start3A_1479 : memref<1x128x128xi32, #tpu.memory_space<vmem>> -> memref<128x128xi32, #tpu.memory_space<vmem>>
    tpu.enqueue_dma source(%dma_start3A_1480 : memref<128x128xi32, #tpu.memory_space<vmem>>) target(%dma_start3A_1476 : memref<128x128xi32, #tpu.memory_space<hbm>>) target_semaphore(%arg16 : memref<!tpu.dma_semaphore, #tpu.memory_space<semaphore_mem>>)
    %dma_wait3A_1481 = arith.constant 3 : i32
    %dma_wait3A_1482 = arith.constant 0 : i32
    %dma_wait3A_1483 = arith.constant 0 : i32
    %dma_wait3A_1484 = tpu.memref_slice %arg8[%dma_wait3A_1481, %dma_wait3A_1482, %dma_wait3A_1483] : memref<4x128x128xi32, #tpu.memory_space<vmem>> -> memref<1x128x128xi32, #tpu.memory_space<vmem>>
    %dma_wait3A_1485 = tpu.memref_squeeze %dma_wait3A_1484 : memref<1x128x128xi32, #tpu.memory_space<vmem>> -> memref<128x128xi32, #tpu.memory_space<vmem>>
    %dma_wait3A_1486 = arith.constant 0 : i32
    %dma_wait3A_1487 = tpu.memref_slice %arg6[%add3A_1467, %dma_wait3A_1486] : memref<102400x128xi32, #tpu.memory_space<hbm>> -> memref<128x128xi32, #tpu.memory_space<hbm>>
    %dma_wait3A_1488 = arith.constant 0 : i32
    %dma_wait3A_1489 = tpu.memref_slice %arg6[%add3A_1467, %dma_wait3A_1488] : memref<102400x128xi32, #tpu.memory_space<hbm>> -> memref<128x128xi32, #tpu.memory_space<hbm>>
    %dma_wait3A_1490 = arith.constant 0 : i32
    %dma_wait3A_1491 = arith.constant 0 : i32
    %dma_wait3A_1492 = tpu.memref_slice %arg8[%dma_wait3A_1481, %dma_wait3A_1490, %dma_wait3A_1491] : memref<4x128x128xi32, #tpu.memory_space<vmem>> -> memref<1x128x128xi32, #tpu.memory_space<vmem>>
    %dma_wait3A_1493 = tpu.memref_squeeze %dma_wait3A_1492 : memref<1x128x128xi32, #tpu.memory_space<vmem>> -> memref<128x128xi32, #tpu.memory_space<vmem>>
    tpu.wait_dma2 semaphore(%arg16 : memref<!tpu.dma_semaphore, #tpu.memory_space<semaphore_mem>>) src(%dma_wait3A_1493 : memref<128x128xi32, #tpu.memory_space<vmem>>) dst(%dma_wait3A_1489 : memref<128x128xi32, #tpu.memory_space<hbm>>)
    %dma_start3A_1494 = arith.constant 1 : i32
    %dma_start3A_1495 = arith.constant 3 : i32
    %dma_start3A_1496 = arith.constant 0 : i32
    %dma_start3A_1497 = arith.constant 0 : i32
    %dma_start3A_1498 = tpu.memref_slice %arg8[%dma_start3A_1495, %dma_start3A_1496, %dma_start3A_1497] : memref<4x128x128xi32, #tpu.memory_space<vmem>> -> memref<1x128x128xi32, #tpu.memory_space<vmem>>
    %dma_start3A_1499 = tpu.memref_squeeze %dma_start3A_1498 : memref<1x128x128xi32, #tpu.memory_space<vmem>> -> memref<128x128xi32, #tpu.memory_space<vmem>>
    %dma_start3A_1500 = arith.constant 768 : i32
    %dma_start3A_1501 = tpu.memref_slice %arg7[%dma_start3A_1494, %dma_start3A_1500] : memref<2x3200xi32, #tpu.memory_space<vmem>> -> memref<1x128xi32, #tpu.memory_space<vmem>>
    %dma_start3A_1502 = tpu.memref_squeeze %dma_start3A_1501 : memref<1x128xi32, #tpu.memory_space<vmem>> -> memref<128xi32, #tpu.memory_space<vmem>>
    %dma_start3A_1503 = arith.constant 0 : i32
    %dma_start3A_1504 = arith.constant 0 : i32
    %dma_start3A_1505 = tpu.memref_slice %arg2[%dma_start3A_1503, %dma_start3A_1504] : memref<1000x128xi32, #tpu.memory_space<hbm>> -> memref<1000x128xi32, #tpu.memory_space<hbm>>
    tpu.enqueue_indirect_dma source(%dma_start3A_1505 : memref<1000x128xi32, #tpu.memory_space<hbm>>) target(%dma_start3A_1499 : memref<128x128xi32, #tpu.memory_space<vmem>>) offsets(%dma_start3A_1502 : memref<128xi32, #tpu.memory_space<vmem>>) semaphore(%arg12 : memref<!tpu.dma_semaphore, #tpu.memory_space<semaphore_mem>>)
    %dma_wait3A_1506 = arith.constant 1 : i32
    %dma_wait3A_1507 = arith.constant 0 : i32
    %dma_wait3A_1508 = arith.constant 0 : i32
    %dma_wait3A_1509 = arith.constant 0 : i32
    %dma_wait3A_1510 = tpu.memref_slice %arg8[%dma_wait3A_1507, %dma_wait3A_1508, %dma_wait3A_1509] : memref<4x128x128xi32, #tpu.memory_space<vmem>> -> memref<1x128x128xi32, #tpu.memory_space<vmem>>
    %dma_wait3A_1511 = tpu.memref_squeeze %dma_wait3A_1510 : memref<1x128x128xi32, #tpu.memory_space<vmem>> -> memref<128x128xi32, #tpu.memory_space<vmem>>
    %dma_wait3A_1512 = arith.constant 384 : i32
    %dma_wait3A_1513 = tpu.memref_slice %arg7[%dma_wait3A_1506, %dma_wait3A_1512] : memref<2x3200xi32, #tpu.memory_space<vmem>> -> memref<1x128xi32, #tpu.memory_space<vmem>>
    %dma_wait3A_1514 = tpu.memref_squeeze %dma_wait3A_1513 : memref<1x128xi32, #tpu.memory_space<vmem>> -> memref<128xi32, #tpu.memory_space<vmem>>
    %dma_wait3A_1515 = arith.constant 0 : i32
    %dma_wait3A_1516 = arith.constant 0 : i32
    %dma_wait3A_1517 = tpu.memref_slice %arg2[%dma_wait3A_1515, %dma_wait3A_1516] : memref<1000x128xi32, #tpu.memory_space<hbm>> -> memref<1000x128xi32, #tpu.memory_space<hbm>>
    tpu.wait_indirect_dma semaphore(%arg9 : memref<!tpu.dma_semaphore, #tpu.memory_space<semaphore_mem>>) src(%dma_wait3A_1517 : memref<1000x128xi32, #tpu.memory_space<hbm>>) dst(%dma_wait3A_1511 : memref<128x128xi32, #tpu.memory_space<vmem>>)
    %add3A_1518 = arith.constant 384 : i32
    %add3A_1519 = arith.addi %mul3A_2, %add3A_1518 : i32
    %dma_start3A_1520 = arith.constant 0 : i32
    %dma_start3A_1521 = arith.constant 0 : i32
    %dma_start3A_1522 = arith.constant 0 : i32
    %dma_start3A_1523 = tpu.memref_slice %arg8[%dma_start3A_1520, %dma_start3A_1521, %dma_start3A_1522] : memref<4x128x128xi32, #tpu.memory_space<vmem>> -> memref<1x128x128xi32, #tpu.memory_space<vmem>>
    %dma_start3A_1524 = tpu.memref_squeeze %dma_start3A_1523 : memref<1x128x128xi32, #tpu.memory_space<vmem>> -> memref<128x128xi32, #tpu.memory_space<vmem>>
    %dma_start3A_1525 = arith.constant 0 : i32
    %dma_start3A_1526 = tpu.memref_slice %arg6[%add3A_1519, %dma_start3A_1525] : memref<102400x128xi32, #tpu.memory_space<hbm>> -> memref<128x128xi32, #tpu.memory_space<hbm>>
    %dma_start3A_1527 = arith.constant 0 : i32
    %dma_start3A_1528 = tpu.memref_slice %arg6[%add3A_1519, %dma_start3A_1527] : memref<102400x128xi32, #tpu.memory_space<hbm>> -> memref<128x128xi32, #tpu.memory_space<hbm>>
    %dma_start3A_1529 = arith.constant 0 : i32
    %dma_start3A_1530 = arith.constant 0 : i32
    %dma_start3A_1531 = tpu.memref_slice %arg8[%dma_start3A_1520, %dma_start3A_1529, %dma_start3A_1530] : memref<4x128x128xi32, #tpu.memory_space<vmem>> -> memref<1x128x128xi32, #tpu.memory_space<vmem>>
    %dma_start3A_1532 = tpu.memref_squeeze %dma_start3A_1531 : memref<1x128x128xi32, #tpu.memory_space<vmem>> -> memref<128x128xi32, #tpu.memory_space<vmem>>
    tpu.enqueue_dma source(%dma_start3A_1532 : memref<128x128xi32, #tpu.memory_space<vmem>>) target(%dma_start3A_1528 : memref<128x128xi32, #tpu.memory_space<hbm>>) target_semaphore(%arg13 : memref<!tpu.dma_semaphore, #tpu.memory_space<semaphore_mem>>)
    %dma_wait3A_1533 = arith.constant 0 : i32
    %dma_wait3A_1534 = arith.constant 0 : i32
    %dma_wait3A_1535 = arith.constant 0 : i32
    %dma_wait3A_1536 = tpu.memref_slice %arg8[%dma_wait3A_1533, %dma_wait3A_1534, %dma_wait3A_1535] : memref<4x128x128xi32, #tpu.memory_space<vmem>> -> memref<1x128x128xi32, #tpu.memory_space<vmem>>
    %dma_wait3A_1537 = tpu.memref_squeeze %dma_wait3A_1536 : memref<1x128x128xi32, #tpu.memory_space<vmem>> -> memref<128x128xi32, #tpu.memory_space<vmem>>
    %dma_wait3A_1538 = arith.constant 0 : i32
    %dma_wait3A_1539 = tpu.memref_slice %arg6[%add3A_1519, %dma_wait3A_1538] : memref<102400x128xi32, #tpu.memory_space<hbm>> -> memref<128x128xi32, #tpu.memory_space<hbm>>
    %dma_wait3A_1540 = arith.constant 0 : i32
    %dma_wait3A_1541 = tpu.memref_slice %arg6[%add3A_1519, %dma_wait3A_1540] : memref<102400x128xi32, #tpu.memory_space<hbm>> -> memref<128x128xi32, #tpu.memory_space<hbm>>
    %dma_wait3A_1542 = arith.constant 0 : i32
    %dma_wait3A_1543 = arith.constant 0 : i32
    %dma_wait3A_1544 = tpu.memref_slice %arg8[%dma_wait3A_1533, %dma_wait3A_1542, %dma_wait3A_1543] : memref<4x128x128xi32, #tpu.memory_space<vmem>> -> memref<1x128x128xi32, #tpu.memory_space<vmem>>
    %dma_wait3A_1545 = tpu.memref_squeeze %dma_wait3A_1544 : memref<1x128x128xi32, #tpu.memory_space<vmem>> -> memref<128x128xi32, #tpu.memory_space<vmem>>
    tpu.wait_dma2 semaphore(%arg13 : memref<!tpu.dma_semaphore, #tpu.memory_space<semaphore_mem>>) src(%dma_wait3A_1545 : memref<128x128xi32, #tpu.memory_space<vmem>>) dst(%dma_wait3A_1541 : memref<128x128xi32, #tpu.memory_space<hbm>>)
    %dma_start3A_1546 = arith.constant 1 : i32
    %dma_start3A_1547 = arith.constant 0 : i32
    %dma_start3A_1548 = arith.constant 0 : i32
    %dma_start3A_1549 = arith.constant 0 : i32
    %dma_start3A_1550 = tpu.memref_slice %arg8[%dma_start3A_1547, %dma_start3A_1548, %dma_start3A_1549] : memref<4x128x128xi32, #tpu.memory_space<vmem>> -> memref<1x128x128xi32, #tpu.memory_space<vmem>>
    %dma_start3A_1551 = tpu.memref_squeeze %dma_start3A_1550 : memref<1x128x128xi32, #tpu.memory_space<vmem>> -> memref<128x128xi32, #tpu.memory_space<vmem>>
    %dma_start3A_1552 = arith.constant 896 : i32
    %dma_start3A_1553 = tpu.memref_slice %arg7[%dma_start3A_1546, %dma_start3A_1552] : memref<2x3200xi32, #tpu.memory_space<vmem>> -> memref<1x128xi32, #tpu.memory_space<vmem>>
    %dma_start3A_1554 = tpu.memref_squeeze %dma_start3A_1553 : memref<1x128xi32, #tpu.memory_space<vmem>> -> memref<128xi32, #tpu.memory_space<vmem>>
    %dma_start3A_1555 = arith.constant 0 : i32
    %dma_start3A_1556 = arith.constant 0 : i32
    %dma_start3A_1557 = tpu.memref_slice %arg2[%dma_start3A_1555, %dma_start3A_1556] : memref<1000x128xi32, #tpu.memory_space<hbm>> -> memref<1000x128xi32, #tpu.memory_space<hbm>>
    tpu.enqueue_indirect_dma source(%dma_start3A_1557 : memref<1000x128xi32, #tpu.memory_space<hbm>>) target(%dma_start3A_1551 : memref<128x128xi32, #tpu.memory_space<vmem>>) offsets(%dma_start3A_1554 : memref<128xi32, #tpu.memory_space<vmem>>) semaphore(%arg9 : memref<!tpu.dma_semaphore, #tpu.memory_space<semaphore_mem>>)
    %dma_wait3A_1558 = arith.constant 1 : i32
    %dma_wait3A_1559 = arith.constant 1 : i32
    %dma_wait3A_1560 = arith.constant 0 : i32
    %dma_wait3A_1561 = arith.constant 0 : i32
    %dma_wait3A_1562 = tpu.memref_slice %arg8[%dma_wait3A_1559, %dma_wait3A_1560, %dma_wait3A_1561] : memref<4x128x128xi32, #tpu.memory_space<vmem>> -> memref<1x128x128xi32, #tpu.memory_space<vmem>>
    %dma_wait3A_1563 = tpu.memref_squeeze %dma_wait3A_1562 : memref<1x128x128xi32, #tpu.memory_space<vmem>> -> memref<128x128xi32, #tpu.memory_space<vmem>>
    %dma_wait3A_1564 = arith.constant 512 : i32
    %dma_wait3A_1565 = tpu.memref_slice %arg7[%dma_wait3A_1558, %dma_wait3A_1564] : memref<2x3200xi32, #tpu.memory_space<vmem>> -> memref<1x128xi32, #tpu.memory_space<vmem>>
    %dma_wait3A_1566 = tpu.memref_squeeze %dma_wait3A_1565 : memref<1x128xi32, #tpu.memory_space<vmem>> -> memref<128xi32, #tpu.memory_space<vmem>>
    %dma_wait3A_1567 = arith.constant 0 : i32
    %dma_wait3A_1568 = arith.constant 0 : i32
    %dma_wait3A_1569 = tpu.memref_slice %arg2[%dma_wait3A_1567, %dma_wait3A_1568] : memref<1000x128xi32, #tpu.memory_space<hbm>> -> memref<1000x128xi32, #tpu.memory_space<hbm>>
    tpu.wait_indirect_dma semaphore(%arg10 : memref<!tpu.dma_semaphore, #tpu.memory_space<semaphore_mem>>) src(%dma_wait3A_1569 : memref<1000x128xi32, #tpu.memory_space<hbm>>) dst(%dma_wait3A_1563 : memref<128x128xi32, #tpu.memory_space<vmem>>)
    %add3A_1570 = arith.constant 512 : i32
    %add3A_1571 = arith.addi %mul3A_2, %add3A_1570 : i32
    %dma_start3A_1572 = arith.constant 1 : i32
    %dma_start3A_1573 = arith.constant 0 : i32
    %dma_start3A_1574 = arith.constant 0 : i32
    %dma_start3A_1575 = tpu.memref_slice %arg8[%dma_start3A_1572, %dma_start3A_1573, %dma_start3A_1574] : memref<4x128x128xi32, #tpu.memory_space<vmem>> -> memref<1x128x128xi32, #tpu.memory_space<vmem>>
    %dma_start3A_1576 = tpu.memref_squeeze %dma_start3A_1575 : memref<1x128x128xi32, #tpu.memory_space<vmem>> -> memref<128x128xi32, #tpu.memory_space<vmem>>
    %dma_start3A_1577 = arith.constant 0 : i32
    %dma_start3A_1578 = tpu.memref_slice %arg6[%add3A_1571, %dma_start3A_1577] : memref<102400x128xi32, #tpu.memory_space<hbm>> -> memref<128x128xi32, #tpu.memory_space<hbm>>
    %dma_start3A_1579 = arith.constant 0 : i32
    %dma_start3A_1580 = tpu.memref_slice %arg6[%add3A_1571, %dma_start3A_1579] : memref<102400x128xi32, #tpu.memory_space<hbm>> -> memref<128x128xi32, #tpu.memory_space<hbm>>
    %dma_start3A_1581 = arith.constant 0 : i32
    %dma_start3A_1582 = arith.constant 0 : i32
    %dma_start3A_1583 = tpu.memref_slice %arg8[%dma_start3A_1572, %dma_start3A_1581, %dma_start3A_1582] : memref<4x128x128xi32, #tpu.memory_space<vmem>> -> memref<1x128x128xi32, #tpu.memory_space<vmem>>
    %dma_start3A_1584 = tpu.memref_squeeze %dma_start3A_1583 : memref<1x128x128xi32, #tpu.memory_space<vmem>> -> memref<128x128xi32, #tpu.memory_space<vmem>>
    tpu.enqueue_dma source(%dma_start3A_1584 : memref<128x128xi32, #tpu.memory_space<vmem>>) target(%dma_start3A_1580 : memref<128x128xi32, #tpu.memory_space<hbm>>) target_semaphore(%arg14 : memref<!tpu.dma_semaphore, #tpu.memory_space<semaphore_mem>>)
    %dma_wait3A_1585 = arith.constant 1 : i32
    %dma_wait3A_1586 = arith.constant 0 : i32
    %dma_wait3A_1587 = arith.constant 0 : i32
    %dma_wait3A_1588 = tpu.memref_slice %arg8[%dma_wait3A_1585, %dma_wait3A_1586, %dma_wait3A_1587] : memref<4x128x128xi32, #tpu.memory_space<vmem>> -> memref<1x128x128xi32, #tpu.memory_space<vmem>>
    %dma_wait3A_1589 = tpu.memref_squeeze %dma_wait3A_1588 : memref<1x128x128xi32, #tpu.memory_space<vmem>> -> memref<128x128xi32, #tpu.memory_space<vmem>>
    %dma_wait3A_1590 = arith.constant 0 : i32
    %dma_wait3A_1591 = tpu.memref_slice %arg6[%add3A_1571, %dma_wait3A_1590] : memref<102400x128xi32, #tpu.memory_space<hbm>> -> memref<128x128xi32, #tpu.memory_space<hbm>>
    %dma_wait3A_1592 = arith.constant 0 : i32
    %dma_wait3A_1593 = tpu.memref_slice %arg6[%add3A_1571, %dma_wait3A_1592] : memref<102400x128xi32, #tpu.memory_space<hbm>> -> memref<128x128xi32, #tpu.memory_space<hbm>>
    %dma_wait3A_1594 = arith.constant 0 : i32
    %dma_wait3A_1595 = arith.constant 0 : i32
    %dma_wait3A_1596 = tpu.memref_slice %arg8[%dma_wait3A_1585, %dma_wait3A_1594, %dma_wait3A_1595] : memref<4x128x128xi32, #tpu.memory_space<vmem>> -> memref<1x128x128xi32, #tpu.memory_space<vmem>>
    %dma_wait3A_1597 = tpu.memref_squeeze %dma_wait3A_1596 : memref<1x128x128xi32, #tpu.memory_space<vmem>> -> memref<128x128xi32, #tpu.memory_space<vmem>>
    tpu.wait_dma2 semaphore(%arg14 : memref<!tpu.dma_semaphore, #tpu.memory_space<semaphore_mem>>) src(%dma_wait3A_1597 : memref<128x128xi32, #tpu.memory_space<vmem>>) dst(%dma_wait3A_1593 : memref<128x128xi32, #tpu.memory_space<hbm>>)
    %dma_start3A_1598 = arith.constant 1 : i32
    %dma_start3A_1599 = arith.constant 1 : i32
    %dma_start3A_1600 = arith.constant 0 : i32
    %dma_start3A_1601 = arith.constant 0 : i32
    %dma_start3A_1602 = tpu.memref_slice %arg8[%dma_start3A_1599, %dma_start3A_1600, %dma_start3A_1601] : memref<4x128x128xi32, #tpu.memory_space<vmem>> -> memref<1x128x128xi32, #tpu.memory_space<vmem>>
    %dma_start3A_1603 = tpu.memref_squeeze %dma_start3A_1602 : memref<1x128x128xi32, #tpu.memory_space<vmem>> -> memref<128x128xi32, #tpu.memory_space<vmem>>
    %dma_start3A_1604 = arith.constant 1024 : i32
    %dma_start3A_1605 = tpu.memref_slice %arg7[%dma_start3A_1598, %dma_start3A_1604] : memref<2x3200xi32, #tpu.memory_space<vmem>> -> memref<1x128xi32, #tpu.memory_space<vmem>>
    %dma_start3A_1606 = tpu.memref_squeeze %dma_start3A_1605 : memref<1x128xi32, #tpu.memory_space<vmem>> -> memref<128xi32, #tpu.memory_space<vmem>>
    %dma_start3A_1607 = arith.constant 0 : i32
    %dma_start3A_1608 = arith.constant 0 : i32
    %dma_start3A_1609 = tpu.memref_slice %arg2[%dma_start3A_1607, %dma_start3A_1608] : memref<1000x128xi32, #tpu.memory_space<hbm>> -> memref<1000x128xi32, #tpu.memory_space<hbm>>
    tpu.enqueue_indirect_dma source(%dma_start3A_1609 : memref<1000x128xi32, #tpu.memory_space<hbm>>) target(%dma_start3A_1603 : memref<128x128xi32, #tpu.memory_space<vmem>>) offsets(%dma_start3A_1606 : memref<128xi32, #tpu.memory_space<vmem>>) semaphore(%arg10 : memref<!tpu.dma_semaphore, #tpu.memory_space<semaphore_mem>>)
    %dma_wait3A_1610 = arith.constant 1 : i32
    %dma_wait3A_1611 = arith.constant 2 : i32
    %dma_wait3A_1612 = arith.constant 0 : i32
    %dma_wait3A_1613 = arith.constant 0 : i32
    %dma_wait3A_1614 = tpu.memref_slice %arg8[%dma_wait3A_1611, %dma_wait3A_1612, %dma_wait3A_1613] : memref<4x128x128xi32, #tpu.memory_space<vmem>> -> memref<1x128x128xi32, #tpu.memory_space<vmem>>
    %dma_wait3A_1615 = tpu.memref_squeeze %dma_wait3A_1614 : memref<1x128x128xi32, #tpu.memory_space<vmem>> -> memref<128x128xi32, #tpu.memory_space<vmem>>
    %dma_wait3A_1616 = arith.constant 640 : i32
    %dma_wait3A_1617 = tpu.memref_slice %arg7[%dma_wait3A_1610, %dma_wait3A_1616] : memref<2x3200xi32, #tpu.memory_space<vmem>> -> memref<1x128xi32, #tpu.memory_space<vmem>>
    %dma_wait3A_1618 = tpu.memref_squeeze %dma_wait3A_1617 : memref<1x128xi32, #tpu.memory_space<vmem>> -> memref<128xi32, #tpu.memory_space<vmem>>
    %dma_wait3A_1619 = arith.constant 0 : i32
    %dma_wait3A_1620 = arith.constant 0 : i32
    %dma_wait3A_1621 = tpu.memref_slice %arg2[%dma_wait3A_1619, %dma_wait3A_1620] : memref<1000x128xi32, #tpu.memory_space<hbm>> -> memref<1000x128xi32, #tpu.memory_space<hbm>>
    tpu.wait_indirect_dma semaphore(%arg11 : memref<!tpu.dma_semaphore, #tpu.memory_space<semaphore_mem>>) src(%dma_wait3A_1621 : memref<1000x128xi32, #tpu.memory_space<hbm>>) dst(%dma_wait3A_1615 : memref<128x128xi32, #tpu.memory_space<vmem>>)
    %add3A_1622 = arith.constant 640 : i32
    %add3A_1623 = arith.addi %mul3A_2, %add3A_1622 : i32
    %dma_start3A_1624 = arith.constant 2 : i32
    %dma_start3A_1625 = arith.constant 0 : i32
    %dma_start3A_1626 = arith.constant 0 : i32
    %dma_start3A_1627 = tpu.memref_slice %arg8[%dma_start3A_1624, %dma_start3A_1625, %dma_start3A_1626] : memref<4x128x128xi32, #tpu.memory_space<vmem>> -> memref<1x128x128xi32, #tpu.memory_space<vmem>>
    %dma_start3A_1628 = tpu.memref_squeeze %dma_start3A_1627 : memref<1x128x128xi32, #tpu.memory_space<vmem>> -> memref<128x128xi32, #tpu.memory_space<vmem>>
    %dma_start3A_1629 = arith.constant 0 : i32
    %dma_start3A_1630 = tpu.memref_slice %arg6[%add3A_1623, %dma_start3A_1629] : memref<102400x128xi32, #tpu.memory_space<hbm>> -> memref<128x128xi32, #tpu.memory_space<hbm>>
    %dma_start3A_1631 = arith.constant 0 : i32
    %dma_start3A_1632 = tpu.memref_slice %arg6[%add3A_1623, %dma_start3A_1631] : memref<102400x128xi32, #tpu.memory_space<hbm>> -> memref<128x128xi32, #tpu.memory_space<hbm>>
    %dma_start3A_1633 = arith.constant 0 : i32
    %dma_start3A_1634 = arith.constant 0 : i32
    %dma_start3A_1635 = tpu.memref_slice %arg8[%dma_start3A_1624, %dma_start3A_1633, %dma_start3A_1634] : memref<4x128x128xi32, #tpu.memory_space<vmem>> -> memref<1x128x128xi32, #tpu.memory_space<vmem>>
    %dma_start3A_1636 = tpu.memref_squeeze %dma_start3A_1635 : memref<1x128x128xi32, #tpu.memory_space<vmem>> -> memref<128x128xi32, #tpu.memory_space<vmem>>
    tpu.enqueue_dma source(%dma_start3A_1636 : memref<128x128xi32, #tpu.memory_space<vmem>>) target(%dma_start3A_1632 : memref<128x128xi32, #tpu.memory_space<hbm>>) target_semaphore(%arg15 : memref<!tpu.dma_semaphore, #tpu.memory_space<semaphore_mem>>)
    %dma_wait3A_1637 = arith.constant 2 : i32
    %dma_wait3A_1638 = arith.constant 0 : i32
    %dma_wait3A_1639 = arith.constant 0 : i32
    %dma_wait3A_1640 = tpu.memref_slice %arg8[%dma_wait3A_1637, %dma_wait3A_1638, %dma_wait3A_1639] : memref<4x128x128xi32, #tpu.memory_space<vmem>> -> memref<1x128x128xi32, #tpu.memory_space<vmem>>
    %dma_wait3A_1641 = tpu.memref_squeeze %dma_wait3A_1640 : memref<1x128x128xi32, #tpu.memory_space<vmem>> -> memref<128x128xi32, #tpu.memory_space<vmem>>
    %dma_wait3A_1642 = arith.constant 0 : i32
    %dma_wait3A_1643 = tpu.memref_slice %arg6[%add3A_1623, %dma_wait3A_1642] : memref<102400x128xi32, #tpu.memory_space<hbm>> -> memref<128x128xi32, #tpu.memory_space<hbm>>
    %dma_wait3A_1644 = arith.constant 0 : i32
    %dma_wait3A_1645 = tpu.memref_slice %arg6[%add3A_1623, %dma_wait3A_1644] : memref<102400x128xi32, #tpu.memory_space<hbm>> -> memref<128x128xi32, #tpu.memory_space<hbm>>
    %dma_wait3A_1646 = arith.constant 0 : i32
    %dma_wait3A_1647 = arith.constant 0 : i32
    %dma_wait3A_1648 = tpu.memref_slice %arg8[%dma_wait3A_1637, %dma_wait3A_1646, %dma_wait3A_1647] : memref<4x128x128xi32, #tpu.memory_space<vmem>> -> memref<1x128x128xi32, #tpu.memory_space<vmem>>
    %dma_wait3A_1649 = tpu.memref_squeeze %dma_wait3A_1648 : memref<1x128x128xi32, #tpu.memory_space<vmem>> -> memref<128x128xi32, #tpu.memory_space<vmem>>
    tpu.wait_dma2 semaphore(%arg15 : memref<!tpu.dma_semaphore, #tpu.memory_space<semaphore_mem>>) src(%dma_wait3A_1649 : memref<128x128xi32, #tpu.memory_space<vmem>>) dst(%dma_wait3A_1645 : memref<128x128xi32, #tpu.memory_space<hbm>>)
    %dma_start3A_1650 = arith.constant 1 : i32
    %dma_start3A_1651 = arith.constant 2 : i32
    %dma_start3A_1652 = arith.constant 0 : i32
    %dma_start3A_1653 = arith.constant 0 : i32
    %dma_start3A_1654 = tpu.memref_slice %arg8[%dma_start3A_1651, %dma_start3A_1652, %dma_start3A_1653] : memref<4x128x128xi32, #tpu.memory_space<vmem>> -> memref<1x128x128xi32, #tpu.memory_space<vmem>>
    %dma_start3A_1655 = tpu.memref_squeeze %dma_start3A_1654 : memref<1x128x128xi32, #tpu.memory_space<vmem>> -> memref<128x128xi32, #tpu.memory_space<vmem>>
    %dma_start3A_1656 = arith.constant 1152 : i32
    %dma_start3A_1657 = tpu.memref_slice %arg7[%dma_start3A_1650, %dma_start3A_1656] : memref<2x3200xi32, #tpu.memory_space<vmem>> -> memref<1x128xi32, #tpu.memory_space<vmem>>
    %dma_start3A_1658 = tpu.memref_squeeze %dma_start3A_1657 : memref<1x128xi32, #tpu.memory_space<vmem>> -> memref<128xi32, #tpu.memory_space<vmem>>
    %dma_start3A_1659 = arith.constant 0 : i32
    %dma_start3A_1660 = arith.constant 0 : i32
    %dma_start3A_1661 = tpu.memref_slice %arg2[%dma_start3A_1659, %dma_start3A_1660] : memref<1000x128xi32, #tpu.memory_space<hbm>> -> memref<1000x128xi32, #tpu.memory_space<hbm>>
    tpu.enqueue_indirect_dma source(%dma_start3A_1661 : memref<1000x128xi32, #tpu.memory_space<hbm>>) target(%dma_start3A_1655 : memref<128x128xi32, #tpu.memory_space<vmem>>) offsets(%dma_start3A_1658 : memref<128xi32, #tpu.memory_space<vmem>>) semaphore(%arg11 : memref<!tpu.dma_semaphore, #tpu.memory_space<semaphore_mem>>)
    %dma_wait3A_1662 = arith.constant 1 : i32
    %dma_wait3A_1663 = arith.constant 3 : i32
    %dma_wait3A_1664 = arith.constant 0 : i32
    %dma_wait3A_1665 = arith.constant 0 : i32
    %dma_wait3A_1666 = tpu.memref_slice %arg8[%dma_wait3A_1663, %dma_wait3A_1664, %dma_wait3A_1665] : memref<4x128x128xi32, #tpu.memory_space<vmem>> -> memref<1x128x128xi32, #tpu.memory_space<vmem>>
    %dma_wait3A_1667 = tpu.memref_squeeze %dma_wait3A_1666 : memref<1x128x128xi32, #tpu.memory_space<vmem>> -> memref<128x128xi32, #tpu.memory_space<vmem>>
    %dma_wait3A_1668 = arith.constant 768 : i32
    %dma_wait3A_1669 = tpu.memref_slice %arg7[%dma_wait3A_1662, %dma_wait3A_1668] : memref<2x3200xi32, #tpu.memory_space<vmem>> -> memref<1x128xi32, #tpu.memory_space<vmem>>
    %dma_wait3A_1670 = tpu.memref_squeeze %dma_wait3A_1669 : memref<1x128xi32, #tpu.memory_space<vmem>> -> memref<128xi32, #tpu.memory_space<vmem>>
    %dma_wait3A_1671 = arith.constant 0 : i32
    %dma_wait3A_1672 = arith.constant 0 : i32
    %dma_wait3A_1673 = tpu.memref_slice %arg2[%dma_wait3A_1671, %dma_wait3A_1672] : memref<1000x128xi32, #tpu.memory_space<hbm>> -> memref<1000x128xi32, #tpu.memory_space<hbm>>
    tpu.wait_indirect_dma semaphore(%arg12 : memref<!tpu.dma_semaphore, #tpu.memory_space<semaphore_mem>>) src(%dma_wait3A_1673 : memref<1000x128xi32, #tpu.memory_space<hbm>>) dst(%dma_wait3A_1667 : memref<128x128xi32, #tpu.memory_space<vmem>>)
    %add3A_1674 = arith.constant 768 : i32
    %add3A_1675 = arith.addi %mul3A_2, %add3A_1674 : i32
    %dma_start3A_1676 = arith.constant 3 : i32
    %dma_start3A_1677 = arith.constant 0 : i32
    %dma_start3A_1678 = arith.constant 0 : i32
    %dma_start3A_1679 = tpu.memref_slice %arg8[%dma_start3A_1676, %dma_start3A_1677, %dma_start3A_1678] : memref<4x128x128xi32, #tpu.memory_space<vmem>> -> memref<1x128x128xi32, #tpu.memory_space<vmem>>
    %dma_start3A_1680 = tpu.memref_squeeze %dma_start3A_1679 : memref<1x128x128xi32, #tpu.memory_space<vmem>> -> memref<128x128xi32, #tpu.memory_space<vmem>>
    %dma_start3A_1681 = arith.constant 0 : i32
    %dma_start3A_1682 = tpu.memref_slice %arg6[%add3A_1675, %dma_start3A_1681] : memref<102400x128xi32, #tpu.memory_space<hbm>> -> memref<128x128xi32, #tpu.memory_space<hbm>>
    %dma_start3A_1683 = arith.constant 0 : i32
    %dma_start3A_1684 = tpu.memref_slice %arg6[%add3A_1675, %dma_start3A_1683] : memref<102400x128xi32, #tpu.memory_space<hbm>> -> memref<128x128xi32, #tpu.memory_space<hbm>>
    %dma_start3A_1685 = arith.constant 0 : i32
    %dma_start3A_1686 = arith.constant 0 : i32
    %dma_start3A_1687 = tpu.memref_slice %arg8[%dma_start3A_1676, %dma_start3A_1685, %dma_start3A_1686] : memref<4x128x128xi32, #tpu.memory_space<vmem>> -> memref<1x128x128xi32, #tpu.memory_space<vmem>>
    %dma_start3A_1688 = tpu.memref_squeeze %dma_start3A_1687 : memref<1x128x128xi32, #tpu.memory_space<vmem>> -> memref<128x128xi32, #tpu.memory_space<vmem>>
    tpu.enqueue_dma source(%dma_start3A_1688 : memref<128x128xi32, #tpu.memory_space<vmem>>) target(%dma_start3A_1684 : memref<128x128xi32, #tpu.memory_space<hbm>>) target_semaphore(%arg16 : memref<!tpu.dma_semaphore, #tpu.memory_space<semaphore_mem>>)
    %dma_wait3A_1689 = arith.constant 3 : i32
    %dma_wait3A_1690 = arith.constant 0 : i32
    %dma_wait3A_1691 = arith.constant 0 : i32
    %dma_wait3A_1692 = tpu.memref_slice %arg8[%dma_wait3A_1689, %dma_wait3A_1690, %dma_wait3A_1691] : memref<4x128x128xi32, #tpu.memory_space<vmem>> -> memref<1x128x128xi32, #tpu.memory_space<vmem>>
    %dma_wait3A_1693 = tpu.memref_squeeze %dma_wait3A_1692 : memref<1x128x128xi32, #tpu.memory_space<vmem>> -> memref<128x128xi32, #tpu.memory_space<vmem>>
    %dma_wait3A_1694 = arith.constant 0 : i32
    %dma_wait3A_1695 = tpu.memref_slice %arg6[%add3A_1675, %dma_wait3A_1694] : memref<102400x128xi32, #tpu.memory_space<hbm>> -> memref<128x128xi32, #tpu.memory_space<hbm>>
    %dma_wait3A_1696 = arith.constant 0 : i32
    %dma_wait3A_1697 = tpu.memref_slice %arg6[%add3A_1675, %dma_wait3A_1696] : memref<102400x128xi32, #tpu.memory_space<hbm>> -> memref<128x128xi32, #tpu.memory_space<hbm>>
    %dma_wait3A_1698 = arith.constant 0 : i32
    %dma_wait3A_1699 = arith.constant 0 : i32
    %dma_wait3A_1700 = tpu.memref_slice %arg8[%dma_wait3A_1689, %dma_wait3A_1698, %dma_wait3A_1699] : memref<4x128x128xi32, #tpu.memory_space<vmem>> -> memref<1x128x128xi32, #tpu.memory_space<vmem>>
    %dma_wait3A_1701 = tpu.memref_squeeze %dma_wait3A_1700 : memref<1x128x128xi32, #tpu.memory_space<vmem>> -> memref<128x128xi32, #tpu.memory_space<vmem>>
    tpu.wait_dma2 semaphore(%arg16 : memref<!tpu.dma_semaphore, #tpu.memory_space<semaphore_mem>>) src(%dma_wait3A_1701 : memref<128x128xi32, #tpu.memory_space<vmem>>) dst(%dma_wait3A_1697 : memref<128x128xi32, #tpu.memory_space<hbm>>)
    %dma_start3A_1702 = arith.constant 1 : i32
    %dma_start3A_1703 = arith.constant 3 : i32
    %dma_start3A_1704 = arith.constant 0 : i32
    %dma_start3A_1705 = arith.constant 0 : i32
    %dma_start3A_1706 = tpu.memref_slice %arg8[%dma_start3A_1703, %dma_start3A_1704, %dma_start3A_1705] : memref<4x128x128xi32, #tpu.memory_space<vmem>> -> memref<1x128x128xi32, #tpu.memory_space<vmem>>
    %dma_start3A_1707 = tpu.memref_squeeze %dma_start3A_1706 : memref<1x128x128xi32, #tpu.memory_space<vmem>> -> memref<128x128xi32, #tpu.memory_space<vmem>>
    %dma_start3A_1708 = arith.constant 1280 : i32
    %dma_start3A_1709 = tpu.memref_slice %arg7[%dma_start3A_1702, %dma_start3A_1708] : memref<2x3200xi32, #tpu.memory_space<vmem>> -> memref<1x128xi32, #tpu.memory_space<vmem>>
    %dma_start3A_1710 = tpu.memref_squeeze %dma_start3A_1709 : memref<1x128xi32, #tpu.memory_space<vmem>> -> memref<128xi32, #tpu.memory_space<vmem>>
    %dma_start3A_1711 = arith.constant 0 : i32
    %dma_start3A_1712 = arith.constant 0 : i32
    %dma_start3A_1713 = tpu.memref_slice %arg2[%dma_start3A_1711, %dma_start3A_1712] : memref<1000x128xi32, #tpu.memory_space<hbm>> -> memref<1000x128xi32, #tpu.memory_space<hbm>>
    tpu.enqueue_indirect_dma source(%dma_start3A_1713 : memref<1000x128xi32, #tpu.memory_space<hbm>>) target(%dma_start3A_1707 : memref<128x128xi32, #tpu.memory_space<vmem>>) offsets(%dma_start3A_1710 : memref<128xi32, #tpu.memory_space<vmem>>) semaphore(%arg12 : memref<!tpu.dma_semaphore, #tpu.memory_space<semaphore_mem>>)
    %dma_wait3A_1714 = arith.constant 1 : i32
    %dma_wait3A_1715 = arith.constant 0 : i32
    %dma_wait3A_1716 = arith.constant 0 : i32
    %dma_wait3A_1717 = arith.constant 0 : i32
    %dma_wait3A_1718 = tpu.memref_slice %arg8[%dma_wait3A_1715, %dma_wait3A_1716, %dma_wait3A_1717] : memref<4x128x128xi32, #tpu.memory_space<vmem>> -> memref<1x128x128xi32, #tpu.memory_space<vmem>>
    %dma_wait3A_1719 = tpu.memref_squeeze %dma_wait3A_1718 : memref<1x128x128xi32, #tpu.memory_space<vmem>> -> memref<128x128xi32, #tpu.memory_space<vmem>>
    %dma_wait3A_1720 = arith.constant 896 : i32
    %dma_wait3A_1721 = tpu.memref_slice %arg7[%dma_wait3A_1714, %dma_wait3A_1720] : memref<2x3200xi32, #tpu.memory_space<vmem>> -> memref<1x128xi32, #tpu.memory_space<vmem>>
    %dma_wait3A_1722 = tpu.memref_squeeze %dma_wait3A_1721 : memref<1x128xi32, #tpu.memory_space<vmem>> -> memref<128xi32, #tpu.memory_space<vmem>>
    %dma_wait3A_1723 = arith.constant 0 : i32
    %dma_wait3A_1724 = arith.constant 0 : i32
    %dma_wait3A_1725 = tpu.memref_slice %arg2[%dma_wait3A_1723, %dma_wait3A_1724] : memref<1000x128xi32, #tpu.memory_space<hbm>> -> memref<1000x128xi32, #tpu.memory_space<hbm>>
    tpu.wait_indirect_dma semaphore(%arg9 : memref<!tpu.dma_semaphore, #tpu.memory_space<semaphore_mem>>) src(%dma_wait3A_1725 : memref<1000x128xi32, #tpu.memory_space<hbm>>) dst(%dma_wait3A_1719 : memref<128x128xi32, #tpu.memory_space<vmem>>)
    %add3A_1726 = arith.constant 896 : i32
    %add3A_1727 = arith.addi %mul3A_2, %add3A_1726 : i32
    %dma_start3A_1728 = arith.constant 0 : i32
    %dma_start3A_1729 = arith.constant 0 : i32
    %dma_start3A_1730 = arith.constant 0 : i32
    %dma_start3A_1731 = tpu.memref_slice %arg8[%dma_start3A_1728, %dma_start3A_1729, %dma_start3A_1730] : memref<4x128x128xi32, #tpu.memory_space<vmem>> -> memref<1x128x128xi32, #tpu.memory_space<vmem>>
    %dma_start3A_1732 = tpu.memref_squeeze %dma_start3A_1731 : memref<1x128x128xi32, #tpu.memory_space<vmem>> -> memref<128x128xi32, #tpu.memory_space<vmem>>
    %dma_start3A_1733 = arith.constant 0 : i32
    %dma_start3A_1734 = tpu.memref_slice %arg6[%add3A_1727, %dma_start3A_1733] : memref<102400x128xi32, #tpu.memory_space<hbm>> -> memref<128x128xi32, #tpu.memory_space<hbm>>
    %dma_start3A_1735 = arith.constant 0 : i32
    %dma_start3A_1736 = tpu.memref_slice %arg6[%add3A_1727, %dma_start3A_1735] : memref<102400x128xi32, #tpu.memory_space<hbm>> -> memref<128x128xi32, #tpu.memory_space<hbm>>
    %dma_start3A_1737 = arith.constant 0 : i32
    %dma_start3A_1738 = arith.constant 0 : i32
    %dma_start3A_1739 = tpu.memref_slice %arg8[%dma_start3A_1728, %dma_start3A_1737, %dma_start3A_1738] : memref<4x128x128xi32, #tpu.memory_space<vmem>> -> memref<1x128x128xi32, #tpu.memory_space<vmem>>
    %dma_start3A_1740 = tpu.memref_squeeze %dma_start3A_1739 : memref<1x128x128xi32, #tpu.memory_space<vmem>> -> memref<128x128xi32, #tpu.memory_space<vmem>>
    tpu.enqueue_dma source(%dma_start3A_1740 : memref<128x128xi32, #tpu.memory_space<vmem>>) target(%dma_start3A_1736 : memref<128x128xi32, #tpu.memory_space<hbm>>) target_semaphore(%arg13 : memref<!tpu.dma_semaphore, #tpu.memory_space<semaphore_mem>>)
    %dma_wait3A_1741 = arith.constant 0 : i32
    %dma_wait3A_1742 = arith.constant 0 : i32
    %dma_wait3A_1743 = arith.constant 0 : i32
    %dma_wait3A_1744 = tpu.memref_slice %arg8[%dma_wait3A_1741, %dma_wait3A_1742, %dma_wait3A_1743] : memref<4x128x128xi32, #tpu.memory_space<vmem>> -> memref<1x128x128xi32, #tpu.memory_space<vmem>>
    %dma_wait3A_1745 = tpu.memref_squeeze %dma_wait3A_1744 : memref<1x128x128xi32, #tpu.memory_space<vmem>> -> memref<128x128xi32, #tpu.memory_space<vmem>>
    %dma_wait3A_1746 = arith.constant 0 : i32
    %dma_wait3A_1747 = tpu.memref_slice %arg6[%add3A_1727, %dma_wait3A_1746] : memref<102400x128xi32, #tpu.memory_space<hbm>> -> memref<128x128xi32, #tpu.memory_space<hbm>>
    %dma_wait3A_1748 = arith.constant 0 : i32
    %dma_wait3A_1749 = tpu.memref_slice %arg6[%add3A_1727, %dma_wait3A_1748] : memref<102400x128xi32, #tpu.memory_space<hbm>> -> memref<128x128xi32, #tpu.memory_space<hbm>>
    %dma_wait3A_1750 = arith.constant 0 : i32
    %dma_wait3A_1751 = arith.constant 0 : i32
    %dma_wait3A_1752 = tpu.memref_slice %arg8[%dma_wait3A_1741, %dma_wait3A_1750, %dma_wait3A_1751] : memref<4x128x128xi32, #tpu.memory_space<vmem>> -> memref<1x128x128xi32, #tpu.memory_space<vmem>>
    %dma_wait3A_1753 = tpu.memref_squeeze %dma_wait3A_1752 : memref<1x128x128xi32, #tpu.memory_space<vmem>> -> memref<128x128xi32, #tpu.memory_space<vmem>>
    tpu.wait_dma2 semaphore(%arg13 : memref<!tpu.dma_semaphore, #tpu.memory_space<semaphore_mem>>) src(%dma_wait3A_1753 : memref<128x128xi32, #tpu.memory_space<vmem>>) dst(%dma_wait3A_1749 : memref<128x128xi32, #tpu.memory_space<hbm>>)
    %dma_start3A_1754 = arith.constant 1 : i32
    %dma_start3A_1755 = arith.constant 0 : i32
    %dma_start3A_1756 = arith.constant 0 : i32
    %dma_start3A_1757 = arith.constant 0 : i32
    %dma_start3A_1758 = tpu.memref_slice %arg8[%dma_start3A_1755, %dma_start3A_1756, %dma_start3A_1757] : memref<4x128x128xi32, #tpu.memory_space<vmem>> -> memref<1x128x128xi32, #tpu.memory_space<vmem>>
    %dma_start3A_1759 = tpu.memref_squeeze %dma_start3A_1758 : memref<1x128x128xi32, #tpu.memory_space<vmem>> -> memref<128x128xi32, #tpu.memory_space<vmem>>
    %dma_start3A_1760 = arith.constant 1408 : i32
    %dma_start3A_1761 = tpu.memref_slice %arg7[%dma_start3A_1754, %dma_start3A_1760] : memref<2x3200xi32, #tpu.memory_space<vmem>> -> memref<1x128xi32, #tpu.memory_space<vmem>>
    %dma_start3A_1762 = tpu.memref_squeeze %dma_start3A_1761 : memref<1x128xi32, #tpu.memory_space<vmem>> -> memref<128xi32, #tpu.memory_space<vmem>>
    %dma_start3A_1763 = arith.constant 0 : i32
    %dma_start3A_1764 = arith.constant 0 : i32
    %dma_start3A_1765 = tpu.memref_slice %arg2[%dma_start3A_1763, %dma_start3A_1764] : memref<1000x128xi32, #tpu.memory_space<hbm>> -> memref<1000x128xi32, #tpu.memory_space<hbm>>
    tpu.enqueue_indirect_dma source(%dma_start3A_1765 : memref<1000x128xi32, #tpu.memory_space<hbm>>) target(%dma_start3A_1759 : memref<128x128xi32, #tpu.memory_space<vmem>>) offsets(%dma_start3A_1762 : memref<128xi32, #tpu.memory_space<vmem>>) semaphore(%arg9 : memref<!tpu.dma_semaphore, #tpu.memory_space<semaphore_mem>>)
    %dma_wait3A_1766 = arith.constant 1 : i32
    %dma_wait3A_1767 = arith.constant 1 : i32
    %dma_wait3A_1768 = arith.constant 0 : i32
    %dma_wait3A_1769 = arith.constant 0 : i32
    %dma_wait3A_1770 = tpu.memref_slice %arg8[%dma_wait3A_1767, %dma_wait3A_1768, %dma_wait3A_1769] : memref<4x128x128xi32, #tpu.memory_space<vmem>> -> memref<1x128x128xi32, #tpu.memory_space<vmem>>
    %dma_wait3A_1771 = tpu.memref_squeeze %dma_wait3A_1770 : memref<1x128x128xi32, #tpu.memory_space<vmem>> -> memref<128x128xi32, #tpu.memory_space<vmem>>
    %dma_wait3A_1772 = arith.constant 1024 : i32
    %dma_wait3A_1773 = tpu.memref_slice %arg7[%dma_wait3A_1766, %dma_wait3A_1772] : memref<2x3200xi32, #tpu.memory_space<vmem>> -> memref<1x128xi32, #tpu.memory_space<vmem>>
    %dma_wait3A_1774 = tpu.memref_squeeze %dma_wait3A_1773 : memref<1x128xi32, #tpu.memory_space<vmem>> -> memref<128xi32, #tpu.memory_space<vmem>>
    %dma_wait3A_1775 = arith.constant 0 : i32
    %dma_wait3A_1776 = arith.constant 0 : i32
    %dma_wait3A_1777 = tpu.memref_slice %arg2[%dma_wait3A_1775, %dma_wait3A_1776] : memref<1000x128xi32, #tpu.memory_space<hbm>> -> memref<1000x128xi32, #tpu.memory_space<hbm>>
    tpu.wait_indirect_dma semaphore(%arg10 : memref<!tpu.dma_semaphore, #tpu.memory_space<semaphore_mem>>) src(%dma_wait3A_1777 : memref<1000x128xi32, #tpu.memory_space<hbm>>) dst(%dma_wait3A_1771 : memref<128x128xi32, #tpu.memory_space<vmem>>)
    %add3A_1778 = arith.constant 1024 : i32
    %add3A_1779 = arith.addi %mul3A_2, %add3A_1778 : i32
    %dma_start3A_1780 = arith.constant 1 : i32
    %dma_start3A_1781 = arith.constant 0 : i32
    %dma_start3A_1782 = arith.constant 0 : i32
    %dma_start3A_1783 = tpu.memref_slice %arg8[%dma_start3A_1780, %dma_start3A_1781, %dma_start3A_1782] : memref<4x128x128xi32, #tpu.memory_space<vmem>> -> memref<1x128x128xi32, #tpu.memory_space<vmem>>
    %dma_start3A_1784 = tpu.memref_squeeze %dma_start3A_1783 : memref<1x128x128xi32, #tpu.memory_space<vmem>> -> memref<128x128xi32, #tpu.memory_space<vmem>>
    %dma_start3A_1785 = arith.constant 0 : i32
    %dma_start3A_1786 = tpu.memref_slice %arg6[%add3A_1779, %dma_start3A_1785] : memref<102400x128xi32, #tpu.memory_space<hbm>> -> memref<128x128xi32, #tpu.memory_space<hbm>>
    %dma_start3A_1787 = arith.constant 0 : i32
    %dma_start3A_1788 = tpu.memref_slice %arg6[%add3A_1779, %dma_start3A_1787] : memref<102400x128xi32, #tpu.memory_space<hbm>> -> memref<128x128xi32, #tpu.memory_space<hbm>>
    %dma_start3A_1789 = arith.constant 0 : i32
    %dma_start3A_1790 = arith.constant 0 : i32
    %dma_start3A_1791 = tpu.memref_slice %arg8[%dma_start3A_1780, %dma_start3A_1789, %dma_start3A_1790] : memref<4x128x128xi32, #tpu.memory_space<vmem>> -> memref<1x128x128xi32, #tpu.memory_space<vmem>>
    %dma_start3A_1792 = tpu.memref_squeeze %dma_start3A_1791 : memref<1x128x128xi32, #tpu.memory_space<vmem>> -> memref<128x128xi32, #tpu.memory_space<vmem>>
    tpu.enqueue_dma source(%dma_start3A_1792 : memref<128x128xi32, #tpu.memory_space<vmem>>) target(%dma_start3A_1788 : memref<128x128xi32, #tpu.memory_space<hbm>>) target_semaphore(%arg14 : memref<!tpu.dma_semaphore, #tpu.memory_space<semaphore_mem>>)
    %dma_wait3A_1793 = arith.constant 1 : i32
    %dma_wait3A_1794 = arith.constant 0 : i32
    %dma_wait3A_1795 = arith.constant 0 : i32
    %dma_wait3A_1796 = tpu.memref_slice %arg8[%dma_wait3A_1793, %dma_wait3A_1794, %dma_wait3A_1795] : memref<4x128x128xi32, #tpu.memory_space<vmem>> -> memref<1x128x128xi32, #tpu.memory_space<vmem>>
    %dma_wait3A_1797 = tpu.memref_squeeze %dma_wait3A_1796 : memref<1x128x128xi32, #tpu.memory_space<vmem>> -> memref<128x128xi32, #tpu.memory_space<vmem>>
    %dma_wait3A_1798 = arith.constant 0 : i32
    %dma_wait3A_1799 = tpu.memref_slice %arg6[%add3A_1779, %dma_wait3A_1798] : memref<102400x128xi32, #tpu.memory_space<hbm>> -> memref<128x128xi32, #tpu.memory_space<hbm>>
    %dma_wait3A_1800 = arith.constant 0 : i32
    %dma_wait3A_1801 = tpu.memref_slice %arg6[%add3A_1779, %dma_wait3A_1800] : memref<102400x128xi32, #tpu.memory_space<hbm>> -> memref<128x128xi32, #tpu.memory_space<hbm>>
    %dma_wait3A_1802 = arith.constant 0 : i32
    %dma_wait3A_1803 = arith.constant 0 : i32
    %dma_wait3A_1804 = tpu.memref_slice %arg8[%dma_wait3A_1793, %dma_wait3A_1802, %dma_wait3A_1803] : memref<4x128x128xi32, #tpu.memory_space<vmem>> -> memref<1x128x128xi32, #tpu.memory_space<vmem>>
    %dma_wait3A_1805 = tpu.memref_squeeze %dma_wait3A_1804 : memref<1x128x128xi32, #tpu.memory_space<vmem>> -> memref<128x128xi32, #tpu.memory_space<vmem>>
    tpu.wait_dma2 semaphore(%arg14 : memref<!tpu.dma_semaphore, #tpu.memory_space<semaphore_mem>>) src(%dma_wait3A_1805 : memref<128x128xi32, #tpu.memory_space<vmem>>) dst(%dma_wait3A_1801 : memref<128x128xi32, #tpu.memory_space<hbm>>)
    %dma_start3A_1806 = arith.constant 1 : i32
    %dma_start3A_1807 = arith.constant 1 : i32
    %dma_start3A_1808 = arith.constant 0 : i32
    %dma_start3A_1809 = arith.constant 0 : i32
    %dma_start3A_1810 = tpu.memref_slice %arg8[%dma_start3A_1807, %dma_start3A_1808, %dma_start3A_1809] : memref<4x128x128xi32, #tpu.memory_space<vmem>> -> memref<1x128x128xi32, #tpu.memory_space<vmem>>
    %dma_start3A_1811 = tpu.memref_squeeze %dma_start3A_1810 : memref<1x128x128xi32, #tpu.memory_space<vmem>> -> memref<128x128xi32, #tpu.memory_space<vmem>>
    %dma_start3A_1812 = arith.constant 1536 : i32
    %dma_start3A_1813 = tpu.memref_slice %arg7[%dma_start3A_1806, %dma_start3A_1812] : memref<2x3200xi32, #tpu.memory_space<vmem>> -> memref<1x128xi32, #tpu.memory_space<vmem>>
    %dma_start3A_1814 = tpu.memref_squeeze %dma_start3A_1813 : memref<1x128xi32, #tpu.memory_space<vmem>> -> memref<128xi32, #tpu.memory_space<vmem>>
    %dma_start3A_1815 = arith.constant 0 : i32
    %dma_start3A_1816 = arith.constant 0 : i32
    %dma_start3A_1817 = tpu.memref_slice %arg2[%dma_start3A_1815, %dma_start3A_1816] : memref<1000x128xi32, #tpu.memory_space<hbm>> -> memref<1000x128xi32, #tpu.memory_space<hbm>>
    tpu.enqueue_indirect_dma source(%dma_start3A_1817 : memref<1000x128xi32, #tpu.memory_space<hbm>>) target(%dma_start3A_1811 : memref<128x128xi32, #tpu.memory_space<vmem>>) offsets(%dma_start3A_1814 : memref<128xi32, #tpu.memory_space<vmem>>) semaphore(%arg10 : memref<!tpu.dma_semaphore, #tpu.memory_space<semaphore_mem>>)
    %dma_wait3A_1818 = arith.constant 1 : i32
    %dma_wait3A_1819 = arith.constant 2 : i32
    %dma_wait3A_1820 = arith.constant 0 : i32
    %dma_wait3A_1821 = arith.constant 0 : i32
    %dma_wait3A_1822 = tpu.memref_slice %arg8[%dma_wait3A_1819, %dma_wait3A_1820, %dma_wait3A_1821] : memref<4x128x128xi32, #tpu.memory_space<vmem>> -> memref<1x128x128xi32, #tpu.memory_space<vmem>>
    %dma_wait3A_1823 = tpu.memref_squeeze %dma_wait3A_1822 : memref<1x128x128xi32, #tpu.memory_space<vmem>> -> memref<128x128xi32, #tpu.memory_space<vmem>>
    %dma_wait3A_1824 = arith.constant 1152 : i32
    %dma_wait3A_1825 = tpu.memref_slice %arg7[%dma_wait3A_1818, %dma_wait3A_1824] : memref<2x3200xi32, #tpu.memory_space<vmem>> -> memref<1x128xi32, #tpu.memory_space<vmem>>
    %dma_wait3A_1826 = tpu.memref_squeeze %dma_wait3A_1825 : memref<1x128xi32, #tpu.memory_space<vmem>> -> memref<128xi32, #tpu.memory_space<vmem>>
    %dma_wait3A_1827 = arith.constant 0 : i32
    %dma_wait3A_1828 = arith.constant 0 : i32
    %dma_wait3A_1829 = tpu.memref_slice %arg2[%dma_wait3A_1827, %dma_wait3A_1828] : memref<1000x128xi32, #tpu.memory_space<hbm>> -> memref<1000x128xi32, #tpu.memory_space<hbm>>
    tpu.wait_indirect_dma semaphore(%arg11 : memref<!tpu.dma_semaphore, #tpu.memory_space<semaphore_mem>>) src(%dma_wait3A_1829 : memref<1000x128xi32, #tpu.memory_space<hbm>>) dst(%dma_wait3A_1823 : memref<128x128xi32, #tpu.memory_space<vmem>>)
    %add3A_1830 = arith.constant 1152 : i32
    %add3A_1831 = arith.addi %mul3A_2, %add3A_1830 : i32
    %dma_start3A_1832 = arith.constant 2 : i32
    %dma_start3A_1833 = arith.constant 0 : i32
    %dma_start3A_1834 = arith.constant 0 : i32
    %dma_start3A_1835 = tpu.memref_slice %arg8[%dma_start3A_1832, %dma_start3A_1833, %dma_start3A_1834] : memref<4x128x128xi32, #tpu.memory_space<vmem>> -> memref<1x128x128xi32, #tpu.memory_space<vmem>>
    %dma_start3A_1836 = tpu.memref_squeeze %dma_start3A_1835 : memref<1x128x128xi32, #tpu.memory_space<vmem>> -> memref<128x128xi32, #tpu.memory_space<vmem>>
    %dma_start3A_1837 = arith.constant 0 : i32
    %dma_start3A_1838 = tpu.memref_slice %arg6[%add3A_1831, %dma_start3A_1837] : memref<102400x128xi32, #tpu.memory_space<hbm>> -> memref<128x128xi32, #tpu.memory_space<hbm>>
    %dma_start3A_1839 = arith.constant 0 : i32
    %dma_start3A_1840 = tpu.memref_slice %arg6[%add3A_1831, %dma_start3A_1839] : memref<102400x128xi32, #tpu.memory_space<hbm>> -> memref<128x128xi32, #tpu.memory_space<hbm>>
    %dma_start3A_1841 = arith.constant 0 : i32
    %dma_start3A_1842 = arith.constant 0 : i32
    %dma_start3A_1843 = tpu.memref_slice %arg8[%dma_start3A_1832, %dma_start3A_1841, %dma_start3A_1842] : memref<4x128x128xi32, #tpu.memory_space<vmem>> -> memref<1x128x128xi32, #tpu.memory_space<vmem>>
    %dma_start3A_1844 = tpu.memref_squeeze %dma_start3A_1843 : memref<1x128x128xi32, #tpu.memory_space<vmem>> -> memref<128x128xi32, #tpu.memory_space<vmem>>
    tpu.enqueue_dma source(%dma_start3A_1844 : memref<128x128xi32, #tpu.memory_space<vmem>>) target(%dma_start3A_1840 : memref<128x128xi32, #tpu.memory_space<hbm>>) target_semaphore(%arg15 : memref<!tpu.dma_semaphore, #tpu.memory_space<semaphore_mem>>)
    %dma_wait3A_1845 = arith.constant 2 : i32
    %dma_wait3A_1846 = arith.constant 0 : i32
    %dma_wait3A_1847 = arith.constant 0 : i32
    %dma_wait3A_1848 = tpu.memref_slice %arg8[%dma_wait3A_1845, %dma_wait3A_1846, %dma_wait3A_1847] : memref<4x128x128xi32, #tpu.memory_space<vmem>> -> memref<1x128x128xi32, #tpu.memory_space<vmem>>
    %dma_wait3A_1849 = tpu.memref_squeeze %dma_wait3A_1848 : memref<1x128x128xi32, #tpu.memory_space<vmem>> -> memref<128x128xi32, #tpu.memory_space<vmem>>
    %dma_wait3A_1850 = arith.constant 0 : i32
    %dma_wait3A_1851 = tpu.memref_slice %arg6[%add3A_1831, %dma_wait3A_1850] : memref<102400x128xi32, #tpu.memory_space<hbm>> -> memref<128x128xi32, #tpu.memory_space<hbm>>
    %dma_wait3A_1852 = arith.constant 0 : i32
    %dma_wait3A_1853 = tpu.memref_slice %arg6[%add3A_1831, %dma_wait3A_1852] : memref<102400x128xi32, #tpu.memory_space<hbm>> -> memref<128x128xi32, #tpu.memory_space<hbm>>
    %dma_wait3A_1854 = arith.constant 0 : i32
    %dma_wait3A_1855 = arith.constant 0 : i32
    %dma_wait3A_1856 = tpu.memref_slice %arg8[%dma_wait3A_1845, %dma_wait3A_1854, %dma_wait3A_1855] : memref<4x128x128xi32, #tpu.memory_space<vmem>> -> memref<1x128x128xi32, #tpu.memory_space<vmem>>
    %dma_wait3A_1857 = tpu.memref_squeeze %dma_wait3A_1856 : memref<1x128x128xi32, #tpu.memory_space<vmem>> -> memref<128x128xi32, #tpu.memory_space<vmem>>
    tpu.wait_dma2 semaphore(%arg15 : memref<!tpu.dma_semaphore, #tpu.memory_space<semaphore_mem>>) src(%dma_wait3A_1857 : memref<128x128xi32, #tpu.memory_space<vmem>>) dst(%dma_wait3A_1853 : memref<128x128xi32, #tpu.memory_space<hbm>>)
    %dma_start3A_1858 = arith.constant 1 : i32
    %dma_start3A_1859 = arith.constant 2 : i32
    %dma_start3A_1860 = arith.constant 0 : i32
    %dma_start3A_1861 = arith.constant 0 : i32
    %dma_start3A_1862 = tpu.memref_slice %arg8[%dma_start3A_1859, %dma_start3A_1860, %dma_start3A_1861] : memref<4x128x128xi32, #tpu.memory_space<vmem>> -> memref<1x128x128xi32, #tpu.memory_space<vmem>>
    %dma_start3A_1863 = tpu.memref_squeeze %dma_start3A_1862 : memref<1x128x128xi32, #tpu.memory_space<vmem>> -> memref<128x128xi32, #tpu.memory_space<vmem>>
    %dma_start3A_1864 = arith.constant 1664 : i32
    %dma_start3A_1865 = tpu.memref_slice %arg7[%dma_start3A_1858, %dma_start3A_1864] : memref<2x3200xi32, #tpu.memory_space<vmem>> -> memref<1x128xi32, #tpu.memory_space<vmem>>
    %dma_start3A_1866 = tpu.memref_squeeze %dma_start3A_1865 : memref<1x128xi32, #tpu.memory_space<vmem>> -> memref<128xi32, #tpu.memory_space<vmem>>
    %dma_start3A_1867 = arith.constant 0 : i32
    %dma_start3A_1868 = arith.constant 0 : i32
    %dma_start3A_1869 = tpu.memref_slice %arg2[%dma_start3A_1867, %dma_start3A_1868] : memref<1000x128xi32, #tpu.memory_space<hbm>> -> memref<1000x128xi32, #tpu.memory_space<hbm>>
    tpu.enqueue_indirect_dma source(%dma_start3A_1869 : memref<1000x128xi32, #tpu.memory_space<hbm>>) target(%dma_start3A_1863 : memref<128x128xi32, #tpu.memory_space<vmem>>) offsets(%dma_start3A_1866 : memref<128xi32, #tpu.memory_space<vmem>>) semaphore(%arg11 : memref<!tpu.dma_semaphore, #tpu.memory_space<semaphore_mem>>)
    %dma_wait3A_1870 = arith.constant 1 : i32
    %dma_wait3A_1871 = arith.constant 3 : i32
    %dma_wait3A_1872 = arith.constant 0 : i32
    %dma_wait3A_1873 = arith.constant 0 : i32
    %dma_wait3A_1874 = tpu.memref_slice %arg8[%dma_wait3A_1871, %dma_wait3A_1872, %dma_wait3A_1873] : memref<4x128x128xi32, #tpu.memory_space<vmem>> -> memref<1x128x128xi32, #tpu.memory_space<vmem>>
    %dma_wait3A_1875 = tpu.memref_squeeze %dma_wait3A_1874 : memref<1x128x128xi32, #tpu.memory_space<vmem>> -> memref<128x128xi32, #tpu.memory_space<vmem>>
    %dma_wait3A_1876 = arith.constant 1280 : i32
    %dma_wait3A_1877 = tpu.memref_slice %arg7[%dma_wait3A_1870, %dma_wait3A_1876] : memref<2x3200xi32, #tpu.memory_space<vmem>> -> memref<1x128xi32, #tpu.memory_space<vmem>>
    %dma_wait3A_1878 = tpu.memref_squeeze %dma_wait3A_1877 : memref<1x128xi32, #tpu.memory_space<vmem>> -> memref<128xi32, #tpu.memory_space<vmem>>
    %dma_wait3A_1879 = arith.constant 0 : i32
    %dma_wait3A_1880 = arith.constant 0 : i32
    %dma_wait3A_1881 = tpu.memref_slice %arg2[%dma_wait3A_1879, %dma_wait3A_1880] : memref<1000x128xi32, #tpu.memory_space<hbm>> -> memref<1000x128xi32, #tpu.memory_space<hbm>>
    tpu.wait_indirect_dma semaphore(%arg12 : memref<!tpu.dma_semaphore, #tpu.memory_space<semaphore_mem>>) src(%dma_wait3A_1881 : memref<1000x128xi32, #tpu.memory_space<hbm>>) dst(%dma_wait3A_1875 : memref<128x128xi32, #tpu.memory_space<vmem>>)
    %add3A_1882 = arith.constant 1280 : i32
    %add3A_1883 = arith.addi %mul3A_2, %add3A_1882 : i32
    %dma_start3A_1884 = arith.constant 3 : i32
    %dma_start3A_1885 = arith.constant 0 : i32
    %dma_start3A_1886 = arith.constant 0 : i32
    %dma_start3A_1887 = tpu.memref_slice %arg8[%dma_start3A_1884, %dma_start3A_1885, %dma_start3A_1886] : memref<4x128x128xi32, #tpu.memory_space<vmem>> -> memref<1x128x128xi32, #tpu.memory_space<vmem>>
    %dma_start3A_1888 = tpu.memref_squeeze %dma_start3A_1887 : memref<1x128x128xi32, #tpu.memory_space<vmem>> -> memref<128x128xi32, #tpu.memory_space<vmem>>
    %dma_start3A_1889 = arith.constant 0 : i32
    %dma_start3A_1890 = tpu.memref_slice %arg6[%add3A_1883, %dma_start3A_1889] : memref<102400x128xi32, #tpu.memory_space<hbm>> -> memref<128x128xi32, #tpu.memory_space<hbm>>
    %dma_start3A_1891 = arith.constant 0 : i32
    %dma_start3A_1892 = tpu.memref_slice %arg6[%add3A_1883, %dma_start3A_1891] : memref<102400x128xi32, #tpu.memory_space<hbm>> -> memref<128x128xi32, #tpu.memory_space<hbm>>
    %dma_start3A_1893 = arith.constant 0 : i32
    %dma_start3A_1894 = arith.constant 0 : i32
    %dma_start3A_1895 = tpu.memref_slice %arg8[%dma_start3A_1884, %dma_start3A_1893, %dma_start3A_1894] : memref<4x128x128xi32, #tpu.memory_space<vmem>> -> memref<1x128x128xi32, #tpu.memory_space<vmem>>
    %dma_start3A_1896 = tpu.memref_squeeze %dma_start3A_1895 : memref<1x128x128xi32, #tpu.memory_space<vmem>> -> memref<128x128xi32, #tpu.memory_space<vmem>>
    tpu.enqueue_dma source(%dma_start3A_1896 : memref<128x128xi32, #tpu.memory_space<vmem>>) target(%dma_start3A_1892 : memref<128x128xi32, #tpu.memory_space<hbm>>) target_semaphore(%arg16 : memref<!tpu.dma_semaphore, #tpu.memory_space<semaphore_mem>>)
    %dma_wait3A_1897 = arith.constant 3 : i32
    %dma_wait3A_1898 = arith.constant 0 : i32
    %dma_wait3A_1899 = arith.constant 0 : i32
    %dma_wait3A_1900 = tpu.memref_slice %arg8[%dma_wait3A_1897, %dma_wait3A_1898, %dma_wait3A_1899] : memref<4x128x128xi32, #tpu.memory_space<vmem>> -> memref<1x128x128xi32, #tpu.memory_space<vmem>>
    %dma_wait3A_1901 = tpu.memref_squeeze %dma_wait3A_1900 : memref<1x128x128xi32, #tpu.memory_space<vmem>> -> memref<128x128xi32, #tpu.memory_space<vmem>>
    %dma_wait3A_1902 = arith.constant 0 : i32
    %dma_wait3A_1903 = tpu.memref_slice %arg6[%add3A_1883, %dma_wait3A_1902] : memref<102400x128xi32, #tpu.memory_space<hbm>> -> memref<128x128xi32, #tpu.memory_space<hbm>>
    %dma_wait3A_1904 = arith.constant 0 : i32
    %dma_wait3A_1905 = tpu.memref_slice %arg6[%add3A_1883, %dma_wait3A_1904] : memref<102400x128xi32, #tpu.memory_space<hbm>> -> memref<128x128xi32, #tpu.memory_space<hbm>>
    %dma_wait3A_1906 = arith.constant 0 : i32
    %dma_wait3A_1907 = arith.constant 0 : i32
    %dma_wait3A_1908 = tpu.memref_slice %arg8[%dma_wait3A_1897, %dma_wait3A_1906, %dma_wait3A_1907] : memref<4x128x128xi32, #tpu.memory_space<vmem>> -> memref<1x128x128xi32, #tpu.memory_space<vmem>>
    %dma_wait3A_1909 = tpu.memref_squeeze %dma_wait3A_1908 : memref<1x128x128xi32, #tpu.memory_space<vmem>> -> memref<128x128xi32, #tpu.memory_space<vmem>>
    tpu.wait_dma2 semaphore(%arg16 : memref<!tpu.dma_semaphore, #tpu.memory_space<semaphore_mem>>) src(%dma_wait3A_1909 : memref<128x128xi32, #tpu.memory_space<vmem>>) dst(%dma_wait3A_1905 : memref<128x128xi32, #tpu.memory_space<hbm>>)
    %dma_start3A_1910 = arith.constant 1 : i32
    %dma_start3A_1911 = arith.constant 3 : i32
    %dma_start3A_1912 = arith.constant 0 : i32
    %dma_start3A_1913 = arith.constant 0 : i32
    %dma_start3A_1914 = tpu.memref_slice %arg8[%dma_start3A_1911, %dma_start3A_1912, %dma_start3A_1913] : memref<4x128x128xi32, #tpu.memory_space<vmem>> -> memref<1x128x128xi32, #tpu.memory_space<vmem>>
    %dma_start3A_1915 = tpu.memref_squeeze %dma_start3A_1914 : memref<1x128x128xi32, #tpu.memory_space<vmem>> -> memref<128x128xi32, #tpu.memory_space<vmem>>
    %dma_start3A_1916 = arith.constant 1792 : i32
    %dma_start3A_1917 = tpu.memref_slice %arg7[%dma_start3A_1910, %dma_start3A_1916] : memref<2x3200xi32, #tpu.memory_space<vmem>> -> memref<1x128xi32, #tpu.memory_space<vmem>>
    %dma_start3A_1918 = tpu.memref_squeeze %dma_start3A_1917 : memref<1x128xi32, #tpu.memory_space<vmem>> -> memref<128xi32, #tpu.memory_space<vmem>>
    %dma_start3A_1919 = arith.constant 0 : i32
    %dma_start3A_1920 = arith.constant 0 : i32
    %dma_start3A_1921 = tpu.memref_slice %arg2[%dma_start3A_1919, %dma_start3A_1920] : memref<1000x128xi32, #tpu.memory_space<hbm>> -> memref<1000x128xi32, #tpu.memory_space<hbm>>
    tpu.enqueue_indirect_dma source(%dma_start3A_1921 : memref<1000x128xi32, #tpu.memory_space<hbm>>) target(%dma_start3A_1915 : memref<128x128xi32, #tpu.memory_space<vmem>>) offsets(%dma_start3A_1918 : memref<128xi32, #tpu.memory_space<vmem>>) semaphore(%arg12 : memref<!tpu.dma_semaphore, #tpu.memory_space<semaphore_mem>>)
    %dma_wait3A_1922 = arith.constant 1 : i32
    %dma_wait3A_1923 = arith.constant 0 : i32
    %dma_wait3A_1924 = arith.constant 0 : i32
    %dma_wait3A_1925 = arith.constant 0 : i32
    %dma_wait3A_1926 = tpu.memref_slice %arg8[%dma_wait3A_1923, %dma_wait3A_1924, %dma_wait3A_1925] : memref<4x128x128xi32, #tpu.memory_space<vmem>> -> memref<1x128x128xi32, #tpu.memory_space<vmem>>
    %dma_wait3A_1927 = tpu.memref_squeeze %dma_wait3A_1926 : memref<1x128x128xi32, #tpu.memory_space<vmem>> -> memref<128x128xi32, #tpu.memory_space<vmem>>
    %dma_wait3A_1928 = arith.constant 1408 : i32
    %dma_wait3A_1929 = tpu.memref_slice %arg7[%dma_wait3A_1922, %dma_wait3A_1928] : memref<2x3200xi32, #tpu.memory_space<vmem>> -> memref<1x128xi32, #tpu.memory_space<vmem>>
    %dma_wait3A_1930 = tpu.memref_squeeze %dma_wait3A_1929 : memref<1x128xi32, #tpu.memory_space<vmem>> -> memref<128xi32, #tpu.memory_space<vmem>>
    %dma_wait3A_1931 = arith.constant 0 : i32
    %dma_wait3A_1932 = arith.constant 0 : i32
    %dma_wait3A_1933 = tpu.memref_slice %arg2[%dma_wait3A_1931, %dma_wait3A_1932] : memref<1000x128xi32, #tpu.memory_space<hbm>> -> memref<1000x128xi32, #tpu.memory_space<hbm>>
    tpu.wait_indirect_dma semaphore(%arg9 : memref<!tpu.dma_semaphore, #tpu.memory_space<semaphore_mem>>) src(%dma_wait3A_1933 : memref<1000x128xi32, #tpu.memory_space<hbm>>) dst(%dma_wait3A_1927 : memref<128x128xi32, #tpu.memory_space<vmem>>)
    %add3A_1934 = arith.constant 1408 : i32
    %add3A_1935 = arith.addi %mul3A_2, %add3A_1934 : i32
    %dma_start3A_1936 = arith.constant 0 : i32
    %dma_start3A_1937 = arith.constant 0 : i32
    %dma_start3A_1938 = arith.constant 0 : i32
    %dma_start3A_1939 = tpu.memref_slice %arg8[%dma_start3A_1936, %dma_start3A_1937, %dma_start3A_1938] : memref<4x128x128xi32, #tpu.memory_space<vmem>> -> memref<1x128x128xi32, #tpu.memory_space<vmem>>
    %dma_start3A_1940 = tpu.memref_squeeze %dma_start3A_1939 : memref<1x128x128xi32, #tpu.memory_space<vmem>> -> memref<128x128xi32, #tpu.memory_space<vmem>>
    %dma_start3A_1941 = arith.constant 0 : i32
    %dma_start3A_1942 = tpu.memref_slice %arg6[%add3A_1935, %dma_start3A_1941] : memref<102400x128xi32, #tpu.memory_space<hbm>> -> memref<128x128xi32, #tpu.memory_space<hbm>>
    %dma_start3A_1943 = arith.constant 0 : i32
    %dma_start3A_1944 = tpu.memref_slice %arg6[%add3A_1935, %dma_start3A_1943] : memref<102400x128xi32, #tpu.memory_space<hbm>> -> memref<128x128xi32, #tpu.memory_space<hbm>>
    %dma_start3A_1945 = arith.constant 0 : i32
    %dma_start3A_1946 = arith.constant 0 : i32
    %dma_start3A_1947 = tpu.memref_slice %arg8[%dma_start3A_1936, %dma_start3A_1945, %dma_start3A_1946] : memref<4x128x128xi32, #tpu.memory_space<vmem>> -> memref<1x128x128xi32, #tpu.memory_space<vmem>>
    %dma_start3A_1948 = tpu.memref_squeeze %dma_start3A_1947 : memref<1x128x128xi32, #tpu.memory_space<vmem>> -> memref<128x128xi32, #tpu.memory_space<vmem>>
    tpu.enqueue_dma source(%dma_start3A_1948 : memref<128x128xi32, #tpu.memory_space<vmem>>) target(%dma_start3A_1944 : memref<128x128xi32, #tpu.memory_space<hbm>>) target_semaphore(%arg13 : memref<!tpu.dma_semaphore, #tpu.memory_space<semaphore_mem>>)
    %dma_wait3A_1949 = arith.constant 0 : i32
    %dma_wait3A_1950 = arith.constant 0 : i32
    %dma_wait3A_1951 = arith.constant 0 : i32
    %dma_wait3A_1952 = tpu.memref_slice %arg8[%dma_wait3A_1949, %dma_wait3A_1950, %dma_wait3A_1951] : memref<4x128x128xi32, #tpu.memory_space<vmem>> -> memref<1x128x128xi32, #tpu.memory_space<vmem>>
    %dma_wait3A_1953 = tpu.memref_squeeze %dma_wait3A_1952 : memref<1x128x128xi32, #tpu.memory_space<vmem>> -> memref<128x128xi32, #tpu.memory_space<vmem>>
    %dma_wait3A_1954 = arith.constant 0 : i32
    %dma_wait3A_1955 = tpu.memref_slice %arg6[%add3A_1935, %dma_wait3A_1954] : memref<102400x128xi32, #tpu.memory_space<hbm>> -> memref<128x128xi32, #tpu.memory_space<hbm>>
    %dma_wait3A_1956 = arith.constant 0 : i32
    %dma_wait3A_1957 = tpu.memref_slice %arg6[%add3A_1935, %dma_wait3A_1956] : memref<102400x128xi32, #tpu.memory_space<hbm>> -> memref<128x128xi32, #tpu.memory_space<hbm>>
    %dma_wait3A_1958 = arith.constant 0 : i32
    %dma_wait3A_1959 = arith.constant 0 : i32
    %dma_wait3A_1960 = tpu.memref_slice %arg8[%dma_wait3A_1949, %dma_wait3A_1958, %dma_wait3A_1959] : memref<4x128x128xi32, #tpu.memory_space<vmem>> -> memref<1x128x128xi32, #tpu.memory_space<vmem>>
    %dma_wait3A_1961 = tpu.memref_squeeze %dma_wait3A_1960 : memref<1x128x128xi32, #tpu.memory_space<vmem>> -> memref<128x128xi32, #tpu.memory_space<vmem>>
    tpu.wait_dma2 semaphore(%arg13 : memref<!tpu.dma_semaphore, #tpu.memory_space<semaphore_mem>>) src(%dma_wait3A_1961 : memref<128x128xi32, #tpu.memory_space<vmem>>) dst(%dma_wait3A_1957 : memref<128x128xi32, #tpu.memory_space<hbm>>)
    %dma_start3A_1962 = arith.constant 1 : i32
    %dma_start3A_1963 = arith.constant 0 : i32
    %dma_start3A_1964 = arith.constant 0 : i32
    %dma_start3A_1965 = arith.constant 0 : i32
    %dma_start3A_1966 = tpu.memref_slice %arg8[%dma_start3A_1963, %dma_start3A_1964, %dma_start3A_1965] : memref<4x128x128xi32, #tpu.memory_space<vmem>> -> memref<1x128x128xi32, #tpu.memory_space<vmem>>
    %dma_start3A_1967 = tpu.memref_squeeze %dma_start3A_1966 : memref<1x128x128xi32, #tpu.memory_space<vmem>> -> memref<128x128xi32, #tpu.memory_space<vmem>>
    %dma_start3A_1968 = arith.constant 1920 : i32
    %dma_start3A_1969 = tpu.memref_slice %arg7[%dma_start3A_1962, %dma_start3A_1968] : memref<2x3200xi32, #tpu.memory_space<vmem>> -> memref<1x128xi32, #tpu.memory_space<vmem>>
    %dma_start3A_1970 = tpu.memref_squeeze %dma_start3A_1969 : memref<1x128xi32, #tpu.memory_space<vmem>> -> memref<128xi32, #tpu.memory_space<vmem>>
    %dma_start3A_1971 = arith.constant 0 : i32
    %dma_start3A_1972 = arith.constant 0 : i32
    %dma_start3A_1973 = tpu.memref_slice %arg2[%dma_start3A_1971, %dma_start3A_1972] : memref<1000x128xi32, #tpu.memory_space<hbm>> -> memref<1000x128xi32, #tpu.memory_space<hbm>>
    tpu.enqueue_indirect_dma source(%dma_start3A_1973 : memref<1000x128xi32, #tpu.memory_space<hbm>>) target(%dma_start3A_1967 : memref<128x128xi32, #tpu.memory_space<vmem>>) offsets(%dma_start3A_1970 : memref<128xi32, #tpu.memory_space<vmem>>) semaphore(%arg9 : memref<!tpu.dma_semaphore, #tpu.memory_space<semaphore_mem>>)
    %dma_wait3A_1974 = arith.constant 1 : i32
    %dma_wait3A_1975 = arith.constant 1 : i32
    %dma_wait3A_1976 = arith.constant 0 : i32
    %dma_wait3A_1977 = arith.constant 0 : i32
    %dma_wait3A_1978 = tpu.memref_slice %arg8[%dma_wait3A_1975, %dma_wait3A_1976, %dma_wait3A_1977] : memref<4x128x128xi32, #tpu.memory_space<vmem>> -> memref<1x128x128xi32, #tpu.memory_space<vmem>>
    %dma_wait3A_1979 = tpu.memref_squeeze %dma_wait3A_1978 : memref<1x128x128xi32, #tpu.memory_space<vmem>> -> memref<128x128xi32, #tpu.memory_space<vmem>>
    %dma_wait3A_1980 = arith.constant 1536 : i32
    %dma_wait3A_1981 = tpu.memref_slice %arg7[%dma_wait3A_1974, %dma_wait3A_1980] : memref<2x3200xi32, #tpu.memory_space<vmem>> -> memref<1x128xi32, #tpu.memory_space<vmem>>
    %dma_wait3A_1982 = tpu.memref_squeeze %dma_wait3A_1981 : memref<1x128xi32, #tpu.memory_space<vmem>> -> memref<128xi32, #tpu.memory_space<vmem>>
    %dma_wait3A_1983 = arith.constant 0 : i32
    %dma_wait3A_1984 = arith.constant 0 : i32
    %dma_wait3A_1985 = tpu.memref_slice %arg2[%dma_wait3A_1983, %dma_wait3A_1984] : memref<1000x128xi32, #tpu.memory_space<hbm>> -> memref<1000x128xi32, #tpu.memory_space<hbm>>
    tpu.wait_indirect_dma semaphore(%arg10 : memref<!tpu.dma_semaphore, #tpu.memory_space<semaphore_mem>>) src(%dma_wait3A_1985 : memref<1000x128xi32, #tpu.memory_space<hbm>>) dst(%dma_wait3A_1979 : memref<128x128xi32, #tpu.memory_space<vmem>>)
    %add3A_1986 = arith.constant 1536 : i32
    %add3A_1987 = arith.addi %mul3A_2, %add3A_1986 : i32
    %dma_start3A_1988 = arith.constant 1 : i32
    %dma_start3A_1989 = arith.constant 0 : i32
    %dma_start3A_1990 = arith.constant 0 : i32
    %dma_start3A_1991 = tpu.memref_slice %arg8[%dma_start3A_1988, %dma_start3A_1989, %dma_start3A_1990] : memref<4x128x128xi32, #tpu.memory_space<vmem>> -> memref<1x128x128xi32, #tpu.memory_space<vmem>>
    %dma_start3A_1992 = tpu.memref_squeeze %dma_start3A_1991 : memref<1x128x128xi32, #tpu.memory_space<vmem>> -> memref<128x128xi32, #tpu.memory_space<vmem>>
    %dma_start3A_1993 = arith.constant 0 : i32
    %dma_start3A_1994 = tpu.memref_slice %arg6[%add3A_1987, %dma_start3A_1993] : memref<102400x128xi32, #tpu.memory_space<hbm>> -> memref<128x128xi32, #tpu.memory_space<hbm>>
    %dma_start3A_1995 = arith.constant 0 : i32
    %dma_start3A_1996 = tpu.memref_slice %arg6[%add3A_1987, %dma_start3A_1995] : memref<102400x128xi32, #tpu.memory_space<hbm>> -> memref<128x128xi32, #tpu.memory_space<hbm>>
    %dma_start3A_1997 = arith.constant 0 : i32
    %dma_start3A_1998 = arith.constant 0 : i32
    %dma_start3A_1999 = tpu.memref_slice %arg8[%dma_start3A_1988, %dma_start3A_1997, %dma_start3A_1998] : memref<4x128x128xi32, #tpu.memory_space<vmem>> -> memref<1x128x128xi32, #tpu.memory_space<vmem>>
    %dma_start3A_2000 = tpu.memref_squeeze %dma_start3A_1999 : memref<1x128x128xi32, #tpu.memory_space<vmem>> -> memref<128x128xi32, #tpu.memory_space<vmem>>
    tpu.enqueue_dma source(%dma_start3A_2000 : memref<128x128xi32, #tpu.memory_space<vmem>>) target(%dma_start3A_1996 : memref<128x128xi32, #tpu.memory_space<hbm>>) target_semaphore(%arg14 : memref<!tpu.dma_semaphore, #tpu.memory_space<semaphore_mem>>)
    %dma_wait3A_2001 = arith.constant 1 : i32
    %dma_wait3A_2002 = arith.constant 0 : i32
    %dma_wait3A_2003 = arith.constant 0 : i32
    %dma_wait3A_2004 = tpu.memref_slice %arg8[%dma_wait3A_2001, %dma_wait3A_2002, %dma_wait3A_2003] : memref<4x128x128xi32, #tpu.memory_space<vmem>> -> memref<1x128x128xi32, #tpu.memory_space<vmem>>
    %dma_wait3A_2005 = tpu.memref_squeeze %dma_wait3A_2004 : memref<1x128x128xi32, #tpu.memory_space<vmem>> -> memref<128x128xi32, #tpu.memory_space<vmem>>
    %dma_wait3A_2006 = arith.constant 0 : i32
    %dma_wait3A_2007 = tpu.memref_slice %arg6[%add3A_1987, %dma_wait3A_2006] : memref<102400x128xi32, #tpu.memory_space<hbm>> -> memref<128x128xi32, #tpu.memory_space<hbm>>
    %dma_wait3A_2008 = arith.constant 0 : i32
    %dma_wait3A_2009 = tpu.memref_slice %arg6[%add3A_1987, %dma_wait3A_2008] : memref<102400x128xi32, #tpu.memory_space<hbm>> -> memref<128x128xi32, #tpu.memory_space<hbm>>
    %dma_wait3A_2010 = arith.constant 0 : i32
    %dma_wait3A_2011 = arith.constant 0 : i32
    %dma_wait3A_2012 = tpu.memref_slice %arg8[%dma_wait3A_2001, %dma_wait3A_2010, %dma_wait3A_2011] : memref<4x128x128xi32, #tpu.memory_space<vmem>> -> memref<1x128x128xi32, #tpu.memory_space<vmem>>
    %dma_wait3A_2013 = tpu.memref_squeeze %dma_wait3A_2012 : memref<1x128x128xi32, #tpu.memory_space<vmem>> -> memref<128x128xi32, #tpu.memory_space<vmem>>
    tpu.wait_dma2 semaphore(%arg14 : memref<!tpu.dma_semaphore, #tpu.memory_space<semaphore_mem>>) src(%dma_wait3A_2013 : memref<128x128xi32, #tpu.memory_space<vmem>>) dst(%dma_wait3A_2009 : memref<128x128xi32, #tpu.memory_space<hbm>>)
    %dma_start3A_2014 = arith.constant 1 : i32
    %dma_start3A_2015 = arith.constant 1 : i32
    %dma_start3A_2016 = arith.constant 0 : i32
    %dma_start3A_2017 = arith.constant 0 : i32
    %dma_start3A_2018 = tpu.memref_slice %arg8[%dma_start3A_2015, %dma_start3A_2016, %dma_start3A_2017] : memref<4x128x128xi32, #tpu.memory_space<vmem>> -> memref<1x128x128xi32, #tpu.memory_space<vmem>>
    %dma_start3A_2019 = tpu.memref_squeeze %dma_start3A_2018 : memref<1x128x128xi32, #tpu.memory_space<vmem>> -> memref<128x128xi32, #tpu.memory_space<vmem>>
    %dma_start3A_2020 = arith.constant 2048 : i32
    %dma_start3A_2021 = tpu.memref_slice %arg7[%dma_start3A_2014, %dma_start3A_2020] : memref<2x3200xi32, #tpu.memory_space<vmem>> -> memref<1x128xi32, #tpu.memory_space<vmem>>
    %dma_start3A_2022 = tpu.memref_squeeze %dma_start3A_2021 : memref<1x128xi32, #tpu.memory_space<vmem>> -> memref<128xi32, #tpu.memory_space<vmem>>
    %dma_start3A_2023 = arith.constant 0 : i32
    %dma_start3A_2024 = arith.constant 0 : i32
    %dma_start3A_2025 = tpu.memref_slice %arg2[%dma_start3A_2023, %dma_start3A_2024] : memref<1000x128xi32, #tpu.memory_space<hbm>> -> memref<1000x128xi32, #tpu.memory_space<hbm>>
    tpu.enqueue_indirect_dma source(%dma_start3A_2025 : memref<1000x128xi32, #tpu.memory_space<hbm>>) target(%dma_start3A_2019 : memref<128x128xi32, #tpu.memory_space<vmem>>) offsets(%dma_start3A_2022 : memref<128xi32, #tpu.memory_space<vmem>>) semaphore(%arg10 : memref<!tpu.dma_semaphore, #tpu.memory_space<semaphore_mem>>)
    %dma_wait3A_2026 = arith.constant 1 : i32
    %dma_wait3A_2027 = arith.constant 2 : i32
    %dma_wait3A_2028 = arith.constant 0 : i32
    %dma_wait3A_2029 = arith.constant 0 : i32
    %dma_wait3A_2030 = tpu.memref_slice %arg8[%dma_wait3A_2027, %dma_wait3A_2028, %dma_wait3A_2029] : memref<4x128x128xi32, #tpu.memory_space<vmem>> -> memref<1x128x128xi32, #tpu.memory_space<vmem>>
    %dma_wait3A_2031 = tpu.memref_squeeze %dma_wait3A_2030 : memref<1x128x128xi32, #tpu.memory_space<vmem>> -> memref<128x128xi32, #tpu.memory_space<vmem>>
    %dma_wait3A_2032 = arith.constant 1664 : i32
    %dma_wait3A_2033 = tpu.memref_slice %arg7[%dma_wait3A_2026, %dma_wait3A_2032] : memref<2x3200xi32, #tpu.memory_space<vmem>> -> memref<1x128xi32, #tpu.memory_space<vmem>>
    %dma_wait3A_2034 = tpu.memref_squeeze %dma_wait3A_2033 : memref<1x128xi32, #tpu.memory_space<vmem>> -> memref<128xi32, #tpu.memory_space<vmem>>
    %dma_wait3A_2035 = arith.constant 0 : i32
    %dma_wait3A_2036 = arith.constant 0 : i32
    %dma_wait3A_2037 = tpu.memref_slice %arg2[%dma_wait3A_2035, %dma_wait3A_2036] : memref<1000x128xi32, #tpu.memory_space<hbm>> -> memref<1000x128xi32, #tpu.memory_space<hbm>>
    tpu.wait_indirect_dma semaphore(%arg11 : memref<!tpu.dma_semaphore, #tpu.memory_space<semaphore_mem>>) src(%dma_wait3A_2037 : memref<1000x128xi32, #tpu.memory_space<hbm>>) dst(%dma_wait3A_2031 : memref<128x128xi32, #tpu.memory_space<vmem>>)
    %add3A_2038 = arith.constant 1664 : i32
    %add3A_2039 = arith.addi %mul3A_2, %add3A_2038 : i32
    %dma_start3A_2040 = arith.constant 2 : i32
    %dma_start3A_2041 = arith.constant 0 : i32
    %dma_start3A_2042 = arith.constant 0 : i32
    %dma_start3A_2043 = tpu.memref_slice %arg8[%dma_start3A_2040, %dma_start3A_2041, %dma_start3A_2042] : memref<4x128x128xi32, #tpu.memory_space<vmem>> -> memref<1x128x128xi32, #tpu.memory_space<vmem>>
    %dma_start3A_2044 = tpu.memref_squeeze %dma_start3A_2043 : memref<1x128x128xi32, #tpu.memory_space<vmem>> -> memref<128x128xi32, #tpu.memory_space<vmem>>
    %dma_start3A_2045 = arith.constant 0 : i32
    %dma_start3A_2046 = tpu.memref_slice %arg6[%add3A_2039, %dma_start3A_2045] : memref<102400x128xi32, #tpu.memory_space<hbm>> -> memref<128x128xi32, #tpu.memory_space<hbm>>
    %dma_start3A_2047 = arith.constant 0 : i32
    %dma_start3A_2048 = tpu.memref_slice %arg6[%add3A_2039, %dma_start3A_2047] : memref<102400x128xi32, #tpu.memory_space<hbm>> -> memref<128x128xi32, #tpu.memory_space<hbm>>
    %dma_start3A_2049 = arith.constant 0 : i32
    %dma_start3A_2050 = arith.constant 0 : i32
    %dma_start3A_2051 = tpu.memref_slice %arg8[%dma_start3A_2040, %dma_start3A_2049, %dma_start3A_2050] : memref<4x128x128xi32, #tpu.memory_space<vmem>> -> memref<1x128x128xi32, #tpu.memory_space<vmem>>
    %dma_start3A_2052 = tpu.memref_squeeze %dma_start3A_2051 : memref<1x128x128xi32, #tpu.memory_space<vmem>> -> memref<128x128xi32, #tpu.memory_space<vmem>>
    tpu.enqueue_dma source(%dma_start3A_2052 : memref<128x128xi32, #tpu.memory_space<vmem>>) target(%dma_start3A_2048 : memref<128x128xi32, #tpu.memory_space<hbm>>) target_semaphore(%arg15 : memref<!tpu.dma_semaphore, #tpu.memory_space<semaphore_mem>>)
    %dma_wait3A_2053 = arith.constant 2 : i32
    %dma_wait3A_2054 = arith.constant 0 : i32
    %dma_wait3A_2055 = arith.constant 0 : i32
    %dma_wait3A_2056 = tpu.memref_slice %arg8[%dma_wait3A_2053, %dma_wait3A_2054, %dma_wait3A_2055] : memref<4x128x128xi32, #tpu.memory_space<vmem>> -> memref<1x128x128xi32, #tpu.memory_space<vmem>>
    %dma_wait3A_2057 = tpu.memref_squeeze %dma_wait3A_2056 : memref<1x128x128xi32, #tpu.memory_space<vmem>> -> memref<128x128xi32, #tpu.memory_space<vmem>>
    %dma_wait3A_2058 = arith.constant 0 : i32
    %dma_wait3A_2059 = tpu.memref_slice %arg6[%add3A_2039, %dma_wait3A_2058] : memref<102400x128xi32, #tpu.memory_space<hbm>> -> memref<128x128xi32, #tpu.memory_space<hbm>>
    %dma_wait3A_2060 = arith.constant 0 : i32
    %dma_wait3A_2061 = tpu.memref_slice %arg6[%add3A_2039, %dma_wait3A_2060] : memref<102400x128xi32, #tpu.memory_space<hbm>> -> memref<128x128xi32, #tpu.memory_space<hbm>>
    %dma_wait3A_2062 = arith.constant 0 : i32
    %dma_wait3A_2063 = arith.constant 0 : i32
    %dma_wait3A_2064 = tpu.memref_slice %arg8[%dma_wait3A_2053, %dma_wait3A_2062, %dma_wait3A_2063] : memref<4x128x128xi32, #tpu.memory_space<vmem>> -> memref<1x128x128xi32, #tpu.memory_space<vmem>>
    %dma_wait3A_2065 = tpu.memref_squeeze %dma_wait3A_2064 : memref<1x128x128xi32, #tpu.memory_space<vmem>> -> memref<128x128xi32, #tpu.memory_space<vmem>>
    tpu.wait_dma2 semaphore(%arg15 : memref<!tpu.dma_semaphore, #tpu.memory_space<semaphore_mem>>) src(%dma_wait3A_2065 : memref<128x128xi32, #tpu.memory_space<vmem>>) dst(%dma_wait3A_2061 : memref<128x128xi32, #tpu.memory_space<hbm>>)
    %dma_start3A_2066 = arith.constant 1 : i32
    %dma_start3A_2067 = arith.constant 2 : i32
    %dma_start3A_2068 = arith.constant 0 : i32
    %dma_start3A_2069 = arith.constant 0 : i32
    %dma_start3A_2070 = tpu.memref_slice %arg8[%dma_start3A_2067, %dma_start3A_2068, %dma_start3A_2069] : memref<4x128x128xi32, #tpu.memory_space<vmem>> -> memref<1x128x128xi32, #tpu.memory_space<vmem>>
    %dma_start3A_2071 = tpu.memref_squeeze %dma_start3A_2070 : memref<1x128x128xi32, #tpu.memory_space<vmem>> -> memref<128x128xi32, #tpu.memory_space<vmem>>
    %dma_start3A_2072 = arith.constant 2176 : i32
    %dma_start3A_2073 = tpu.memref_slice %arg7[%dma_start3A_2066, %dma_start3A_2072] : memref<2x3200xi32, #tpu.memory_space<vmem>> -> memref<1x128xi32, #tpu.memory_space<vmem>>
    %dma_start3A_2074 = tpu.memref_squeeze %dma_start3A_2073 : memref<1x128xi32, #tpu.memory_space<vmem>> -> memref<128xi32, #tpu.memory_space<vmem>>
    %dma_start3A_2075 = arith.constant 0 : i32
    %dma_start3A_2076 = arith.constant 0 : i32
    %dma_start3A_2077 = tpu.memref_slice %arg2[%dma_start3A_2075, %dma_start3A_2076] : memref<1000x128xi32, #tpu.memory_space<hbm>> -> memref<1000x128xi32, #tpu.memory_space<hbm>>
    tpu.enqueue_indirect_dma source(%dma_start3A_2077 : memref<1000x128xi32, #tpu.memory_space<hbm>>) target(%dma_start3A_2071 : memref<128x128xi32, #tpu.memory_space<vmem>>) offsets(%dma_start3A_2074 : memref<128xi32, #tpu.memory_space<vmem>>) semaphore(%arg11 : memref<!tpu.dma_semaphore, #tpu.memory_space<semaphore_mem>>)
    %dma_wait3A_2078 = arith.constant 1 : i32
    %dma_wait3A_2079 = arith.constant 3 : i32
    %dma_wait3A_2080 = arith.constant 0 : i32
    %dma_wait3A_2081 = arith.constant 0 : i32
    %dma_wait3A_2082 = tpu.memref_slice %arg8[%dma_wait3A_2079, %dma_wait3A_2080, %dma_wait3A_2081] : memref<4x128x128xi32, #tpu.memory_space<vmem>> -> memref<1x128x128xi32, #tpu.memory_space<vmem>>
    %dma_wait3A_2083 = tpu.memref_squeeze %dma_wait3A_2082 : memref<1x128x128xi32, #tpu.memory_space<vmem>> -> memref<128x128xi32, #tpu.memory_space<vmem>>
    %dma_wait3A_2084 = arith.constant 1792 : i32
    %dma_wait3A_2085 = tpu.memref_slice %arg7[%dma_wait3A_2078, %dma_wait3A_2084] : memref<2x3200xi32, #tpu.memory_space<vmem>> -> memref<1x128xi32, #tpu.memory_space<vmem>>
    %dma_wait3A_2086 = tpu.memref_squeeze %dma_wait3A_2085 : memref<1x128xi32, #tpu.memory_space<vmem>> -> memref<128xi32, #tpu.memory_space<vmem>>
    %dma_wait3A_2087 = arith.constant 0 : i32
    %dma_wait3A_2088 = arith.constant 0 : i32
    %dma_wait3A_2089 = tpu.memref_slice %arg2[%dma_wait3A_2087, %dma_wait3A_2088] : memref<1000x128xi32, #tpu.memory_space<hbm>> -> memref<1000x128xi32, #tpu.memory_space<hbm>>
    tpu.wait_indirect_dma semaphore(%arg12 : memref<!tpu.dma_semaphore, #tpu.memory_space<semaphore_mem>>) src(%dma_wait3A_2089 : memref<1000x128xi32, #tpu.memory_space<hbm>>) dst(%dma_wait3A_2083 : memref<128x128xi32, #tpu.memory_space<vmem>>)
    %add3A_2090 = arith.constant 1792 : i32
    %add3A_2091 = arith.addi %mul3A_2, %add3A_2090 : i32
    %dma_start3A_2092 = arith.constant 3 : i32
    %dma_start3A_2093 = arith.constant 0 : i32
    %dma_start3A_2094 = arith.constant 0 : i32
    %dma_start3A_2095 = tpu.memref_slice %arg8[%dma_start3A_2092, %dma_start3A_2093, %dma_start3A_2094] : memref<4x128x128xi32, #tpu.memory_space<vmem>> -> memref<1x128x128xi32, #tpu.memory_space<vmem>>
    %dma_start3A_2096 = tpu.memref_squeeze %dma_start3A_2095 : memref<1x128x128xi32, #tpu.memory_space<vmem>> -> memref<128x128xi32, #tpu.memory_space<vmem>>
    %dma_start3A_2097 = arith.constant 0 : i32
    %dma_start3A_2098 = tpu.memref_slice %arg6[%add3A_2091, %dma_start3A_2097] : memref<102400x128xi32, #tpu.memory_space<hbm>> -> memref<128x128xi32, #tpu.memory_space<hbm>>
    %dma_start3A_2099 = arith.constant 0 : i32
    %dma_start3A_2100 = tpu.memref_slice %arg6[%add3A_2091, %dma_start3A_2099] : memref<102400x128xi32, #tpu.memory_space<hbm>> -> memref<128x128xi32, #tpu.memory_space<hbm>>
    %dma_start3A_2101 = arith.constant 0 : i32
    %dma_start3A_2102 = arith.constant 0 : i32
    %dma_start3A_2103 = tpu.memref_slice %arg8[%dma_start3A_2092, %dma_start3A_2101, %dma_start3A_2102] : memref<4x128x128xi32, #tpu.memory_space<vmem>> -> memref<1x128x128xi32, #tpu.memory_space<vmem>>
    %dma_start3A_2104 = tpu.memref_squeeze %dma_start3A_2103 : memref<1x128x128xi32, #tpu.memory_space<vmem>> -> memref<128x128xi32, #tpu.memory_space<vmem>>
    tpu.enqueue_dma source(%dma_start3A_2104 : memref<128x128xi32, #tpu.memory_space<vmem>>) target(%dma_start3A_2100 : memref<128x128xi32, #tpu.memory_space<hbm>>) target_semaphore(%arg16 : memref<!tpu.dma_semaphore, #tpu.memory_space<semaphore_mem>>)
    %dma_wait3A_2105 = arith.constant 3 : i32
    %dma_wait3A_2106 = arith.constant 0 : i32
    %dma_wait3A_2107 = arith.constant 0 : i32
    %dma_wait3A_2108 = tpu.memref_slice %arg8[%dma_wait3A_2105, %dma_wait3A_2106, %dma_wait3A_2107] : memref<4x128x128xi32, #tpu.memory_space<vmem>> -> memref<1x128x128xi32, #tpu.memory_space<vmem>>
    %dma_wait3A_2109 = tpu.memref_squeeze %dma_wait3A_2108 : memref<1x128x128xi32, #tpu.memory_space<vmem>> -> memref<128x128xi32, #tpu.memory_space<vmem>>
    %dma_wait3A_2110 = arith.constant 0 : i32
    %dma_wait3A_2111 = tpu.memref_slice %arg6[%add3A_2091, %dma_wait3A_2110] : memref<102400x128xi32, #tpu.memory_space<hbm>> -> memref<128x128xi32, #tpu.memory_space<hbm>>
    %dma_wait3A_2112 = arith.constant 0 : i32
    %dma_wait3A_2113 = tpu.memref_slice %arg6[%add3A_2091, %dma_wait3A_2112] : memref<102400x128xi32, #tpu.memory_space<hbm>> -> memref<128x128xi32, #tpu.memory_space<hbm>>
    %dma_wait3A_2114 = arith.constant 0 : i32
    %dma_wait3A_2115 = arith.constant 0 : i32
    %dma_wait3A_2116 = tpu.memref_slice %arg8[%dma_wait3A_2105, %dma_wait3A_2114, %dma_wait3A_2115] : memref<4x128x128xi32, #tpu.memory_space<vmem>> -> memref<1x128x128xi32, #tpu.memory_space<vmem>>
    %dma_wait3A_2117 = tpu.memref_squeeze %dma_wait3A_2116 : memref<1x128x128xi32, #tpu.memory_space<vmem>> -> memref<128x128xi32, #tpu.memory_space<vmem>>
    tpu.wait_dma2 semaphore(%arg16 : memref<!tpu.dma_semaphore, #tpu.memory_space<semaphore_mem>>) src(%dma_wait3A_2117 : memref<128x128xi32, #tpu.memory_space<vmem>>) dst(%dma_wait3A_2113 : memref<128x128xi32, #tpu.memory_space<hbm>>)
    %dma_start3A_2118 = arith.constant 1 : i32
    %dma_start3A_2119 = arith.constant 3 : i32
    %dma_start3A_2120 = arith.constant 0 : i32
    %dma_start3A_2121 = arith.constant 0 : i32
    %dma_start3A_2122 = tpu.memref_slice %arg8[%dma_start3A_2119, %dma_start3A_2120, %dma_start3A_2121] : memref<4x128x128xi32, #tpu.memory_space<vmem>> -> memref<1x128x128xi32, #tpu.memory_space<vmem>>
    %dma_start3A_2123 = tpu.memref_squeeze %dma_start3A_2122 : memref<1x128x128xi32, #tpu.memory_space<vmem>> -> memref<128x128xi32, #tpu.memory_space<vmem>>
    %dma_start3A_2124 = arith.constant 2304 : i32
    %dma_start3A_2125 = tpu.memref_slice %arg7[%dma_start3A_2118, %dma_start3A_2124] : memref<2x3200xi32, #tpu.memory_space<vmem>> -> memref<1x128xi32, #tpu.memory_space<vmem>>
    %dma_start3A_2126 = tpu.memref_squeeze %dma_start3A_2125 : memref<1x128xi32, #tpu.memory_space<vmem>> -> memref<128xi32, #tpu.memory_space<vmem>>
    %dma_start3A_2127 = arith.constant 0 : i32
    %dma_start3A_2128 = arith.constant 0 : i32
    %dma_start3A_2129 = tpu.memref_slice %arg2[%dma_start3A_2127, %dma_start3A_2128] : memref<1000x128xi32, #tpu.memory_space<hbm>> -> memref<1000x128xi32, #tpu.memory_space<hbm>>
    tpu.enqueue_indirect_dma source(%dma_start3A_2129 : memref<1000x128xi32, #tpu.memory_space<hbm>>) target(%dma_start3A_2123 : memref<128x128xi32, #tpu.memory_space<vmem>>) offsets(%dma_start3A_2126 : memref<128xi32, #tpu.memory_space<vmem>>) semaphore(%arg12 : memref<!tpu.dma_semaphore, #tpu.memory_space<semaphore_mem>>)
    %dma_wait3A_2130 = arith.constant 1 : i32
    %dma_wait3A_2131 = arith.constant 0 : i32
    %dma_wait3A_2132 = arith.constant 0 : i32
    %dma_wait3A_2133 = arith.constant 0 : i32
    %dma_wait3A_2134 = tpu.memref_slice %arg8[%dma_wait3A_2131, %dma_wait3A_2132, %dma_wait3A_2133] : memref<4x128x128xi32, #tpu.memory_space<vmem>> -> memref<1x128x128xi32, #tpu.memory_space<vmem>>
    %dma_wait3A_2135 = tpu.memref_squeeze %dma_wait3A_2134 : memref<1x128x128xi32, #tpu.memory_space<vmem>> -> memref<128x128xi32, #tpu.memory_space<vmem>>
    %dma_wait3A_2136 = arith.constant 1920 : i32
    %dma_wait3A_2137 = tpu.memref_slice %arg7[%dma_wait3A_2130, %dma_wait3A_2136] : memref<2x3200xi32, #tpu.memory_space<vmem>> -> memref<1x128xi32, #tpu.memory_space<vmem>>
    %dma_wait3A_2138 = tpu.memref_squeeze %dma_wait3A_2137 : memref<1x128xi32, #tpu.memory_space<vmem>> -> memref<128xi32, #tpu.memory_space<vmem>>
    %dma_wait3A_2139 = arith.constant 0 : i32
    %dma_wait3A_2140 = arith.constant 0 : i32
    %dma_wait3A_2141 = tpu.memref_slice %arg2[%dma_wait3A_2139, %dma_wait3A_2140] : memref<1000x128xi32, #tpu.memory_space<hbm>> -> memref<1000x128xi32, #tpu.memory_space<hbm>>
    tpu.wait_indirect_dma semaphore(%arg9 : memref<!tpu.dma_semaphore, #tpu.memory_space<semaphore_mem>>) src(%dma_wait3A_2141 : memref<1000x128xi32, #tpu.memory_space<hbm>>) dst(%dma_wait3A_2135 : memref<128x128xi32, #tpu.memory_space<vmem>>)
    %add3A_2142 = arith.constant 1920 : i32
    %add3A_2143 = arith.addi %mul3A_2, %add3A_2142 : i32
    %dma_start3A_2144 = arith.constant 0 : i32
    %dma_start3A_2145 = arith.constant 0 : i32
    %dma_start3A_2146 = arith.constant 0 : i32
    %dma_start3A_2147 = tpu.memref_slice %arg8[%dma_start3A_2144, %dma_start3A_2145, %dma_start3A_2146] : memref<4x128x128xi32, #tpu.memory_space<vmem>> -> memref<1x128x128xi32, #tpu.memory_space<vmem>>
    %dma_start3A_2148 = tpu.memref_squeeze %dma_start3A_2147 : memref<1x128x128xi32, #tpu.memory_space<vmem>> -> memref<128x128xi32, #tpu.memory_space<vmem>>
    %dma_start3A_2149 = arith.constant 0 : i32
    %dma_start3A_2150 = tpu.memref_slice %arg6[%add3A_2143, %dma_start3A_2149] : memref<102400x128xi32, #tpu.memory_space<hbm>> -> memref<128x128xi32, #tpu.memory_space<hbm>>
    %dma_start3A_2151 = arith.constant 0 : i32
    %dma_start3A_2152 = tpu.memref_slice %arg6[%add3A_2143, %dma_start3A_2151] : memref<102400x128xi32, #tpu.memory_space<hbm>> -> memref<128x128xi32, #tpu.memory_space<hbm>>
    %dma_start3A_2153 = arith.constant 0 : i32
    %dma_start3A_2154 = arith.constant 0 : i32
    %dma_start3A_2155 = tpu.memref_slice %arg8[%dma_start3A_2144, %dma_start3A_2153, %dma_start3A_2154] : memref<4x128x128xi32, #tpu.memory_space<vmem>> -> memref<1x128x128xi32, #tpu.memory_space<vmem>>
    %dma_start3A_2156 = tpu.memref_squeeze %dma_start3A_2155 : memref<1x128x128xi32, #tpu.memory_space<vmem>> -> memref<128x128xi32, #tpu.memory_space<vmem>>
    tpu.enqueue_dma source(%dma_start3A_2156 : memref<128x128xi32, #tpu.memory_space<vmem>>) target(%dma_start3A_2152 : memref<128x128xi32, #tpu.memory_space<hbm>>) target_semaphore(%arg13 : memref<!tpu.dma_semaphore, #tpu.memory_space<semaphore_mem>>)
    %dma_wait3A_2157 = arith.constant 0 : i32
    %dma_wait3A_2158 = arith.constant 0 : i32
    %dma_wait3A_2159 = arith.constant 0 : i32
    %dma_wait3A_2160 = tpu.memref_slice %arg8[%dma_wait3A_2157, %dma_wait3A_2158, %dma_wait3A_2159] : memref<4x128x128xi32, #tpu.memory_space<vmem>> -> memref<1x128x128xi32, #tpu.memory_space<vmem>>
    %dma_wait3A_2161 = tpu.memref_squeeze %dma_wait3A_2160 : memref<1x128x128xi32, #tpu.memory_space<vmem>> -> memref<128x128xi32, #tpu.memory_space<vmem>>
    %dma_wait3A_2162 = arith.constant 0 : i32
    %dma_wait3A_2163 = tpu.memref_slice %arg6[%add3A_2143, %dma_wait3A_2162] : memref<102400x128xi32, #tpu.memory_space<hbm>> -> memref<128x128xi32, #tpu.memory_space<hbm>>
    %dma_wait3A_2164 = arith.constant 0 : i32
    %dma_wait3A_2165 = tpu.memref_slice %arg6[%add3A_2143, %dma_wait3A_2164] : memref<102400x128xi32, #tpu.memory_space<hbm>> -> memref<128x128xi32, #tpu.memory_space<hbm>>
    %dma_wait3A_2166 = arith.constant 0 : i32
    %dma_wait3A_2167 = arith.constant 0 : i32
    %dma_wait3A_2168 = tpu.memref_slice %arg8[%dma_wait3A_2157, %dma_wait3A_2166, %dma_wait3A_2167] : memref<4x128x128xi32, #tpu.memory_space<vmem>> -> memref<1x128x128xi32, #tpu.memory_space<vmem>>
    %dma_wait3A_2169 = tpu.memref_squeeze %dma_wait3A_2168 : memref<1x128x128xi32, #tpu.memory_space<vmem>> -> memref<128x128xi32, #tpu.memory_space<vmem>>
    tpu.wait_dma2 semaphore(%arg13 : memref<!tpu.dma_semaphore, #tpu.memory_space<semaphore_mem>>) src(%dma_wait3A_2169 : memref<128x128xi32, #tpu.memory_space<vmem>>) dst(%dma_wait3A_2165 : memref<128x128xi32, #tpu.memory_space<hbm>>)
    %dma_start3A_2170 = arith.constant 1 : i32
    %dma_start3A_2171 = arith.constant 0 : i32
    %dma_start3A_2172 = arith.constant 0 : i32
    %dma_start3A_2173 = arith.constant 0 : i32
    %dma_start3A_2174 = tpu.memref_slice %arg8[%dma_start3A_2171, %dma_start3A_2172, %dma_start3A_2173] : memref<4x128x128xi32, #tpu.memory_space<vmem>> -> memref<1x128x128xi32, #tpu.memory_space<vmem>>
    %dma_start3A_2175 = tpu.memref_squeeze %dma_start3A_2174 : memref<1x128x128xi32, #tpu.memory_space<vmem>> -> memref<128x128xi32, #tpu.memory_space<vmem>>
    %dma_start3A_2176 = arith.constant 2432 : i32
    %dma_start3A_2177 = tpu.memref_slice %arg7[%dma_start3A_2170, %dma_start3A_2176] : memref<2x3200xi32, #tpu.memory_space<vmem>> -> memref<1x128xi32, #tpu.memory_space<vmem>>
    %dma_start3A_2178 = tpu.memref_squeeze %dma_start3A_2177 : memref<1x128xi32, #tpu.memory_space<vmem>> -> memref<128xi32, #tpu.memory_space<vmem>>
    %dma_start3A_2179 = arith.constant 0 : i32
    %dma_start3A_2180 = arith.constant 0 : i32
    %dma_start3A_2181 = tpu.memref_slice %arg2[%dma_start3A_2179, %dma_start3A_2180] : memref<1000x128xi32, #tpu.memory_space<hbm>> -> memref<1000x128xi32, #tpu.memory_space<hbm>>
    tpu.enqueue_indirect_dma source(%dma_start3A_2181 : memref<1000x128xi32, #tpu.memory_space<hbm>>) target(%dma_start3A_2175 : memref<128x128xi32, #tpu.memory_space<vmem>>) offsets(%dma_start3A_2178 : memref<128xi32, #tpu.memory_space<vmem>>) semaphore(%arg9 : memref<!tpu.dma_semaphore, #tpu.memory_space<semaphore_mem>>)
    %dma_wait3A_2182 = arith.constant 1 : i32
    %dma_wait3A_2183 = arith.constant 1 : i32
    %dma_wait3A_2184 = arith.constant 0 : i32
    %dma_wait3A_2185 = arith.constant 0 : i32
    %dma_wait3A_2186 = tpu.memref_slice %arg8[%dma_wait3A_2183, %dma_wait3A_2184, %dma_wait3A_2185] : memref<4x128x128xi32, #tpu.memory_space<vmem>> -> memref<1x128x128xi32, #tpu.memory_space<vmem>>
    %dma_wait3A_2187 = tpu.memref_squeeze %dma_wait3A_2186 : memref<1x128x128xi32, #tpu.memory_space<vmem>> -> memref<128x128xi32, #tpu.memory_space<vmem>>
    %dma_wait3A_2188 = arith.constant 2048 : i32
    %dma_wait3A_2189 = tpu.memref_slice %arg7[%dma_wait3A_2182, %dma_wait3A_2188] : memref<2x3200xi32, #tpu.memory_space<vmem>> -> memref<1x128xi32, #tpu.memory_space<vmem>>
    %dma_wait3A_2190 = tpu.memref_squeeze %dma_wait3A_2189 : memref<1x128xi32, #tpu.memory_space<vmem>> -> memref<128xi32, #tpu.memory_space<vmem>>
    %dma_wait3A_2191 = arith.constant 0 : i32
    %dma_wait3A_2192 = arith.constant 0 : i32
    %dma_wait3A_2193 = tpu.memref_slice %arg2[%dma_wait3A_2191, %dma_wait3A_2192] : memref<1000x128xi32, #tpu.memory_space<hbm>> -> memref<1000x128xi32, #tpu.memory_space<hbm>>
    tpu.wait_indirect_dma semaphore(%arg10 : memref<!tpu.dma_semaphore, #tpu.memory_space<semaphore_mem>>) src(%dma_wait3A_2193 : memref<1000x128xi32, #tpu.memory_space<hbm>>) dst(%dma_wait3A_2187 : memref<128x128xi32, #tpu.memory_space<vmem>>)
    %add3A_2194 = arith.constant 2048 : i32
    %add3A_2195 = arith.addi %mul3A_2, %add3A_2194 : i32
    %dma_start3A_2196 = arith.constant 1 : i32
    %dma_start3A_2197 = arith.constant 0 : i32
    %dma_start3A_2198 = arith.constant 0 : i32
    %dma_start3A_2199 = tpu.memref_slice %arg8[%dma_start3A_2196, %dma_start3A_2197, %dma_start3A_2198] : memref<4x128x128xi32, #tpu.memory_space<vmem>> -> memref<1x128x128xi32, #tpu.memory_space<vmem>>
    %dma_start3A_2200 = tpu.memref_squeeze %dma_start3A_2199 : memref<1x128x128xi32, #tpu.memory_space<vmem>> -> memref<128x128xi32, #tpu.memory_space<vmem>>
    %dma_start3A_2201 = arith.constant 0 : i32
    %dma_start3A_2202 = tpu.memref_slice %arg6[%add3A_2195, %dma_start3A_2201] : memref<102400x128xi32, #tpu.memory_space<hbm>> -> memref<128x128xi32, #tpu.memory_space<hbm>>
    %dma_start3A_2203 = arith.constant 0 : i32
    %dma_start3A_2204 = tpu.memref_slice %arg6[%add3A_2195, %dma_start3A_2203] : memref<102400x128xi32, #tpu.memory_space<hbm>> -> memref<128x128xi32, #tpu.memory_space<hbm>>
    %dma_start3A_2205 = arith.constant 0 : i32
    %dma_start3A_2206 = arith.constant 0 : i32
    %dma_start3A_2207 = tpu.memref_slice %arg8[%dma_start3A_2196, %dma_start3A_2205, %dma_start3A_2206] : memref<4x128x128xi32, #tpu.memory_space<vmem>> -> memref<1x128x128xi32, #tpu.memory_space<vmem>>
    %dma_start3A_2208 = tpu.memref_squeeze %dma_start3A_2207 : memref<1x128x128xi32, #tpu.memory_space<vmem>> -> memref<128x128xi32, #tpu.memory_space<vmem>>
    tpu.enqueue_dma source(%dma_start3A_2208 : memref<128x128xi32, #tpu.memory_space<vmem>>) target(%dma_start3A_2204 : memref<128x128xi32, #tpu.memory_space<hbm>>) target_semaphore(%arg14 : memref<!tpu.dma_semaphore, #tpu.memory_space<semaphore_mem>>)
    %dma_wait3A_2209 = arith.constant 1 : i32
    %dma_wait3A_2210 = arith.constant 0 : i32
    %dma_wait3A_2211 = arith.constant 0 : i32
    %dma_wait3A_2212 = tpu.memref_slice %arg8[%dma_wait3A_2209, %dma_wait3A_2210, %dma_wait3A_2211] : memref<4x128x128xi32, #tpu.memory_space<vmem>> -> memref<1x128x128xi32, #tpu.memory_space<vmem>>
    %dma_wait3A_2213 = tpu.memref_squeeze %dma_wait3A_2212 : memref<1x128x128xi32, #tpu.memory_space<vmem>> -> memref<128x128xi32, #tpu.memory_space<vmem>>
    %dma_wait3A_2214 = arith.constant 0 : i32
    %dma_wait3A_2215 = tpu.memref_slice %arg6[%add3A_2195, %dma_wait3A_2214] : memref<102400x128xi32, #tpu.memory_space<hbm>> -> memref<128x128xi32, #tpu.memory_space<hbm>>
    %dma_wait3A_2216 = arith.constant 0 : i32
    %dma_wait3A_2217 = tpu.memref_slice %arg6[%add3A_2195, %dma_wait3A_2216] : memref<102400x128xi32, #tpu.memory_space<hbm>> -> memref<128x128xi32, #tpu.memory_space<hbm>>
    %dma_wait3A_2218 = arith.constant 0 : i32
    %dma_wait3A_2219 = arith.constant 0 : i32
    %dma_wait3A_2220 = tpu.memref_slice %arg8[%dma_wait3A_2209, %dma_wait3A_2218, %dma_wait3A_2219] : memref<4x128x128xi32, #tpu.memory_space<vmem>> -> memref<1x128x128xi32, #tpu.memory_space<vmem>>
    %dma_wait3A_2221 = tpu.memref_squeeze %dma_wait3A_2220 : memref<1x128x128xi32, #tpu.memory_space<vmem>> -> memref<128x128xi32, #tpu.memory_space<vmem>>
    tpu.wait_dma2 semaphore(%arg14 : memref<!tpu.dma_semaphore, #tpu.memory_space<semaphore_mem>>) src(%dma_wait3A_2221 : memref<128x128xi32, #tpu.memory_space<vmem>>) dst(%dma_wait3A_2217 : memref<128x128xi32, #tpu.memory_space<hbm>>)
    %dma_start3A_2222 = arith.constant 1 : i32
    %dma_start3A_2223 = arith.constant 1 : i32
    %dma_start3A_2224 = arith.constant 0 : i32
    %dma_start3A_2225 = arith.constant 0 : i32
    %dma_start3A_2226 = tpu.memref_slice %arg8[%dma_start3A_2223, %dma_start3A_2224, %dma_start3A_2225] : memref<4x128x128xi32, #tpu.memory_space<vmem>> -> memref<1x128x128xi32, #tpu.memory_space<vmem>>
    %dma_start3A_2227 = tpu.memref_squeeze %dma_start3A_2226 : memref<1x128x128xi32, #tpu.memory_space<vmem>> -> memref<128x128xi32, #tpu.memory_space<vmem>>
    %dma_start3A_2228 = arith.constant 2560 : i32
    %dma_start3A_2229 = tpu.memref_slice %arg7[%dma_start3A_2222, %dma_start3A_2228] : memref<2x3200xi32, #tpu.memory_space<vmem>> -> memref<1x128xi32, #tpu.memory_space<vmem>>
    %dma_start3A_2230 = tpu.memref_squeeze %dma_start3A_2229 : memref<1x128xi32, #tpu.memory_space<vmem>> -> memref<128xi32, #tpu.memory_space<vmem>>
    %dma_start3A_2231 = arith.constant 0 : i32
    %dma_start3A_2232 = arith.constant 0 : i32
    %dma_start3A_2233 = tpu.memref_slice %arg2[%dma_start3A_2231, %dma_start3A_2232] : memref<1000x128xi32, #tpu.memory_space<hbm>> -> memref<1000x128xi32, #tpu.memory_space<hbm>>
    tpu.enqueue_indirect_dma source(%dma_start3A_2233 : memref<1000x128xi32, #tpu.memory_space<hbm>>) target(%dma_start3A_2227 : memref<128x128xi32, #tpu.memory_space<vmem>>) offsets(%dma_start3A_2230 : memref<128xi32, #tpu.memory_space<vmem>>) semaphore(%arg10 : memref<!tpu.dma_semaphore, #tpu.memory_space<semaphore_mem>>)
    %dma_wait3A_2234 = arith.constant 1 : i32
    %dma_wait3A_2235 = arith.constant 2 : i32
    %dma_wait3A_2236 = arith.constant 0 : i32
    %dma_wait3A_2237 = arith.constant 0 : i32
    %dma_wait3A_2238 = tpu.memref_slice %arg8[%dma_wait3A_2235, %dma_wait3A_2236, %dma_wait3A_2237] : memref<4x128x128xi32, #tpu.memory_space<vmem>> -> memref<1x128x128xi32, #tpu.memory_space<vmem>>
    %dma_wait3A_2239 = tpu.memref_squeeze %dma_wait3A_2238 : memref<1x128x128xi32, #tpu.memory_space<vmem>> -> memref<128x128xi32, #tpu.memory_space<vmem>>
    %dma_wait3A_2240 = arith.constant 2176 : i32
    %dma_wait3A_2241 = tpu.memref_slice %arg7[%dma_wait3A_2234, %dma_wait3A_2240] : memref<2x3200xi32, #tpu.memory_space<vmem>> -> memref<1x128xi32, #tpu.memory_space<vmem>>
    %dma_wait3A_2242 = tpu.memref_squeeze %dma_wait3A_2241 : memref<1x128xi32, #tpu.memory_space<vmem>> -> memref<128xi32, #tpu.memory_space<vmem>>
    %dma_wait3A_2243 = arith.constant 0 : i32
    %dma_wait3A_2244 = arith.constant 0 : i32
    %dma_wait3A_2245 = tpu.memref_slice %arg2[%dma_wait3A_2243, %dma_wait3A_2244] : memref<1000x128xi32, #tpu.memory_space<hbm>> -> memref<1000x128xi32, #tpu.memory_space<hbm>>
    tpu.wait_indirect_dma semaphore(%arg11 : memref<!tpu.dma_semaphore, #tpu.memory_space<semaphore_mem>>) src(%dma_wait3A_2245 : memref<1000x128xi32, #tpu.memory_space<hbm>>) dst(%dma_wait3A_2239 : memref<128x128xi32, #tpu.memory_space<vmem>>)
    %add3A_2246 = arith.constant 2176 : i32
    %add3A_2247 = arith.addi %mul3A_2, %add3A_2246 : i32
    %dma_start3A_2248 = arith.constant 2 : i32
    %dma_start3A_2249 = arith.constant 0 : i32
    %dma_start3A_2250 = arith.constant 0 : i32
    %dma_start3A_2251 = tpu.memref_slice %arg8[%dma_start3A_2248, %dma_start3A_2249, %dma_start3A_2250] : memref<4x128x128xi32, #tpu.memory_space<vmem>> -> memref<1x128x128xi32, #tpu.memory_space<vmem>>
    %dma_start3A_2252 = tpu.memref_squeeze %dma_start3A_2251 : memref<1x128x128xi32, #tpu.memory_space<vmem>> -> memref<128x128xi32, #tpu.memory_space<vmem>>
    %dma_start3A_2253 = arith.constant 0 : i32
    %dma_start3A_2254 = tpu.memref_slice %arg6[%add3A_2247, %dma_start3A_2253] : memref<102400x128xi32, #tpu.memory_space<hbm>> -> memref<128x128xi32, #tpu.memory_space<hbm>>
    %dma_start3A_2255 = arith.constant 0 : i32
    %dma_start3A_2256 = tpu.memref_slice %arg6[%add3A_2247, %dma_start3A_2255] : memref<102400x128xi32, #tpu.memory_space<hbm>> -> memref<128x128xi32, #tpu.memory_space<hbm>>
    %dma_start3A_2257 = arith.constant 0 : i32
    %dma_start3A_2258 = arith.constant 0 : i32
    %dma_start3A_2259 = tpu.memref_slice %arg8[%dma_start3A_2248, %dma_start3A_2257, %dma_start3A_2258] : memref<4x128x128xi32, #tpu.memory_space<vmem>> -> memref<1x128x128xi32, #tpu.memory_space<vmem>>
    %dma_start3A_2260 = tpu.memref_squeeze %dma_start3A_2259 : memref<1x128x128xi32, #tpu.memory_space<vmem>> -> memref<128x128xi32, #tpu.memory_space<vmem>>
    tpu.enqueue_dma source(%dma_start3A_2260 : memref<128x128xi32, #tpu.memory_space<vmem>>) target(%dma_start3A_2256 : memref<128x128xi32, #tpu.memory_space<hbm>>) target_semaphore(%arg15 : memref<!tpu.dma_semaphore, #tpu.memory_space<semaphore_mem>>)
    %dma_wait3A_2261 = arith.constant 2 : i32
    %dma_wait3A_2262 = arith.constant 0 : i32
    %dma_wait3A_2263 = arith.constant 0 : i32
    %dma_wait3A_2264 = tpu.memref_slice %arg8[%dma_wait3A_2261, %dma_wait3A_2262, %dma_wait3A_2263] : memref<4x128x128xi32, #tpu.memory_space<vmem>> -> memref<1x128x128xi32, #tpu.memory_space<vmem>>
    %dma_wait3A_2265 = tpu.memref_squeeze %dma_wait3A_2264 : memref<1x128x128xi32, #tpu.memory_space<vmem>> -> memref<128x128xi32, #tpu.memory_space<vmem>>
    %dma_wait3A_2266 = arith.constant 0 : i32
    %dma_wait3A_2267 = tpu.memref_slice %arg6[%add3A_2247, %dma_wait3A_2266] : memref<102400x128xi32, #tpu.memory_space<hbm>> -> memref<128x128xi32, #tpu.memory_space<hbm>>
    %dma_wait3A_2268 = arith.constant 0 : i32
    %dma_wait3A_2269 = tpu.memref_slice %arg6[%add3A_2247, %dma_wait3A_2268] : memref<102400x128xi32, #tpu.memory_space<hbm>> -> memref<128x128xi32, #tpu.memory_space<hbm>>
    %dma_wait3A_2270 = arith.constant 0 : i32
    %dma_wait3A_2271 = arith.constant 0 : i32
    %dma_wait3A_2272 = tpu.memref_slice %arg8[%dma_wait3A_2261, %dma_wait3A_2270, %dma_wait3A_2271] : memref<4x128x128xi32, #tpu.memory_space<vmem>> -> memref<1x128x128xi32, #tpu.memory_space<vmem>>
    %dma_wait3A_2273 = tpu.memref_squeeze %dma_wait3A_2272 : memref<1x128x128xi32, #tpu.memory_space<vmem>> -> memref<128x128xi32, #tpu.memory_space<vmem>>
    tpu.wait_dma2 semaphore(%arg15 : memref<!tpu.dma_semaphore, #tpu.memory_space<semaphore_mem>>) src(%dma_wait3A_2273 : memref<128x128xi32, #tpu.memory_space<vmem>>) dst(%dma_wait3A_2269 : memref<128x128xi32, #tpu.memory_space<hbm>>)
    %dma_start3A_2274 = arith.constant 1 : i32
    %dma_start3A_2275 = arith.constant 2 : i32
    %dma_start3A_2276 = arith.constant 0 : i32
    %dma_start3A_2277 = arith.constant 0 : i32
    %dma_start3A_2278 = tpu.memref_slice %arg8[%dma_start3A_2275, %dma_start3A_2276, %dma_start3A_2277] : memref<4x128x128xi32, #tpu.memory_space<vmem>> -> memref<1x128x128xi32, #tpu.memory_space<vmem>>
    %dma_start3A_2279 = tpu.memref_squeeze %dma_start3A_2278 : memref<1x128x128xi32, #tpu.memory_space<vmem>> -> memref<128x128xi32, #tpu.memory_space<vmem>>
    %dma_start3A_2280 = arith.constant 2688 : i32
    %dma_start3A_2281 = tpu.memref_slice %arg7[%dma_start3A_2274, %dma_start3A_2280] : memref<2x3200xi32, #tpu.memory_space<vmem>> -> memref<1x128xi32, #tpu.memory_space<vmem>>
    %dma_start3A_2282 = tpu.memref_squeeze %dma_start3A_2281 : memref<1x128xi32, #tpu.memory_space<vmem>> -> memref<128xi32, #tpu.memory_space<vmem>>
    %dma_start3A_2283 = arith.constant 0 : i32
    %dma_start3A_2284 = arith.constant 0 : i32
    %dma_start3A_2285 = tpu.memref_slice %arg2[%dma_start3A_2283, %dma_start3A_2284] : memref<1000x128xi32, #tpu.memory_space<hbm>> -> memref<1000x128xi32, #tpu.memory_space<hbm>>
    tpu.enqueue_indirect_dma source(%dma_start3A_2285 : memref<1000x128xi32, #tpu.memory_space<hbm>>) target(%dma_start3A_2279 : memref<128x128xi32, #tpu.memory_space<vmem>>) offsets(%dma_start3A_2282 : memref<128xi32, #tpu.memory_space<vmem>>) semaphore(%arg11 : memref<!tpu.dma_semaphore, #tpu.memory_space<semaphore_mem>>)
    %dma_wait3A_2286 = arith.constant 1 : i32
    %dma_wait3A_2287 = arith.constant 3 : i32
    %dma_wait3A_2288 = arith.constant 0 : i32
    %dma_wait3A_2289 = arith.constant 0 : i32
    %dma_wait3A_2290 = tpu.memref_slice %arg8[%dma_wait3A_2287, %dma_wait3A_2288, %dma_wait3A_2289] : memref<4x128x128xi32, #tpu.memory_space<vmem>> -> memref<1x128x128xi32, #tpu.memory_space<vmem>>
    %dma_wait3A_2291 = tpu.memref_squeeze %dma_wait3A_2290 : memref<1x128x128xi32, #tpu.memory_space<vmem>> -> memref<128x128xi32, #tpu.memory_space<vmem>>
    %dma_wait3A_2292 = arith.constant 2304 : i32
    %dma_wait3A_2293 = tpu.memref_slice %arg7[%dma_wait3A_2286, %dma_wait3A_2292] : memref<2x3200xi32, #tpu.memory_space<vmem>> -> memref<1x128xi32, #tpu.memory_space<vmem>>
    %dma_wait3A_2294 = tpu.memref_squeeze %dma_wait3A_2293 : memref<1x128xi32, #tpu.memory_space<vmem>> -> memref<128xi32, #tpu.memory_space<vmem>>
    %dma_wait3A_2295 = arith.constant 0 : i32
    %dma_wait3A_2296 = arith.constant 0 : i32
    %dma_wait3A_2297 = tpu.memref_slice %arg2[%dma_wait3A_2295, %dma_wait3A_2296] : memref<1000x128xi32, #tpu.memory_space<hbm>> -> memref<1000x128xi32, #tpu.memory_space<hbm>>
    tpu.wait_indirect_dma semaphore(%arg12 : memref<!tpu.dma_semaphore, #tpu.memory_space<semaphore_mem>>) src(%dma_wait3A_2297 : memref<1000x128xi32, #tpu.memory_space<hbm>>) dst(%dma_wait3A_2291 : memref<128x128xi32, #tpu.memory_space<vmem>>)
    %add3A_2298 = arith.constant 2304 : i32
    %add3A_2299 = arith.addi %mul3A_2, %add3A_2298 : i32
    %dma_start3A_2300 = arith.constant 3 : i32
    %dma_start3A_2301 = arith.constant 0 : i32
    %dma_start3A_2302 = arith.constant 0 : i32
    %dma_start3A_2303 = tpu.memref_slice %arg8[%dma_start3A_2300, %dma_start3A_2301, %dma_start3A_2302] : memref<4x128x128xi32, #tpu.memory_space<vmem>> -> memref<1x128x128xi32, #tpu.memory_space<vmem>>
    %dma_start3A_2304 = tpu.memref_squeeze %dma_start3A_2303 : memref<1x128x128xi32, #tpu.memory_space<vmem>> -> memref<128x128xi32, #tpu.memory_space<vmem>>
    %dma_start3A_2305 = arith.constant 0 : i32
    %dma_start3A_2306 = tpu.memref_slice %arg6[%add3A_2299, %dma_start3A_2305] : memref<102400x128xi32, #tpu.memory_space<hbm>> -> memref<128x128xi32, #tpu.memory_space<hbm>>
    %dma_start3A_2307 = arith.constant 0 : i32
    %dma_start3A_2308 = tpu.memref_slice %arg6[%add3A_2299, %dma_start3A_2307] : memref<102400x128xi32, #tpu.memory_space<hbm>> -> memref<128x128xi32, #tpu.memory_space<hbm>>
    %dma_start3A_2309 = arith.constant 0 : i32
    %dma_start3A_2310 = arith.constant 0 : i32
    %dma_start3A_2311 = tpu.memref_slice %arg8[%dma_start3A_2300, %dma_start3A_2309, %dma_start3A_2310] : memref<4x128x128xi32, #tpu.memory_space<vmem>> -> memref<1x128x128xi32, #tpu.memory_space<vmem>>
    %dma_start3A_2312 = tpu.memref_squeeze %dma_start3A_2311 : memref<1x128x128xi32, #tpu.memory_space<vmem>> -> memref<128x128xi32, #tpu.memory_space<vmem>>
    tpu.enqueue_dma source(%dma_start3A_2312 : memref<128x128xi32, #tpu.memory_space<vmem>>) target(%dma_start3A_2308 : memref<128x128xi32, #tpu.memory_space<hbm>>) target_semaphore(%arg16 : memref<!tpu.dma_semaphore, #tpu.memory_space<semaphore_mem>>)
    %dma_wait3A_2313 = arith.constant 3 : i32
    %dma_wait3A_2314 = arith.constant 0 : i32
    %dma_wait3A_2315 = arith.constant 0 : i32
    %dma_wait3A_2316 = tpu.memref_slice %arg8[%dma_wait3A_2313, %dma_wait3A_2314, %dma_wait3A_2315] : memref<4x128x128xi32, #tpu.memory_space<vmem>> -> memref<1x128x128xi32, #tpu.memory_space<vmem>>
    %dma_wait3A_2317 = tpu.memref_squeeze %dma_wait3A_2316 : memref<1x128x128xi32, #tpu.memory_space<vmem>> -> memref<128x128xi32, #tpu.memory_space<vmem>>
    %dma_wait3A_2318 = arith.constant 0 : i32
    %dma_wait3A_2319 = tpu.memref_slice %arg6[%add3A_2299, %dma_wait3A_2318] : memref<102400x128xi32, #tpu.memory_space<hbm>> -> memref<128x128xi32, #tpu.memory_space<hbm>>
    %dma_wait3A_2320 = arith.constant 0 : i32
    %dma_wait3A_2321 = tpu.memref_slice %arg6[%add3A_2299, %dma_wait3A_2320] : memref<102400x128xi32, #tpu.memory_space<hbm>> -> memref<128x128xi32, #tpu.memory_space<hbm>>
    %dma_wait3A_2322 = arith.constant 0 : i32
    %dma_wait3A_2323 = arith.constant 0 : i32
    %dma_wait3A_2324 = tpu.memref_slice %arg8[%dma_wait3A_2313, %dma_wait3A_2322, %dma_wait3A_2323] : memref<4x128x128xi32, #tpu.memory_space<vmem>> -> memref<1x128x128xi32, #tpu.memory_space<vmem>>
    %dma_wait3A_2325 = tpu.memref_squeeze %dma_wait3A_2324 : memref<1x128x128xi32, #tpu.memory_space<vmem>> -> memref<128x128xi32, #tpu.memory_space<vmem>>
    tpu.wait_dma2 semaphore(%arg16 : memref<!tpu.dma_semaphore, #tpu.memory_space<semaphore_mem>>) src(%dma_wait3A_2325 : memref<128x128xi32, #tpu.memory_space<vmem>>) dst(%dma_wait3A_2321 : memref<128x128xi32, #tpu.memory_space<hbm>>)
    %dma_start3A_2326 = arith.constant 1 : i32
    %dma_start3A_2327 = arith.constant 3 : i32
    %dma_start3A_2328 = arith.constant 0 : i32
    %dma_start3A_2329 = arith.constant 0 : i32
    %dma_start3A_2330 = tpu.memref_slice %arg8[%dma_start3A_2327, %dma_start3A_2328, %dma_start3A_2329] : memref<4x128x128xi32, #tpu.memory_space<vmem>> -> memref<1x128x128xi32, #tpu.memory_space<vmem>>
    %dma_start3A_2331 = tpu.memref_squeeze %dma_start3A_2330 : memref<1x128x128xi32, #tpu.memory_space<vmem>> -> memref<128x128xi32, #tpu.memory_space<vmem>>
    %dma_start3A_2332 = arith.constant 2816 : i32
    %dma_start3A_2333 = tpu.memref_slice %arg7[%dma_start3A_2326, %dma_start3A_2332] : memref<2x3200xi32, #tpu.memory_space<vmem>> -> memref<1x128xi32, #tpu.memory_space<vmem>>
    %dma_start3A_2334 = tpu.memref_squeeze %dma_start3A_2333 : memref<1x128xi32, #tpu.memory_space<vmem>> -> memref<128xi32, #tpu.memory_space<vmem>>
    %dma_start3A_2335 = arith.constant 0 : i32
    %dma_start3A_2336 = arith.constant 0 : i32
    %dma_start3A_2337 = tpu.memref_slice %arg2[%dma_start3A_2335, %dma_start3A_2336] : memref<1000x128xi32, #tpu.memory_space<hbm>> -> memref<1000x128xi32, #tpu.memory_space<hbm>>
    tpu.enqueue_indirect_dma source(%dma_start3A_2337 : memref<1000x128xi32, #tpu.memory_space<hbm>>) target(%dma_start3A_2331 : memref<128x128xi32, #tpu.memory_space<vmem>>) offsets(%dma_start3A_2334 : memref<128xi32, #tpu.memory_space<vmem>>) semaphore(%arg12 : memref<!tpu.dma_semaphore, #tpu.memory_space<semaphore_mem>>)
    %dma_wait3A_2338 = arith.constant 1 : i32
    %dma_wait3A_2339 = arith.constant 0 : i32
    %dma_wait3A_2340 = arith.constant 0 : i32
    %dma_wait3A_2341 = arith.constant 0 : i32
    %dma_wait3A_2342 = tpu.memref_slice %arg8[%dma_wait3A_2339, %dma_wait3A_2340, %dma_wait3A_2341] : memref<4x128x128xi32, #tpu.memory_space<vmem>> -> memref<1x128x128xi32, #tpu.memory_space<vmem>>
    %dma_wait3A_2343 = tpu.memref_squeeze %dma_wait3A_2342 : memref<1x128x128xi32, #tpu.memory_space<vmem>> -> memref<128x128xi32, #tpu.memory_space<vmem>>
    %dma_wait3A_2344 = arith.constant 2432 : i32
    %dma_wait3A_2345 = tpu.memref_slice %arg7[%dma_wait3A_2338, %dma_wait3A_2344] : memref<2x3200xi32, #tpu.memory_space<vmem>> -> memref<1x128xi32, #tpu.memory_space<vmem>>
    %dma_wait3A_2346 = tpu.memref_squeeze %dma_wait3A_2345 : memref<1x128xi32, #tpu.memory_space<vmem>> -> memref<128xi32, #tpu.memory_space<vmem>>
    %dma_wait3A_2347 = arith.constant 0 : i32
    %dma_wait3A_2348 = arith.constant 0 : i32
    %dma_wait3A_2349 = tpu.memref_slice %arg2[%dma_wait3A_2347, %dma_wait3A_2348] : memref<1000x128xi32, #tpu.memory_space<hbm>> -> memref<1000x128xi32, #tpu.memory_space<hbm>>
    tpu.wait_indirect_dma semaphore(%arg9 : memref<!tpu.dma_semaphore, #tpu.memory_space<semaphore_mem>>) src(%dma_wait3A_2349 : memref<1000x128xi32, #tpu.memory_space<hbm>>) dst(%dma_wait3A_2343 : memref<128x128xi32, #tpu.memory_space<vmem>>)
    %add3A_2350 = arith.constant 2432 : i32
    %add3A_2351 = arith.addi %mul3A_2, %add3A_2350 : i32
    %dma_start3A_2352 = arith.constant 0 : i32
    %dma_start3A_2353 = arith.constant 0 : i32
    %dma_start3A_2354 = arith.constant 0 : i32
    %dma_start3A_2355 = tpu.memref_slice %arg8[%dma_start3A_2352, %dma_start3A_2353, %dma_start3A_2354] : memref<4x128x128xi32, #tpu.memory_space<vmem>> -> memref<1x128x128xi32, #tpu.memory_space<vmem>>
    %dma_start3A_2356 = tpu.memref_squeeze %dma_start3A_2355 : memref<1x128x128xi32, #tpu.memory_space<vmem>> -> memref<128x128xi32, #tpu.memory_space<vmem>>
    %dma_start3A_2357 = arith.constant 0 : i32
    %dma_start3A_2358 = tpu.memref_slice %arg6[%add3A_2351, %dma_start3A_2357] : memref<102400x128xi32, #tpu.memory_space<hbm>> -> memref<128x128xi32, #tpu.memory_space<hbm>>
    %dma_start3A_2359 = arith.constant 0 : i32
    %dma_start3A_2360 = tpu.memref_slice %arg6[%add3A_2351, %dma_start3A_2359] : memref<102400x128xi32, #tpu.memory_space<hbm>> -> memref<128x128xi32, #tpu.memory_space<hbm>>
    %dma_start3A_2361 = arith.constant 0 : i32
    %dma_start3A_2362 = arith.constant 0 : i32
    %dma_start3A_2363 = tpu.memref_slice %arg8[%dma_start3A_2352, %dma_start3A_2361, %dma_start3A_2362] : memref<4x128x128xi32, #tpu.memory_space<vmem>> -> memref<1x128x128xi32, #tpu.memory_space<vmem>>
    %dma_start3A_2364 = tpu.memref_squeeze %dma_start3A_2363 : memref<1x128x128xi32, #tpu.memory_space<vmem>> -> memref<128x128xi32, #tpu.memory_space<vmem>>
    tpu.enqueue_dma source(%dma_start3A_2364 : memref<128x128xi32, #tpu.memory_space<vmem>>) target(%dma_start3A_2360 : memref<128x128xi32, #tpu.memory_space<hbm>>) target_semaphore(%arg13 : memref<!tpu.dma_semaphore, #tpu.memory_space<semaphore_mem>>)
    %dma_wait3A_2365 = arith.constant 0 : i32
    %dma_wait3A_2366 = arith.constant 0 : i32
    %dma_wait3A_2367 = arith.constant 0 : i32
    %dma_wait3A_2368 = tpu.memref_slice %arg8[%dma_wait3A_2365, %dma_wait3A_2366, %dma_wait3A_2367] : memref<4x128x128xi32, #tpu.memory_space<vmem>> -> memref<1x128x128xi32, #tpu.memory_space<vmem>>
    %dma_wait3A_2369 = tpu.memref_squeeze %dma_wait3A_2368 : memref<1x128x128xi32, #tpu.memory_space<vmem>> -> memref<128x128xi32, #tpu.memory_space<vmem>>
    %dma_wait3A_2370 = arith.constant 0 : i32
    %dma_wait3A_2371 = tpu.memref_slice %arg6[%add3A_2351, %dma_wait3A_2370] : memref<102400x128xi32, #tpu.memory_space<hbm>> -> memref<128x128xi32, #tpu.memory_space<hbm>>
    %dma_wait3A_2372 = arith.constant 0 : i32
    %dma_wait3A_2373 = tpu.memref_slice %arg6[%add3A_2351, %dma_wait3A_2372] : memref<102400x128xi32, #tpu.memory_space<hbm>> -> memref<128x128xi32, #tpu.memory_space<hbm>>
    %dma_wait3A_2374 = arith.constant 0 : i32
    %dma_wait3A_2375 = arith.constant 0 : i32
    %dma_wait3A_2376 = tpu.memref_slice %arg8[%dma_wait3A_2365, %dma_wait3A_2374, %dma_wait3A_2375] : memref<4x128x128xi32, #tpu.memory_space<vmem>> -> memref<1x128x128xi32, #tpu.memory_space<vmem>>
    %dma_wait3A_2377 = tpu.memref_squeeze %dma_wait3A_2376 : memref<1x128x128xi32, #tpu.memory_space<vmem>> -> memref<128x128xi32, #tpu.memory_space<vmem>>
    tpu.wait_dma2 semaphore(%arg13 : memref<!tpu.dma_semaphore, #tpu.memory_space<semaphore_mem>>) src(%dma_wait3A_2377 : memref<128x128xi32, #tpu.memory_space<vmem>>) dst(%dma_wait3A_2373 : memref<128x128xi32, #tpu.memory_space<hbm>>)
    %dma_start3A_2378 = arith.constant 1 : i32
    %dma_start3A_2379 = arith.constant 0 : i32
    %dma_start3A_2380 = arith.constant 0 : i32
    %dma_start3A_2381 = arith.constant 0 : i32
    %dma_start3A_2382 = tpu.memref_slice %arg8[%dma_start3A_2379, %dma_start3A_2380, %dma_start3A_2381] : memref<4x128x128xi32, #tpu.memory_space<vmem>> -> memref<1x128x128xi32, #tpu.memory_space<vmem>>
    %dma_start3A_2383 = tpu.memref_squeeze %dma_start3A_2382 : memref<1x128x128xi32, #tpu.memory_space<vmem>> -> memref<128x128xi32, #tpu.memory_space<vmem>>
    %dma_start3A_2384 = arith.constant 2944 : i32
    %dma_start3A_2385 = tpu.memref_slice %arg7[%dma_start3A_2378, %dma_start3A_2384] : memref<2x3200xi32, #tpu.memory_space<vmem>> -> memref<1x128xi32, #tpu.memory_space<vmem>>
    %dma_start3A_2386 = tpu.memref_squeeze %dma_start3A_2385 : memref<1x128xi32, #tpu.memory_space<vmem>> -> memref<128xi32, #tpu.memory_space<vmem>>
    %dma_start3A_2387 = arith.constant 0 : i32
    %dma_start3A_2388 = arith.constant 0 : i32
    %dma_start3A_2389 = tpu.memref_slice %arg2[%dma_start3A_2387, %dma_start3A_2388] : memref<1000x128xi32, #tpu.memory_space<hbm>> -> memref<1000x128xi32, #tpu.memory_space<hbm>>
    tpu.enqueue_indirect_dma source(%dma_start3A_2389 : memref<1000x128xi32, #tpu.memory_space<hbm>>) target(%dma_start3A_2383 : memref<128x128xi32, #tpu.memory_space<vmem>>) offsets(%dma_start3A_2386 : memref<128xi32, #tpu.memory_space<vmem>>) semaphore(%arg9 : memref<!tpu.dma_semaphore, #tpu.memory_space<semaphore_mem>>)
    %dma_wait3A_2390 = arith.constant 1 : i32
    %dma_wait3A_2391 = arith.constant 1 : i32
    %dma_wait3A_2392 = arith.constant 0 : i32
    %dma_wait3A_2393 = arith.constant 0 : i32
    %dma_wait3A_2394 = tpu.memref_slice %arg8[%dma_wait3A_2391, %dma_wait3A_2392, %dma_wait3A_2393] : memref<4x128x128xi32, #tpu.memory_space<vmem>> -> memref<1x128x128xi32, #tpu.memory_space<vmem>>
    %dma_wait3A_2395 = tpu.memref_squeeze %dma_wait3A_2394 : memref<1x128x128xi32, #tpu.memory_space<vmem>> -> memref<128x128xi32, #tpu.memory_space<vmem>>
    %dma_wait3A_2396 = arith.constant 2560 : i32
    %dma_wait3A_2397 = tpu.memref_slice %arg7[%dma_wait3A_2390, %dma_wait3A_2396] : memref<2x3200xi32, #tpu.memory_space<vmem>> -> memref<1x128xi32, #tpu.memory_space<vmem>>
    %dma_wait3A_2398 = tpu.memref_squeeze %dma_wait3A_2397 : memref<1x128xi32, #tpu.memory_space<vmem>> -> memref<128xi32, #tpu.memory_space<vmem>>
    %dma_wait3A_2399 = arith.constant 0 : i32
    %dma_wait3A_2400 = arith.constant 0 : i32
    %dma_wait3A_2401 = tpu.memref_slice %arg2[%dma_wait3A_2399, %dma_wait3A_2400] : memref<1000x128xi32, #tpu.memory_space<hbm>> -> memref<1000x128xi32, #tpu.memory_space<hbm>>
    tpu.wait_indirect_dma semaphore(%arg10 : memref<!tpu.dma_semaphore, #tpu.memory_space<semaphore_mem>>) src(%dma_wait3A_2401 : memref<1000x128xi32, #tpu.memory_space<hbm>>) dst(%dma_wait3A_2395 : memref<128x128xi32, #tpu.memory_space<vmem>>)
    %add3A_2402 = arith.constant 2560 : i32
    %add3A_2403 = arith.addi %mul3A_2, %add3A_2402 : i32
    %dma_start3A_2404 = arith.constant 1 : i32
    %dma_start3A_2405 = arith.constant 0 : i32
    %dma_start3A_2406 = arith.constant 0 : i32
    %dma_start3A_2407 = tpu.memref_slice %arg8[%dma_start3A_2404, %dma_start3A_2405, %dma_start3A_2406] : memref<4x128x128xi32, #tpu.memory_space<vmem>> -> memref<1x128x128xi32, #tpu.memory_space<vmem>>
    %dma_start3A_2408 = tpu.memref_squeeze %dma_start3A_2407 : memref<1x128x128xi32, #tpu.memory_space<vmem>> -> memref<128x128xi32, #tpu.memory_space<vmem>>
    %dma_start3A_2409 = arith.constant 0 : i32
    %dma_start3A_2410 = tpu.memref_slice %arg6[%add3A_2403, %dma_start3A_2409] : memref<102400x128xi32, #tpu.memory_space<hbm>> -> memref<128x128xi32, #tpu.memory_space<hbm>>
    %dma_start3A_2411 = arith.constant 0 : i32
    %dma_start3A_2412 = tpu.memref_slice %arg6[%add3A_2403, %dma_start3A_2411] : memref<102400x128xi32, #tpu.memory_space<hbm>> -> memref<128x128xi32, #tpu.memory_space<hbm>>
    %dma_start3A_2413 = arith.constant 0 : i32
    %dma_start3A_2414 = arith.constant 0 : i32
    %dma_start3A_2415 = tpu.memref_slice %arg8[%dma_start3A_2404, %dma_start3A_2413, %dma_start3A_2414] : memref<4x128x128xi32, #tpu.memory_space<vmem>> -> memref<1x128x128xi32, #tpu.memory_space<vmem>>
    %dma_start3A_2416 = tpu.memref_squeeze %dma_start3A_2415 : memref<1x128x128xi32, #tpu.memory_space<vmem>> -> memref<128x128xi32, #tpu.memory_space<vmem>>
    tpu.enqueue_dma source(%dma_start3A_2416 : memref<128x128xi32, #tpu.memory_space<vmem>>) target(%dma_start3A_2412 : memref<128x128xi32, #tpu.memory_space<hbm>>) target_semaphore(%arg14 : memref<!tpu.dma_semaphore, #tpu.memory_space<semaphore_mem>>)
    %dma_wait3A_2417 = arith.constant 1 : i32
    %dma_wait3A_2418 = arith.constant 0 : i32
    %dma_wait3A_2419 = arith.constant 0 : i32
    %dma_wait3A_2420 = tpu.memref_slice %arg8[%dma_wait3A_2417, %dma_wait3A_2418, %dma_wait3A_2419] : memref<4x128x128xi32, #tpu.memory_space<vmem>> -> memref<1x128x128xi32, #tpu.memory_space<vmem>>
    %dma_wait3A_2421 = tpu.memref_squeeze %dma_wait3A_2420 : memref<1x128x128xi32, #tpu.memory_space<vmem>> -> memref<128x128xi32, #tpu.memory_space<vmem>>
    %dma_wait3A_2422 = arith.constant 0 : i32
    %dma_wait3A_2423 = tpu.memref_slice %arg6[%add3A_2403, %dma_wait3A_2422] : memref<102400x128xi32, #tpu.memory_space<hbm>> -> memref<128x128xi32, #tpu.memory_space<hbm>>
    %dma_wait3A_2424 = arith.constant 0 : i32
    %dma_wait3A_2425 = tpu.memref_slice %arg6[%add3A_2403, %dma_wait3A_2424] : memref<102400x128xi32, #tpu.memory_space<hbm>> -> memref<128x128xi32, #tpu.memory_space<hbm>>
    %dma_wait3A_2426 = arith.constant 0 : i32
    %dma_wait3A_2427 = arith.constant 0 : i32
    %dma_wait3A_2428 = tpu.memref_slice %arg8[%dma_wait3A_2417, %dma_wait3A_2426, %dma_wait3A_2427] : memref<4x128x128xi32, #tpu.memory_space<vmem>> -> memref<1x128x128xi32, #tpu.memory_space<vmem>>
    %dma_wait3A_2429 = tpu.memref_squeeze %dma_wait3A_2428 : memref<1x128x128xi32, #tpu.memory_space<vmem>> -> memref<128x128xi32, #tpu.memory_space<vmem>>
    tpu.wait_dma2 semaphore(%arg14 : memref<!tpu.dma_semaphore, #tpu.memory_space<semaphore_mem>>) src(%dma_wait3A_2429 : memref<128x128xi32, #tpu.memory_space<vmem>>) dst(%dma_wait3A_2425 : memref<128x128xi32, #tpu.memory_space<hbm>>)
    %dma_start3A_2430 = arith.constant 1 : i32
    %dma_start3A_2431 = arith.constant 1 : i32
    %dma_start3A_2432 = arith.constant 0 : i32
    %dma_start3A_2433 = arith.constant 0 : i32
    %dma_start3A_2434 = tpu.memref_slice %arg8[%dma_start3A_2431, %dma_start3A_2432, %dma_start3A_2433] : memref<4x128x128xi32, #tpu.memory_space<vmem>> -> memref<1x128x128xi32, #tpu.memory_space<vmem>>
    %dma_start3A_2435 = tpu.memref_squeeze %dma_start3A_2434 : memref<1x128x128xi32, #tpu.memory_space<vmem>> -> memref<128x128xi32, #tpu.memory_space<vmem>>
    %dma_start3A_2436 = arith.constant 3072 : i32
    %dma_start3A_2437 = tpu.memref_slice %arg7[%dma_start3A_2430, %dma_start3A_2436] : memref<2x3200xi32, #tpu.memory_space<vmem>> -> memref<1x128xi32, #tpu.memory_space<vmem>>
    %dma_start3A_2438 = tpu.memref_squeeze %dma_start3A_2437 : memref<1x128xi32, #tpu.memory_space<vmem>> -> memref<128xi32, #tpu.memory_space<vmem>>
    %dma_start3A_2439 = arith.constant 0 : i32
    %dma_start3A_2440 = arith.constant 0 : i32
    %dma_start3A_2441 = tpu.memref_slice %arg2[%dma_start3A_2439, %dma_start3A_2440] : memref<1000x128xi32, #tpu.memory_space<hbm>> -> memref<1000x128xi32, #tpu.memory_space<hbm>>
    tpu.enqueue_indirect_dma source(%dma_start3A_2441 : memref<1000x128xi32, #tpu.memory_space<hbm>>) target(%dma_start3A_2435 : memref<128x128xi32, #tpu.memory_space<vmem>>) offsets(%dma_start3A_2438 : memref<128xi32, #tpu.memory_space<vmem>>) semaphore(%arg10 : memref<!tpu.dma_semaphore, #tpu.memory_space<semaphore_mem>>)
    %dma_wait3A_2442 = arith.constant 1 : i32
    %dma_wait3A_2443 = arith.constant 2 : i32
    %dma_wait3A_2444 = arith.constant 0 : i32
    %dma_wait3A_2445 = arith.constant 0 : i32
    %dma_wait3A_2446 = tpu.memref_slice %arg8[%dma_wait3A_2443, %dma_wait3A_2444, %dma_wait3A_2445] : memref<4x128x128xi32, #tpu.memory_space<vmem>> -> memref<1x128x128xi32, #tpu.memory_space<vmem>>
    %dma_wait3A_2447 = tpu.memref_squeeze %dma_wait3A_2446 : memref<1x128x128xi32, #tpu.memory_space<vmem>> -> memref<128x128xi32, #tpu.memory_space<vmem>>
    %dma_wait3A_2448 = arith.constant 2688 : i32
    %dma_wait3A_2449 = tpu.memref_slice %arg7[%dma_wait3A_2442, %dma_wait3A_2448] : memref<2x3200xi32, #tpu.memory_space<vmem>> -> memref<1x128xi32, #tpu.memory_space<vmem>>
    %dma_wait3A_2450 = tpu.memref_squeeze %dma_wait3A_2449 : memref<1x128xi32, #tpu.memory_space<vmem>> -> memref<128xi32, #tpu.memory_space<vmem>>
    %dma_wait3A_2451 = arith.constant 0 : i32
    %dma_wait3A_2452 = arith.constant 0 : i32
    %dma_wait3A_2453 = tpu.memref_slice %arg2[%dma_wait3A_2451, %dma_wait3A_2452] : memref<1000x128xi32, #tpu.memory_space<hbm>> -> memref<1000x128xi32, #tpu.memory_space<hbm>>
    tpu.wait_indirect_dma semaphore(%arg11 : memref<!tpu.dma_semaphore, #tpu.memory_space<semaphore_mem>>) src(%dma_wait3A_2453 : memref<1000x128xi32, #tpu.memory_space<hbm>>) dst(%dma_wait3A_2447 : memref<128x128xi32, #tpu.memory_space<vmem>>)
    %add3A_2454 = arith.constant 2688 : i32
    %add3A_2455 = arith.addi %mul3A_2, %add3A_2454 : i32
    %dma_start3A_2456 = arith.constant 2 : i32
    %dma_start3A_2457 = arith.constant 0 : i32
    %dma_start3A_2458 = arith.constant 0 : i32
    %dma_start3A_2459 = tpu.memref_slice %arg8[%dma_start3A_2456, %dma_start3A_2457, %dma_start3A_2458] : memref<4x128x128xi32, #tpu.memory_space<vmem>> -> memref<1x128x128xi32, #tpu.memory_space<vmem>>
    %dma_start3A_2460 = tpu.memref_squeeze %dma_start3A_2459 : memref<1x128x128xi32, #tpu.memory_space<vmem>> -> memref<128x128xi32, #tpu.memory_space<vmem>>
    %dma_start3A_2461 = arith.constant 0 : i32
    %dma_start3A_2462 = tpu.memref_slice %arg6[%add3A_2455, %dma_start3A_2461] : memref<102400x128xi32, #tpu.memory_space<hbm>> -> memref<128x128xi32, #tpu.memory_space<hbm>>
    %dma_start3A_2463 = arith.constant 0 : i32
    %dma_start3A_2464 = tpu.memref_slice %arg6[%add3A_2455, %dma_start3A_2463] : memref<102400x128xi32, #tpu.memory_space<hbm>> -> memref<128x128xi32, #tpu.memory_space<hbm>>
    %dma_start3A_2465 = arith.constant 0 : i32
    %dma_start3A_2466 = arith.constant 0 : i32
    %dma_start3A_2467 = tpu.memref_slice %arg8[%dma_start3A_2456, %dma_start3A_2465, %dma_start3A_2466] : memref<4x128x128xi32, #tpu.memory_space<vmem>> -> memref<1x128x128xi32, #tpu.memory_space<vmem>>
    %dma_start3A_2468 = tpu.memref_squeeze %dma_start3A_2467 : memref<1x128x128xi32, #tpu.memory_space<vmem>> -> memref<128x128xi32, #tpu.memory_space<vmem>>
    tpu.enqueue_dma source(%dma_start3A_2468 : memref<128x128xi32, #tpu.memory_space<vmem>>) target(%dma_start3A_2464 : memref<128x128xi32, #tpu.memory_space<hbm>>) target_semaphore(%arg15 : memref<!tpu.dma_semaphore, #tpu.memory_space<semaphore_mem>>)
    %dma_wait3A_2469 = arith.constant 1 : i32
    %dma_wait3A_2470 = arith.constant 3 : i32
    %dma_wait3A_2471 = arith.constant 0 : i32
    %dma_wait3A_2472 = arith.constant 0 : i32
    %dma_wait3A_2473 = tpu.memref_slice %arg8[%dma_wait3A_2470, %dma_wait3A_2471, %dma_wait3A_2472] : memref<4x128x128xi32, #tpu.memory_space<vmem>> -> memref<1x128x128xi32, #tpu.memory_space<vmem>>
    %dma_wait3A_2474 = tpu.memref_squeeze %dma_wait3A_2473 : memref<1x128x128xi32, #tpu.memory_space<vmem>> -> memref<128x128xi32, #tpu.memory_space<vmem>>
    %dma_wait3A_2475 = arith.constant 2816 : i32
    %dma_wait3A_2476 = tpu.memref_slice %arg7[%dma_wait3A_2469, %dma_wait3A_2475] : memref<2x3200xi32, #tpu.memory_space<vmem>> -> memref<1x128xi32, #tpu.memory_space<vmem>>
    %dma_wait3A_2477 = tpu.memref_squeeze %dma_wait3A_2476 : memref<1x128xi32, #tpu.memory_space<vmem>> -> memref<128xi32, #tpu.memory_space<vmem>>
    %dma_wait3A_2478 = arith.constant 0 : i32
    %dma_wait3A_2479 = arith.constant 0 : i32
    %dma_wait3A_2480 = tpu.memref_slice %arg2[%dma_wait3A_2478, %dma_wait3A_2479] : memref<1000x128xi32, #tpu.memory_space<hbm>> -> memref<1000x128xi32, #tpu.memory_space<hbm>>
    tpu.wait_indirect_dma semaphore(%arg12 : memref<!tpu.dma_semaphore, #tpu.memory_space<semaphore_mem>>) src(%dma_wait3A_2480 : memref<1000x128xi32, #tpu.memory_space<hbm>>) dst(%dma_wait3A_2474 : memref<128x128xi32, #tpu.memory_space<vmem>>)
    %add3A_2481 = arith.constant 2816 : i32
    %add3A_2482 = arith.addi %mul3A_2, %add3A_2481 : i32
    %dma_start3A_2483 = arith.constant 3 : i32
    %dma_start3A_2484 = arith.constant 0 : i32
    %dma_start3A_2485 = arith.constant 0 : i32
    %dma_start3A_2486 = tpu.memref_slice %arg8[%dma_start3A_2483, %dma_start3A_2484, %dma_start3A_2485] : memref<4x128x128xi32, #tpu.memory_space<vmem>> -> memref<1x128x128xi32, #tpu.memory_space<vmem>>
    %dma_start3A_2487 = tpu.memref_squeeze %dma_start3A_2486 : memref<1x128x128xi32, #tpu.memory_space<vmem>> -> memref<128x128xi32, #tpu.memory_space<vmem>>
    %dma_start3A_2488 = arith.constant 0 : i32
    %dma_start3A_2489 = tpu.memref_slice %arg6[%add3A_2482, %dma_start3A_2488] : memref<102400x128xi32, #tpu.memory_space<hbm>> -> memref<128x128xi32, #tpu.memory_space<hbm>>
    %dma_start3A_2490 = arith.constant 0 : i32
    %dma_start3A_2491 = tpu.memref_slice %arg6[%add3A_2482, %dma_start3A_2490] : memref<102400x128xi32, #tpu.memory_space<hbm>> -> memref<128x128xi32, #tpu.memory_space<hbm>>
    %dma_start3A_2492 = arith.constant 0 : i32
    %dma_start3A_2493 = arith.constant 0 : i32
    %dma_start3A_2494 = tpu.memref_slice %arg8[%dma_start3A_2483, %dma_start3A_2492, %dma_start3A_2493] : memref<4x128x128xi32, #tpu.memory_space<vmem>> -> memref<1x128x128xi32, #tpu.memory_space<vmem>>
    %dma_start3A_2495 = tpu.memref_squeeze %dma_start3A_2494 : memref<1x128x128xi32, #tpu.memory_space<vmem>> -> memref<128x128xi32, #tpu.memory_space<vmem>>
    tpu.enqueue_dma source(%dma_start3A_2495 : memref<128x128xi32, #tpu.memory_space<vmem>>) target(%dma_start3A_2491 : memref<128x128xi32, #tpu.memory_space<hbm>>) target_semaphore(%arg16 : memref<!tpu.dma_semaphore, #tpu.memory_space<semaphore_mem>>)
    %dma_wait3A_2496 = arith.constant 1 : i32
    %dma_wait3A_2497 = arith.constant 0 : i32
    %dma_wait3A_2498 = arith.constant 0 : i32
    %dma_wait3A_2499 = arith.constant 0 : i32
    %dma_wait3A_2500 = tpu.memref_slice %arg8[%dma_wait3A_2497, %dma_wait3A_2498, %dma_wait3A_2499] : memref<4x128x128xi32, #tpu.memory_space<vmem>> -> memref<1x128x128xi32, #tpu.memory_space<vmem>>
    %dma_wait3A_2501 = tpu.memref_squeeze %dma_wait3A_2500 : memref<1x128x128xi32, #tpu.memory_space<vmem>> -> memref<128x128xi32, #tpu.memory_space<vmem>>
    %dma_wait3A_2502 = arith.constant 2944 : i32
    %dma_wait3A_2503 = tpu.memref_slice %arg7[%dma_wait3A_2496, %dma_wait3A_2502] : memref<2x3200xi32, #tpu.memory_space<vmem>> -> memref<1x128xi32, #tpu.memory_space<vmem>>
    %dma_wait3A_2504 = tpu.memref_squeeze %dma_wait3A_2503 : memref<1x128xi32, #tpu.memory_space<vmem>> -> memref<128xi32, #tpu.memory_space<vmem>>
    %dma_wait3A_2505 = arith.constant 0 : i32
    %dma_wait3A_2506 = arith.constant 0 : i32
    %dma_wait3A_2507 = tpu.memref_slice %arg2[%dma_wait3A_2505, %dma_wait3A_2506] : memref<1000x128xi32, #tpu.memory_space<hbm>> -> memref<1000x128xi32, #tpu.memory_space<hbm>>
    tpu.wait_indirect_dma semaphore(%arg9 : memref<!tpu.dma_semaphore, #tpu.memory_space<semaphore_mem>>) src(%dma_wait3A_2507 : memref<1000x128xi32, #tpu.memory_space<hbm>>) dst(%dma_wait3A_2501 : memref<128x128xi32, #tpu.memory_space<vmem>>)
    %add3A_2508 = arith.constant 2944 : i32
    %add3A_2509 = arith.addi %mul3A_2, %add3A_2508 : i32
    %dma_start3A_2510 = arith.constant 0 : i32
    %dma_start3A_2511 = arith.constant 0 : i32
    %dma_start3A_2512 = arith.constant 0 : i32
    %dma_start3A_2513 = tpu.memref_slice %arg8[%dma_start3A_2510, %dma_start3A_2511, %dma_start3A_2512] : memref<4x128x128xi32, #tpu.memory_space<vmem>> -> memref<1x128x128xi32, #tpu.memory_space<vmem>>
    %dma_start3A_2514 = tpu.memref_squeeze %dma_start3A_2513 : memref<1x128x128xi32, #tpu.memory_space<vmem>> -> memref<128x128xi32, #tpu.memory_space<vmem>>
    %dma_start3A_2515 = arith.constant 0 : i32
    %dma_start3A_2516 = tpu.memref_slice %arg6[%add3A_2509, %dma_start3A_2515] : memref<102400x128xi32, #tpu.memory_space<hbm>> -> memref<128x128xi32, #tpu.memory_space<hbm>>
    %dma_start3A_2517 = arith.constant 0 : i32
    %dma_start3A_2518 = tpu.memref_slice %arg6[%add3A_2509, %dma_start3A_2517] : memref<102400x128xi32, #tpu.memory_space<hbm>> -> memref<128x128xi32, #tpu.memory_space<hbm>>
    %dma_start3A_2519 = arith.constant 0 : i32
    %dma_start3A_2520 = arith.constant 0 : i32
    %dma_start3A_2521 = tpu.memref_slice %arg8[%dma_start3A_2510, %dma_start3A_2519, %dma_start3A_2520] : memref<4x128x128xi32, #tpu.memory_space<vmem>> -> memref<1x128x128xi32, #tpu.memory_space<vmem>>
    %dma_start3A_2522 = tpu.memref_squeeze %dma_start3A_2521 : memref<1x128x128xi32, #tpu.memory_space<vmem>> -> memref<128x128xi32, #tpu.memory_space<vmem>>
    tpu.enqueue_dma source(%dma_start3A_2522 : memref<128x128xi32, #tpu.memory_space<vmem>>) target(%dma_start3A_2518 : memref<128x128xi32, #tpu.memory_space<hbm>>) target_semaphore(%arg13 : memref<!tpu.dma_semaphore, #tpu.memory_space<semaphore_mem>>)
    %dma_wait3A_2523 = arith.constant 1 : i32
    %dma_wait3A_2524 = arith.constant 1 : i32
    %dma_wait3A_2525 = arith.constant 0 : i32
    %dma_wait3A_2526 = arith.constant 0 : i32
    %dma_wait3A_2527 = tpu.memref_slice %arg8[%dma_wait3A_2524, %dma_wait3A_2525, %dma_wait3A_2526] : memref<4x128x128xi32, #tpu.memory_space<vmem>> -> memref<1x128x128xi32, #tpu.memory_space<vmem>>
    %dma_wait3A_2528 = tpu.memref_squeeze %dma_wait3A_2527 : memref<1x128x128xi32, #tpu.memory_space<vmem>> -> memref<128x128xi32, #tpu.memory_space<vmem>>
    %dma_wait3A_2529 = arith.constant 3072 : i32
    %dma_wait3A_2530 = tpu.memref_slice %arg7[%dma_wait3A_2523, %dma_wait3A_2529] : memref<2x3200xi32, #tpu.memory_space<vmem>> -> memref<1x128xi32, #tpu.memory_space<vmem>>
    %dma_wait3A_2531 = tpu.memref_squeeze %dma_wait3A_2530 : memref<1x128xi32, #tpu.memory_space<vmem>> -> memref<128xi32, #tpu.memory_space<vmem>>
    %dma_wait3A_2532 = arith.constant 0 : i32
    %dma_wait3A_2533 = arith.constant 0 : i32
    %dma_wait3A_2534 = tpu.memref_slice %arg2[%dma_wait3A_2532, %dma_wait3A_2533] : memref<1000x128xi32, #tpu.memory_space<hbm>> -> memref<1000x128xi32, #tpu.memory_space<hbm>>
    tpu.wait_indirect_dma semaphore(%arg10 : memref<!tpu.dma_semaphore, #tpu.memory_space<semaphore_mem>>) src(%dma_wait3A_2534 : memref<1000x128xi32, #tpu.memory_space<hbm>>) dst(%dma_wait3A_2528 : memref<128x128xi32, #tpu.memory_space<vmem>>)
    %add3A_2535 = arith.constant 3072 : i32
    %add3A_2536 = arith.addi %mul3A_2, %add3A_2535 : i32
    %dma_start3A_2537 = arith.constant 1 : i32
    %dma_start3A_2538 = arith.constant 0 : i32
    %dma_start3A_2539 = arith.constant 0 : i32
    %dma_start3A_2540 = tpu.memref_slice %arg8[%dma_start3A_2537, %dma_start3A_2538, %dma_start3A_2539] : memref<4x128x128xi32, #tpu.memory_space<vmem>> -> memref<1x128x128xi32, #tpu.memory_space<vmem>>
    %dma_start3A_2541 = tpu.memref_squeeze %dma_start3A_2540 : memref<1x128x128xi32, #tpu.memory_space<vmem>> -> memref<128x128xi32, #tpu.memory_space<vmem>>
    %dma_start3A_2542 = arith.constant 0 : i32
    %dma_start3A_2543 = tpu.memref_slice %arg6[%add3A_2536, %dma_start3A_2542] : memref<102400x128xi32, #tpu.memory_space<hbm>> -> memref<128x128xi32, #tpu.memory_space<hbm>>
    %dma_start3A_2544 = arith.constant 0 : i32
    %dma_start3A_2545 = tpu.memref_slice %arg6[%add3A_2536, %dma_start3A_2544] : memref<102400x128xi32, #tpu.memory_space<hbm>> -> memref<128x128xi32, #tpu.memory_space<hbm>>
    %dma_start3A_2546 = arith.constant 0 : i32
    %dma_start3A_2547 = arith.constant 0 : i32
    %dma_start3A_2548 = tpu.memref_slice %arg8[%dma_start3A_2537, %dma_start3A_2546, %dma_start3A_2547] : memref<4x128x128xi32, #tpu.memory_space<vmem>> -> memref<1x128x128xi32, #tpu.memory_space<vmem>>
    %dma_start3A_2549 = tpu.memref_squeeze %dma_start3A_2548 : memref<1x128x128xi32, #tpu.memory_space<vmem>> -> memref<128x128xi32, #tpu.memory_space<vmem>>
    tpu.enqueue_dma source(%dma_start3A_2549 : memref<128x128xi32, #tpu.memory_space<vmem>>) target(%dma_start3A_2545 : memref<128x128xi32, #tpu.memory_space<hbm>>) target_semaphore(%arg14 : memref<!tpu.dma_semaphore, #tpu.memory_space<semaphore_mem>>)
    %dma_wait3A_2550 = arith.constant 3 : i32
    %dma_wait3A_2551 = arith.constant 0 : i32
    %dma_wait3A_2552 = arith.constant 0 : i32
    %dma_wait3A_2553 = tpu.memref_slice %arg8[%dma_wait3A_2550, %dma_wait3A_2551, %dma_wait3A_2552] : memref<4x128x128xi32, #tpu.memory_space<vmem>> -> memref<1x128x128xi32, #tpu.memory_space<vmem>>
    %dma_wait3A_2554 = tpu.memref_squeeze %dma_wait3A_2553 : memref<1x128x128xi32, #tpu.memory_space<vmem>> -> memref<128x128xi32, #tpu.memory_space<vmem>>
    %dma_wait3A_2555 = arith.constant 0 : i32
    %dma_wait3A_2556 = tpu.memref_slice %arg6[%add3A_2482, %dma_wait3A_2555] : memref<102400x128xi32, #tpu.memory_space<hbm>> -> memref<128x128xi32, #tpu.memory_space<hbm>>
    %dma_wait3A_2557 = arith.constant 0 : i32
    %dma_wait3A_2558 = tpu.memref_slice %arg6[%add3A_2482, %dma_wait3A_2557] : memref<102400x128xi32, #tpu.memory_space<hbm>> -> memref<128x128xi32, #tpu.memory_space<hbm>>
    %dma_wait3A_2559 = arith.constant 0 : i32
    %dma_wait3A_2560 = arith.constant 0 : i32
    %dma_wait3A_2561 = tpu.memref_slice %arg8[%dma_wait3A_2550, %dma_wait3A_2559, %dma_wait3A_2560] : memref<4x128x128xi32, #tpu.memory_space<vmem>> -> memref<1x128x128xi32, #tpu.memory_space<vmem>>
    %dma_wait3A_2562 = tpu.memref_squeeze %dma_wait3A_2561 : memref<1x128x128xi32, #tpu.memory_space<vmem>> -> memref<128x128xi32, #tpu.memory_space<vmem>>
    tpu.wait_dma2 semaphore(%arg16 : memref<!tpu.dma_semaphore, #tpu.memory_space<semaphore_mem>>) src(%dma_wait3A_2562 : memref<128x128xi32, #tpu.memory_space<vmem>>) dst(%dma_wait3A_2558 : memref<128x128xi32, #tpu.memory_space<hbm>>)
    %dma_wait3A_2563 = arith.constant 0 : i32
    %dma_wait3A_2564 = arith.constant 0 : i32
    %dma_wait3A_2565 = arith.constant 0 : i32
    %dma_wait3A_2566 = tpu.memref_slice %arg8[%dma_wait3A_2563, %dma_wait3A_2564, %dma_wait3A_2565] : memref<4x128x128xi32, #tpu.memory_space<vmem>> -> memref<1x128x128xi32, #tpu.memory_space<vmem>>
    %dma_wait3A_2567 = tpu.memref_squeeze %dma_wait3A_2566 : memref<1x128x128xi32, #tpu.memory_space<vmem>> -> memref<128x128xi32, #tpu.memory_space<vmem>>
    %dma_wait3A_2568 = arith.constant 0 : i32
    %dma_wait3A_2569 = tpu.memref_slice %arg6[%add3A_2509, %dma_wait3A_2568] : memref<102400x128xi32, #tpu.memory_space<hbm>> -> memref<128x128xi32, #tpu.memory_space<hbm>>
    %dma_wait3A_2570 = arith.constant 0 : i32
    %dma_wait3A_2571 = tpu.memref_slice %arg6[%add3A_2509, %dma_wait3A_2570] : memref<102400x128xi32, #tpu.memory_space<hbm>> -> memref<128x128xi32, #tpu.memory_space<hbm>>
    %dma_wait3A_2572 = arith.constant 0 : i32
    %dma_wait3A_2573 = arith.constant 0 : i32
    %dma_wait3A_2574 = tpu.memref_slice %arg8[%dma_wait3A_2563, %dma_wait3A_2572, %dma_wait3A_2573] : memref<4x128x128xi32, #tpu.memory_space<vmem>> -> memref<1x128x128xi32, #tpu.memory_space<vmem>>
    %dma_wait3A_2575 = tpu.memref_squeeze %dma_wait3A_2574 : memref<1x128x128xi32, #tpu.memory_space<vmem>> -> memref<128x128xi32, #tpu.memory_space<vmem>>
    tpu.wait_dma2 semaphore(%arg13 : memref<!tpu.dma_semaphore, #tpu.memory_space<semaphore_mem>>) src(%dma_wait3A_2575 : memref<128x128xi32, #tpu.memory_space<vmem>>) dst(%dma_wait3A_2571 : memref<128x128xi32, #tpu.memory_space<hbm>>)
    %dma_wait3A_2576 = arith.constant 1 : i32
    %dma_wait3A_2577 = arith.constant 0 : i32
    %dma_wait3A_2578 = arith.constant 0 : i32
    %dma_wait3A_2579 = tpu.memref_slice %arg8[%dma_wait3A_2576, %dma_wait3A_2577, %dma_wait3A_2578] : memref<4x128x128xi32, #tpu.memory_space<vmem>> -> memref<1x128x128xi32, #tpu.memory_space<vmem>>
    %dma_wait3A_2580 = tpu.memref_squeeze %dma_wait3A_2579 : memref<1x128x128xi32, #tpu.memory_space<vmem>> -> memref<128x128xi32, #tpu.memory_space<vmem>>
    %dma_wait3A_2581 = arith.constant 0 : i32
    %dma_wait3A_2582 = tpu.memref_slice %arg6[%add3A_2536, %dma_wait3A_2581] : memref<102400x128xi32, #tpu.memory_space<hbm>> -> memref<128x128xi32, #tpu.memory_space<hbm>>
    %dma_wait3A_2583 = arith.constant 0 : i32
    %dma_wait3A_2584 = tpu.memref_slice %arg6[%add3A_2536, %dma_wait3A_2583] : memref<102400x128xi32, #tpu.memory_space<hbm>> -> memref<128x128xi32, #tpu.memory_space<hbm>>
    %dma_wait3A_2585 = arith.constant 0 : i32
    %dma_wait3A_2586 = arith.constant 0 : i32
    %dma_wait3A_2587 = tpu.memref_slice %arg8[%dma_wait3A_2576, %dma_wait3A_2585, %dma_wait3A_2586] : memref<4x128x128xi32, #tpu.memory_space<vmem>> -> memref<1x128x128xi32, #tpu.memory_space<vmem>>
    %dma_wait3A_2588 = tpu.memref_squeeze %dma_wait3A_2587 : memref<1x128x128xi32, #tpu.memory_space<vmem>> -> memref<128x128xi32, #tpu.memory_space<vmem>>
    tpu.wait_dma2 semaphore(%arg14 : memref<!tpu.dma_semaphore, #tpu.memory_space<semaphore_mem>>) src(%dma_wait3A_2588 : memref<128x128xi32, #tpu.memory_space<vmem>>) dst(%dma_wait3A_2584 : memref<128x128xi32, #tpu.memory_space<hbm>>)
    return
  }
}

module attributes {stable_mosaic.version = 14 : i64} {
  func.func @_lambda_(%arg0: memref<1000x64xf32, #tpu.memory_space<vmem>>, %arg1: memref<128x64xf32, #tpu.memory_space<vmem>>, %arg2: memref<128x128xf32, #tpu.memory_space<vmem>>, %arg3: memref<128x128xf32, #tpu.memory_space<vmem>>, %arg4: memref<1x64xf32, #tpu.memory_space<vmem>>, %arg5: memref<1x128xf32, #tpu.memory_space<vmem>>, %arg6: memref<128x256xf32, #tpu.memory_space<vmem>>, %arg7: memref<1x128xf32, #tpu.memory_space<vmem>>, %arg8: memref<1000x128xi32, #tpu.memory_space<vmem>>) attributes {dimension_semantics = [], scalar_prefetch = 0 : i64, scratch_operands = 0 : i64, tpu.core_type = #tpu.core_type<tc>} {
    %get3A = arith.constant 64 : index
    %get3A_0 = arith.constant 0 : index
    %get3A_1 = vector.load %arg2[%get3A, %get3A_0] : memref<128x128xf32, #tpu.memory_space<vmem>>, vector<64x128xf32>
    %get3A_2 = arith.constant 64 : index
    %get3A_3 = arith.constant 0 : index
    %get3A_4 = vector.load %arg3[%get3A_2, %get3A_3] : memref<128x128xf32, #tpu.memory_space<vmem>>, vector<64x128xf32>
    %get3A_5 = arith.constant 0 : index
    %get3A_6 = arith.constant 0 : index
    %get3A_7 = vector.load %arg1[%get3A_5, %get3A_6] : memref<128x64xf32, #tpu.memory_space<vmem>>, vector<128x64xf32>
    %dot_general3A = arith.constant dense<0.000000e+00> : vector<128x128xf32>
    %dot_general3A_8 = tpu.matmul %get3A_7, %get3A_1, %dot_general3A {dimension_numbers = #tpu.dot_dimension_numbers<[1], [0], [0], [1], [0, 0, 1, 1], [], []>, transpose_lhs_hint = false} : vector<128x64xf32>, vector<64x128xf32>, vector<128x128xf32> -> vector<128x128xf32>
    %swap3A = arith.constant 0 : index
    %swap3A_9 = arith.constant 0 : index
    %swap3A_10 = vector.load %arg6[%swap3A, %swap3A_9] : memref<128x256xf32, #tpu.memory_space<vmem>>, vector<128x128xf32>
    tpu.vector_store %arg6[%swap3A, %swap3A_9], %dot_general3A_8 {strides = array<i32>} : memref<128x256xf32, #tpu.memory_space<vmem>>, vector<128x128xf32>,
    %dot_general3A_11 = arith.constant dense<0.000000e+00> : vector<128x128xf32>
    %dot_general3A_12 = tpu.matmul %get3A_7, %get3A_4, %dot_general3A_11 {dimension_numbers = #tpu.dot_dimension_numbers<[1], [0], [0], [1], [0, 0, 1, 1], [], []>, transpose_lhs_hint = false} : vector<128x64xf32>, vector<64x128xf32>, vector<128x128xf32> -> vector<128x128xf32>
    %swap3A_13 = arith.constant 0 : index
    %swap3A_14 = arith.constant 128 : index
    %swap3A_15 = vector.load %arg6[%swap3A_13, %swap3A_14] : memref<128x256xf32, #tpu.memory_space<vmem>>, vector<128x128xf32>
    tpu.vector_store %arg6[%swap3A_13, %swap3A_14], %dot_general3A_12 {strides = array<i32>} : memref<128x256xf32, #tpu.memory_space<vmem>>, vector<128x128xf32>,
    %get3A_16 = arith.constant 0 : index
    %get3A_17 = arith.constant 0 : index
    %get3A_18 = vector.load %arg4[%get3A_16, %get3A_17] : memref<1x64xf32, #tpu.memory_space<vmem>>, vector<1x64xf32>
    %add3A = arith.addf %get3A_1, %get3A_4 : vector<64x128xf32>
    %dot_general3A_19 = arith.constant dense<0.000000e+00> : vector<1x128xf32>
    %dot_general3A_20 = tpu.matmul %get3A_18, %add3A, %dot_general3A_19 {dimension_numbers = #tpu.dot_dimension_numbers<[1], [0], [0], [1], [0, 0, 1, 1], [], []>, transpose_lhs_hint = false} : vector<1x64xf32>, vector<64x128xf32>, vector<1x128xf32> -> vector<1x128xf32>
    %get3A_21 = arith.constant 0 : index
    %get3A_22 = arith.constant 0 : index
    %get3A_23 = vector.load %arg5[%get3A_21, %get3A_22] : memref<1x128xf32, #tpu.memory_space<vmem>>, vector<1x128xf32>
    %add3A_24 = arith.addf %dot_general3A_20, %get3A_23 : vector<1x128xf32>
    %swap3A_25 = arith.constant 0 : index
    %swap3A_26 = arith.constant 0 : index
    %swap3A_27 = vector.load %arg7[%swap3A_25, %swap3A_26] : memref<1x128xf32, #tpu.memory_space<vmem>>, vector<1x128xf32>
    tpu.vector_store %arg7[%swap3A_25, %swap3A_26], %add3A_24 {strides = array<i32>} : memref<1x128xf32, #tpu.memory_space<vmem>>, vector<1x128xf32>,
    %get3A_28 = arith.constant 0 : index
    %get3A_29 = arith.constant 0 : index
    %get3A_30 = vector.load %arg0[%get3A_28, %get3A_29] : memref<1000x64xf32, #tpu.memory_space<vmem>>, vector<1000x64xf32>
    %get3A_31 = arith.constant 0 : index
    %get3A_32 = arith.constant 0 : index
    %get3A_33 = vector.load %arg2[%get3A_31, %get3A_32] : memref<128x128xf32, #tpu.memory_space<vmem>>, vector<64x128xf32>
    %dot_general3A_34 = arith.constant dense<0.000000e+00> : vector<1000x128xf32>
    %dot_general3A_35 = tpu.matmul %get3A_30, %get3A_33, %dot_general3A_34 {dimension_numbers = #tpu.dot_dimension_numbers<[1], [0], [0], [1], [0, 0, 1, 1], [], []>, transpose_lhs_hint = false} : vector<1000x64xf32>, vector<64x128xf32>, vector<1000x128xf32> -> vector<1000x128xf32>
    %get3A_36 = arith.constant 0 : index
    %get3A_37 = arith.constant 0 : index
    %get3A_38 = vector.load %arg3[%get3A_36, %get3A_37] : memref<128x128xf32, #tpu.memory_space<vmem>>, vector<64x128xf32>
    %dot_general3A_39 = arith.constant dense<0.000000e+00> : vector<1000x128xf32>
    %dot_general3A_40 = tpu.matmul %get3A_30, %get3A_38, %dot_general3A_39 {dimension_numbers = #tpu.dot_dimension_numbers<[1], [0], [0], [1], [0, 0, 1, 1], [], []>, transpose_lhs_hint = false} : vector<1000x64xf32>, vector<64x128xf32>, vector<1000x128xf32> -> vector<1000x128xf32>
    %convert_element_type3A = arith.truncf %dot_general3A_35 : vector<1000x128xf32> to vector<1000x128xbf16>
    %convert_element_type3A_41 = arith.extf %convert_element_type3A : vector<1000x128xbf16> to vector<1000x128xf32>
    %bitcast_convert_type3A = tpu.bitcast %convert_element_type3A_41 : vector<1000x128xf32> -> vector<1000x128xi32>
    %shift_right_logical3A = arith.constant 16 : i32
    %shift_right_logical3A_42 = vector.broadcast %shift_right_logical3A : i32 to vector<1000x128xi32>
    %shift_right_logical3A_43 = arith.shrui %bitcast_convert_type3A, %shift_right_logical3A_42 : vector<1000x128xi32>
    %convert_element_type3A_44 = arith.truncf %dot_general3A_40 : vector<1000x128xf32> to vector<1000x128xbf16>
    %convert_element_type3A_45 = arith.extf %convert_element_type3A_44 : vector<1000x128xbf16> to vector<1000x128xf32>
    %bitcast_convert_type3A_46 = tpu.bitcast %convert_element_type3A_45 : vector<1000x128xf32> -> vector<1000x128xi32>
    %and3A = arith.constant -65536 : i32
    %and3A_47 = vector.broadcast %and3A : i32 to vector<1000x128xi32>
    %and3A_48 = arith.andi %bitcast_convert_type3A_46, %and3A_47 : vector<1000x128xi32>
    %or3A = arith.ori %shift_right_logical3A_43, %and3A_48 : vector<1000x128xi32>
    %bitcast_convert_type3A_49 = tpu.bitcast %or3A : vector<1000x128xi32> -> vector<1000x128xi32>
    %swap3A_50 = arith.constant 0 : index
    %swap3A_51 = arith.constant 0 : index
    %swap3A_52 = vector.load %arg8[%swap3A_50, %swap3A_51] : memref<1000x128xi32, #tpu.memory_space<vmem>>, vector<1000x128xi32>
    tpu.vector_store %arg8[%swap3A_50, %swap3A_51], %bitcast_convert_type3A_49 {strides = array<i32>} : memref<1000x128xi32, #tpu.memory_space<vmem>>, vector<1000x128xi32>,
    return
  }
}

module attributes {stable_mosaic.version = 14 : i64} {
  func.func @_lambda_(%arg0: i32, %arg1: memref<1000x128xf32, #tpu.memory_space<vmem>>, %arg2: memref<1000x128xf32, #tpu.memory_space<vmem>>, %arg3: memref<1000x128xi32, #tpu.memory_space<vmem>>, %arg4: memref<1000x128xi32, #tpu.memory_space<vmem>>, %arg5: memref<128x256xf32, #tpu.memory_space<vmem>>, %arg6: memref<1x128xf32, #tpu.memory_space<vmem>>, %arg7: memref<128x128xf32, #tpu.memory_space<vmem>>, %arg8: memref<1x128xf32, #tpu.memory_space<vmem>>, %arg9: memref<128x1xf32, #tpu.memory_space<vmem>>, %arg10: memref<1x1xf32, #tpu.memory_space<vmem>>, %arg11: memref<1x1x1000xf32, #tpu.memory_space<vmem>>) attributes {dimension_semantics = [#tpu.dimension_semantics<arbitrary>], iteration_bounds = array<i64: 100>, scalar_prefetch = 0 : i64, scratch_operands = 0 : i64, tpu.core_type = #tpu.core_type<tc>, window_params = [{transform_indices = @transform_0, window_bounds = array<i64: 1000, 128>}, {transform_indices = @transform_1, window_bounds = array<i64: 1000, 128>}, {transform_indices = @transform_2, window_bounds = array<i64: 1000, 128>}, {transform_indices = @transform_3, window_bounds = array<i64: 1000, 128>}, {pipeline_mode = #tpu.pipeline_mode<synchronous>, transform_indices = @transform_4, window_bounds = array<i64: 128, 256>}, {pipeline_mode = #tpu.pipeline_mode<synchronous>, transform_indices = @transform_5, window_bounds = array<i64: 1, 128>}, {pipeline_mode = #tpu.pipeline_mode<synchronous>, transform_indices = @transform_6, window_bounds = array<i64: 128, 128>}, {pipeline_mode = #tpu.pipeline_mode<synchronous>, transform_indices = @transform_7, window_bounds = array<i64: 1, 128>}, {pipeline_mode = #tpu.pipeline_mode<synchronous>, transform_indices = @transform_8, window_bounds = array<i64: 128, 1>}, {pipeline_mode = #tpu.pipeline_mode<synchronous>, transform_indices = @transform_9, window_bounds = array<i64: 1, 1>}, {transform_indices = @transform_10, window_bounds = array<i64: 1, 1, 1000>}]} {
    %get3A = arith.constant 0 : index
    %get3A_0 = arith.constant 0 : index
    %get3A_1 = vector.load %arg3[%get3A, %get3A_0] : memref<1000x128xi32, #tpu.memory_space<vmem>>, vector<1000x128xi32>
    %shift_left3A = arith.constant 16 : i32
    %shift_left3A_2 = vector.broadcast %shift_left3A : i32 to vector<1000x128xi32>
    %shift_left3A_3 = arith.shli %get3A_1, %shift_left3A_2 : vector<1000x128xi32>
    %bitcast_convert_type3A = tpu.bitcast %shift_left3A_3 : vector<1000x128xi32> -> vector<1000x128xf32>
    %and3A = arith.constant -65536 : i32
    %and3A_4 = vector.broadcast %and3A : i32 to vector<1000x128xi32>
    %and3A_5 = arith.andi %get3A_1, %and3A_4 : vector<1000x128xi32>
    %bitcast_convert_type3A_6 = tpu.bitcast %and3A_5 : vector<1000x128xi32> -> vector<1000x128xf32>
    %get3A_7 = arith.constant 0 : index
    %get3A_8 = arith.constant 0 : index
    %get3A_9 = vector.load %arg4[%get3A_7, %get3A_8] : memref<1000x128xi32, #tpu.memory_space<vmem>>, vector<1000x128xi32>
    %shift_left3A_10 = arith.constant 16 : i32
    %shift_left3A_11 = vector.broadcast %shift_left3A_10 : i32 to vector<1000x128xi32>
    %shift_left3A_12 = arith.shli %get3A_9, %shift_left3A_11 : vector<1000x128xi32>
    %bitcast_convert_type3A_13 = tpu.bitcast %shift_left3A_12 : vector<1000x128xi32> -> vector<1000x128xf32>
    %and3A_14 = arith.constant -65536 : i32
    %and3A_15 = vector.broadcast %and3A_14 : i32 to vector<1000x128xi32>
    %and3A_16 = arith.andi %get3A_9, %and3A_15 : vector<1000x128xi32>
    %bitcast_convert_type3A_17 = tpu.bitcast %and3A_16 : vector<1000x128xi32> -> vector<1000x128xf32>
    %get3A_18 = arith.constant 0 : index
    %get3A_19 = arith.constant 0 : index
    %get3A_20 = vector.load %arg5[%get3A_18, %get3A_19] : memref<128x256xf32, #tpu.memory_space<vmem>>, vector<128x256xf32>
    %get3A_21 = arith.constant 0 : index
    %get3A_22 = arith.constant 0 : index
    %get3A_23 = vector.load %arg1[%get3A_21, %get3A_22] : memref<1000x128xf32, #tpu.memory_space<vmem>>, vector<1000x128xf32>
    %dot_general3A = arith.constant dense<0.000000e+00> : vector<1000x256xf32>
    %dot_general3A_24 = tpu.matmul %get3A_23, %get3A_20, %dot_general3A {dimension_numbers = #tpu.dot_dimension_numbers<[1], [0], [0], [1], [0, 0, 1, 1], [], []>, transpose_lhs_hint = false} : vector<1000x128xf32>, vector<128x256xf32>, vector<1000x256xf32> -> vector<1000x256xf32>
    %get3A_25 = arith.constant 0 : index
    %get3A_26 = arith.constant 0 : index
    %get3A_27 = vector.load %arg2[%get3A_25, %get3A_26] : memref<1000x128xf32, #tpu.memory_space<vmem>>, vector<1000x128xf32>
    %dot_general3A_28 = arith.constant dense<0.000000e+00> : vector<1000x256xf32>
    %dot_general3A_29 = tpu.matmul %get3A_27, %get3A_20, %dot_general3A_28 {dimension_numbers = #tpu.dot_dimension_numbers<[1], [0], [0], [1], [0, 0, 1, 1], [], []>, transpose_lhs_hint = false} : vector<1000x128xf32>, vector<128x256xf32>, vector<1000x256xf32> -> vector<1000x256xf32>
    %get3A_30 = arith.constant 0 : index
    %get3A_31 = arith.constant 0 : index
    %get3A_32 = vector.load %arg6[%get3A_30, %get3A_31] : memref<1x128xf32, #tpu.memory_space<vmem>>, vector<1x128xf32>
    %add3A = arith.addf %bitcast_convert_type3A, %bitcast_convert_type3A_17 : vector<1000x128xf32>
    %slice3A = vector.extract_strided_slice %dot_general3A_24 {offsets = [0, 0], sizes = [1000, 128], strides = [1, 1]} : vector<1000x256xf32> to vector<1000x128xf32>
    %add3A_33 = arith.addf %add3A, %slice3A : vector<1000x128xf32>
    %slice3A_34 = vector.extract_strided_slice %dot_general3A_29 {offsets = [0, 128], sizes = [1000, 128], strides = [1, 1]} : vector<1000x256xf32> to vector<1000x128xf32>
    %add3A_35 = arith.addf %add3A_33, %slice3A_34 : vector<1000x128xf32>
    %add3A_36 = vector.broadcast %get3A_32 : vector<1x128xf32> to vector<1000x128xf32>
    %add3A_37 = arith.addf %add3A_35, %add3A_36 : vector<1000x128xf32>
    %add3A_38 = arith.addf %bitcast_convert_type3A_13, %bitcast_convert_type3A_6 : vector<1000x128xf32>
    %slice3A_39 = vector.extract_strided_slice %dot_general3A_29 {offsets = [0, 0], sizes = [1000, 128], strides = [1, 1]} : vector<1000x256xf32> to vector<1000x128xf32>
    %add3A_40 = arith.addf %add3A_38, %slice3A_39 : vector<1000x128xf32>
    %slice3A_41 = vector.extract_strided_slice %dot_general3A_24 {offsets = [0, 128], sizes = [1000, 128], strides = [1, 1]} : vector<1000x256xf32> to vector<1000x128xf32>
    %add3A_42 = arith.addf %add3A_40, %slice3A_41 : vector<1000x128xf32>
    %add3A_43 = vector.broadcast %get3A_32 : vector<1x128xf32> to vector<1000x128xf32>
    %add3A_44 = arith.addf %add3A_42, %add3A_43 : vector<1000x128xf32>
    %max3A = arith.constant 0.000000e+00 : f32
    %max3A_45 = vector.broadcast %max3A : f32 to vector<1000x128xf32>
    %max3A_46 = arith.maximumf %add3A_37, %max3A_45 : vector<1000x128xf32>
    %max3A_47 = arith.constant 0.000000e+00 : f32
    %max3A_48 = vector.broadcast %max3A_47 : f32 to vector<1000x128xf32>
    %max3A_49 = arith.maximumf %add3A_44, %max3A_48 : vector<1000x128xf32>
    %add3A_50 = arith.addf %max3A_46, %max3A_49 : vector<1000x128xf32>
    %mul3A = arith.constant 5.000000e-01 : f32
    %mul3A_51 = vector.broadcast %mul3A : f32 to vector<1000x128xf32>
    %mul3A_52 = arith.mulf %add3A_50, %mul3A_51 : vector<1000x128xf32>
    %get3A_53 = arith.constant 0 : index
    %get3A_54 = arith.constant 0 : index
    %get3A_55 = vector.load %arg7[%get3A_53, %get3A_54] : memref<128x128xf32, #tpu.memory_space<vmem>>, vector<128x128xf32>
    %dot_general3A_56 = arith.constant dense<0.000000e+00> : vector<1000x128xf32>
    %dot_general3A_57 = tpu.matmul %mul3A_52, %get3A_55, %dot_general3A_56 {dimension_numbers = #tpu.dot_dimension_numbers<[1], [0], [0], [1], [0, 0, 1, 1], [], []>, transpose_lhs_hint = false} : vector<1000x128xf32>, vector<128x128xf32>, vector<1000x128xf32> -> vector<1000x128xf32>
    %get3A_58 = arith.constant 0 : index
    %get3A_59 = arith.constant 0 : index
    %get3A_60 = vector.load %arg8[%get3A_58, %get3A_59] : memref<1x128xf32, #tpu.memory_space<vmem>>, vector<1x128xf32>
    %add3A_61 = vector.broadcast %get3A_60 : vector<1x128xf32> to vector<1000x128xf32>
    %add3A_62 = arith.addf %dot_general3A_57, %add3A_61 : vector<1000x128xf32>
    %max3A_63 = arith.constant 0.000000e+00 : f32
    %max3A_64 = vector.broadcast %max3A_63 : f32 to vector<1000x128xf32>
    %max3A_65 = arith.maximumf %add3A_62, %max3A_64 : vector<1000x128xf32>
    %get3A_66 = arith.constant 0 : index
    %get3A_67 = arith.constant 0 : index
    %get3A_68 = vector.load %arg9[%get3A_66, %get3A_67] : memref<128x1xf32, #tpu.memory_space<vmem>>, vector<128x1xf32>
    %dot_general3A_69 = arith.constant dense<0.000000e+00> : vector<1000x1xf32>
    %dot_general3A_70 = tpu.matmul %max3A_65, %get3A_68, %dot_general3A_69 {dimension_numbers = #tpu.dot_dimension_numbers<[1], [0], [0], [1], [0, 0, 1, 1], [], []>, transpose_lhs_hint = false} : vector<1000x128xf32>, vector<128x1xf32>, vector<1000x1xf32> -> vector<1000x1xf32>
    %get3A_71 = arith.constant 0 : index
    %get3A_72 = arith.constant 0 : index
    %get3A_73 = vector.load %arg10[%get3A_71, %get3A_72] : memref<1x1xf32, #tpu.memory_space<vmem>>, vector<1x1xf32>
    %add3A_74 = vector.broadcast %get3A_73 : vector<1x1xf32> to vector<1000x1xf32>
    %add3A_75 = arith.addf %dot_general3A_70, %add3A_74 : vector<1000x1xf32>
    %transpose3A = tpu.transpose %add3A_75, [1, 0] : vector<1000x1xf32> -> vector<1x1000xf32>
    %swap3A = arith.constant 0 : index
    %swap3A_76 = arith.constant 0 : index
    %swap3A_77 = arith.constant 0 : index
    %swap3A_78 = vector.load %arg11[%swap3A, %swap3A_76, %swap3A_77] : memref<1x1x1000xf32, #tpu.memory_space<vmem>>, vector<1x1x1000xf32>
    %swap3A_79 = vector.shape_cast %swap3A_78 : vector<1x1x1000xf32> to vector<1x1000xf32>
    %swap3A_80 = vector.shape_cast %transpose3A : vector<1x1000xf32> to vector<1x1x1000xf32>
    tpu.vector_store %arg11[%swap3A, %swap3A_76, %swap3A_77], %swap3A_80 {strides = array<i32>} : memref<1x1x1000xf32, #tpu.memory_space<vmem>>, vector<1x1x1000xf32>,
    return
  }
  func.func @transform_0(%arg0: i32) -> (i32, i32) {
    %c0_i32 = arith.constant 0 : i32
    %c0_i32_0 = arith.constant 0 : i32
    return %arg0, %c0_i32 : i32, i32
  }
  func.func @transform_1(%arg0: i32) -> (i32, i32) {
    %c0_i32 = arith.constant 0 : i32
    %c0_i32_0 = arith.constant 0 : i32
    return %arg0, %c0_i32 : i32, i32
  }
  func.func @transform_2(%arg0: i32) -> (i32, i32) {
    %c0_i32 = arith.constant 0 : i32
    %c0_i32_0 = arith.constant 0 : i32
    return %arg0, %c0_i32 : i32, i32
  }
  func.func @transform_3(%arg0: i32) -> (i32, i32) {
    %c0_i32 = arith.constant 0 : i32
    %c0_i32_0 = arith.constant 0 : i32
    return %arg0, %c0_i32 : i32, i32
  }
  func.func @transform_4(%arg0: i32) -> (i32, i32) {
    %c0_i32 = arith.constant 0 : i32
    %c0_i32_0 = arith.constant 0 : i32
    %c0_i32_1 = arith.constant 0 : i32
    return %c0_i32, %c0_i32_0 : i32, i32
  }
  func.func @transform_5(%arg0: i32) -> (i32, i32) {
    %c0_i32 = arith.constant 0 : i32
    %c0_i32_0 = arith.constant 0 : i32
    %c0_i32_1 = arith.constant 0 : i32
    return %c0_i32, %c0_i32_0 : i32, i32
  }
  func.func @transform_6(%arg0: i32) -> (i32, i32) {
    %c0_i32 = arith.constant 0 : i32
    %c0_i32_0 = arith.constant 0 : i32
    %c0_i32_1 = arith.constant 0 : i32
    return %c0_i32, %c0_i32_0 : i32, i32
  }
  func.func @transform_7(%arg0: i32) -> (i32, i32) {
    %c0_i32 = arith.constant 0 : i32
    %c0_i32_0 = arith.constant 0 : i32
    %c0_i32_1 = arith.constant 0 : i32
    return %c0_i32, %c0_i32_0 : i32, i32
  }
  func.func @transform_8(%arg0: i32) -> (i32, i32) {
    %c0_i32 = arith.constant 0 : i32
    %c0_i32_0 = arith.constant 0 : i32
    %c0_i32_1 = arith.constant 0 : i32
    return %c0_i32, %c0_i32_0 : i32, i32
  }
  func.func @transform_9(%arg0: i32) -> (i32, i32) {
    %c0_i32 = arith.constant 0 : i32
    %c0_i32_0 = arith.constant 0 : i32
    %c0_i32_1 = arith.constant 0 : i32
    return %c0_i32, %c0_i32_0 : i32, i32
  }
  func.func @transform_10(%arg0: i32) -> (i32, i32, i32) {
    %c0_i32 = arith.constant 0 : i32
    %c0_i32_0 = arith.constant 0 : i32
    %c0_i32_1 = arith.constant 0 : i32
    return %arg0, %c0_i32, %c0_i32_0 : i32, i32, i32
  }
}

</mosaic_0001>

<sc_bundles>
// kernel: kernel.5.cloned.1.call-start
scs
__scs_entry_jumppad:
0x0: {  	(pc) =	sbr.rel $0x88, $3  }
0x1: {  	(tag) =	ssettag $0x0;
	lr =	simm.s32 $0x1  }
0x2: {  	[smem:$0x3F93] =	sst lr;
	_ =	strace $0xD0000000  }
0x3: {  	_ = 	snop  }
0x4: {  	_ = 	snop  }
0x5: {  	_ = 	snop  }
0x6: {  	_ = 	snop  }
0x7: {  	_ = 	snop  }
__scs_overlays_trampoline_lowered:
0x8: {  	[smem:$0x3FA2] =	sst s0  }
0x9: {  	[smem:$0x3FA3] =	sst s1  }
0xa: {  	[smem:$0x3FA4] =	sst s2  }
0xb: {  	[smem:$0x3FA5] =	sst s3  }
0xc: {  	[smem:$0x3FA6] =	sst s4  }
0xd: {  	[smem:$0x3FA7] =	sst s5  }
0xe: {  	[smem:$0x3FA8] =	sst s6  }
0xf: {  	[smem:$0x3FA9] =	sst s7  }
0x10: {  	[smem:$0x3FAA] =	sst s8  }
0x11: {  	[smem:$0x3FAB] =	sst s9;
	s0 =	simm.s32 @!p0 $0x0  }
0x12: {  	s1 =	sld [smem:$0x3F91];
	s0 =	simm.s32 @p0 $0x1  }
0x13: {  	[smem:$0x3FAC] =	sst s0;
	s0 =	simm.s32 @!p1 $0x0  }
0x14: {  	s2 =	sld [smem:$0x3F90];
	s0 =	simm.s32 @p1 $0x1  }
0x15: {  	[smem:$0x3FAD] =	sst s0;
	s0 =	simm.s32 @!p2 $0x0  }
0x16: {  	s3 =	sld [smem:$0x3FDB];
	s0 =	simm.s32 @p2 $0x1  }
0x17: {  	s4 =	simm.s32 $0x1BF5;
	[smem:$0x3FAF] =	sst s0  }
0x18: {  	s0 =	sld [smem:$0x3F92];
	_ =	swait.ge [sflag:s4], $0x0  }
0x19: {  	s7 =	sld [smem:$0x3F93]  }
0x1a: {  	s8 =	sadd.s32 $0xFFFFE003, lr  }
0x1b: {  	s9 =	sadd.s32 $0xFFFFFEF7, lr;
	s5 =	simm.s32 $0xFFFFFFFF;
	p2 =	slt.u32 s8, $0xFFFFF086  }
0x1c: {  	p1 =	slt.u32 s9, $0xF7A;
	s5 =	simm.s32 @!p2 $0x0  }
0x1d: {  	s5 =	simm.s32 @p1 $0x1;
	p0 =	seq.s32 s7, s2  }
0x1e: {  	s7 =	smul.u32 @!p0 $0xF7A, s2;
	p2 =	seq.s32 @!p0 s5, $0x0  }
0x1f: {  	s9 =	smul.u32 $0xF7A, s1;
	s8 =	simm.s32 @!p0 $0x1BF5;
	p2 =	por !p2, p0  }
0x20: {  	[sflag:s8] =	ssyncset.s32 @!p0 $0xFFFFF086;
	s6 =	sadd.s32 @!p0 s3, s7;
	s7 =	simm.s32 @!p0 $0x108  }
0x21: {  	s3 =	sadd.s32 s3, s9;
	s6 =	sadd.s32 @!p0 $0x88, s6;
	s7 =	simm.s32 @p2 $0x1082  }
0x22: {  	[simem:s7], [sflag:s8] =	dma.local @!p0 [hbm:s6], $0xF7A  }
0x23: {  	s9 =	sor.u32 $0xD0000000, s2;
	s6 =	simm.s32 $0x108;
	_ =	swait.ge @!p0 [sflag:s8], $0x0  }
0x24: {  	s3 =	sadd.s32 $0x88, s3;
	s6 =	simm.s32 @!p1 $0x1082;
	[sflag:s4] =	ssyncset.s32 $0xFFFFF086  }
0x25: {  	[simem:s6], [sflag:s4] =	dma.local [hbm:s3], $0xF7A  }
0x26: {  	[smem:$0x3F93] =	sst s1;
	(tag) =	ssettag s2;
	_ =	strace s9  }
0x27: {  	s1 =	sld [smem:$0x3FA3]  }
0x28: {  	s2 =	sld [smem:$0x3FA4]  }
0x29: {  	s4 =	sld [smem:$0x3FA6]  }
0x2a: {  	p0 =	seq.s32 s5, $0x0;
	s5 =	sld [smem:$0x3FA7]  }
0x2b: {  	s6 =	sld [smem:$0x3FA8]  }
0x2c: {  	s7 =	sld [smem:$0x3FA9]  }
0x2d: {  	s3 =	simm.s32 $0x108;
	s8 =	sld [smem:$0x3FAA]  }
0x2e: {  	s3 =	simm.s32 @!p0 $0x1082;
	s9 =	sld [smem:$0x3FAB]  }
0x2f: {  	lr =	sadd.s32 s0, s3;
	s0 =	sld [smem:$0x3FA2]  }
0x30: {  	s3 =	sld [smem:$0x3FA5]  }
0x31: {  	[smem:$0x3FAE] =	sst s10  }
0x32: {  	s10 =	sld [smem:$0x3FAC];
	_ =	sdelay $0x3  }
0x33: {  	p0 =	seq.s32 s10, $0x1;
	s10 =	sld [smem:$0x3FAE];
	_ =	sdelay $0x3  }
0x34: {  	[smem:$0x3FAE] =	sst s10  }
0x35: {  	s10 =	sld [smem:$0x3FAD];
	_ =	sdelay $0x3  }
0x36: {  	p1 =	seq.s32 s10, $0x1;
	s10 =	sld [smem:$0x3FAE];
	_ =	sdelay $0x3  }
0x37: {  	[smem:$0x3FAE] =	sst s10  }
0x38: {  	s10 =	sld [smem:$0x3FAF]  }
0x39: {  	_ = 	snop;
	(pc) =	sbr.ind lr, $3  }
0x3a: {  	_ = 	snop  }
0x3b: {  	_ = 	snop  }
0x3c: {  	p2 =	seq.s32 s10, $0x1;
	s10 =	sld [smem:$0x3FAE]  }
0x3d: {  	_ =	shalt  }
0x3e: {  	_ =	shalt  }
0x3f: {  	_ =	shalt  }
0x40: {  	_ =	shalt  }
0x41: {  	_ =	shalt  }
0x42: {  	_ =	shalt  }
0x43: {  	_ =	shalt  }
0x44: {  	_ =	shalt  }
0x45: {  	_ =	shalt  }
0x46: {  	_ =	shalt  }
0x47: {  	_ =	shalt  }
0x48: {  	_ =	shalt  }
0x49: {  	_ =	shalt  }
0x4a: {  	_ =	shalt  }
0x4b: {  	_ =	shalt  }
0x4c: {  	_ =	shalt  }
0x4d: {  	_ =	shalt  }
0x4e: {  	_ =	shalt  }
0x4f: {  	_ =	shalt  }
0x50: {  	_ =	shalt  }
0x51: {  	_ =	shalt  }
0x52: {  	_ =	shalt  }
0x53: {  	_ =	shalt  }
0x54: {  	_ =	shalt  }
0x55: {  	_ =	shalt  }
0x56: {  	_ =	shalt  }
0x57: {  	_ =	shalt  }
0x58: {  	_ =	shalt  }
0x59: {  	_ =	shalt  }
0x5a: {  	_ =	shalt  }
0x5b: {  	_ =	shalt  }
0x5c: {  	_ =	shalt  }
0x5d: {  	_ =	shalt  }
0x5e: {  	_ =	shalt  }
0x5f: {  	_ =	shalt  }
0x60: {  	_ =	shalt  }
0x61: {  	_ =	shalt  }
0x62: {  	_ =	shalt  }
0x63: {  	_ =	shalt  }
0x64: {  	_ =	shalt  }
0x65: {  	_ =	shalt  }
0x66: {  	_ =	shalt  }
0x67: {  	_ =	shalt  }
0x68: {  	_ =	shalt  }
0x69: {  	_ =	shalt  }
0x6a: {  	_ =	shalt  }
0x6b: {  	_ =	shalt  }
0x6c: {  	_ =	shalt  }
0x6d: {  	_ =	shalt  }
0x6e: {  	_ =	shalt  }
0x6f: {  	_ =	shalt  }
0x70: {  	_ =	shalt  }
0x71: {  	_ =	shalt  }
0x72: {  	_ =	shalt  }
0x73: {  	_ =	shalt  }
0x74: {  	_ =	shalt  }
0x75: {  	_ =	shalt  }
0x76: {  	_ =	shalt  }
0x77: {  	_ =	shalt  }
0x78: {  	_ =	shalt  }
0x79: {  	_ =	shalt  }
0x7a: {  	_ =	shalt  }
0x7b: {  	_ =	shalt  }
0x7c: {  	_ =	shalt  }
0x7d: {  	_ =	shalt  }
0x7e: {  	_ =	shalt  }
0x7f: {  	_ =	shalt  }
0x80: {  	_ =	shalt  }
0x81: {  	_ =	shalt  }
0x82: {  	_ =	shalt  }
0x83: {  	_ =	shalt  }
0x84: {  	_ =	shalt  }
0x85: {  	_ =	shalt  }
0x86: {  	_ =	shalt  }
0x87: {  	_ =	shalt  }
.Lfunc_end0:
.L_simem_size_0:
called_computation_lowered:
.L_overlay_start_0:
0x88: {  	s2 =	sld [smem:$0x3FD9]  }
0x89: {  	s3 =	sld [smem:$0x3FFE];
	_ =	sdelay $0x1  }
0x8a: {  	s1 =	srdreg.scid  }
0x8b: {  	s0 =	sand.u32 $0x1, s1  }
0x8c: {  	s16 =	sshll.u32 s0, $0xA;
	s2 =	sadd.s32 s3, s2  }
0x8d: {  	s2 =	sadd.s32 s2, s16  }
0x8e: {  	[smem:$0x3FBA] =	sst s2  }
0x8f: {  	_ = 	snop  }
0x90: {  	(tm) =	ssettm $0x1  }
0x91: {  	s17 =	sld [smem:$0x3FFB];
	_ =	sdelay $0x3  }
0x92: {  	_ =	strace s17  }
0x93: {  	s2 =	sld [smem:$0x3FFC];
	_ =	sdelay $0x3  }
0x94: {  	_ =	strace s2  }
0x95: {  	s2 =	sld [smem:$0x3FFD];
	_ =	sdelay $0x3  }
0x96: {  	_ =	strace s2  }
0x97: {  	_ =	strace $0x8FFFFFFF  }
0x98: {  	s18 =	sld [smem:$0x3FDB];
	_ =	sdelay $0x1  }
0x99: {  	s19 =	simm.s32 $_scs_section_size  }
0x9a: {  	s4 =	simm.s32 $_size__tile_overlayer_lowered;
	s5 =	simm.s32 $_tile_overlayer_lowered  }
0x9b: {  	s22 =	simm.s32 $0x1BFF;
	s21 =	sshll.u32 s5, $0x1;
	s2 =	sadd.s32 s19, s18  }
0x9c: {  	s6 =	simm.s32 $0x0;
	s20 =	sshll.u32 s4, $0x1;
	s4 =	sadd.s32 s21, s2  }
0x9d: {  	[timem:s6], [sflag:s22] =	dma.local [hbm:s4], s20  }
0x9e: {  	_ =	swait.ge [sflag:s22], s20  }
0x9f: {  	s3 =	ssub.s32 $0x0, s20;
	[sflag:s22] =	ssyncset.done $0x0  }
0xa0: {  	[sflag:s22] =	ssyncadd.s32 s3;
	_ =	sdelay $0x1  }
0xa1: {  	s23 =	simm.s32 $0x1B8B  }
0xa2: {  	_ =	swait.ge [sflag:s23], $0x1  }
0xa3: {  	[sflag:s23] =	ssyncset.done $0x0  }
0xa4: {  	s25 =	simm.s32 $0x1B8E;
	s24 =	sld [smem:$0x3FFE];
	[sflag:s23] =	ssyncadd.s32 $0xFFFFFFFF  }
0xa5: {  	s26 =	simm.s32 $execute0_lowered;
	[smem:$0x3FD2] =	sst s25  }
0xa6: {  	s4 =	sshll.u32 s26, $0x1;
	_ =	strace $0x80000046;
	[dreg:$0x1] =	wrdreg $0xFFFFFFFF  }
0xa7: {  	s28 =	simm.s32 $_size_execute0_lowered;
	s2 =	sadd.s32 s2, s4;
	[dreg:$0x0] =	wrdreg $0x0  }
0xa8: {  	s4 =	sshll.u32 s28, $0x1;
	[dreg:$0x2] =	wrdreg s2  }
0xa9: {  	[dreg:$0x3] =	wrdreg s4  }
0xaa: {  	[dreg:$0x4] =	wrdreg $0xC0  }
0xab: {  	_ =	task [dreg:s6], $0x5FFFF  }
0xac: {  	[dreg:$0x1] =	wrdreg $0xFFFFFFFF  }
0xad: {  	[dreg:$0x0] =	wrdreg $0x60  }
0xae: {  	[dreg:$0x2] =	wrdreg s24  }
0xaf: {  	[dreg:$0x3] =	wrdreg $0x9  }
0xb0: {  	_ =	task.clear_ibuf [dreg:s6], $0x4FFFF;
	_ =	strace $0x90000046  }
0xb1: {  	s29 =	simm.s32 $0x9;
	_ =	strace $0x80000048  }
0xb2: {  	_ =	swait.ge [sflag:s29], $0x1  }
0xb3: {  	[sflag:s29] =	ssyncadd.s32 $0xFFFFFFFF  }
0xb4: {  	_ =	strace $0x90000048  }
0xb5: {  	_ =	sfence  }
0xb6: {  	s30 =	sld [smem:$0x0];
	_ =	sdelay $0x2  }
0xb7: {  	s31 =	sshll.u32 s1, $0xD;
	s1 =	sshrl.u32 s1, $0x2  }
0xb8: {  	s3 =	sand.u32 $0x4000, s31;
	s1 =	sadd.s32 s1, s30  }
0xb9: {  	s0 =	sor.u32 s3, s0;
	s1 =	sshll.u32 s1, $0x11  }
0xba: {  	s0 =	sor.u32 s1, s0  }
0xbb: {  	s0 =	sadd.s32 $0x8F2B, s0  }
0xbc: {  	[sflag:s0] =	ssyncadd.remote.s32 $0x1  }
0xbd: {  	_ =	sfence.sel $0xFFFF  }
0xbe: {  	[dreg:$0x0] =	wrdreg $0xFFFFFFFF;
	(pc) =	sbr.abs _section_cstart, $3  }
0xbf: {  	[dreg:$0x1] =	wrdreg $0xFFFFFFFF  }
0xc0: {  	_ =	task.clear_ibuf [dreg:s6], $0x2FFFF;
	_ =	strace $0x9FFFFFFF  }
0xc1: {  	(tm) =	ssettm $0x7FFFFFFF  }
tec
execute0_lowered:
.L_overlay_start_1:
0x0: {  	(tag) =	ssettag $0x1  }
0x1: {  	s0 =	srdreg.scid;
	s1 =	stileid.u32  }
0x2: {  	s2 =	sand.u32 $0x1, s0;
	s1 =	sshll.u32 s1, $0x1  }
0x3: {  	s4 =	sor.u32 s2, s1  }
0x4: {  	s0 =	rddreg [dreg:$0x0];
	s5 =	smul.u32 $0x64000, s4  }
0x5: {  	s1 =	simm.s32 $0x0;
	s2 =	ssub.s32 $0x2, s2;
	s3 =	smul.u32 $0x190, s4  }
0x6: {  	s30 =	sadd.s32 $0xB800, s0;
	s6 =	sshrl.u32 s2, $0x1;
	s4 =	smul.u32 $0xC800, s4  }
0x7: {  	s31 =	sadd.s32 $0x19B800, s0;
	[smem:$0x7FF] =	sst s1;
	s2 =	ssub.s32 s2, s6  }
0x8: {  	[smem:$0x7FD] =	sst s2;
	s5 =	sshrl.u32 s5, $0x3;
	s2 =	sadd.s32 s30, s4  }
0x9: {  	s4 =	sadd.s32 s31, s4;
	s6 =	sadd.s32 $0x800, s5;
	[dreg:$0x2] =	wrdreg s2  }
0xa: {  	[dreg:$0x1b] =	wrdreg s4;
	s2 =	sadd.s32 s30, s6  }
0xb: {  	s7 =	sadd.s32 $0x1000, s5;
	s6 =	sadd.s32 s31, s6;
	[dreg:$0x3] =	wrdreg s2  }
0xc: {  	s2 =	sadd.s32 s30, s7;
	[dreg:$0x1c] =	wrdreg s6  }
0xd: {  	s8 =	sadd.s32 $0x1800, s5;
	s7 =	sadd.s32 s31, s7;
	[dreg:$0x4] =	wrdreg s2  }
0xe: {  	s2 =	sadd.s32 s30, s8;
	[dreg:$0x1d] =	wrdreg s7  }
0xf: {  	s9 =	sadd.s32 $0x2000, s5;
	s8 =	sadd.s32 s31, s8;
	[dreg:$0x5] =	wrdreg s2  }
0x10: {  	s2 =	sadd.s32 s30, s9;
	[dreg:$0x1e] =	wrdreg s8  }
0x11: {  	s10 =	sadd.s32 $0x2800, s5;
	s9 =	sadd.s32 s31, s9;
	[dreg:$0x6] =	wrdreg s2  }
0x12: {  	s2 =	sadd.s32 s30, s10;
	[dreg:$0x1f] =	wrdreg s9  }
0x13: {  	s11 =	sadd.s32 $0x3000, s5;
	s10 =	sadd.s32 s31, s10;
	[dreg:$0x7] =	wrdreg s2  }
0x14: {  	s2 =	sadd.s32 s30, s11;
	[smem:$0x7F0] =	sst s10  }
0x15: {  	s12 =	sadd.s32 $0x3800, s5;
	s11 =	sadd.s32 s31, s11;
	[dreg:$0x8] =	wrdreg s2  }
0x16: {  	s3 =	sadd.s32 s3, s0;
	s2 =	sadd.s32 s30, s12;
	[smem:$0x7F1] =	sst s11  }
0x17: {  	s13 =	sadd.s32 $0x4000, s5;
	s12 =	sadd.s32 s31, s12;
	[dreg:$0x9] =	wrdreg s2  }
0x18: {  	s14 =	sadd.s32 $0x4800, s5;
	s2 =	sadd.s32 s30, s13;
	[smem:$0x7F2] =	sst s12  }
0x19: {  	s15 =	sadd.s32 $0x5000, s5;
	s13 =	sadd.s32 s31, s13;
	[dreg:$0xa] =	wrdreg s2  }
0x1a: {  	s16 =	sadd.s32 $0x5800, s5;
	s2 =	sadd.s32 s30, s14;
	[smem:$0x7F3] =	sst s13  }
0x1b: {  	s17 =	sadd.s32 $0x6000, s5;
	s14 =	sadd.s32 s31, s14;
	[dreg:$0xb] =	wrdreg s2  }
0x1c: {  	s18 =	sadd.s32 $0x6800, s5;
	s2 =	sadd.s32 s30, s15;
	[smem:$0x7F4] =	sst s14  }
0x1d: {  	s19 =	sadd.s32 $0x7000, s5;
	s15 =	sadd.s32 s31, s15;
	[dreg:$0xc] =	wrdreg s2  }
0x1e: {  	s20 =	sadd.s32 $0x7800, s5;
	s2 =	sadd.s32 s30, s16;
	[smem:$0x7F5] =	sst s15  }
0x1f: {  	s21 =	sadd.s32 $0x8000, s5;
	s16 =	sadd.s32 s31, s16;
	[dreg:$0xd] =	wrdreg s2  }
0x20: {  	s22 =	sadd.s32 $0x8800, s5;
	s2 =	sadd.s32 s30, s17;
	[smem:$0x7F6] =	sst s16  }
0x21: {  	s23 =	sadd.s32 $0x9000, s5;
	s17 =	sadd.s32 s31, s17;
	[dreg:$0xe] =	wrdreg s2  }
0x22: {  	s24 =	sadd.s32 $0x9800, s5;
	s2 =	sadd.s32 s30, s18;
	[smem:$0x7F7] =	sst s17  }
0x23: {  	s25 =	sadd.s32 $0xA000, s5;
	s18 =	sadd.s32 s31, s18;
	[dreg:$0xf] =	wrdreg s2  }
0x24: {  	s26 =	sadd.s32 $0xA800, s5;
	s2 =	sadd.s32 s30, s19;
	[smem:$0x7F8] =	sst s18  }
0x25: {  	s28 =	sadd.s32 $0xB000, s5;
	s19 =	sadd.s32 s31, s19;
	[dreg:$0x10] =	wrdreg s2  }
0x26: {  	s29 =	sadd.s32 $0xB800, s5;
	s2 =	sadd.s32 s30, s20;
	[smem:$0x7F9] =	sst s19  }
0x27: {  	s5 =	sadd.s32 $0xC000, s5;
	s20 =	sadd.s32 s31, s20;
	[dreg:$0x11] =	wrdreg s2  }
0x28: {  	s4 =	simm.s32 $0x2;
	s2 =	sadd.s32 s30, s21;
	[smem:$0x7FA] =	sst s20  }
0x29: {  	s6 =	simm.s32 $0x3;
	s21 =	sadd.s32 s31, s21;
	[dreg:$0x12] =	wrdreg s2  }
0x2a: {  	s7 =	simm.s32 $0x7;
	s2 =	sadd.s32 s30, s22;
	[smem:$0x7FB] =	sst s21  }
0x2b: {  	s8 =	simm.s32 $0x4;
	s22 =	sadd.s32 s31, s22;
	[dreg:$0x13] =	wrdreg s2  }
0x2c: {  	s9 =	simm.s32 $0x8;
	s2 =	sadd.s32 s30, s23;
	[smem:$0x7FC] =	sst s22  }
0x2d: {  	s10 =	simm.s32 $0x0;
	[dreg:$0x14] =	wrdreg s2;
	s2 =	sadd.s32 s30, s24  }
0x2e: {  	s15 =	sadd.s32 s31, s23;
	[dreg:$0x15] =	wrdreg s2;
	s2 =	sadd.s32 s30, s25  }
0x2f: {  	s16 =	sadd.s32 s31, s24;
	[dreg:$0x16] =	wrdreg s2;
	s2 =	sadd.s32 s30, s26  }
0x30: {  	s17 =	sadd.s32 s31, s25;
	[dreg:$0x17] =	wrdreg s2;
	s2 =	sadd.s32 s30, s28  }
0x31: {  	s18 =	sadd.s32 s31, s26;
	[dreg:$0x18] =	wrdreg s2;
	s2 =	sadd.s32 s30, s29  }
0x32: {  	s19 =	sadd.s32 s31, s28;
	[dreg:$0x19] =	wrdreg s2;
	s2 =	sadd.s32 s30, s5  }
0x33: {  	s20 =	sadd.s32 s31, s29;
	s21 =	sadd.s32 s31, s5;
	[dreg:$0x1a] =	wrdreg s2  }
0x34: {  	s31 =	simm.s32 $0x9900;
	s22 =	sadd.s32 $0x7800, s0;
	_ =	strace $0x80000047  }
0x35: {  	s23 =	sadd.s32 $0x1400, s3;
	s0 =	simm.s32 $0xD900;
	s26 =	sld [smem:$0x7FD]  }
0x36: {  	s24 =	sadd.s32 $0x4600, s3;
	s3 =	simm.s32 $0x5;
	s28 =	simm.s32 $0x80  }
0x37: {  	s29 =	simm.s32 $0x1900;
	s30 =	simm.s32 $0x5900;
	s5 =	simm.s32 $0x6  }
0x38: {  	s2 =	simm.s32 $0x1;
	s25 =	smax.u32 s26, $0x1;
	s26 =	simm.s32 $0x9  }
.LBB2_1:
0x39: {  	s11 =	simm.s32 $0x10  }
0x3a: {  	s14 =	sadd.s32 $0x0, s23;
	s12 =	simm.s32 $0x100;
	s13 =	simm.s32 $0x0  }
.LBB2_2:
0x3b: {  	[tilespmem:s13], [sflag:$0x9] =	stream.linear.gather [hbm4b:s14+s1], $0x80, $0x38;
	[tilespmem:$0x11900] =	vst v63  }
0x3c: {  	s14 =	smov.u32 s11;
	s13 =	smov.u32 s12;
	p0 =	sne.s32 s11, $0x180  }
.Ltmp0:
0x3d: {  	s11 =	sadd.s32 $0x10, s11;
	(pc) =	sbr.rel @p0 .LBB2_2-.Ltmp0, $2  }
0x3e: {  	_ =	sdelay $0x2  }
0x3f: {  	s12 =	sadd.s32 $0x100, s12;
	s14 =	sadd.s32 s14, s23  }
0x40: {  	[tilespmem:s13], [sflag:$0x9] =	stream.linear.gather [hbm4b:s14+s1], $0x80, $0x38;
	[tilespmem:$0x11900] =	vst v63  }
0x41: {  	_ =	swait.ge [sflag:s26], $0xC80  }
0x42: {  	s11 =	simm.s32 $0x80;
	s12 =	simm.s32 $0x10;
	[sflag:s26] =	ssyncset.done $0x0  }
0x43: {  	s14 =	sadd.s32 $0x0, s24;
	s13 =	simm.s32 $0x180;
	[sflag:s26] =	ssyncadd.s32 $0xFFFFF380  }
.LBB2_4:
0x44: {  	[tilespmem:s11], [sflag:$0x9] =	stream.linear.gather [hbm4b:s14+s1], $0x80, $0x38;
	[tilespmem:$0x11900] =	vst v63  }
0x45: {  	s14 =	smov.u32 s12;
	s11 =	smov.u32 s13;
	p0 =	sne.s32 s12, $0x180  }
.Ltmp1:
0x46: {  	s12 =	sadd.s32 $0x10, s12;
	(pc) =	sbr.rel @p0 .LBB2_4-.Ltmp1, $2  }
0x47: {  	_ =	sdelay $0x2  }
0x48: {  	s13 =	sadd.s32 $0x100, s13;
	s14 =	sadd.s32 s14, s24  }
0x49: {  	[tilespmem:s11], [sflag:$0x9] =	stream.linear.gather [hbm4b:s14+s1], $0x80, $0x38;
	[tilespmem:$0x11900] =	vst v63  }
0x4a: {  	_ =	swait.ge [sflag:s26], $0xC80  }
0x4b: {  	[sflag:s26] =	ssyncset.done $0x0  }
0x4c: {  	[sflag:s26] =	ssyncadd.s32 $0xFFFFF380  }
0x4d: {  	[tilespmem:s29], [sflag:$0x1] =	stream.indirect.gather [hbm4b:s22+s28], $0x80, s1, s28, $0xb8;
	[tilespmem:$0x11900] =	vst v63  }
0x4e: {  	s14 =	simm.s32 $0x100  }
0x4f: {  	[tilespmem:s30], [sflag:$0x2] =	stream.indirect.gather [hbm4b:s22+s28], $0x80, s14, s28, $0xb8;
	[tilespmem:$0x11900] =	vst v63  }
0x50: {  	s12 =	simm.s32 $0x200  }
0x51: {  	[tilespmem:s31], [sflag:$0x3] =	stream.indirect.gather [hbm4b:s22+s28], $0x80, s12, s28, $0xb8;
	[tilespmem:$0x11900] =	vst v63  }
0x52: {  	s13 =	simm.s32 $0x300  }
0x53: {  	[tilespmem:s0], [sflag:$0x4] =	stream.indirect.gather [hbm4b:s22+s28], $0x80, s13, s28, $0xb8;
	[tilespmem:$0x11900] =	vst v63  }
0x54: {  	_ =	swait.ge [sflag:s2], $0x4000  }
0x55: {  	[sflag:s2] =	ssyncset.done $0x0  }
0x56: {  	s14 =	rddreg [dreg:$0x2];
	[sflag:s2] =	ssyncadd.s32 $0xFFFFC000  }
0x57: {  	[hbm4b:s14+s1] =	stream.linear.scatter [tilespmem:s29], [sflag:$0x5], $0x4000, $0x38;
	[tilespmem:$0x11900] =	vst v63  }
0x58: {  	_ =	swait.ge [sflag:s3], $0x4000  }
0x59: {  	[sflag:s3] =	ssyncset.done $0x0  }
0x5a: {  	s12 =	simm.s32 $0x400;
	[sflag:s3] =	ssyncadd.s32 $0xFFFFC000  }
0x5b: {  	[tilespmem:s29], [sflag:$0x1] =	stream.indirect.gather [hbm4b:s22+s28], $0x80, s12, s28, $0xb8;
	[tilespmem:$0x11900] =	vst v63  }
0x5c: {  	_ =	swait.ge [sflag:s4], $0x4000  }
0x5d: {  	[sflag:s4] =	ssyncset.done $0x0  }
0x5e: {  	s13 =	rddreg [dreg:$0x3];
	[sflag:s4] =	ssyncadd.s32 $0xFFFFC000  }
0x5f: {  	[hbm4b:s13+s1] =	stream.linear.scatter [tilespmem:s30], [sflag:$0x6], $0x4000, $0x38;
	[tilespmem:$0x11900] =	vst v63  }
0x60: {  	_ =	swait.ge [sflag:s5], $0x4000  }
0x61: {  	[sflag:s5] =	ssyncset.done $0x0  }
0x62: {  	s14 =	simm.s32 $0x500;
	[sflag:s5] =	ssyncadd.s32 $0xFFFFC000  }
0x63: {  	[tilespmem:s30], [sflag:$0x2] =	stream.indirect.gather [hbm4b:s22+s28], $0x80, s14, s28, $0xb8;
	[tilespmem:$0x11900] =	vst v63  }
0x64: {  	_ =	swait.ge [sflag:s6], $0x4000  }
0x65: {  	[sflag:s6] =	ssyncset.done $0x0  }
0x66: {  	s12 =	rddreg [dreg:$0x4];
	[sflag:s6] =	ssyncadd.s32 $0xFFFFC000  }
0x67: {  	[hbm4b:s12+s1] =	stream.linear.scatter [tilespmem:s31], [sflag:$0x7], $0x4000, $0x38;
	[tilespmem:$0x11900] =	vst v63  }
0x68: {  	_ =	swait.ge [sflag:s7], $0x4000  }
0x69: {  	[sflag:s7] =	ssyncset.done $0x0  }
0x6a: {  	s13 =	simm.s32 $0x600;
	[sflag:s7] =	ssyncadd.s32 $0xFFFFC000  }
0x6b: {  	[tilespmem:s31], [sflag:$0x3] =	stream.indirect.gather [hbm4b:s22+s28], $0x80, s13, s28, $0xb8;
	[tilespmem:$0x11900] =	vst v63  }
0x6c: {  	_ =	swait.ge [sflag:s8], $0x4000  }
0x6d: {  	[sflag:s8] =	ssyncset.done $0x0  }
0x6e: {  	s14 =	rddreg [dreg:$0x5];
	[sflag:s8] =	ssyncadd.s32 $0xFFFFC000  }
0x6f: {  	[hbm4b:s14+s1] =	stream.linear.scatter [tilespmem:s0], [sflag:$0x8], $0x4000, $0x38;
	[tilespmem:$0x11900] =	vst v63  }
0x70: {  	_ =	swait.ge [sflag:s9], $0x4000  }
0x71: {  	[sflag:s9] =	ssyncset.done $0x0  }
0x72: {  	s12 =	simm.s32 $0x700;
	[sflag:s9] =	ssyncadd.s32 $0xFFFFC000  }
0x73: {  	[tilespmem:s0], [sflag:$0x4] =	stream.indirect.gather [hbm4b:s22+s28], $0x80, s12, s28, $0xb8;
	[tilespmem:$0x11900] =	vst v63  }
0x74: {  	_ =	swait.ge [sflag:s2], $0x4000  }
0x75: {  	[sflag:s2] =	ssyncset.done $0x0  }
0x76: {  	s13 =	rddreg [dreg:$0x6];
	[sflag:s2] =	ssyncadd.s32 $0xFFFFC000  }
0x77: {  	[hbm4b:s13+s1] =	stream.linear.scatter [tilespmem:s29], [sflag:$0x5], $0x4000, $0x38;
	[tilespmem:$0x11900] =	vst v63  }
0x78: {  	_ =	swait.ge [sflag:s3], $0x4000  }
0x79: {  	[sflag:s3] =	ssyncset.done $0x0  }
0x7a: {  	s14 =	simm.s32 $0x800;
	[sflag:s3] =	ssyncadd.s32 $0xFFFFC000  }
0x7b: {  	[tilespmem:s29], [sflag:$0x1] =	stream.indirect.gather [hbm4b:s22+s28], $0x80, s14, s28, $0xb8;
	[tilespmem:$0x11900] =	vst v63  }
0x7c: {  	_ =	swait.ge [sflag:s4], $0x4000  }
0x7d: {  	[sflag:s4] =	ssyncset.done $0x0  }
0x7e: {  	s12 =	rddreg [dreg:$0x7];
	[sflag:s4] =	ssyncadd.s32 $0xFFFFC000  }
0x7f: {  	[hbm4b:s12+s1] =	stream.linear.scatter [tilespmem:s30], [sflag:$0x6], $0x4000, $0x38;
	[tilespmem:$0x11900] =	vst v63  }
0x80: {  	_ =	swait.ge [sflag:s5], $0x4000  }
0x81: {  	[sflag:s5] =	ssyncset.done $0x0  }
0x82: {  	s13 =	simm.s32 $0x900;
	[sflag:s5] =	ssyncadd.s32 $0xFFFFC000  }
0x83: {  	[tilespmem:s30], [sflag:$0x2] =	stream.indirect.gather [hbm4b:s22+s28], $0x80, s13, s28, $0xb8;
	[tilespmem:$0x11900] =	vst v63  }
0x84: {  	_ =	swait.ge [sflag:s6], $0x4000  }
0x85: {  	[sflag:s6] =	ssyncset.done $0x0  }
0x86: {  	s14 =	rddreg [dreg:$0x8];
	[sflag:s6] =	ssyncadd.s32 $0xFFFFC000  }
0x87: {  	[hbm4b:s14+s1] =	stream.linear.scatter [tilespmem:s31], [sflag:$0x7], $0x4000, $0x38;
	[tilespmem:$0x11900] =	vst v63  }
0x88: {  	_ =	swait.ge [sflag:s7], $0x4000  }
0x89: {  	[sflag:s7] =	ssyncset.done $0x0  }
0x8a: {  	s12 =	simm.s32 $0xA00;
	[sflag:s7] =	ssyncadd.s32 $0xFFFFC000  }
0x8b: {  	[tilespmem:s31], [sflag:$0x3] =	stream.indirect.gather [hbm4b:s22+s28], $0x80, s12, s28, $0xb8;
	[tilespmem:$0x11900] =	vst v63  }
0x8c: {  	_ =	swait.ge [sflag:s8], $0x4000  }
0x8d: {  	[sflag:s8] =	ssyncset.done $0x0  }
0x8e: {  	s13 =	rddreg [dreg:$0x9];
	[sflag:s8] =	ssyncadd.s32 $0xFFFFC000  }
0x8f: {  	[hbm4b:s13+s1] =	stream.linear.scatter [tilespmem:s0], [sflag:$0x8], $0x4000, $0x38;
	[tilespmem:$0x11900] =	vst v63  }
0x90: {  	_ =	swait.ge [sflag:s9], $0x4000  }
0x91: {  	[sflag:s9] =	ssyncset.done $0x0  }
0x92: {  	s14 =	simm.s32 $0xB00;
	[sflag:s9] =	ssyncadd.s32 $0xFFFFC000  }
0x93: {  	[tilespmem:s0], [sflag:$0x4] =	stream.indirect.gather [hbm4b:s22+s28], $0x80, s14, s28, $0xb8;
	[tilespmem:$0x11900] =	vst v63  }
0x94: {  	_ =	swait.ge [sflag:s2], $0x4000  }
0x95: {  	[sflag:s2] =	ssyncset.done $0x0  }
0x96: {  	s12 =	rddreg [dreg:$0xa];
	[sflag:s2] =	ssyncadd.s32 $0xFFFFC000  }
0x97: {  	[hbm4b:s12+s1] =	stream.linear.scatter [tilespmem:s29], [sflag:$0x5], $0x4000, $0x38;
	[tilespmem:$0x11900] =	vst v63  }
0x98: {  	_ =	swait.ge [sflag:s3], $0x4000  }
0x99: {  	[sflag:s3] =	ssyncset.done $0x0  }
0x9a: {  	s13 =	simm.s32 $0xC00;
	[sflag:s3] =	ssyncadd.s32 $0xFFFFC000  }
0x9b: {  	[tilespmem:s29], [sflag:$0x1] =	stream.indirect.gather [hbm4b:s22+s28], $0x80, s13, s28, $0xb8;
	[tilespmem:$0x11900] =	vst v63  }
0x9c: {  	_ =	swait.ge [sflag:s4], $0x4000  }
0x9d: {  	[sflag:s4] =	ssyncset.done $0x0  }
0x9e: {  	s14 =	rddreg [dreg:$0xb];
	[sflag:s4] =	ssyncadd.s32 $0xFFFFC000  }
0x9f: {  	[hbm4b:s14+s1] =	stream.linear.scatter [tilespmem:s30], [sflag:$0x6], $0x4000, $0x38;
	[tilespmem:$0x11900] =	vst v63  }
0xa0: {  	_ =	swait.ge [sflag:s5], $0x4000  }
0xa1: {  	[sflag:s5] =	ssyncset.done $0x0  }
0xa2: {  	s12 =	simm.s32 $0xD00;
	[sflag:s5] =	ssyncadd.s32 $0xFFFFC000  }
0xa3: {  	[tilespmem:s30], [sflag:$0x2] =	stream.indirect.gather [hbm4b:s22+s28], $0x80, s12, s28, $0xb8;
	[tilespmem:$0x11900] =	vst v63  }
0xa4: {  	_ =	swait.ge [sflag:s6], $0x4000  }
0xa5: {  	[sflag:s6] =	ssyncset.done $0x0  }
0xa6: {  	s13 =	rddreg [dreg:$0xc];
	[sflag:s6] =	ssyncadd.s32 $0xFFFFC000  }
0xa7: {  	[hbm4b:s13+s1] =	stream.linear.scatter [tilespmem:s31], [sflag:$0x7], $0x4000, $0x38;
	[tilespmem:$0x11900] =	vst v63  }
0xa8: {  	_ =	swait.ge [sflag:s7], $0x4000  }
0xa9: {  	[sflag:s7] =	ssyncset.done $0x0  }
0xaa: {  	s14 =	simm.s32 $0xE00;
	[sflag:s7] =	ssyncadd.s32 $0xFFFFC000  }
0xab: {  	[tilespmem:s31], [sflag:$0x3] =	stream.indirect.gather [hbm4b:s22+s28], $0x80, s14, s28, $0xb8;
	[tilespmem:$0x11900] =	vst v63  }
0xac: {  	_ =	swait.ge [sflag:s8], $0x4000  }
0xad: {  	[sflag:s8] =	ssyncset.done $0x0  }
0xae: {  	s12 =	rddreg [dreg:$0xd];
	[sflag:s8] =	ssyncadd.s32 $0xFFFFC000  }
0xaf: {  	[hbm4b:s12+s1] =	stream.linear.scatter [tilespmem:s0], [sflag:$0x8], $0x4000, $0x38;
	[tilespmem:$0x11900] =	vst v63  }
0xb0: {  	_ =	swait.ge [sflag:s9], $0x4000  }
0xb1: {  	[sflag:s9] =	ssyncset.done $0x0  }
0xb2: {  	s13 =	simm.s32 $0xF00;
	[sflag:s9] =	ssyncadd.s32 $0xFFFFC000  }
0xb3: {  	[tilespmem:s0], [sflag:$0x4] =	stream.indirect.gather [hbm4b:s22+s28], $0x80, s13, s28, $0xb8;
	[tilespmem:$0x11900] =	vst v63  }
0xb4: {  	_ =	swait.ge [sflag:s2], $0x4000  }
0xb5: {  	[sflag:s2] =	ssyncset.done $0x0  }
0xb6: {  	s14 =	rddreg [dreg:$0xe];
	[sflag:s2] =	ssyncadd.s32 $0xFFFFC000  }
0xb7: {  	[hbm4b:s14+s1] =	stream.linear.scatter [tilespmem:s29], [sflag:$0x5], $0x4000, $0x38;
	[tilespmem:$0x11900] =	vst v63  }
0xb8: {  	_ =	swait.ge [sflag:s3], $0x4000  }
0xb9: {  	[sflag:s3] =	ssyncset.done $0x0  }
0xba: {  	s12 =	simm.s32 $0x1000;
	[sflag:s3] =	ssyncadd.s32 $0xFFFFC000  }
0xbb: {  	[tilespmem:s29], [sflag:$0x1] =	stream.indirect.gather [hbm4b:s22+s28], $0x80, s12, s28, $0xb8;
	[tilespmem:$0x11900] =	vst v63  }
0xbc: {  	_ =	swait.ge [sflag:s4], $0x4000  }
0xbd: {  	[sflag:s4] =	ssyncset.done $0x0  }
0xbe: {  	s13 =	rddreg [dreg:$0xf];
	[sflag:s4] =	ssyncadd.s32 $0xFFFFC000  }
0xbf: {  	[hbm4b:s13+s1] =	stream.linear.scatter [tilespmem:s30], [sflag:$0x6], $0x4000, $0x38;
	[tilespmem:$0x11900] =	vst v63  }
0xc0: {  	_ =	swait.ge [sflag:s5], $0x4000  }
0xc1: {  	[sflag:s5] =	ssyncset.done $0x0  }
0xc2: {  	s14 =	simm.s32 $0x1100;
	[sflag:s5] =	ssyncadd.s32 $0xFFFFC000  }
0xc3: {  	[tilespmem:s30], [sflag:$0x2] =	stream.indirect.gather [hbm4b:s22+s28], $0x80, s14, s28, $0xb8;
	[tilespmem:$0x11900] =	vst v63  }
0xc4: {  	_ =	swait.ge [sflag:s6], $0x4000  }
0xc5: {  	[sflag:s6] =	ssyncset.done $0x0  }
0xc6: {  	s12 =	rddreg [dreg:$0x10];
	[sflag:s6] =	ssyncadd.s32 $0xFFFFC000  }
0xc7: {  	[hbm4b:s12+s1] =	stream.linear.scatter [tilespmem:s31], [sflag:$0x7], $0x4000, $0x38;
	[tilespmem:$0x11900] =	vst v63  }
0xc8: {  	_ =	swait.ge [sflag:s7], $0x4000  }
0xc9: {  	[sflag:s7] =	ssyncset.done $0x0  }
0xca: {  	s13 =	simm.s32 $0x1200;
	[sflag:s7] =	ssyncadd.s32 $0xFFFFC000  }
0xcb: {  	[tilespmem:s31], [sflag:$0x3] =	stream.indirect.gather [hbm4b:s22+s28], $0x80, s13, s28, $0xb8;
	[tilespmem:$0x11900] =	vst v63  }
0xcc: {  	_ =	swait.ge [sflag:s8], $0x4000  }
0xcd: {  	[sflag:s8] =	ssyncset.done $0x0  }
0xce: {  	s14 =	rddreg [dreg:$0x11];
	[sflag:s8] =	ssyncadd.s32 $0xFFFFC000  }
0xcf: {  	[hbm4b:s14+s1] =	stream.linear.scatter [tilespmem:s0], [sflag:$0x8], $0x4000, $0x38;
	[tilespmem:$0x11900] =	vst v63  }
0xd0: {  	_ =	swait.ge [sflag:s9], $0x4000  }
0xd1: {  	[sflag:s9] =	ssyncset.done $0x0  }
0xd2: {  	s12 =	simm.s32 $0x1300;
	[sflag:s9] =	ssyncadd.s32 $0xFFFFC000  }
0xd3: {  	[tilespmem:s0], [sflag:$0x4] =	stream.indirect.gather [hbm4b:s22+s28], $0x80, s12, s28, $0xb8;
	[tilespmem:$0x11900] =	vst v63  }
0xd4: {  	_ =	swait.ge [sflag:s2], $0x4000  }
0xd5: {  	[sflag:s2] =	ssyncset.done $0x0  }
0xd6: {  	s13 =	rddreg [dreg:$0x12];
	[sflag:s2] =	ssyncadd.s32 $0xFFFFC000  }
0xd7: {  	[hbm4b:s13+s1] =	stream.linear.scatter [tilespmem:s29], [sflag:$0x5], $0x4000, $0x38;
	[tilespmem:$0x11900] =	vst v63  }
0xd8: {  	_ =	swait.ge [sflag:s3], $0x4000  }
0xd9: {  	[sflag:s3] =	ssyncset.done $0x0  }
0xda: {  	s14 =	simm.s32 $0x1400;
	[sflag:s3] =	ssyncadd.s32 $0xFFFFC000  }
0xdb: {  	[tilespmem:s29], [sflag:$0x1] =	stream.indirect.gather [hbm4b:s22+s28], $0x80, s14, s28, $0xb8;
	[tilespmem:$0x11900] =	vst v63  }
0xdc: {  	_ =	swait.ge [sflag:s4], $0x4000  }
0xdd: {  	[sflag:s4] =	ssyncset.done $0x0  }
0xde: {  	s12 =	rddreg [dreg:$0x13];
	[sflag:s4] =	ssyncadd.s32 $0xFFFFC000  }
0xdf: {  	[hbm4b:s12+s1] =	stream.linear.scatter [tilespmem:s30], [sflag:$0x6], $0x4000, $0x38;
	[tilespmem:$0x11900] =	vst v63  }
0xe0: {  	_ =	swait.ge [sflag:s5], $0x4000  }
0xe1: {  	[sflag:s5] =	ssyncset.done $0x0  }
0xe2: {  	s13 =	simm.s32 $0x1500;
	[sflag:s5] =	ssyncadd.s32 $0xFFFFC000  }
0xe3: {  	[tilespmem:s30], [sflag:$0x2] =	stream.indirect.gather [hbm4b:s22+s28], $0x80, s13, s28, $0xb8;
	[tilespmem:$0x11900] =	vst v63  }
0xe4: {  	_ =	swait.ge [sflag:s6], $0x4000  }
0xe5: {  	[sflag:s6] =	ssyncset.done $0x0  }
0xe6: {  	s14 =	rddreg [dreg:$0x14];
	[sflag:s6] =	ssyncadd.s32 $0xFFFFC000  }
0xe7: {  	[hbm4b:s14+s1] =	stream.linear.scatter [tilespmem:s31], [sflag:$0x7], $0x4000, $0x38;
	[tilespmem:$0x11900] =	vst v63  }
0xe8: {  	_ =	swait.ge [sflag:s7], $0x4000  }
0xe9: {  	[sflag:s7] =	ssyncset.done $0x0  }
0xea: {  	s12 =	simm.s32 $0x1600;
	[sflag:s7] =	ssyncadd.s32 $0xFFFFC000  }
0xeb: {  	[tilespmem:s31], [sflag:$0x3] =	stream.indirect.gather [hbm4b:s22+s28], $0x80, s12, s28, $0xb8;
	[tilespmem:$0x11900] =	vst v63  }
0xec: {  	_ =	swait.ge [sflag:s8], $0x4000  }
0xed: {  	[sflag:s8] =	ssyncset.done $0x0  }
0xee: {  	s13 =	rddreg [dreg:$0x15];
	[sflag:s8] =	ssyncadd.s32 $0xFFFFC000  }
0xef: {  	[hbm4b:s13+s1] =	stream.linear.scatter [tilespmem:s0], [sflag:$0x8], $0x4000, $0x38;
	[tilespmem:$0x11900] =	vst v63  }
0xf0: {  	_ =	swait.ge [sflag:s9], $0x4000  }
0xf1: {  	[sflag:s9] =	ssyncset.done $0x0  }
0xf2: {  	s14 =	simm.s32 $0x1700;
	[sflag:s9] =	ssyncadd.s32 $0xFFFFC000  }
0xf3: {  	[tilespmem:s0], [sflag:$0x4] =	stream.indirect.gather [hbm4b:s22+s28], $0x80, s14, s28, $0xb8;
	[tilespmem:$0x11900] =	vst v63  }
0xf4: {  	_ =	swait.ge [sflag:s2], $0x4000  }
0xf5: {  	[sflag:s2] =	ssyncset.done $0x0  }
0xf6: {  	s12 =	rddreg [dreg:$0x16];
	[sflag:s2] =	ssyncadd.s32 $0xFFFFC000  }
0xf7: {  	[hbm4b:s12+s1] =	stream.linear.scatter [tilespmem:s29], [sflag:$0x5], $0x4000, $0x38;
	[tilespmem:$0x11900] =	vst v63  }
0xf8: {  	_ =	swait.ge [sflag:s3], $0x4000  }
0xf9: {  	[sflag:s3] =	ssyncset.done $0x0  }
0xfa: {  	s13 =	simm.s32 $0x1800;
	[sflag:s3] =	ssyncadd.s32 $0xFFFFC000  }
0xfb: {  	[tilespmem:s29], [sflag:$0x1] =	stream.indirect.gather [hbm4b:s22+s28], $0x80, s13, s28, $0xb8;
	[tilespmem:$0x11900] =	vst v63  }
0xfc: {  	_ =	swait.ge [sflag:s4], $0x4000  }
0xfd: {  	[sflag:s4] =	ssyncset.done $0x0  }
0xfe: {  	s14 =	rddreg [dreg:$0x17];
	[sflag:s4] =	ssyncadd.s32 $0xFFFFC000  }
0xff: {  	[hbm4b:s14+s1] =	stream.linear.scatter [tilespmem:s30], [sflag:$0x6], $0x4000, $0x38;
	[tilespmem:$0x11900] =	vst v63  }
0x100: {  	_ =	swait.ge [sflag:s5], $0x4000  }
0x101: {  	[sflag:s5] =	ssyncset.done $0x0  }
0x102: {  	[sflag:s5] =	ssyncadd.s32 $0xFFFFC000  }
0x103: {  	[tilespmem:s30], [sflag:$0x2] =	stream.indirect.gather [hbm4b:s22+s28], $0x80, s28, s28, $0xb8;
	[tilespmem:$0x11900] =	vst v63  }
0x104: {  	_ =	swait.ge [sflag:s6], $0x4000  }
0x105: {  	[sflag:s6] =	ssyncset.done $0x0  }
0x106: {  	s12 =	rddreg [dreg:$0x18];
	[sflag:s6] =	ssyncadd.s32 $0xFFFFC000  }
0x107: {  	[hbm4b:s12+s1] =	stream.linear.scatter [tilespmem:s31], [sflag:$0x7], $0x4000, $0x38;
	[tilespmem:$0x11900] =	vst v63  }
0x108: {  	_ =	swait.ge [sflag:s7], $0x4000  }
0x109: {  	[sflag:s7] =	ssyncset.done $0x0  }
0x10a: {  	s13 =	simm.s32 $0x180;
	[sflag:s7] =	ssyncadd.s32 $0xFFFFC000  }
0x10b: {  	[tilespmem:s31], [sflag:$0x3] =	stream.indirect.gather [hbm4b:s22+s28], $0x80, s13, s28, $0xb8;
	[tilespmem:$0x11900] =	vst v63  }
0x10c: {  	_ =	swait.ge [sflag:s8], $0x4000  }
0x10d: {  	[sflag:s8] =	ssyncset.done $0x0  }
0x10e: {  	s14 =	rddreg [dreg:$0x19];
	[sflag:s8] =	ssyncadd.s32 $0xFFFFC000  }
0x10f: {  	[hbm4b:s14+s1] =	stream.linear.scatter [tilespmem:s0], [sflag:$0x8], $0x4000, $0x38;
	[tilespmem:$0x11900] =	vst v63  }
0x110: {  	_ =	swait.ge [sflag:s9], $0x4000  }
0x111: {  	[sflag:s9] =	ssyncset.done $0x0  }
0x112: {  	s12 =	simm.s32 $0x280;
	[sflag:s9] =	ssyncadd.s32 $0xFFFFC000  }
0x113: {  	[tilespmem:s0], [sflag:$0x4] =	stream.indirect.gather [hbm4b:s22+s28], $0x80, s12, s28, $0xb8;
	[tilespmem:$0x11900] =	vst v63  }
0x114: {  	_ =	swait.ge [sflag:s2], $0x4000  }
0x115: {  	[sflag:s2] =	ssyncset.done $0x0  }
0x116: {  	s13 =	rddreg [dreg:$0x1a];
	[sflag:s2] =	ssyncadd.s32 $0xFFFFC000  }
0x117: {  	[hbm4b:s13+s1] =	stream.linear.scatter [tilespmem:s29], [sflag:$0x5], $0x4000, $0x38;
	[tilespmem:$0x11900] =	vst v63  }
0x118: {  	_ =	swait.ge [sflag:s3], $0x4000  }
0x119: {  	[sflag:s3] =	ssyncset.done $0x0  }
0x11a: {  	s14 =	simm.s32 $0x380;
	[sflag:s3] =	ssyncadd.s32 $0xFFFFC000  }
0x11b: {  	[tilespmem:s29], [sflag:$0x1] =	stream.indirect.gather [hbm4b:s22+s28], $0x80, s14, s28, $0xb8;
	[tilespmem:$0x11900] =	vst v63  }
0x11c: {  	_ =	swait.ge [sflag:s4], $0x4000  }
0x11d: {  	[sflag:s4] =	ssyncset.done $0x0  }
0x11e: {  	s12 =	rddreg [dreg:$0x1b];
	[sflag:s4] =	ssyncadd.s32 $0xFFFFC000  }
0x11f: {  	[hbm4b:s12+s1] =	stream.linear.scatter [tilespmem:s30], [sflag:$0x6], $0x4000, $0x38;
	[tilespmem:$0x11900] =	vst v63  }
0x120: {  	_ =	swait.ge [sflag:s5], $0x4000  }
0x121: {  	[sflag:s5] =	ssyncset.done $0x0  }
0x122: {  	s13 =	simm.s32 $0x480;
	[sflag:s5] =	ssyncadd.s32 $0xFFFFC000  }
0x123: {  	[tilespmem:s30], [sflag:$0x2] =	stream.indirect.gather [hbm4b:s22+s28], $0x80, s13, s28, $0xb8;
	[tilespmem:$0x11900] =	vst v63  }
0x124: {  	_ =	swait.ge [sflag:s6], $0x4000  }
0x125: {  	[sflag:s6] =	ssyncset.done $0x0  }
0x126: {  	s14 =	rddreg [dreg:$0x1c];
	[sflag:s6] =	ssyncadd.s32 $0xFFFFC000  }
0x127: {  	[hbm4b:s14+s1] =	stream.linear.scatter [tilespmem:s31], [sflag:$0x7], $0x4000, $0x38;
	[tilespmem:$0x11900] =	vst v63  }
0x128: {  	_ =	swait.ge [sflag:s7], $0x4000  }
0x129: {  	[sflag:s7] =	ssyncset.done $0x0  }
0x12a: {  	s12 =	simm.s32 $0x580;
	[sflag:s7] =	ssyncadd.s32 $0xFFFFC000  }
0x12b: {  	[tilespmem:s31], [sflag:$0x3] =	stream.indirect.gather [hbm4b:s22+s28], $0x80, s12, s28, $0xb8;
	[tilespmem:$0x11900] =	vst v63  }
0x12c: {  	_ =	swait.ge [sflag:s8], $0x4000  }
0x12d: {  	[sflag:s8] =	ssyncset.done $0x0  }
0x12e: {  	s13 =	rddreg [dreg:$0x1d];
	[sflag:s8] =	ssyncadd.s32 $0xFFFFC000  }
0x12f: {  	[hbm4b:s13+s1] =	stream.linear.scatter [tilespmem:s0], [sflag:$0x8], $0x4000, $0x38;
	[tilespmem:$0x11900] =	vst v63  }
0x130: {  	_ =	swait.ge [sflag:s9], $0x4000  }
0x131: {  	[sflag:s9] =	ssyncset.done $0x0  }
0x132: {  	s14 =	simm.s32 $0x680;
	[sflag:s9] =	ssyncadd.s32 $0xFFFFC000  }
0x133: {  	[tilespmem:s0], [sflag:$0x4] =	stream.indirect.gather [hbm4b:s22+s28], $0x80, s14, s28, $0xb8;
	[tilespmem:$0x11900] =	vst v63  }
0x134: {  	_ =	swait.ge [sflag:s2], $0x4000  }
0x135: {  	[sflag:s2] =	ssyncset.done $0x0  }
0x136: {  	s12 =	rddreg [dreg:$0x1e];
	[sflag:s2] =	ssyncadd.s32 $0xFFFFC000  }
0x137: {  	[hbm4b:s12+s1] =	stream.linear.scatter [tilespmem:s29], [sflag:$0x5], $0x4000, $0x38;
	[tilespmem:$0x11900] =	vst v63  }
0x138: {  	_ =	swait.ge [sflag:s3], $0x4000  }
0x139: {  	[sflag:s3] =	ssyncset.done $0x0  }
0x13a: {  	s13 =	simm.s32 $0x780;
	[sflag:s3] =	ssyncadd.s32 $0xFFFFC000  }
0x13b: {  	[tilespmem:s29], [sflag:$0x1] =	stream.indirect.gather [hbm4b:s22+s28], $0x80, s13, s28, $0xb8;
	[tilespmem:$0x11900] =	vst v63  }
0x13c: {  	_ =	swait.ge [sflag:s4], $0x4000  }
0x13d: {  	[sflag:s4] =	ssyncset.done $0x0  }
0x13e: {  	s14 =	rddreg [dreg:$0x1f];
	[sflag:s4] =	ssyncadd.s32 $0xFFFFC000  }
0x13f: {  	[hbm4b:s14+s1] =	stream.linear.scatter [tilespmem:s30], [sflag:$0x6], $0x4000, $0x38;
	[tilespmem:$0x11900] =	vst v63  }
0x140: {  	_ =	swait.ge [sflag:s5], $0x4000  }
0x141: {  	[sflag:s5] =	ssyncset.done $0x0  }
0x142: {  	s12 =	simm.s32 $0x880;
	[sflag:s5] =	ssyncadd.s32 $0xFFFFC000  }
0x143: {  	[tilespmem:s30], [sflag:$0x2] =	stream.indirect.gather [hbm4b:s22+s28], $0x80, s12, s28, $0xb8;
	[tilespmem:$0x11900] =	vst v63  }
0x144: {  	_ =	swait.ge [sflag:s6], $0x4000  }
0x145: {  	s13 =	sld [smem:$0x7F0]  }
0x146: {  	[sflag:s6] =	ssyncset.done $0x0  }
0x147: {  	[sflag:s6] =	ssyncadd.s32 $0xFFFFC000  }
0x148: {  	[hbm4b:s13+s1] =	stream.linear.scatter [tilespmem:s31], [sflag:$0x7], $0x4000, $0x38;
	[tilespmem:$0x11900] =	vst v63  }
0x149: {  	_ =	swait.ge [sflag:s7], $0x4000  }
0x14a: {  	[sflag:s7] =	ssyncset.done $0x0  }
0x14b: {  	s14 =	simm.s32 $0x980;
	[sflag:s7] =	ssyncadd.s32 $0xFFFFC000  }
0x14c: {  	[tilespmem:s31], [sflag:$0x3] =	stream.indirect.gather [hbm4b:s22+s28], $0x80, s14, s28, $0xb8;
	[tilespmem:$0x11900] =	vst v63  }
0x14d: {  	_ =	swait.ge [sflag:s8], $0x4000  }
0x14e: {  	s12 =	sld [smem:$0x7F1]  }
0x14f: {  	[sflag:s8] =	ssyncset.done $0x0  }
0x150: {  	[sflag:s8] =	ssyncadd.s32 $0xFFFFC000  }
0x151: {  	[hbm4b:s12+s1] =	stream.linear.scatter [tilespmem:s0], [sflag:$0x8], $0x4000, $0x38;
	[tilespmem:$0x11900] =	vst v63  }
0x152: {  	_ =	swait.ge [sflag:s9], $0x4000  }
0x153: {  	[sflag:s9] =	ssyncset.done $0x0  }
0x154: {  	s13 =	simm.s32 $0xA80;
	[sflag:s9] =	ssyncadd.s32 $0xFFFFC000  }
0x155: {  	[tilespmem:s0], [sflag:$0x4] =	stream.indirect.gather [hbm4b:s22+s28], $0x80, s13, s28, $0xb8;
	[tilespmem:$0x11900] =	vst v63  }
0x156: {  	_ =	swait.ge [sflag:s2], $0x4000  }
0x157: {  	s14 =	sld [smem:$0x7F2]  }
0x158: {  	[sflag:s2] =	ssyncset.done $0x0  }
0x159: {  	[sflag:s2] =	ssyncadd.s32 $0xFFFFC000  }
0x15a: {  	[hbm4b:s14+s1] =	stream.linear.scatter [tilespmem:s29], [sflag:$0x5], $0x4000, $0x38;
	[tilespmem:$0x11900] =	vst v63  }
0x15b: {  	_ =	swait.ge [sflag:s3], $0x4000  }
0x15c: {  	[sflag:s3] =	ssyncset.done $0x0  }
0x15d: {  	s12 =	simm.s32 $0xB80;
	[sflag:s3] =	ssyncadd.s32 $0xFFFFC000  }
0x15e: {  	[tilespmem:s29], [sflag:$0x1] =	stream.indirect.gather [hbm4b:s22+s28], $0x80, s12, s28, $0xb8;
	[tilespmem:$0x11900] =	vst v63  }
0x15f: {  	_ =	swait.ge [sflag:s4], $0x4000  }
0x160: {  	s13 =	sld [smem:$0x7F3]  }
0x161: {  	[sflag:s4] =	ssyncset.done $0x0  }
0x162: {  	[sflag:s4] =	ssyncadd.s32 $0xFFFFC000  }
0x163: {  	[hbm4b:s13+s1] =	stream.linear.scatter [tilespmem:s30], [sflag:$0x6], $0x4000, $0x38;
	[tilespmem:$0x11900] =	vst v63  }
0x164: {  	_ =	swait.ge [sflag:s5], $0x4000  }
0x165: {  	[sflag:s5] =	ssyncset.done $0x0  }
0x166: {  	s14 =	simm.s32 $0xC80;
	[sflag:s5] =	ssyncadd.s32 $0xFFFFC000  }
0x167: {  	[tilespmem:s30], [sflag:$0x2] =	stream.indirect.gather [hbm4b:s22+s28], $0x80, s14, s28, $0xb8;
	[tilespmem:$0x11900] =	vst v63  }
0x168: {  	_ =	swait.ge [sflag:s6], $0x4000  }
0x169: {  	s12 =	sld [smem:$0x7F4]  }
0x16a: {  	[sflag:s6] =	ssyncset.done $0x0  }
0x16b: {  	[sflag:s6] =	ssyncadd.s32 $0xFFFFC000  }
0x16c: {  	[hbm4b:s12+s1] =	stream.linear.scatter [tilespmem:s31], [sflag:$0x7], $0x4000, $0x38;
	[tilespmem:$0x11900] =	vst v63  }
0x16d: {  	_ =	swait.ge [sflag:s7], $0x4000  }
0x16e: {  	[sflag:s7] =	ssyncset.done $0x0  }
0x16f: {  	s13 =	simm.s32 $0xD80;
	[sflag:s7] =	ssyncadd.s32 $0xFFFFC000  }
0x170: {  	[tilespmem:s31], [sflag:$0x3] =	stream.indirect.gather [hbm4b:s22+s28], $0x80, s13, s28, $0xb8;
	[tilespmem:$0x11900] =	vst v63  }
0x171: {  	_ =	swait.ge [sflag:s8], $0x4000  }
0x172: {  	s14 =	sld [smem:$0x7F5]  }
0x173: {  	[sflag:s8] =	ssyncset.done $0x0  }
0x174: {  	[sflag:s8] =	ssyncadd.s32 $0xFFFFC000  }
0x175: {  	[hbm4b:s14+s1] =	stream.linear.scatter [tilespmem:s0], [sflag:$0x8], $0x4000, $0x38;
	[tilespmem:$0x11900] =	vst v63  }
0x176: {  	_ =	swait.ge [sflag:s9], $0x4000  }
0x177: {  	[sflag:s9] =	ssyncset.done $0x0  }
0x178: {  	s12 =	simm.s32 $0xE80;
	[sflag:s9] =	ssyncadd.s32 $0xFFFFC000  }
0x179: {  	[tilespmem:s0], [sflag:$0x4] =	stream.indirect.gather [hbm4b:s22+s28], $0x80, s12, s28, $0xb8;
	[tilespmem:$0x11900] =	vst v63  }
0x17a: {  	_ =	swait.ge [sflag:s2], $0x4000  }
0x17b: {  	s13 =	sld [smem:$0x7F6]  }
0x17c: {  	[sflag:s2] =	ssyncset.done $0x0  }
0x17d: {  	[sflag:s2] =	ssyncadd.s32 $0xFFFFC000  }
0x17e: {  	[hbm4b:s13+s1] =	stream.linear.scatter [tilespmem:s29], [sflag:$0x5], $0x4000, $0x38;
	[tilespmem:$0x11900] =	vst v63  }
0x17f: {  	_ =	swait.ge [sflag:s3], $0x4000  }
0x180: {  	[sflag:s3] =	ssyncset.done $0x0  }
0x181: {  	s14 =	simm.s32 $0xF80;
	[sflag:s3] =	ssyncadd.s32 $0xFFFFC000  }
0x182: {  	[tilespmem:s29], [sflag:$0x1] =	stream.indirect.gather [hbm4b:s22+s28], $0x80, s14, s28, $0xb8;
	[tilespmem:$0x11900] =	vst v63  }
0x183: {  	_ =	swait.ge [sflag:s4], $0x4000  }
0x184: {  	s12 =	sld [smem:$0x7F7]  }
0x185: {  	[sflag:s4] =	ssyncset.done $0x0  }
0x186: {  	[sflag:s4] =	ssyncadd.s32 $0xFFFFC000  }
0x187: {  	[hbm4b:s12+s1] =	stream.linear.scatter [tilespmem:s30], [sflag:$0x6], $0x4000, $0x38;
	[tilespmem:$0x11900] =	vst v63  }
0x188: {  	_ =	swait.ge [sflag:s5], $0x4000  }
0x189: {  	[sflag:s5] =	ssyncset.done $0x0  }
0x18a: {  	s13 =	simm.s32 $0x1080;
	[sflag:s5] =	ssyncadd.s32 $0xFFFFC000  }
0x18b: {  	[tilespmem:s30], [sflag:$0x2] =	stream.indirect.gather [hbm4b:s22+s28], $0x80, s13, s28, $0xb8;
	[tilespmem:$0x11900] =	vst v63  }
0x18c: {  	_ =	swait.ge [sflag:s6], $0x4000  }
0x18d: {  	s14 =	sld [smem:$0x7F8]  }
0x18e: {  	[sflag:s6] =	ssyncset.done $0x0  }
0x18f: {  	[sflag:s6] =	ssyncadd.s32 $0xFFFFC000  }
0x190: {  	[hbm4b:s14+s1] =	stream.linear.scatter [tilespmem:s31], [sflag:$0x7], $0x4000, $0x38;
	[tilespmem:$0x11900] =	vst v63  }
0x191: {  	_ =	swait.ge [sflag:s7], $0x4000  }
0x192: {  	[sflag:s7] =	ssyncset.done $0x0  }
0x193: {  	s12 =	simm.s32 $0x1180;
	[sflag:s7] =	ssyncadd.s32 $0xFFFFC000  }
0x194: {  	[tilespmem:s31], [sflag:$0x3] =	stream.indirect.gather [hbm4b:s22+s28], $0x80, s12, s28, $0xb8;
	[tilespmem:$0x11900] =	vst v63  }
0x195: {  	_ =	swait.ge [sflag:s8], $0x4000  }
0x196: {  	s13 =	sld [smem:$0x7F9]  }
0x197: {  	[sflag:s8] =	ssyncset.done $0x0  }
0x198: {  	[sflag:s8] =	ssyncadd.s32 $0xFFFFC000  }
0x199: {  	[hbm4b:s13+s1] =	stream.linear.scatter [tilespmem:s0], [sflag:$0x8], $0x4000, $0x38;
	[tilespmem:$0x11900] =	vst v63  }
0x19a: {  	_ =	swait.ge [sflag:s9], $0x4000  }
0x19b: {  	[sflag:s9] =	ssyncset.done $0x0  }
0x19c: {  	s14 =	simm.s32 $0x1280;
	[sflag:s9] =	ssyncadd.s32 $0xFFFFC000  }
0x19d: {  	[tilespmem:s0], [sflag:$0x4] =	stream.indirect.gather [hbm4b:s22+s28], $0x80, s14, s28, $0xb8;
	[tilespmem:$0x11900] =	vst v63  }
0x19e: {  	_ =	swait.ge [sflag:s2], $0x4000  }
0x19f: {  	s12 =	sld [smem:$0x7FA]  }
0x1a0: {  	[sflag:s2] =	ssyncset.done $0x0  }
0x1a1: {  	[sflag:s2] =	ssyncadd.s32 $0xFFFFC000  }
0x1a2: {  	[hbm4b:s12+s1] =	stream.linear.scatter [tilespmem:s29], [sflag:$0x5], $0x4000, $0x38;
	[tilespmem:$0x11900] =	vst v63  }
0x1a3: {  	_ =	swait.ge [sflag:s3], $0x4000  }
0x1a4: {  	[sflag:s3] =	ssyncset.done $0x0  }
0x1a5: {  	s13 =	simm.s32 $0x1380;
	[sflag:s3] =	ssyncadd.s32 $0xFFFFC000  }
0x1a6: {  	[tilespmem:s29], [sflag:$0x1] =	stream.indirect.gather [hbm4b:s22+s28], $0x80, s13, s28, $0xb8;
	[tilespmem:$0x11900] =	vst v63  }
0x1a7: {  	_ =	swait.ge [sflag:s4], $0x4000  }
0x1a8: {  	s14 =	sld [smem:$0x7FB]  }
0x1a9: {  	[sflag:s4] =	ssyncset.done $0x0  }
0x1aa: {  	[sflag:s4] =	ssyncadd.s32 $0xFFFFC000  }
0x1ab: {  	[hbm4b:s14+s1] =	stream.linear.scatter [tilespmem:s30], [sflag:$0x6], $0x4000, $0x38;
	[tilespmem:$0x11900] =	vst v63  }
0x1ac: {  	_ =	swait.ge [sflag:s5], $0x4000  }
0x1ad: {  	[sflag:s5] =	ssyncset.done $0x0  }
0x1ae: {  	s12 =	simm.s32 $0x1480;
	[sflag:s5] =	ssyncadd.s32 $0xFFFFC000  }
0x1af: {  	[tilespmem:s30], [sflag:$0x2] =	stream.indirect.gather [hbm4b:s22+s28], $0x80, s12, s28, $0xb8;
	[tilespmem:$0x11900] =	vst v63  }
0x1b0: {  	_ =	swait.ge [sflag:s6], $0x4000  }
0x1b1: {  	s13 =	sld [smem:$0x7FC]  }
0x1b2: {  	[sflag:s6] =	ssyncset.done $0x0  }
0x1b3: {  	[sflag:s6] =	ssyncadd.s32 $0xFFFFC000  }
0x1b4: {  	[hbm4b:s13+s1] =	stream.linear.scatter [tilespmem:s31], [sflag:$0x7], $0x4000, $0x38;
	[tilespmem:$0x11900] =	vst v63  }
0x1b5: {  	_ =	swait.ge [sflag:s7], $0x4000  }
0x1b6: {  	[sflag:s7] =	ssyncset.done $0x0  }
0x1b7: {  	s14 =	simm.s32 $0x1580;
	[sflag:s7] =	ssyncadd.s32 $0xFFFFC000  }
0x1b8: {  	[tilespmem:s31], [sflag:$0x3] =	stream.indirect.gather [hbm4b:s22+s28], $0x80, s14, s28, $0xb8;
	[tilespmem:$0x11900] =	vst v63  }
0x1b9: {  	_ =	swait.ge [sflag:s8], $0x4000  }
0x1ba: {  	[sflag:s8] =	ssyncset.done $0x0  }
0x1bb: {  	[sflag:s8] =	ssyncadd.s32 $0xFFFFC000  }
0x1bc: {  	[hbm4b:s15+s1] =	stream.linear.scatter [tilespmem:s0], [sflag:$0x8], $0x4000, $0x38;
	[tilespmem:$0x11900] =	vst v63  }
0x1bd: {  	_ =	swait.ge [sflag:s9], $0x4000  }
0x1be: {  	[sflag:s9] =	ssyncset.done $0x0  }
0x1bf: {  	s12 =	simm.s32 $0x1680;
	[sflag:s9] =	ssyncadd.s32 $0xFFFFC000  }
0x1c0: {  	[tilespmem:s0], [sflag:$0x4] =	stream.indirect.gather [hbm4b:s22+s28], $0x80, s12, s28, $0xb8;
	[tilespmem:$0x11900] =	vst v63  }
0x1c1: {  	_ =	swait.ge [sflag:s2], $0x4000  }
0x1c2: {  	[sflag:s2] =	ssyncset.done $0x0  }
0x1c3: {  	[sflag:s2] =	ssyncadd.s32 $0xFFFFC000  }
0x1c4: {  	[hbm4b:s16+s1] =	stream.linear.scatter [tilespmem:s29], [sflag:$0x5], $0x4000, $0x38;
	[tilespmem:$0x11900] =	vst v63  }
0x1c5: {  	_ =	swait.ge [sflag:s3], $0x4000  }
0x1c6: {  	[sflag:s3] =	ssyncset.done $0x0  }
0x1c7: {  	s13 =	simm.s32 $0x1780;
	[sflag:s3] =	ssyncadd.s32 $0xFFFFC000  }
0x1c8: {  	[tilespmem:s29], [sflag:$0x1] =	stream.indirect.gather [hbm4b:s22+s28], $0x80, s13, s28, $0xb8;
	[tilespmem:$0x11900] =	vst v63  }
0x1c9: {  	_ =	swait.ge [sflag:s4], $0x4000  }
0x1ca: {  	[sflag:s4] =	ssyncset.done $0x0  }
0x1cb: {  	[sflag:s4] =	ssyncadd.s32 $0xFFFFC000  }
0x1cc: {  	[hbm4b:s17+s1] =	stream.linear.scatter [tilespmem:s30], [sflag:$0x6], $0x4000, $0x38;
	[tilespmem:$0x11900] =	vst v63  }
0x1cd: {  	_ =	swait.ge [sflag:s5], $0x4000  }
0x1ce: {  	[sflag:s5] =	ssyncset.done $0x0  }
0x1cf: {  	s14 =	simm.s32 $0x1880;
	[sflag:s5] =	ssyncadd.s32 $0xFFFFC000  }
0x1d0: {  	[tilespmem:s30], [sflag:$0x2] =	stream.indirect.gather [hbm4b:s22+s28], $0x80, s14, s28, $0xb8;
	[tilespmem:$0x11900] =	vst v63  }
0x1d1: {  	_ =	swait.ge [sflag:s6], $0x4000  }
0x1d2: {  	[sflag:s6] =	ssyncset.done $0x0  }
0x1d3: {  	[sflag:s6] =	ssyncadd.s32 $0xFFFFC000  }
0x1d4: {  	[hbm4b:s18+s1] =	stream.linear.scatter [tilespmem:s31], [sflag:$0x7], $0x4000, $0x38;
	[tilespmem:$0x11900] =	vst v63  }
0x1d5: {  	_ =	swait.ge [sflag:s8], $0x4000  }
0x1d6: {  	[sflag:s8] =	ssyncset.done $0x0  }
0x1d7: {  	[sflag:s8] =	ssyncadd.s32 $0xFFFFC000  }
0x1d8: {  	[hbm4b:s19+s1] =	stream.linear.scatter [tilespmem:s0], [sflag:$0x8], $0x4000, $0x38;
	[tilespmem:$0x11900] =	vst v63  }
0x1d9: {  	_ =	swait.ge [sflag:s2], $0x4000  }
0x1da: {  	[sflag:s2] =	ssyncset.done $0x0  }
0x1db: {  	[sflag:s2] =	ssyncadd.s32 $0xFFFFC000  }
0x1dc: {  	[hbm4b:s20+s1] =	stream.linear.scatter [tilespmem:s29], [sflag:$0x5], $0x4000, $0x38;
	[tilespmem:$0x11900] =	vst v63  }
0x1dd: {  	_ =	swait.ge [sflag:s4], $0x4000  }
0x1de: {  	[sflag:s4] =	ssyncset.done $0x0  }
0x1df: {  	[sflag:s4] =	ssyncadd.s32 $0xFFFFC000  }
0x1e0: {  	[hbm4b:s21+s1] =	stream.linear.scatter [tilespmem:s30], [sflag:$0x6], $0x4000, $0x38;
	[tilespmem:$0x11900] =	vst v63  }
0x1e1: {  	_ =	swait.ge [sflag:s9], $0x4000  }
0x1e2: {  	[sflag:s9] =	ssyncset.done $0x0  }
0x1e3: {  	s10 =	sadd.s32 $0x1, s10;
	[sflag:s9] =	ssyncadd.s32 $0xFFFFC000  }
0x1e4: {  	p0 =	sne.s32 s10, s25;
	_ =	swait.ge [sflag:s3], $0x4000  }
.Ltmp2:
0x1e5: {  	[sflag:s3] =	ssyncset.done $0x0;
	(pc) =	sbr.rel @p0 .LBB2_1-.Ltmp2, $4  }
0x1e6: {  	[sflag:s3] =	ssyncadd.s32 $0xFFFFC000  }
0x1e7: {  	_ =	swait.ge [sflag:s5], $0x4000  }
0x1e8: {  	[sflag:s5] =	ssyncset.done $0x0  }
0x1e9: {  	[sflag:s5] =	ssyncadd.s32 $0xFFFFC000  }
0x1ea: {  	_ =	sfence.sel $0x180000  }
0x1eb: {  	[bflag:$0x0] =	sbarrier.arrive $0xFFFF  }
0x1ec: {  	_ =	strace $0x90000047  }
0x1ed: {  	s0 =	stileid.u32;
	[bflag:$0x2] =	sbarrier.arrive $0xFFFF  }
0x1ee: {  	p0 =	sne.s32 s0, $0x0;
	s0 =	rddreg [dreg:$0x1]  }
0x1ef: {  	s0 =	sadd.s32 @!p0 $0x100000, s0  }
0x1f0: {  	[sflag:s0] =	ssyncadd.tile.s32 @!p0 $0x1;
	_ =	shalt  }
.Lfunc_end2:
_tile_overlayer_lowered:
.L_overlay_start_2:
0x1f1: {  	(tag) =	ssettag $0x2  }
0x1f2: {  	s0 =	rddreg [dreg:$0x0];
	s2 =	stileid.u32  }
0x1f3: {  	s1 =	rddreg [dreg:$0x1];
	p0 =	sne.s32 s2, $0x0  }
0x1f4: {  	s3 =	rddreg [dreg:$0x2];
	[bflag:$0x3] =	sbarrier.arrive $0xFFFF;
	s2 =	simm.s32 @!p0 $0x1C09  }
0x1f5: {  	[timem:s3], [sflag:s2] =	dma.local @!p0 [hbm:s0], s1  }
0x1f6: {  	s0 =	simm.s32 @!p0 $0x9  }
0x1f7: {  	_ =	swait.ge @!p0 [sflag:s0], s1  }
0x1f8: {  	s1 =	ssub.s32 @!p0 $0x0, s1;
	[sflag:s0] =	ssyncset.done @!p0 $0x0  }
0x1f9: {  	[sflag:s0] =	ssyncadd.s32 @!p0 s1  }
0x1fa: {  	[bflag:$0x3] =	sbarrier.arrive $0xFFFF  }
0x1fb: {  	_ =	shalt  }

</sc_bundles>
